<compile_context>
chip_gen: v7x
topology: tpu7x:2x2x1
jax: 0.10.2.dev20260603
libtpu: 0.0.44.dev20260713+nightly
codegen_flags: <defaults>
</compile_context>

<pallas_src>
import jax
import jax.numpy as jnp
from jax import lax
from jax.experimental import pallas as pl
from jax.experimental.pallas import tpu as pltpu
from jax.experimental.pallas import tpu_sc as plsc

_B = 16384
_V1 = 100001
_D = 64
_NN = 22
_NCAT = 6
_CV1 = 101
_CD = 8
_DOUT = _D + _NN + _NCAT * _CD

_NCORES = 2
_NSUB = 16
_NW = _NCORES * _NSUB
_RB = _B // _NW
_Q = 64
_NQ = _RB // _Q


def _extract_quarter(paired_v, out_blk, q):
    @plsc.parallel_loop(0, (_Q // 16) * _D, unroll=8)
    def _(t):
        g = t // _D
        d0 = lax.rem(t, _D)
        b0 = q * _Q + g * 16
        lanes_i = lax.iota(jnp.int32, 16)
        dvec = (lanes_i + d0) & (_D - 1)
        rows = lanes_i + g * 16
        vals = plsc.load_gather(paired_v, [rows, dvec])
        plsc.store_scatter(out_blk, [dvec, lanes_i + b0], vals)


def _body(fid_hbm, numt_hbm, catt_hbm, ftab_hbm, ctab_hbm, smalls_hbm,
          out_hbm,
          fid_v, paired_a, paired_b, out_blk, numt_v,
          catid_v, ctab_v, smalls_v, gsem):
    wid = lax.axis_index("s") * _NCORES + lax.axis_index("c")
    base = wid * _RB

    pltpu.sync_copy(fid_hbm.at[pl.ds(base, _RB)], fid_v)

    def fire(q, buf):
        return pltpu.async_copy(
            ftab_hbm.at[fid_v.at[pl.ds(q * _Q, _Q)]], buf, gsem)

    d0 = fire(0, paired_a)

    pltpu.sync_copy(catt_hbm.at[:, pl.ds(base, _RB)], catid_v)
    pltpu.sync_copy(numt_hbm.at[:, pl.ds(base, _RB)], numt_v)
    pltpu.sync_copy(ctab_hbm, ctab_v)
    pltpu.sync_copy(smalls_hbm, smalls_v)

    @plsc.parallel_loop(0, _RB // 16, unroll=2)
    def _(g):
        for f in range(_NCAT):
            ids = catid_v[f, pl.ds(g * 16, 16)]
            addr = ids * (_CD + 1) + (f * _CV1 * (_CD + 1))
            for d in range(_CD):
                vals = plsc.load_gather(ctab_v, [addr + d])
                out_blk[_D + _NN + f * _CD + d, pl.ds(g * 16, 16)] = vals

    @plsc.parallel_loop(0, _RB // 16, unroll=2)
    def _(g):
        sv0 = smalls_v[pl.ds(_D, 16)]
        sv1 = smalls_v[pl.ds(_D + 16, 16)]
        bv0 = smalls_v[pl.ds(_D + 32, 16)]
        bv1 = smalls_v[pl.ds(_D + 48, 16)]
        for f in range(_NN):
            x = numt_v[f, pl.ds(g * 16, 16)]
            s = sv0[f] if f < 16 else sv1[f - 16]
            b = bv0[f] if f < 16 else bv1[f - 16]
            out_blk[_D + f, pl.ds(g * 16, 16)] = x * s - b

    bufs = (paired_a, paired_b)
    descs = [d0] + [None] * (_NQ - 1)
    for c in range(_NQ):
        descs[c].wait()
        if c + 1 < _NQ:
            descs[c + 1] = fire(c + 1, bufs[(c + 1) % 2])
        _extract_quarter(bufs[c % 2], out_blk, c)

    pltpu.sync_copy(out_blk, out_hbm.at[:, pl.ds(base, _RB)])


_sc_call = pl.kernel(
    _body,
    out_type=jax.ShapeDtypeStruct((_DOUT, _B), jnp.float32),
    mesh=plsc.VectorSubcoreMesh(
        core_axis_name="c", subcore_axis_name="s",
        num_cores=_NCORES, num_subcores=_NSUB),
    compiler_params=pltpu.CompilerParams(needs_layout_passes=False),
    scratch_types=[
        pltpu.VMEM((_RB,), jnp.int32),
        pltpu.VMEM((_Q, 2 * _D), jnp.float32),
        pltpu.VMEM((_Q, 2 * _D), jnp.float32),
        pltpu.VMEM((_DOUT, _RB), jnp.float32),
        pltpu.VMEM((_NN, _RB), jnp.float32),
        pltpu.VMEM((_NCAT, _RB), jnp.int32),
        pltpu.VMEM((_NCAT * _CV1 * (_CD + 1),), jnp.float32),
        pltpu.VMEM((2 * _D,), jnp.float32),
        pltpu.SemaphoreType.DMA,
    ],
)


@jax.jit
def kernel(food_id, num_feats, cat_ids, food_table, cat_tables, norm_mean,
           norm_std):
    fid = food_id.astype(jnp.int32)
    ftab2 = jnp.pad(food_table, ((0, 0), (0, _D)))
    numt = num_feats.T
    catt = cat_ids.astype(jnp.int32).T
    ctab = jnp.pad(cat_tables, ((0, 0), (0, 0), (0, 1))).reshape(
        _NCAT * _CV1 * (_CD + 1))
    smalls = jnp.concatenate([
        food_table[_V1 - 1],
        jnp.pad((1.0 / norm_std).astype(jnp.float32), (0, 32 - _NN)),
        jnp.pad((norm_mean / norm_std).astype(jnp.float32),
                (0, 32 - _NN)),
    ])
    out_t = _sc_call(fid, numt, catt, ftab2, ctab, smalls)
    return out_t.T

# --- scband reference (transcript-rebuilt; emitter-appended) ---
"""Pipeline reference for scband-food-model-90039694393477 (READ-ONLY COPY).

The authoritative reference and input builder live on the scoring server;
editing this copy changes nothing except your own understanding.
"""

import jax, jax.numpy as jnp
import numpy as np

B = 16384
V = 100000      # food vocab (StringLookup vocab size); table has V+1 rows (OOV bucket)
D = 64          # food embedding dim
NN = 22         # numeric features (FOOD_FEATURE_NUM)
NC = 6          # categorical features (FOOD_FEATURE_CAT)
CV = 100        # per-categorical vocab; table has CV+1 rows
CD = 8          # categorical embedding dim


def setup_inputs(seed: int = 0) -> dict:
    key = jax.random.key(seed)
    ks = jax.random.split(key, 7)
    food_id = jax.random.randint(ks[0], (B,), 0, V + 1)
    num_feats = jax.random.normal(ks[1], (B, NN), dtype=jnp.float32)
    cat_ids = jax.random.randint(ks[2], (B, NC), 0, CV + 1)
    # learned parameters
    food_table = jax.random.normal(ks[3], (V + 1, D), dtype=jnp.float32) * 0.05
    cat_tables = jax.random.normal(ks[4], (NC, CV + 1, CD), dtype=jnp.float32) * 0.05
    # Normalization layer adapted stats (mean / std per numeric feature)
    norm_mean = jax.random.normal(ks[5], (NN,), dtype=jnp.float32)
    norm_std = jax.random.uniform(ks[6], (NN,), dtype=jnp.float32, minval=0.5, maxval=2.0)
    return {
        "food_id": food_id,
        "num_feats": num_feats,
        "cat_ids": cat_ids,
        "food_table": food_table,
        "cat_tables": cat_tables,
        "norm_mean": norm_mean,
        "norm_std": norm_std,
    }


def reference(food_id, num_feats, cat_ids, food_table, cat_tables, norm_mean, norm_std):
    # self.food_embedding: StringLookup (pre-applied -> int ids) + Embedding
    food_emb = jnp.take(food_table, food_id, axis=0)  # [B, D]
    # numeric features: keras Normalization(axis=None) -> (x - mean) / std, then Reshape([1])
    normed = (num_feats - norm_mean[None, :]) / norm_std[None, :]  # [B, NN]
    # categorical features: StringLookup (pre-applied) + Embedding per feature
    cat_emb = cat_tables[jnp.arange(NC)[None, :], cat_ids]  # [B, NC, CD]
    cat_flat = cat_emb.reshape(cat_ids.shape[0], NC * CD)   # [B, NC*CD]
    # call(): tf.concat([food_emb] + numeric (dict insertion order first) + categorical, axis=1)
    return jnp.concatenate([food_emb, normed, cat_flat], axis=1)  # [B, 64+22+48]

if __name__ == "__main__":
    import jax
    _d = setup_inputs()
    print(jax.jit(kernel)(*tuple(_d.values())))

</pallas_src>

<mosaic_0001>
#map = affine_map<(d0, d1) -> (0)>
#map1 = affine_map<(d0, d1) -> (0, 0)>
module attributes {stable_mosaic.version = 14 : i64} {
  func.func @_body(%arg0: i32, %arg1: i32, %arg2: memref<16384xi32, #tpu.memory_space<hbm>>, %arg3: memref<22x16384xf32, #tpu.memory_space<hbm>>, %arg4: memref<6x16384xi32, #tpu.memory_space<hbm>>, %arg5: memref<100001x128xf32, #tpu.memory_space<hbm>>, %arg6: memref<5454xf32, #tpu.memory_space<hbm>>, %arg7: memref<128xf32, #tpu.memory_space<hbm>>, %arg8: memref<134x16384xf32, #tpu.memory_space<hbm>>, %arg9: memref<512xi32, #tpu.memory_space<vmem>>, %arg10: memref<64x128xf32, #tpu.memory_space<vmem>>, %arg11: memref<64x128xf32, #tpu.memory_space<vmem>>, %arg12: memref<134x512xf32, #tpu.memory_space<vmem>>, %arg13: memref<22x512xf32, #tpu.memory_space<vmem>>, %arg14: memref<6x512xi32, #tpu.memory_space<vmem>>, %arg15: memref<5454xf32, #tpu.memory_space<vmem>>, %arg16: memref<128xf32, #tpu.memory_space<vmem>>, %arg17: memref<!tpu.dma_semaphore, #tpu.memory_space<semaphore_mem>>) attributes {dimension_semantics = [#tpu.dimension_semantics<core_parallel>, #tpu.dimension_semantics<subcore_parallel>], iteration_bounds = array<i64: 2, 16>, scalar_prefetch = 0 : i64, scratch_operands = 9 : i64, tpu.core_type = #tpu.core_type<sc_vector_subcore>, window_params = [{transform_indices = #map}, {transform_indices = #map1}, {transform_indices = #map1}, {transform_indices = #map1}, {transform_indices = #map}, {transform_indices = #map}, {transform_indices = #map1}]} {
    %mul3A = arith.constant 2 : i32
    %mul3A_0 = arith.muli %arg1, %mul3A : i32
    %add3A = arith.addi %mul3A_0, %arg0 : i32
    %mul3A_1 = arith.constant 512 : i32
    %mul3A_2 = arith.muli %add3A, %mul3A_1 : i32
    "tpu.region"() ({
      %run_scoped3A = tpu.sem_alloc : memref<!tpu.dma_semaphore, #tpu.memory_space<semaphore_mem>>
      %dma_start3A_110 = tpu.memref_slice %arg2[%mul3A_2] : memref<16384xi32, #tpu.memory_space<hbm>> -> memref<512xi32, #tpu.memory_space<hbm>>
      %dma_start3A_111 = tpu.memref_slice %arg2[%mul3A_2] : memref<16384xi32, #tpu.memory_space<hbm>> -> memref<512xi32, #tpu.memory_space<hbm>>
      tpu.enqueue_dma source(%dma_start3A_111 : memref<512xi32, #tpu.memory_space<hbm>>) target(%arg9 : memref<512xi32, #tpu.memory_space<vmem>>) target_semaphore(%run_scoped3A : memref<!tpu.dma_semaphore, #tpu.memory_space<semaphore_mem>>)
      %dma_wait3A_112 = tpu.memref_slice %arg2[%mul3A_2] : memref<16384xi32, #tpu.memory_space<hbm>> -> memref<512xi32, #tpu.memory_space<hbm>>
      %dma_wait3A_113 = tpu.memref_slice %arg2[%mul3A_2] : memref<16384xi32, #tpu.memory_space<hbm>> -> memref<512xi32, #tpu.memory_space<hbm>>
      tpu.wait_dma2 semaphore(%run_scoped3A : memref<!tpu.dma_semaphore, #tpu.memory_space<semaphore_mem>>) src(%dma_wait3A_113 : memref<512xi32, #tpu.memory_space<hbm>>) dst(%arg9 : memref<512xi32, #tpu.memory_space<vmem>>)
      tpu.yield
    }) : () -> ()
    %dma_start3A = arith.constant 0 : i32
    %dma_start3A_3 = tpu.memref_slice %arg9[%dma_start3A] : memref<512xi32, #tpu.memory_space<vmem>> -> memref<64xi32, #tpu.memory_space<vmem>>
    %dma_start3A_4 = arith.constant 0 : i32
    %dma_start3A_5 = arith.constant 0 : i32
    %dma_start3A_6 = tpu.memref_slice %arg5[%dma_start3A_4, %dma_start3A_5] : memref<100001x128xf32, #tpu.memory_space<hbm>> -> memref<100001x128xf32, #tpu.memory_space<hbm>>
    tpu.enqueue_indirect_dma source(%dma_start3A_6 : memref<100001x128xf32, #tpu.memory_space<hbm>>) target(%arg10 : memref<64x128xf32, #tpu.memory_space<vmem>>) offsets(%dma_start3A_3 : memref<64xi32, #tpu.memory_space<vmem>>) semaphore(%arg17 : memref<!tpu.dma_semaphore, #tpu.memory_space<semaphore_mem>>)
    "tpu.region"() ({
      %run_scoped3A = tpu.sem_alloc : memref<!tpu.dma_semaphore, #tpu.memory_space<semaphore_mem>>
      %dma_start3A_110 = arith.constant 0 : i32
      %dma_start3A_111 = tpu.memref_slice %arg4[%dma_start3A_110, %mul3A_2] : memref<6x16384xi32, #tpu.memory_space<hbm>> -> memref<6x512xi32, #tpu.memory_space<hbm>>
      %dma_start3A_112 = arith.constant 0 : i32
      %dma_start3A_113 = tpu.memref_slice %arg4[%dma_start3A_112, %mul3A_2] : memref<6x16384xi32, #tpu.memory_space<hbm>> -> memref<6x512xi32, #tpu.memory_space<hbm>>
      tpu.enqueue_dma source(%dma_start3A_113 : memref<6x512xi32, #tpu.memory_space<hbm>>) target(%arg14 : memref<6x512xi32, #tpu.memory_space<vmem>>) target_semaphore(%run_scoped3A : memref<!tpu.dma_semaphore, #tpu.memory_space<semaphore_mem>>)
      %dma_wait3A_114 = arith.constant 0 : i32
      %dma_wait3A_115 = tpu.memref_slice %arg4[%dma_wait3A_114, %mul3A_2] : memref<6x16384xi32, #tpu.memory_space<hbm>> -> memref<6x512xi32, #tpu.memory_space<hbm>>
      %dma_wait3A_116 = arith.constant 0 : i32
      %dma_wait3A_117 = tpu.memref_slice %arg4[%dma_wait3A_116, %mul3A_2] : memref<6x16384xi32, #tpu.memory_space<hbm>> -> memref<6x512xi32, #tpu.memory_space<hbm>>
      tpu.wait_dma2 semaphore(%run_scoped3A : memref<!tpu.dma_semaphore, #tpu.memory_space<semaphore_mem>>) src(%dma_wait3A_117 : memref<6x512xi32, #tpu.memory_space<hbm>>) dst(%arg14 : memref<6x512xi32, #tpu.memory_space<vmem>>)
      tpu.yield
    }) : () -> ()
    "tpu.region"() ({
      %run_scoped3A = tpu.sem_alloc : memref<!tpu.dma_semaphore, #tpu.memory_space<semaphore_mem>>
      %dma_start3A_110 = arith.constant 0 : i32
      %dma_start3A_111 = tpu.memref_slice %arg3[%dma_start3A_110, %mul3A_2] : memref<22x16384xf32, #tpu.memory_space<hbm>> -> memref<22x512xf32, #tpu.memory_space<hbm>>
      %dma_start3A_112 = arith.constant 0 : i32
      %dma_start3A_113 = tpu.memref_slice %arg3[%dma_start3A_112, %mul3A_2] : memref<22x16384xf32, #tpu.memory_space<hbm>> -> memref<22x512xf32, #tpu.memory_space<hbm>>
      tpu.enqueue_dma source(%dma_start3A_113 : memref<22x512xf32, #tpu.memory_space<hbm>>) target(%arg13 : memref<22x512xf32, #tpu.memory_space<vmem>>) target_semaphore(%run_scoped3A : memref<!tpu.dma_semaphore, #tpu.memory_space<semaphore_mem>>)
      %dma_wait3A_114 = arith.constant 0 : i32
      %dma_wait3A_115 = tpu.memref_slice %arg3[%dma_wait3A_114, %mul3A_2] : memref<22x16384xf32, #tpu.memory_space<hbm>> -> memref<22x512xf32, #tpu.memory_space<hbm>>
      %dma_wait3A_116 = arith.constant 0 : i32
      %dma_wait3A_117 = tpu.memref_slice %arg3[%dma_wait3A_116, %mul3A_2] : memref<22x16384xf32, #tpu.memory_space<hbm>> -> memref<22x512xf32, #tpu.memory_space<hbm>>
      tpu.wait_dma2 semaphore(%run_scoped3A : memref<!tpu.dma_semaphore, #tpu.memory_space<semaphore_mem>>) src(%dma_wait3A_117 : memref<22x512xf32, #tpu.memory_space<hbm>>) dst(%arg13 : memref<22x512xf32, #tpu.memory_space<vmem>>)
      tpu.yield
    }) : () -> ()
    "tpu.region"() ({
      %run_scoped3A = tpu.sem_alloc : memref<!tpu.dma_semaphore, #tpu.memory_space<semaphore_mem>>
      tpu.enqueue_dma source(%arg6 : memref<5454xf32, #tpu.memory_space<hbm>>) target(%arg15 : memref<5454xf32, #tpu.memory_space<vmem>>) target_semaphore(%run_scoped3A : memref<!tpu.dma_semaphore, #tpu.memory_space<semaphore_mem>>)
      tpu.wait_dma2 semaphore(%run_scoped3A : memref<!tpu.dma_semaphore, #tpu.memory_space<semaphore_mem>>) src(%arg6 : memref<5454xf32, #tpu.memory_space<hbm>>) dst(%arg15 : memref<5454xf32, #tpu.memory_space<vmem>>)
      tpu.yield
    }) : () -> ()
    "tpu.region"() ({
      %run_scoped3A = tpu.sem_alloc : memref<!tpu.dma_semaphore, #tpu.memory_space<semaphore_mem>>
      tpu.enqueue_dma source(%arg7 : memref<128xf32, #tpu.memory_space<hbm>>) target(%arg16 : memref<128xf32, #tpu.memory_space<vmem>>) target_semaphore(%run_scoped3A : memref<!tpu.dma_semaphore, #tpu.memory_space<semaphore_mem>>)
      tpu.wait_dma2 semaphore(%run_scoped3A : memref<!tpu.dma_semaphore, #tpu.memory_space<semaphore_mem>>) src(%arg7 : memref<128xf32, #tpu.memory_space<hbm>>) dst(%arg16 : memref<128xf32, #tpu.memory_space<vmem>>)
      tpu.yield
    }) : () -> ()
    %parallel_loop3A = arith.constant 0 : i32
    %parallel_loop3A_7 = arith.constant 32 : i32
    %parallel_loop3A_8 = arith.constant 1 : i32
    scf.for %parallel_loop3A_110 = %parallel_loop3A to %parallel_loop3A_7 step %parallel_loop3A_8  : i32 {
      %parallel_loop3A_111 = arith.constant 16 : i32
      %parallel_loop3A_112 = arith.muli %parallel_loop3A_110, %parallel_loop3A_111 : i32
      %parallel_loop3A_113 = arith.constant 0 : i32
      %parallel_loop3A_114 = arith.index_cast %parallel_loop3A_113 : i32 to index
      %parallel_loop3A_115 = arith.index_cast %parallel_loop3A_112 : i32 to index
      %parallel_loop3A_116 = tpu.vector_load %arg14[%parallel_loop3A_114, %parallel_loop3A_115] {strides = array<i32>} : memref<6x512xi32, #tpu.memory_space<vmem>>, vector<16xi32>,
      %parallel_loop3A_117 = arith.constant 9 : i32
      %parallel_loop3A_118 = vector.broadcast %parallel_loop3A_117 : i32 to vector<16xi32>
      %parallel_loop3A_119 = arith.muli %parallel_loop3A_116, %parallel_loop3A_118 : vector<16xi32>
      %parallel_loop3A_120 = arith.constant 0 : i32
      %parallel_loop3A_121 = vector.broadcast %parallel_loop3A_120 : i32 to vector<16xi32>
      %parallel_loop3A_122 = arith.addi %parallel_loop3A_119, %parallel_loop3A_121 : vector<16xi32>
      %parallel_loop3A_123 = arith.constant 0 : i32
      %parallel_loop3A_124 = vector.broadcast %parallel_loop3A_123 : i32 to vector<16xi32>
      %parallel_loop3A_125 = arith.addi %parallel_loop3A_122, %parallel_loop3A_124 : vector<16xi32>
      %parallel_loop3A_126 = tpu.vector_load_idx %arg15[%parallel_loop3A_125] : memref<5454xf32, #tpu.memory_space<vmem>>[vector<16xi32>], vector<16xf32>,
      %parallel_loop3A_127 = arith.constant 16 : i32
      %parallel_loop3A_128 = arith.muli %parallel_loop3A_110, %parallel_loop3A_127 : i32
      %parallel_loop3A_129 = arith.constant 86 : i32
      %parallel_loop3A_130 = arith.index_cast %parallel_loop3A_129 : i32 to index
      %parallel_loop3A_131 = arith.index_cast %parallel_loop3A_128 : i32 to index
      %parallel_loop3A_132 = tpu.vector_load %arg12[%parallel_loop3A_130, %parallel_loop3A_131] {strides = array<i32>} : memref<134x512xf32, #tpu.memory_space<vmem>>, vector<16xf32>,
      tpu.vector_store %arg12[%parallel_loop3A_130, %parallel_loop3A_131], %parallel_loop3A_126 {strides = array<i32>} : memref<134x512xf32, #tpu.memory_space<vmem>>, vector<16xf32>,
      %parallel_loop3A_133 = arith.constant 1 : i32
      %parallel_loop3A_134 = vector.broadcast %parallel_loop3A_133 : i32 to vector<16xi32>
      %parallel_loop3A_135 = arith.addi %parallel_loop3A_122, %parallel_loop3A_134 : vector<16xi32>
      %parallel_loop3A_136 = tpu.vector_load_idx %arg15[%parallel_loop3A_135] : memref<5454xf32, #tpu.memory_space<vmem>>[vector<16xi32>], vector<16xf32>,
      %parallel_loop3A_137 = arith.constant 16 : i32
      %parallel_loop3A_138 = arith.muli %parallel_loop3A_110, %parallel_loop3A_137 : i32
      %parallel_loop3A_139 = arith.constant 87 : i32
      %parallel_loop3A_140 = arith.index_cast %parallel_loop3A_139 : i32 to index
      %parallel_loop3A_141 = arith.index_cast %parallel_loop3A_138 : i32 to index
      %parallel_loop3A_142 = tpu.vector_load %arg12[%parallel_loop3A_140, %parallel_loop3A_141] {strides = array<i32>} : memref<134x512xf32, #tpu.memory_space<vmem>>, vector<16xf32>,
      tpu.vector_store %arg12[%parallel_loop3A_140, %parallel_loop3A_141], %parallel_loop3A_136 {strides = array<i32>} : memref<134x512xf32, #tpu.memory_space<vmem>>, vector<16xf32>,
      %parallel_loop3A_143 = arith.constant 2 : i32
      %parallel_loop3A_144 = vector.broadcast %parallel_loop3A_143 : i32 to vector<16xi32>
      %parallel_loop3A_145 = arith.addi %parallel_loop3A_122, %parallel_loop3A_144 : vector<16xi32>
      %parallel_loop3A_146 = tpu.vector_load_idx %arg15[%parallel_loop3A_145] : memref<5454xf32, #tpu.memory_space<vmem>>[vector<16xi32>], vector<16xf32>,
      %parallel_loop3A_147 = arith.constant 16 : i32
      %parallel_loop3A_148 = arith.muli %parallel_loop3A_110, %parallel_loop3A_147 : i32
      %parallel_loop3A_149 = arith.constant 88 : i32
      %parallel_loop3A_150 = arith.index_cast %parallel_loop3A_149 : i32 to index
      %parallel_loop3A_151 = arith.index_cast %parallel_loop3A_148 : i32 to index
      %parallel_loop3A_152 = tpu.vector_load %arg12[%parallel_loop3A_150, %parallel_loop3A_151] {strides = array<i32>} : memref<134x512xf32, #tpu.memory_space<vmem>>, vector<16xf32>,
      tpu.vector_store %arg12[%parallel_loop3A_150, %parallel_loop3A_151], %parallel_loop3A_146 {strides = array<i32>} : memref<134x512xf32, #tpu.memory_space<vmem>>, vector<16xf32>,
      %parallel_loop3A_153 = arith.constant 3 : i32
      %parallel_loop3A_154 = vector.broadcast %parallel_loop3A_153 : i32 to vector<16xi32>
      %parallel_loop3A_155 = arith.addi %parallel_loop3A_122, %parallel_loop3A_154 : vector<16xi32>
      %parallel_loop3A_156 = tpu.vector_load_idx %arg15[%parallel_loop3A_155] : memref<5454xf32, #tpu.memory_space<vmem>>[vector<16xi32>], vector<16xf32>,
      %parallel_loop3A_157 = arith.constant 16 : i32
      %parallel_loop3A_158 = arith.muli %parallel_loop3A_110, %parallel_loop3A_157 : i32
      %parallel_loop3A_159 = arith.constant 89 : i32
      %parallel_loop3A_160 = arith.index_cast %parallel_loop3A_159 : i32 to index
      %parallel_loop3A_161 = arith.index_cast %parallel_loop3A_158 : i32 to index
      %parallel_loop3A_162 = tpu.vector_load %arg12[%parallel_loop3A_160, %parallel_loop3A_161] {strides = array<i32>} : memref<134x512xf32, #tpu.memory_space<vmem>>, vector<16xf32>,
      tpu.vector_store %arg12[%parallel_loop3A_160, %parallel_loop3A_161], %parallel_loop3A_156 {strides = array<i32>} : memref<134x512xf32, #tpu.memory_space<vmem>>, vector<16xf32>,
      %parallel_loop3A_163 = arith.constant 4 : i32
      %parallel_loop3A_164 = vector.broadcast %parallel_loop3A_163 : i32 to vector<16xi32>
      %parallel_loop3A_165 = arith.addi %parallel_loop3A_122, %parallel_loop3A_164 : vector<16xi32>
      %parallel_loop3A_166 = tpu.vector_load_idx %arg15[%parallel_loop3A_165] : memref<5454xf32, #tpu.memory_space<vmem>>[vector<16xi32>], vector<16xf32>,
      %parallel_loop3A_167 = arith.constant 16 : i32
      %parallel_loop3A_168 = arith.muli %parallel_loop3A_110, %parallel_loop3A_167 : i32
      %parallel_loop3A_169 = arith.constant 90 : i32
      %parallel_loop3A_170 = arith.index_cast %parallel_loop3A_169 : i32 to index
      %parallel_loop3A_171 = arith.index_cast %parallel_loop3A_168 : i32 to index
      %parallel_loop3A_172 = tpu.vector_load %arg12[%parallel_loop3A_170, %parallel_loop3A_171] {strides = array<i32>} : memref<134x512xf32, #tpu.memory_space<vmem>>, vector<16xf32>,
      tpu.vector_store %arg12[%parallel_loop3A_170, %parallel_loop3A_171], %parallel_loop3A_166 {strides = array<i32>} : memref<134x512xf32, #tpu.memory_space<vmem>>, vector<16xf32>,
      %parallel_loop3A_173 = arith.constant 5 : i32
      %parallel_loop3A_174 = vector.broadcast %parallel_loop3A_173 : i32 to vector<16xi32>
      %parallel_loop3A_175 = arith.addi %parallel_loop3A_122, %parallel_loop3A_174 : vector<16xi32>
      %parallel_loop3A_176 = tpu.vector_load_idx %arg15[%parallel_loop3A_175] : memref<5454xf32, #tpu.memory_space<vmem>>[vector<16xi32>], vector<16xf32>,
      %parallel_loop3A_177 = arith.constant 16 : i32
      %parallel_loop3A_178 = arith.muli %parallel_loop3A_110, %parallel_loop3A_177 : i32
      %parallel_loop3A_179 = arith.constant 91 : i32
      %parallel_loop3A_180 = arith.index_cast %parallel_loop3A_179 : i32 to index
      %parallel_loop3A_181 = arith.index_cast %parallel_loop3A_178 : i32 to index
      %parallel_loop3A_182 = tpu.vector_load %arg12[%parallel_loop3A_180, %parallel_loop3A_181] {strides = array<i32>} : memref<134x512xf32, #tpu.memory_space<vmem>>, vector<16xf32>,
      tpu.vector_store %arg12[%parallel_loop3A_180, %parallel_loop3A_181], %parallel_loop3A_176 {strides = array<i32>} : memref<134x512xf32, #tpu.memory_space<vmem>>, vector<16xf32>,
      %parallel_loop3A_183 = arith.constant 6 : i32
      %parallel_loop3A_184 = vector.broadcast %parallel_loop3A_183 : i32 to vector<16xi32>
      %parallel_loop3A_185 = arith.addi %parallel_loop3A_122, %parallel_loop3A_184 : vector<16xi32>
      %parallel_loop3A_186 = tpu.vector_load_idx %arg15[%parallel_loop3A_185] : memref<5454xf32, #tpu.memory_space<vmem>>[vector<16xi32>], vector<16xf32>,
      %parallel_loop3A_187 = arith.constant 16 : i32
      %parallel_loop3A_188 = arith.muli %parallel_loop3A_110, %parallel_loop3A_187 : i32
      %parallel_loop3A_189 = arith.constant 92 : i32
      %parallel_loop3A_190 = arith.index_cast %parallel_loop3A_189 : i32 to index
      %parallel_loop3A_191 = arith.index_cast %parallel_loop3A_188 : i32 to index
      %parallel_loop3A_192 = tpu.vector_load %arg12[%parallel_loop3A_190, %parallel_loop3A_191] {strides = array<i32>} : memref<134x512xf32, #tpu.memory_space<vmem>>, vector<16xf32>,
      tpu.vector_store %arg12[%parallel_loop3A_190, %parallel_loop3A_191], %parallel_loop3A_186 {strides = array<i32>} : memref<134x512xf32, #tpu.memory_space<vmem>>, vector<16xf32>,
      %parallel_loop3A_193 = arith.constant 7 : i32
      %parallel_loop3A_194 = vector.broadcast %parallel_loop3A_193 : i32 to vector<16xi32>
      %parallel_loop3A_195 = arith.addi %parallel_loop3A_122, %parallel_loop3A_194 : vector<16xi32>
      %parallel_loop3A_196 = tpu.vector_load_idx %arg15[%parallel_loop3A_195] : memref<5454xf32, #tpu.memory_space<vmem>>[vector<16xi32>], vector<16xf32>,
      %parallel_loop3A_197 = arith.constant 16 : i32
      %parallel_loop3A_198 = arith.muli %parallel_loop3A_110, %parallel_loop3A_197 : i32
      %parallel_loop3A_199 = arith.constant 93 : i32
      %parallel_loop3A_200 = arith.index_cast %parallel_loop3A_199 : i32 to index
      %parallel_loop3A_201 = arith.index_cast %parallel_loop3A_198 : i32 to index
      %parallel_loop3A_202 = tpu.vector_load %arg12[%parallel_loop3A_200, %parallel_loop3A_201] {strides = array<i32>} : memref<134x512xf32, #tpu.memory_space<vmem>>, vector<16xf32>,
      tpu.vector_store %arg12[%parallel_loop3A_200, %parallel_loop3A_201], %parallel_loop3A_196 {strides = array<i32>} : memref<134x512xf32, #tpu.memory_space<vmem>>, vector<16xf32>,
      %parallel_loop3A_203 = arith.constant 16 : i32
      %parallel_loop3A_204 = arith.muli %parallel_loop3A_110, %parallel_loop3A_203 : i32
      %parallel_loop3A_205 = arith.constant 1 : i32
      %parallel_loop3A_206 = arith.index_cast %parallel_loop3A_205 : i32 to index
      %parallel_loop3A_207 = arith.index_cast %parallel_loop3A_204 : i32 to index
      %parallel_loop3A_208 = tpu.vector_load %arg14[%parallel_loop3A_206, %parallel_loop3A_207] {strides = array<i32>} : memref<6x512xi32, #tpu.memory_space<vmem>>, vector<16xi32>,
      %parallel_loop3A_209 = arith.constant 9 : i32
      %parallel_loop3A_210 = vector.broadcast %parallel_loop3A_209 : i32 to vector<16xi32>
      %parallel_loop3A_211 = arith.muli %parallel_loop3A_208, %parallel_loop3A_210 : vector<16xi32>
      %parallel_loop3A_212 = arith.constant 909 : i32
      %parallel_loop3A_213 = vector.broadcast %parallel_loop3A_212 : i32 to vector<16xi32>
      %parallel_loop3A_214 = arith.addi %parallel_loop3A_211, %parallel_loop3A_213 : vector<16xi32>
      %parallel_loop3A_215 = arith.constant 0 : i32
      %parallel_loop3A_216 = vector.broadcast %parallel_loop3A_215 : i32 to vector<16xi32>
      %parallel_loop3A_217 = arith.addi %parallel_loop3A_214, %parallel_loop3A_216 : vector<16xi32>
      %parallel_loop3A_218 = tpu.vector_load_idx %arg15[%parallel_loop3A_217] : memref<5454xf32, #tpu.memory_space<vmem>>[vector<16xi32>], vector<16xf32>,
      %parallel_loop3A_219 = arith.constant 16 : i32
      %parallel_loop3A_220 = arith.muli %parallel_loop3A_110, %parallel_loop3A_219 : i32
      %parallel_loop3A_221 = arith.constant 94 : i32
      %parallel_loop3A_222 = arith.index_cast %parallel_loop3A_221 : i32 to index
      %parallel_loop3A_223 = arith.index_cast %parallel_loop3A_220 : i32 to index
      %parallel_loop3A_224 = tpu.vector_load %arg12[%parallel_loop3A_222, %parallel_loop3A_223] {strides = array<i32>} : memref<134x512xf32, #tpu.memory_space<vmem>>, vector<16xf32>,
      tpu.vector_store %arg12[%parallel_loop3A_222, %parallel_loop3A_223], %parallel_loop3A_218 {strides = array<i32>} : memref<134x512xf32, #tpu.memory_space<vmem>>, vector<16xf32>,
      %parallel_loop3A_225 = arith.constant 1 : i32
      %parallel_loop3A_226 = vector.broadcast %parallel_loop3A_225 : i32 to vector<16xi32>
      %parallel_loop3A_227 = arith.addi %parallel_loop3A_214, %parallel_loop3A_226 : vector<16xi32>
      %parallel_loop3A_228 = tpu.vector_load_idx %arg15[%parallel_loop3A_227] : memref<5454xf32, #tpu.memory_space<vmem>>[vector<16xi32>], vector<16xf32>,
      %parallel_loop3A_229 = arith.constant 16 : i32
      %parallel_loop3A_230 = arith.muli %parallel_loop3A_110, %parallel_loop3A_229 : i32
      %parallel_loop3A_231 = arith.constant 95 : i32
      %parallel_loop3A_232 = arith.index_cast %parallel_loop3A_231 : i32 to index
      %parallel_loop3A_233 = arith.index_cast %parallel_loop3A_230 : i32 to index
      %parallel_loop3A_234 = tpu.vector_load %arg12[%parallel_loop3A_232, %parallel_loop3A_233] {strides = array<i32>} : memref<134x512xf32, #tpu.memory_space<vmem>>, vector<16xf32>,
      tpu.vector_store %arg12[%parallel_loop3A_232, %parallel_loop3A_233], %parallel_loop3A_228 {strides = array<i32>} : memref<134x512xf32, #tpu.memory_space<vmem>>, vector<16xf32>,
      %parallel_loop3A_235 = arith.constant 2 : i32
      %parallel_loop3A_236 = vector.broadcast %parallel_loop3A_235 : i32 to vector<16xi32>
      %parallel_loop3A_237 = arith.addi %parallel_loop3A_214, %parallel_loop3A_236 : vector<16xi32>
      %parallel_loop3A_238 = tpu.vector_load_idx %arg15[%parallel_loop3A_237] : memref<5454xf32, #tpu.memory_space<vmem>>[vector<16xi32>], vector<16xf32>,
      %parallel_loop3A_239 = arith.constant 16 : i32
      %parallel_loop3A_240 = arith.muli %parallel_loop3A_110, %parallel_loop3A_239 : i32
      %parallel_loop3A_241 = arith.constant 96 : i32
      %parallel_loop3A_242 = arith.index_cast %parallel_loop3A_241 : i32 to index
      %parallel_loop3A_243 = arith.index_cast %parallel_loop3A_240 : i32 to index
      %parallel_loop3A_244 = tpu.vector_load %arg12[%parallel_loop3A_242, %parallel_loop3A_243] {strides = array<i32>} : memref<134x512xf32, #tpu.memory_space<vmem>>, vector<16xf32>,
      tpu.vector_store %arg12[%parallel_loop3A_242, %parallel_loop3A_243], %parallel_loop3A_238 {strides = array<i32>} : memref<134x512xf32, #tpu.memory_space<vmem>>, vector<16xf32>,
      %parallel_loop3A_245 = arith.constant 3 : i32
      %parallel_loop3A_246 = vector.broadcast %parallel_loop3A_245 : i32 to vector<16xi32>
      %parallel_loop3A_247 = arith.addi %parallel_loop3A_214, %parallel_loop3A_246 : vector<16xi32>
      %parallel_loop3A_248 = tpu.vector_load_idx %arg15[%parallel_loop3A_247] : memref<5454xf32, #tpu.memory_space<vmem>>[vector<16xi32>], vector<16xf32>,
      %parallel_loop3A_249 = arith.constant 16 : i32
      %parallel_loop3A_250 = arith.muli %parallel_loop3A_110, %parallel_loop3A_249 : i32
      %parallel_loop3A_251 = arith.constant 97 : i32
      %parallel_loop3A_252 = arith.index_cast %parallel_loop3A_251 : i32 to index
      %parallel_loop3A_253 = arith.index_cast %parallel_loop3A_250 : i32 to index
      %parallel_loop3A_254 = tpu.vector_load %arg12[%parallel_loop3A_252, %parallel_loop3A_253] {strides = array<i32>} : memref<134x512xf32, #tpu.memory_space<vmem>>, vector<16xf32>,
      tpu.vector_store %arg12[%parallel_loop3A_252, %parallel_loop3A_253], %parallel_loop3A_248 {strides = array<i32>} : memref<134x512xf32, #tpu.memory_space<vmem>>, vector<16xf32>,
      %parallel_loop3A_255 = arith.constant 4 : i32
      %parallel_loop3A_256 = vector.broadcast %parallel_loop3A_255 : i32 to vector<16xi32>
      %parallel_loop3A_257 = arith.addi %parallel_loop3A_214, %parallel_loop3A_256 : vector<16xi32>
      %parallel_loop3A_258 = tpu.vector_load_idx %arg15[%parallel_loop3A_257] : memref<5454xf32, #tpu.memory_space<vmem>>[vector<16xi32>], vector<16xf32>,
      %parallel_loop3A_259 = arith.constant 16 : i32
      %parallel_loop3A_260 = arith.muli %parallel_loop3A_110, %parallel_loop3A_259 : i32
      %parallel_loop3A_261 = arith.constant 98 : i32
      %parallel_loop3A_262 = arith.index_cast %parallel_loop3A_261 : i32 to index
      %parallel_loop3A_263 = arith.index_cast %parallel_loop3A_260 : i32 to index
      %parallel_loop3A_264 = tpu.vector_load %arg12[%parallel_loop3A_262, %parallel_loop3A_263] {strides = array<i32>} : memref<134x512xf32, #tpu.memory_space<vmem>>, vector<16xf32>,
      tpu.vector_store %arg12[%parallel_loop3A_262, %parallel_loop3A_263], %parallel_loop3A_258 {strides = array<i32>} : memref<134x512xf32, #tpu.memory_space<vmem>>, vector<16xf32>,
      %parallel_loop3A_265 = arith.constant 5 : i32
      %parallel_loop3A_266 = vector.broadcast %parallel_loop3A_265 : i32 to vector<16xi32>
      %parallel_loop3A_267 = arith.addi %parallel_loop3A_214, %parallel_loop3A_266 : vector<16xi32>
      %parallel_loop3A_268 = tpu.vector_load_idx %arg15[%parallel_loop3A_267] : memref<5454xf32, #tpu.memory_space<vmem>>[vector<16xi32>], vector<16xf32>,
      %parallel_loop3A_269 = arith.constant 16 : i32
      %parallel_loop3A_270 = arith.muli %parallel_loop3A_110, %parallel_loop3A_269 : i32
      %parallel_loop3A_271 = arith.constant 99 : i32
      %parallel_loop3A_272 = arith.index_cast %parallel_loop3A_271 : i32 to index
      %parallel_loop3A_273 = arith.index_cast %parallel_loop3A_270 : i32 to index
      %parallel_loop3A_274 = tpu.vector_load %arg12[%parallel_loop3A_272, %parallel_loop3A_273] {strides = array<i32>} : memref<134x512xf32, #tpu.memory_space<vmem>>, vector<16xf32>,
      tpu.vector_store %arg12[%parallel_loop3A_272, %parallel_loop3A_273], %parallel_loop3A_268 {strides = array<i32>} : memref<134x512xf32, #tpu.memory_space<vmem>>, vector<16xf32>,
      %parallel_loop3A_275 = arith.constant 6 : i32
      %parallel_loop3A_276 = vector.broadcast %parallel_loop3A_275 : i32 to vector<16xi32>
      %parallel_loop3A_277 = arith.addi %parallel_loop3A_214, %parallel_loop3A_276 : vector<16xi32>
      %parallel_loop3A_278 = tpu.vector_load_idx %arg15[%parallel_loop3A_277] : memref<5454xf32, #tpu.memory_space<vmem>>[vector<16xi32>], vector<16xf32>,
      %parallel_loop3A_279 = arith.constant 16 : i32
      %parallel_loop3A_280 = arith.muli %parallel_loop3A_110, %parallel_loop3A_279 : i32
      %parallel_loop3A_281 = arith.constant 100 : i32
      %parallel_loop3A_282 = arith.index_cast %parallel_loop3A_281 : i32 to index
      %parallel_loop3A_283 = arith.index_cast %parallel_loop3A_280 : i32 to index
      %parallel_loop3A_284 = tpu.vector_load %arg12[%parallel_loop3A_282, %parallel_loop3A_283] {strides = array<i32>} : memref<134x512xf32, #tpu.memory_space<vmem>>, vector<16xf32>,
      tpu.vector_store %arg12[%parallel_loop3A_282, %parallel_loop3A_283], %parallel_loop3A_278 {strides = array<i32>} : memref<134x512xf32, #tpu.memory_space<vmem>>, vector<16xf32>,
      %parallel_loop3A_285 = arith.constant 7 : i32
      %parallel_loop3A_286 = vector.broadcast %parallel_loop3A_285 : i32 to vector<16xi32>
      %parallel_loop3A_287 = arith.addi %parallel_loop3A_214, %parallel_loop3A_286 : vector<16xi32>
      %parallel_loop3A_288 = tpu.vector_load_idx %arg15[%parallel_loop3A_287] : memref<5454xf32, #tpu.memory_space<vmem>>[vector<16xi32>], vector<16xf32>,
      %parallel_loop3A_289 = arith.constant 16 : i32
      %parallel_loop3A_290 = arith.muli %parallel_loop3A_110, %parallel_loop3A_289 : i32
      %parallel_loop3A_291 = arith.constant 101 : i32
      %parallel_loop3A_292 = arith.index_cast %parallel_loop3A_291 : i32 to index
      %parallel_loop3A_293 = arith.index_cast %parallel_loop3A_290 : i32 to index
      %parallel_loop3A_294 = tpu.vector_load %arg12[%parallel_loop3A_292, %parallel_loop3A_293] {strides = array<i32>} : memref<134x512xf32, #tpu.memory_space<vmem>>, vector<16xf32>,
      tpu.vector_store %arg12[%parallel_loop3A_292, %parallel_loop3A_293], %parallel_loop3A_288 {strides = array<i32>} : memref<134x512xf32, #tpu.memory_space<vmem>>, vector<16xf32>,
      %parallel_loop3A_295 = arith.constant 16 : i32
      %parallel_loop3A_296 = arith.muli %parallel_loop3A_110, %parallel_loop3A_295 : i32
      %parallel_loop3A_297 = arith.constant 2 : i32
      %parallel_loop3A_298 = arith.index_cast %parallel_loop3A_297 : i32 to index
      %parallel_loop3A_299 = arith.index_cast %parallel_loop3A_296 : i32 to index
      %parallel_loop3A_300 = tpu.vector_load %arg14[%parallel_loop3A_298, %parallel_loop3A_299] {strides = array<i32>} : memref<6x512xi32, #tpu.memory_space<vmem>>, vector<16xi32>,
      %parallel_loop3A_301 = arith.constant 9 : i32
      %parallel_loop3A_302 = vector.broadcast %parallel_loop3A_301 : i32 to vector<16xi32>
      %parallel_loop3A_303 = arith.muli %parallel_loop3A_300, %parallel_loop3A_302 : vector<16xi32>
      %parallel_loop3A_304 = arith.constant 1818 : i32
      %parallel_loop3A_305 = vector.broadcast %parallel_loop3A_304 : i32 to vector<16xi32>
      %parallel_loop3A_306 = arith.addi %parallel_loop3A_303, %parallel_loop3A_305 : vector<16xi32>
      %parallel_loop3A_307 = arith.constant 0 : i32
      %parallel_loop3A_308 = vector.broadcast %parallel_loop3A_307 : i32 to vector<16xi32>
      %parallel_loop3A_309 = arith.addi %parallel_loop3A_306, %parallel_loop3A_308 : vector<16xi32>
      %parallel_loop3A_310 = tpu.vector_load_idx %arg15[%parallel_loop3A_309] : memref<5454xf32, #tpu.memory_space<vmem>>[vector<16xi32>], vector<16xf32>,
      %parallel_loop3A_311 = arith.constant 16 : i32
      %parallel_loop3A_312 = arith.muli %parallel_loop3A_110, %parallel_loop3A_311 : i32
      %parallel_loop3A_313 = arith.constant 102 : i32
      %parallel_loop3A_314 = arith.index_cast %parallel_loop3A_313 : i32 to index
      %parallel_loop3A_315 = arith.index_cast %parallel_loop3A_312 : i32 to index
      %parallel_loop3A_316 = tpu.vector_load %arg12[%parallel_loop3A_314, %parallel_loop3A_315] {strides = array<i32>} : memref<134x512xf32, #tpu.memory_space<vmem>>, vector<16xf32>,
      tpu.vector_store %arg12[%parallel_loop3A_314, %parallel_loop3A_315], %parallel_loop3A_310 {strides = array<i32>} : memref<134x512xf32, #tpu.memory_space<vmem>>, vector<16xf32>,
      %parallel_loop3A_317 = arith.constant 1 : i32
      %parallel_loop3A_318 = vector.broadcast %parallel_loop3A_317 : i32 to vector<16xi32>
      %parallel_loop3A_319 = arith.addi %parallel_loop3A_306, %parallel_loop3A_318 : vector<16xi32>
      %parallel_loop3A_320 = tpu.vector_load_idx %arg15[%parallel_loop3A_319] : memref<5454xf32, #tpu.memory_space<vmem>>[vector<16xi32>], vector<16xf32>,
      %parallel_loop3A_321 = arith.constant 16 : i32
      %parallel_loop3A_322 = arith.muli %parallel_loop3A_110, %parallel_loop3A_321 : i32
      %parallel_loop3A_323 = arith.constant 103 : i32
      %parallel_loop3A_324 = arith.index_cast %parallel_loop3A_323 : i32 to index
      %parallel_loop3A_325 = arith.index_cast %parallel_loop3A_322 : i32 to index
      %parallel_loop3A_326 = tpu.vector_load %arg12[%parallel_loop3A_324, %parallel_loop3A_325] {strides = array<i32>} : memref<134x512xf32, #tpu.memory_space<vmem>>, vector<16xf32>,
      tpu.vector_store %arg12[%parallel_loop3A_324, %parallel_loop3A_325], %parallel_loop3A_320 {strides = array<i32>} : memref<134x512xf32, #tpu.memory_space<vmem>>, vector<16xf32>,
      %parallel_loop3A_327 = arith.constant 2 : i32
      %parallel_loop3A_328 = vector.broadcast %parallel_loop3A_327 : i32 to vector<16xi32>
      %parallel_loop3A_329 = arith.addi %parallel_loop3A_306, %parallel_loop3A_328 : vector<16xi32>
      %parallel_loop3A_330 = tpu.vector_load_idx %arg15[%parallel_loop3A_329] : memref<5454xf32, #tpu.memory_space<vmem>>[vector<16xi32>], vector<16xf32>,
      %parallel_loop3A_331 = arith.constant 16 : i32
      %parallel_loop3A_332 = arith.muli %parallel_loop3A_110, %parallel_loop3A_331 : i32
      %parallel_loop3A_333 = arith.constant 104 : i32
      %parallel_loop3A_334 = arith.index_cast %parallel_loop3A_333 : i32 to index
      %parallel_loop3A_335 = arith.index_cast %parallel_loop3A_332 : i32 to index
      %parallel_loop3A_336 = tpu.vector_load %arg12[%parallel_loop3A_334, %parallel_loop3A_335] {strides = array<i32>} : memref<134x512xf32, #tpu.memory_space<vmem>>, vector<16xf32>,
      tpu.vector_store %arg12[%parallel_loop3A_334, %parallel_loop3A_335], %parallel_loop3A_330 {strides = array<i32>} : memref<134x512xf32, #tpu.memory_space<vmem>>, vector<16xf32>,
      %parallel_loop3A_337 = arith.constant 3 : i32
      %parallel_loop3A_338 = vector.broadcast %parallel_loop3A_337 : i32 to vector<16xi32>
      %parallel_loop3A_339 = arith.addi %parallel_loop3A_306, %parallel_loop3A_338 : vector<16xi32>
      %parallel_loop3A_340 = tpu.vector_load_idx %arg15[%parallel_loop3A_339] : memref<5454xf32, #tpu.memory_space<vmem>>[vector<16xi32>], vector<16xf32>,
      %parallel_loop3A_341 = arith.constant 16 : i32
      %parallel_loop3A_342 = arith.muli %parallel_loop3A_110, %parallel_loop3A_341 : i32
      %parallel_loop3A_343 = arith.constant 105 : i32
      %parallel_loop3A_344 = arith.index_cast %parallel_loop3A_343 : i32 to index
      %parallel_loop3A_345 = arith.index_cast %parallel_loop3A_342 : i32 to index
      %parallel_loop3A_346 = tpu.vector_load %arg12[%parallel_loop3A_344, %parallel_loop3A_345] {strides = array<i32>} : memref<134x512xf32, #tpu.memory_space<vmem>>, vector<16xf32>,
      tpu.vector_store %arg12[%parallel_loop3A_344, %parallel_loop3A_345], %parallel_loop3A_340 {strides = array<i32>} : memref<134x512xf32, #tpu.memory_space<vmem>>, vector<16xf32>,
      %parallel_loop3A_347 = arith.constant 4 : i32
      %parallel_loop3A_348 = vector.broadcast %parallel_loop3A_347 : i32 to vector<16xi32>
      %parallel_loop3A_349 = arith.addi %parallel_loop3A_306, %parallel_loop3A_348 : vector<16xi32>
      %parallel_loop3A_350 = tpu.vector_load_idx %arg15[%parallel_loop3A_349] : memref<5454xf32, #tpu.memory_space<vmem>>[vector<16xi32>], vector<16xf32>,
      %parallel_loop3A_351 = arith.constant 16 : i32
      %parallel_loop3A_352 = arith.muli %parallel_loop3A_110, %parallel_loop3A_351 : i32
      %parallel_loop3A_353 = arith.constant 106 : i32
      %parallel_loop3A_354 = arith.index_cast %parallel_loop3A_353 : i32 to index
      %parallel_loop3A_355 = arith.index_cast %parallel_loop3A_352 : i32 to index
      %parallel_loop3A_356 = tpu.vector_load %arg12[%parallel_loop3A_354, %parallel_loop3A_355] {strides = array<i32>} : memref<134x512xf32, #tpu.memory_space<vmem>>, vector<16xf32>,
      tpu.vector_store %arg12[%parallel_loop3A_354, %parallel_loop3A_355], %parallel_loop3A_350 {strides = array<i32>} : memref<134x512xf32, #tpu.memory_space<vmem>>, vector<16xf32>,
      %parallel_loop3A_357 = arith.constant 5 : i32
      %parallel_loop3A_358 = vector.broadcast %parallel_loop3A_357 : i32 to vector<16xi32>
      %parallel_loop3A_359 = arith.addi %parallel_loop3A_306, %parallel_loop3A_358 : vector<16xi32>
      %parallel_loop3A_360 = tpu.vector_load_idx %arg15[%parallel_loop3A_359] : memref<5454xf32, #tpu.memory_space<vmem>>[vector<16xi32>], vector<16xf32>,
      %parallel_loop3A_361 = arith.constant 16 : i32
      %parallel_loop3A_362 = arith.muli %parallel_loop3A_110, %parallel_loop3A_361 : i32
      %parallel_loop3A_363 = arith.constant 107 : i32
      %parallel_loop3A_364 = arith.index_cast %parallel_loop3A_363 : i32 to index
      %parallel_loop3A_365 = arith.index_cast %parallel_loop3A_362 : i32 to index
      %parallel_loop3A_366 = tpu.vector_load %arg12[%parallel_loop3A_364, %parallel_loop3A_365] {strides = array<i32>} : memref<134x512xf32, #tpu.memory_space<vmem>>, vector<16xf32>,
      tpu.vector_store %arg12[%parallel_loop3A_364, %parallel_loop3A_365], %parallel_loop3A_360 {strides = array<i32>} : memref<134x512xf32, #tpu.memory_space<vmem>>, vector<16xf32>,
      %parallel_loop3A_367 = arith.constant 6 : i32
      %parallel_loop3A_368 = vector.broadcast %parallel_loop3A_367 : i32 to vector<16xi32>
      %parallel_loop3A_369 = arith.addi %parallel_loop3A_306, %parallel_loop3A_368 : vector<16xi32>
      %parallel_loop3A_370 = tpu.vector_load_idx %arg15[%parallel_loop3A_369] : memref<5454xf32, #tpu.memory_space<vmem>>[vector<16xi32>], vector<16xf32>,
      %parallel_loop3A_371 = arith.constant 16 : i32
      %parallel_loop3A_372 = arith.muli %parallel_loop3A_110, %parallel_loop3A_371 : i32
      %parallel_loop3A_373 = arith.constant 108 : i32
      %parallel_loop3A_374 = arith.index_cast %parallel_loop3A_373 : i32 to index
      %parallel_loop3A_375 = arith.index_cast %parallel_loop3A_372 : i32 to index
      %parallel_loop3A_376 = tpu.vector_load %arg12[%parallel_loop3A_374, %parallel_loop3A_375] {strides = array<i32>} : memref<134x512xf32, #tpu.memory_space<vmem>>, vector<16xf32>,
      tpu.vector_store %arg12[%parallel_loop3A_374, %parallel_loop3A_375], %parallel_loop3A_370 {strides = array<i32>} : memref<134x512xf32, #tpu.memory_space<vmem>>, vector<16xf32>,
      %parallel_loop3A_377 = arith.constant 7 : i32
      %parallel_loop3A_378 = vector.broadcast %parallel_loop3A_377 : i32 to vector<16xi32>
      %parallel_loop3A_379 = arith.addi %parallel_loop3A_306, %parallel_loop3A_378 : vector<16xi32>
      %parallel_loop3A_380 = tpu.vector_load_idx %arg15[%parallel_loop3A_379] : memref<5454xf32, #tpu.memory_space<vmem>>[vector<16xi32>], vector<16xf32>,
      %parallel_loop3A_381 = arith.constant 16 : i32
      %parallel_loop3A_382 = arith.muli %parallel_loop3A_110, %parallel_loop3A_381 : i32
      %parallel_loop3A_383 = arith.constant 109 : i32
      %parallel_loop3A_384 = arith.index_cast %parallel_loop3A_383 : i32 to index
      %parallel_loop3A_385 = arith.index_cast %parallel_loop3A_382 : i32 to index
      %parallel_loop3A_386 = tpu.vector_load %arg12[%parallel_loop3A_384, %parallel_loop3A_385] {strides = array<i32>} : memref<134x512xf32, #tpu.memory_space<vmem>>, vector<16xf32>,
      tpu.vector_store %arg12[%parallel_loop3A_384, %parallel_loop3A_385], %parallel_loop3A_380 {strides = array<i32>} : memref<134x512xf32, #tpu.memory_space<vmem>>, vector<16xf32>,
      %parallel_loop3A_387 = arith.constant 16 : i32
      %parallel_loop3A_388 = arith.muli %parallel_loop3A_110, %parallel_loop3A_387 : i32
      %parallel_loop3A_389 = arith.constant 3 : i32
      %parallel_loop3A_390 = arith.index_cast %parallel_loop3A_389 : i32 to index
      %parallel_loop3A_391 = arith.index_cast %parallel_loop3A_388 : i32 to index
      %parallel_loop3A_392 = tpu.vector_load %arg14[%parallel_loop3A_390, %parallel_loop3A_391] {strides = array<i32>} : memref<6x512xi32, #tpu.memory_space<vmem>>, vector<16xi32>,
      %parallel_loop3A_393 = arith.constant 9 : i32
      %parallel_loop3A_394 = vector.broadcast %parallel_loop3A_393 : i32 to vector<16xi32>
      %parallel_loop3A_395 = arith.muli %parallel_loop3A_392, %parallel_loop3A_394 : vector<16xi32>
      %parallel_loop3A_396 = arith.constant 2727 : i32
      %parallel_loop3A_397 = vector.broadcast %parallel_loop3A_396 : i32 to vector<16xi32>
      %parallel_loop3A_398 = arith.addi %parallel_loop3A_395, %parallel_loop3A_397 : vector<16xi32>
      %parallel_loop3A_399 = arith.constant 0 : i32
      %parallel_loop3A_400 = vector.broadcast %parallel_loop3A_399 : i32 to vector<16xi32>
      %parallel_loop3A_401 = arith.addi %parallel_loop3A_398, %parallel_loop3A_400 : vector<16xi32>
      %parallel_loop3A_402 = tpu.vector_load_idx %arg15[%parallel_loop3A_401] : memref<5454xf32, #tpu.memory_space<vmem>>[vector<16xi32>], vector<16xf32>,
      %parallel_loop3A_403 = arith.constant 16 : i32
      %parallel_loop3A_404 = arith.muli %parallel_loop3A_110, %parallel_loop3A_403 : i32
      %parallel_loop3A_405 = arith.constant 110 : i32
      %parallel_loop3A_406 = arith.index_cast %parallel_loop3A_405 : i32 to index
      %parallel_loop3A_407 = arith.index_cast %parallel_loop3A_404 : i32 to index
      %parallel_loop3A_408 = tpu.vector_load %arg12[%parallel_loop3A_406, %parallel_loop3A_407] {strides = array<i32>} : memref<134x512xf32, #tpu.memory_space<vmem>>, vector<16xf32>,
      tpu.vector_store %arg12[%parallel_loop3A_406, %parallel_loop3A_407], %parallel_loop3A_402 {strides = array<i32>} : memref<134x512xf32, #tpu.memory_space<vmem>>, vector<16xf32>,
      %parallel_loop3A_409 = arith.constant 1 : i32
      %parallel_loop3A_410 = vector.broadcast %parallel_loop3A_409 : i32 to vector<16xi32>
      %parallel_loop3A_411 = arith.addi %parallel_loop3A_398, %parallel_loop3A_410 : vector<16xi32>
      %parallel_loop3A_412 = tpu.vector_load_idx %arg15[%parallel_loop3A_411] : memref<5454xf32, #tpu.memory_space<vmem>>[vector<16xi32>], vector<16xf32>,
      %parallel_loop3A_413 = arith.constant 16 : i32
      %parallel_loop3A_414 = arith.muli %parallel_loop3A_110, %parallel_loop3A_413 : i32
      %parallel_loop3A_415 = arith.constant 111 : i32
      %parallel_loop3A_416 = arith.index_cast %parallel_loop3A_415 : i32 to index
      %parallel_loop3A_417 = arith.index_cast %parallel_loop3A_414 : i32 to index
      %parallel_loop3A_418 = tpu.vector_load %arg12[%parallel_loop3A_416, %parallel_loop3A_417] {strides = array<i32>} : memref<134x512xf32, #tpu.memory_space<vmem>>, vector<16xf32>,
      tpu.vector_store %arg12[%parallel_loop3A_416, %parallel_loop3A_417], %parallel_loop3A_412 {strides = array<i32>} : memref<134x512xf32, #tpu.memory_space<vmem>>, vector<16xf32>,
      %parallel_loop3A_419 = arith.constant 2 : i32
      %parallel_loop3A_420 = vector.broadcast %parallel_loop3A_419 : i32 to vector<16xi32>
      %parallel_loop3A_421 = arith.addi %parallel_loop3A_398, %parallel_loop3A_420 : vector<16xi32>
      %parallel_loop3A_422 = tpu.vector_load_idx %arg15[%parallel_loop3A_421] : memref<5454xf32, #tpu.memory_space<vmem>>[vector<16xi32>], vector<16xf32>,
      %parallel_loop3A_423 = arith.constant 16 : i32
      %parallel_loop3A_424 = arith.muli %parallel_loop3A_110, %parallel_loop3A_423 : i32
      %parallel_loop3A_425 = arith.constant 112 : i32
      %parallel_loop3A_426 = arith.index_cast %parallel_loop3A_425 : i32 to index
      %parallel_loop3A_427 = arith.index_cast %parallel_loop3A_424 : i32 to index
      %parallel_loop3A_428 = tpu.vector_load %arg12[%parallel_loop3A_426, %parallel_loop3A_427] {strides = array<i32>} : memref<134x512xf32, #tpu.memory_space<vmem>>, vector<16xf32>,
      tpu.vector_store %arg12[%parallel_loop3A_426, %parallel_loop3A_427], %parallel_loop3A_422 {strides = array<i32>} : memref<134x512xf32, #tpu.memory_space<vmem>>, vector<16xf32>,
      %parallel_loop3A_429 = arith.constant 3 : i32
      %parallel_loop3A_430 = vector.broadcast %parallel_loop3A_429 : i32 to vector<16xi32>
      %parallel_loop3A_431 = arith.addi %parallel_loop3A_398, %parallel_loop3A_430 : vector<16xi32>
      %parallel_loop3A_432 = tpu.vector_load_idx %arg15[%parallel_loop3A_431] : memref<5454xf32, #tpu.memory_space<vmem>>[vector<16xi32>], vector<16xf32>,
      %parallel_loop3A_433 = arith.constant 16 : i32
      %parallel_loop3A_434 = arith.muli %parallel_loop3A_110, %parallel_loop3A_433 : i32
      %parallel_loop3A_435 = arith.constant 113 : i32
      %parallel_loop3A_436 = arith.index_cast %parallel_loop3A_435 : i32 to index
      %parallel_loop3A_437 = arith.index_cast %parallel_loop3A_434 : i32 to index
      %parallel_loop3A_438 = tpu.vector_load %arg12[%parallel_loop3A_436, %parallel_loop3A_437] {strides = array<i32>} : memref<134x512xf32, #tpu.memory_space<vmem>>, vector<16xf32>,
      tpu.vector_store %arg12[%parallel_loop3A_436, %parallel_loop3A_437], %parallel_loop3A_432 {strides = array<i32>} : memref<134x512xf32, #tpu.memory_space<vmem>>, vector<16xf32>,
      %parallel_loop3A_439 = arith.constant 4 : i32
      %parallel_loop3A_440 = vector.broadcast %parallel_loop3A_439 : i32 to vector<16xi32>
      %parallel_loop3A_441 = arith.addi %parallel_loop3A_398, %parallel_loop3A_440 : vector<16xi32>
      %parallel_loop3A_442 = tpu.vector_load_idx %arg15[%parallel_loop3A_441] : memref<5454xf32, #tpu.memory_space<vmem>>[vector<16xi32>], vector<16xf32>,
      %parallel_loop3A_443 = arith.constant 16 : i32
      %parallel_loop3A_444 = arith.muli %parallel_loop3A_110, %parallel_loop3A_443 : i32
      %parallel_loop3A_445 = arith.constant 114 : i32
      %parallel_loop3A_446 = arith.index_cast %parallel_loop3A_445 : i32 to index
      %parallel_loop3A_447 = arith.index_cast %parallel_loop3A_444 : i32 to index
      %parallel_loop3A_448 = tpu.vector_load %arg12[%parallel_loop3A_446, %parallel_loop3A_447] {strides = array<i32>} : memref<134x512xf32, #tpu.memory_space<vmem>>, vector<16xf32>,
      tpu.vector_store %arg12[%parallel_loop3A_446, %parallel_loop3A_447], %parallel_loop3A_442 {strides = array<i32>} : memref<134x512xf32, #tpu.memory_space<vmem>>, vector<16xf32>,
      %parallel_loop3A_449 = arith.constant 5 : i32
      %parallel_loop3A_450 = vector.broadcast %parallel_loop3A_449 : i32 to vector<16xi32>
      %parallel_loop3A_451 = arith.addi %parallel_loop3A_398, %parallel_loop3A_450 : vector<16xi32>
      %parallel_loop3A_452 = tpu.vector_load_idx %arg15[%parallel_loop3A_451] : memref<5454xf32, #tpu.memory_space<vmem>>[vector<16xi32>], vector<16xf32>,
      %parallel_loop3A_453 = arith.constant 16 : i32
      %parallel_loop3A_454 = arith.muli %parallel_loop3A_110, %parallel_loop3A_453 : i32
      %parallel_loop3A_455 = arith.constant 115 : i32
      %parallel_loop3A_456 = arith.index_cast %parallel_loop3A_455 : i32 to index
      %parallel_loop3A_457 = arith.index_cast %parallel_loop3A_454 : i32 to index
      %parallel_loop3A_458 = tpu.vector_load %arg12[%parallel_loop3A_456, %parallel_loop3A_457] {strides = array<i32>} : memref<134x512xf32, #tpu.memory_space<vmem>>, vector<16xf32>,
      tpu.vector_store %arg12[%parallel_loop3A_456, %parallel_loop3A_457], %parallel_loop3A_452 {strides = array<i32>} : memref<134x512xf32, #tpu.memory_space<vmem>>, vector<16xf32>,
      %parallel_loop3A_459 = arith.constant 6 : i32
      %parallel_loop3A_460 = vector.broadcast %parallel_loop3A_459 : i32 to vector<16xi32>
      %parallel_loop3A_461 = arith.addi %parallel_loop3A_398, %parallel_loop3A_460 : vector<16xi32>
      %parallel_loop3A_462 = tpu.vector_load_idx %arg15[%parallel_loop3A_461] : memref<5454xf32, #tpu.memory_space<vmem>>[vector<16xi32>], vector<16xf32>,
      %parallel_loop3A_463 = arith.constant 16 : i32
      %parallel_loop3A_464 = arith.muli %parallel_loop3A_110, %parallel_loop3A_463 : i32
      %parallel_loop3A_465 = arith.constant 116 : i32
      %parallel_loop3A_466 = arith.index_cast %parallel_loop3A_465 : i32 to index
      %parallel_loop3A_467 = arith.index_cast %parallel_loop3A_464 : i32 to index
      %parallel_loop3A_468 = tpu.vector_load %arg12[%parallel_loop3A_466, %parallel_loop3A_467] {strides = array<i32>} : memref<134x512xf32, #tpu.memory_space<vmem>>, vector<16xf32>,
      tpu.vector_store %arg12[%parallel_loop3A_466, %parallel_loop3A_467], %parallel_loop3A_462 {strides = array<i32>} : memref<134x512xf32, #tpu.memory_space<vmem>>, vector<16xf32>,
      %parallel_loop3A_469 = arith.constant 7 : i32
      %parallel_loop3A_470 = vector.broadcast %parallel_loop3A_469 : i32 to vector<16xi32>
      %parallel_loop3A_471 = arith.addi %parallel_loop3A_398, %parallel_loop3A_470 : vector<16xi32>
      %parallel_loop3A_472 = tpu.vector_load_idx %arg15[%parallel_loop3A_471] : memref<5454xf32, #tpu.memory_space<vmem>>[vector<16xi32>], vector<16xf32>,
      %parallel_loop3A_473 = arith.constant 16 : i32
      %parallel_loop3A_474 = arith.muli %parallel_loop3A_110, %parallel_loop3A_473 : i32
      %parallel_loop3A_475 = arith.constant 117 : i32
      %parallel_loop3A_476 = arith.index_cast %parallel_loop3A_475 : i32 to index
      %parallel_loop3A_477 = arith.index_cast %parallel_loop3A_474 : i32 to index
      %parallel_loop3A_478 = tpu.vector_load %arg12[%parallel_loop3A_476, %parallel_loop3A_477] {strides = array<i32>} : memref<134x512xf32, #tpu.memory_space<vmem>>, vector<16xf32>,
      tpu.vector_store %arg12[%parallel_loop3A_476, %parallel_loop3A_477], %parallel_loop3A_472 {strides = array<i32>} : memref<134x512xf32, #tpu.memory_space<vmem>>, vector<16xf32>,
      %parallel_loop3A_479 = arith.constant 16 : i32
      %parallel_loop3A_480 = arith.muli %parallel_loop3A_110, %parallel_loop3A_479 : i32
      %parallel_loop3A_481 = arith.constant 4 : i32
      %parallel_loop3A_482 = arith.index_cast %parallel_loop3A_481 : i32 to index
      %parallel_loop3A_483 = arith.index_cast %parallel_loop3A_480 : i32 to index
      %parallel_loop3A_484 = tpu.vector_load %arg14[%parallel_loop3A_482, %parallel_loop3A_483] {strides = array<i32>} : memref<6x512xi32, #tpu.memory_space<vmem>>, vector<16xi32>,
      %parallel_loop3A_485 = arith.constant 9 : i32
      %parallel_loop3A_486 = vector.broadcast %parallel_loop3A_485 : i32 to vector<16xi32>
      %parallel_loop3A_487 = arith.muli %parallel_loop3A_484, %parallel_loop3A_486 : vector<16xi32>
      %parallel_loop3A_488 = arith.constant 3636 : i32
      %parallel_loop3A_489 = vector.broadcast %parallel_loop3A_488 : i32 to vector<16xi32>
      %parallel_loop3A_490 = arith.addi %parallel_loop3A_487, %parallel_loop3A_489 : vector<16xi32>
      %parallel_loop3A_491 = arith.constant 0 : i32
      %parallel_loop3A_492 = vector.broadcast %parallel_loop3A_491 : i32 to vector<16xi32>
      %parallel_loop3A_493 = arith.addi %parallel_loop3A_490, %parallel_loop3A_492 : vector<16xi32>
      %parallel_loop3A_494 = tpu.vector_load_idx %arg15[%parallel_loop3A_493] : memref<5454xf32, #tpu.memory_space<vmem>>[vector<16xi32>], vector<16xf32>,
      %parallel_loop3A_495 = arith.constant 16 : i32
      %parallel_loop3A_496 = arith.muli %parallel_loop3A_110, %parallel_loop3A_495 : i32
      %parallel_loop3A_497 = arith.constant 118 : i32
      %parallel_loop3A_498 = arith.index_cast %parallel_loop3A_497 : i32 to index
      %parallel_loop3A_499 = arith.index_cast %parallel_loop3A_496 : i32 to index
      %parallel_loop3A_500 = tpu.vector_load %arg12[%parallel_loop3A_498, %parallel_loop3A_499] {strides = array<i32>} : memref<134x512xf32, #tpu.memory_space<vmem>>, vector<16xf32>,
      tpu.vector_store %arg12[%parallel_loop3A_498, %parallel_loop3A_499], %parallel_loop3A_494 {strides = array<i32>} : memref<134x512xf32, #tpu.memory_space<vmem>>, vector<16xf32>,
      %parallel_loop3A_501 = arith.constant 1 : i32
      %parallel_loop3A_502 = vector.broadcast %parallel_loop3A_501 : i32 to vector<16xi32>
      %parallel_loop3A_503 = arith.addi %parallel_loop3A_490, %parallel_loop3A_502 : vector<16xi32>
      %parallel_loop3A_504 = tpu.vector_load_idx %arg15[%parallel_loop3A_503] : memref<5454xf32, #tpu.memory_space<vmem>>[vector<16xi32>], vector<16xf32>,
      %parallel_loop3A_505 = arith.constant 16 : i32
      %parallel_loop3A_506 = arith.muli %parallel_loop3A_110, %parallel_loop3A_505 : i32
      %parallel_loop3A_507 = arith.constant 119 : i32
      %parallel_loop3A_508 = arith.index_cast %parallel_loop3A_507 : i32 to index
      %parallel_loop3A_509 = arith.index_cast %parallel_loop3A_506 : i32 to index
      %parallel_loop3A_510 = tpu.vector_load %arg12[%parallel_loop3A_508, %parallel_loop3A_509] {strides = array<i32>} : memref<134x512xf32, #tpu.memory_space<vmem>>, vector<16xf32>,
      tpu.vector_store %arg12[%parallel_loop3A_508, %parallel_loop3A_509], %parallel_loop3A_504 {strides = array<i32>} : memref<134x512xf32, #tpu.memory_space<vmem>>, vector<16xf32>,
      %parallel_loop3A_511 = arith.constant 2 : i32
      %parallel_loop3A_512 = vector.broadcast %parallel_loop3A_511 : i32 to vector<16xi32>
      %parallel_loop3A_513 = arith.addi %parallel_loop3A_490, %parallel_loop3A_512 : vector<16xi32>
      %parallel_loop3A_514 = tpu.vector_load_idx %arg15[%parallel_loop3A_513] : memref<5454xf32, #tpu.memory_space<vmem>>[vector<16xi32>], vector<16xf32>,
      %parallel_loop3A_515 = arith.constant 16 : i32
      %parallel_loop3A_516 = arith.muli %parallel_loop3A_110, %parallel_loop3A_515 : i32
      %parallel_loop3A_517 = arith.constant 120 : i32
      %parallel_loop3A_518 = arith.index_cast %parallel_loop3A_517 : i32 to index
      %parallel_loop3A_519 = arith.index_cast %parallel_loop3A_516 : i32 to index
      %parallel_loop3A_520 = tpu.vector_load %arg12[%parallel_loop3A_518, %parallel_loop3A_519] {strides = array<i32>} : memref<134x512xf32, #tpu.memory_space<vmem>>, vector<16xf32>,
      tpu.vector_store %arg12[%parallel_loop3A_518, %parallel_loop3A_519], %parallel_loop3A_514 {strides = array<i32>} : memref<134x512xf32, #tpu.memory_space<vmem>>, vector<16xf32>,
      %parallel_loop3A_521 = arith.constant 3 : i32
      %parallel_loop3A_522 = vector.broadcast %parallel_loop3A_521 : i32 to vector<16xi32>
      %parallel_loop3A_523 = arith.addi %parallel_loop3A_490, %parallel_loop3A_522 : vector<16xi32>
      %parallel_loop3A_524 = tpu.vector_load_idx %arg15[%parallel_loop3A_523] : memref<5454xf32, #tpu.memory_space<vmem>>[vector<16xi32>], vector<16xf32>,
      %parallel_loop3A_525 = arith.constant 16 : i32
      %parallel_loop3A_526 = arith.muli %parallel_loop3A_110, %parallel_loop3A_525 : i32
      %parallel_loop3A_527 = arith.constant 121 : i32
      %parallel_loop3A_528 = arith.index_cast %parallel_loop3A_527 : i32 to index
      %parallel_loop3A_529 = arith.index_cast %parallel_loop3A_526 : i32 to index
      %parallel_loop3A_530 = tpu.vector_load %arg12[%parallel_loop3A_528, %parallel_loop3A_529] {strides = array<i32>} : memref<134x512xf32, #tpu.memory_space<vmem>>, vector<16xf32>,
      tpu.vector_store %arg12[%parallel_loop3A_528, %parallel_loop3A_529], %parallel_loop3A_524 {strides = array<i32>} : memref<134x512xf32, #tpu.memory_space<vmem>>, vector<16xf32>,
      %parallel_loop3A_531 = arith.constant 4 : i32
      %parallel_loop3A_532 = vector.broadcast %parallel_loop3A_531 : i32 to vector<16xi32>
      %parallel_loop3A_533 = arith.addi %parallel_loop3A_490, %parallel_loop3A_532 : vector<16xi32>
      %parallel_loop3A_534 = tpu.vector_load_idx %arg15[%parallel_loop3A_533] : memref<5454xf32, #tpu.memory_space<vmem>>[vector<16xi32>], vector<16xf32>,
      %parallel_loop3A_535 = arith.constant 16 : i32
      %parallel_loop3A_536 = arith.muli %parallel_loop3A_110, %parallel_loop3A_535 : i32
      %parallel_loop3A_537 = arith.constant 122 : i32
      %parallel_loop3A_538 = arith.index_cast %parallel_loop3A_537 : i32 to index
      %parallel_loop3A_539 = arith.index_cast %parallel_loop3A_536 : i32 to index
      %parallel_loop3A_540 = tpu.vector_load %arg12[%parallel_loop3A_538, %parallel_loop3A_539] {strides = array<i32>} : memref<134x512xf32, #tpu.memory_space<vmem>>, vector<16xf32>,
      tpu.vector_store %arg12[%parallel_loop3A_538, %parallel_loop3A_539], %parallel_loop3A_534 {strides = array<i32>} : memref<134x512xf32, #tpu.memory_space<vmem>>, vector<16xf32>,
      %parallel_loop3A_541 = arith.constant 5 : i32
      %parallel_loop3A_542 = vector.broadcast %parallel_loop3A_541 : i32 to vector<16xi32>
      %parallel_loop3A_543 = arith.addi %parallel_loop3A_490, %parallel_loop3A_542 : vector<16xi32>
      %parallel_loop3A_544 = tpu.vector_load_idx %arg15[%parallel_loop3A_543] : memref<5454xf32, #tpu.memory_space<vmem>>[vector<16xi32>], vector<16xf32>,
      %parallel_loop3A_545 = arith.constant 16 : i32
      %parallel_loop3A_546 = arith.muli %parallel_loop3A_110, %parallel_loop3A_545 : i32
      %parallel_loop3A_547 = arith.constant 123 : i32
      %parallel_loop3A_548 = arith.index_cast %parallel_loop3A_547 : i32 to index
      %parallel_loop3A_549 = arith.index_cast %parallel_loop3A_546 : i32 to index
      %parallel_loop3A_550 = tpu.vector_load %arg12[%parallel_loop3A_548, %parallel_loop3A_549] {strides = array<i32>} : memref<134x512xf32, #tpu.memory_space<vmem>>, vector<16xf32>,
      tpu.vector_store %arg12[%parallel_loop3A_548, %parallel_loop3A_549], %parallel_loop3A_544 {strides = array<i32>} : memref<134x512xf32, #tpu.memory_space<vmem>>, vector<16xf32>,
      %parallel_loop3A_551 = arith.constant 6 : i32
      %parallel_loop3A_552 = vector.broadcast %parallel_loop3A_551 : i32 to vector<16xi32>
      %parallel_loop3A_553 = arith.addi %parallel_loop3A_490, %parallel_loop3A_552 : vector<16xi32>
      %parallel_loop3A_554 = tpu.vector_load_idx %arg15[%parallel_loop3A_553] : memref<5454xf32, #tpu.memory_space<vmem>>[vector<16xi32>], vector<16xf32>,
      %parallel_loop3A_555 = arith.constant 16 : i32
      %parallel_loop3A_556 = arith.muli %parallel_loop3A_110, %parallel_loop3A_555 : i32
      %parallel_loop3A_557 = arith.constant 124 : i32
      %parallel_loop3A_558 = arith.index_cast %parallel_loop3A_557 : i32 to index
      %parallel_loop3A_559 = arith.index_cast %parallel_loop3A_556 : i32 to index
      %parallel_loop3A_560 = tpu.vector_load %arg12[%parallel_loop3A_558, %parallel_loop3A_559] {strides = array<i32>} : memref<134x512xf32, #tpu.memory_space<vmem>>, vector<16xf32>,
      tpu.vector_store %arg12[%parallel_loop3A_558, %parallel_loop3A_559], %parallel_loop3A_554 {strides = array<i32>} : memref<134x512xf32, #tpu.memory_space<vmem>>, vector<16xf32>,
      %parallel_loop3A_561 = arith.constant 7 : i32
      %parallel_loop3A_562 = vector.broadcast %parallel_loop3A_561 : i32 to vector<16xi32>
      %parallel_loop3A_563 = arith.addi %parallel_loop3A_490, %parallel_loop3A_562 : vector<16xi32>
      %parallel_loop3A_564 = tpu.vector_load_idx %arg15[%parallel_loop3A_563] : memref<5454xf32, #tpu.memory_space<vmem>>[vector<16xi32>], vector<16xf32>,
      %parallel_loop3A_565 = arith.constant 16 : i32
      %parallel_loop3A_566 = arith.muli %parallel_loop3A_110, %parallel_loop3A_565 : i32
      %parallel_loop3A_567 = arith.constant 125 : i32
      %parallel_loop3A_568 = arith.index_cast %parallel_loop3A_567 : i32 to index
      %parallel_loop3A_569 = arith.index_cast %parallel_loop3A_566 : i32 to index
      %parallel_loop3A_570 = tpu.vector_load %arg12[%parallel_loop3A_568, %parallel_loop3A_569] {strides = array<i32>} : memref<134x512xf32, #tpu.memory_space<vmem>>, vector<16xf32>,
      tpu.vector_store %arg12[%parallel_loop3A_568, %parallel_loop3A_569], %parallel_loop3A_564 {strides = array<i32>} : memref<134x512xf32, #tpu.memory_space<vmem>>, vector<16xf32>,
      %parallel_loop3A_571 = arith.constant 16 : i32
      %parallel_loop3A_572 = arith.muli %parallel_loop3A_110, %parallel_loop3A_571 : i32
      %parallel_loop3A_573 = arith.constant 5 : i32
      %parallel_loop3A_574 = arith.index_cast %parallel_loop3A_573 : i32 to index
      %parallel_loop3A_575 = arith.index_cast %parallel_loop3A_572 : i32 to index
      %parallel_loop3A_576 = tpu.vector_load %arg14[%parallel_loop3A_574, %parallel_loop3A_575] {strides = array<i32>} : memref<6x512xi32, #tpu.memory_space<vmem>>, vector<16xi32>,
      %parallel_loop3A_577 = arith.constant 9 : i32
      %parallel_loop3A_578 = vector.broadcast %parallel_loop3A_577 : i32 to vector<16xi32>
      %parallel_loop3A_579 = arith.muli %parallel_loop3A_576, %parallel_loop3A_578 : vector<16xi32>
      %parallel_loop3A_580 = arith.constant 4545 : i32
      %parallel_loop3A_581 = vector.broadcast %parallel_loop3A_580 : i32 to vector<16xi32>
      %parallel_loop3A_582 = arith.addi %parallel_loop3A_579, %parallel_loop3A_581 : vector<16xi32>
      %parallel_loop3A_583 = arith.constant 0 : i32
      %parallel_loop3A_584 = vector.broadcast %parallel_loop3A_583 : i32 to vector<16xi32>
      %parallel_loop3A_585 = arith.addi %parallel_loop3A_582, %parallel_loop3A_584 : vector<16xi32>
      %parallel_loop3A_586 = tpu.vector_load_idx %arg15[%parallel_loop3A_585] : memref<5454xf32, #tpu.memory_space<vmem>>[vector<16xi32>], vector<16xf32>,
      %parallel_loop3A_587 = arith.constant 16 : i32
      %parallel_loop3A_588 = arith.muli %parallel_loop3A_110, %parallel_loop3A_587 : i32
      %parallel_loop3A_589 = arith.constant 126 : i32
      %parallel_loop3A_590 = arith.index_cast %parallel_loop3A_589 : i32 to index
      %parallel_loop3A_591 = arith.index_cast %parallel_loop3A_588 : i32 to index
      %parallel_loop3A_592 = tpu.vector_load %arg12[%parallel_loop3A_590, %parallel_loop3A_591] {strides = array<i32>} : memref<134x512xf32, #tpu.memory_space<vmem>>, vector<16xf32>,
      tpu.vector_store %arg12[%parallel_loop3A_590, %parallel_loop3A_591], %parallel_loop3A_586 {strides = array<i32>} : memref<134x512xf32, #tpu.memory_space<vmem>>, vector<16xf32>,
      %parallel_loop3A_593 = arith.constant 1 : i32
      %parallel_loop3A_594 = vector.broadcast %parallel_loop3A_593 : i32 to vector<16xi32>
      %parallel_loop3A_595 = arith.addi %parallel_loop3A_582, %parallel_loop3A_594 : vector<16xi32>
      %parallel_loop3A_596 = tpu.vector_load_idx %arg15[%parallel_loop3A_595] : memref<5454xf32, #tpu.memory_space<vmem>>[vector<16xi32>], vector<16xf32>,
      %parallel_loop3A_597 = arith.constant 16 : i32
      %parallel_loop3A_598 = arith.muli %parallel_loop3A_110, %parallel_loop3A_597 : i32
      %parallel_loop3A_599 = arith.constant 127 : i32
      %parallel_loop3A_600 = arith.index_cast %parallel_loop3A_599 : i32 to index
      %parallel_loop3A_601 = arith.index_cast %parallel_loop3A_598 : i32 to index
      %parallel_loop3A_602 = tpu.vector_load %arg12[%parallel_loop3A_600, %parallel_loop3A_601] {strides = array<i32>} : memref<134x512xf32, #tpu.memory_space<vmem>>, vector<16xf32>,
      tpu.vector_store %arg12[%parallel_loop3A_600, %parallel_loop3A_601], %parallel_loop3A_596 {strides = array<i32>} : memref<134x512xf32, #tpu.memory_space<vmem>>, vector<16xf32>,
      %parallel_loop3A_603 = arith.constant 2 : i32
      %parallel_loop3A_604 = vector.broadcast %parallel_loop3A_603 : i32 to vector<16xi32>
      %parallel_loop3A_605 = arith.addi %parallel_loop3A_582, %parallel_loop3A_604 : vector<16xi32>
      %parallel_loop3A_606 = tpu.vector_load_idx %arg15[%parallel_loop3A_605] : memref<5454xf32, #tpu.memory_space<vmem>>[vector<16xi32>], vector<16xf32>,
      %parallel_loop3A_607 = arith.constant 16 : i32
      %parallel_loop3A_608 = arith.muli %parallel_loop3A_110, %parallel_loop3A_607 : i32
      %parallel_loop3A_609 = arith.constant 128 : i32
      %parallel_loop3A_610 = arith.index_cast %parallel_loop3A_609 : i32 to index
      %parallel_loop3A_611 = arith.index_cast %parallel_loop3A_608 : i32 to index
      %parallel_loop3A_612 = tpu.vector_load %arg12[%parallel_loop3A_610, %parallel_loop3A_611] {strides = array<i32>} : memref<134x512xf32, #tpu.memory_space<vmem>>, vector<16xf32>,
      tpu.vector_store %arg12[%parallel_loop3A_610, %parallel_loop3A_611], %parallel_loop3A_606 {strides = array<i32>} : memref<134x512xf32, #tpu.memory_space<vmem>>, vector<16xf32>,
      %parallel_loop3A_613 = arith.constant 3 : i32
      %parallel_loop3A_614 = vector.broadcast %parallel_loop3A_613 : i32 to vector<16xi32>
      %parallel_loop3A_615 = arith.addi %parallel_loop3A_582, %parallel_loop3A_614 : vector<16xi32>
      %parallel_loop3A_616 = tpu.vector_load_idx %arg15[%parallel_loop3A_615] : memref<5454xf32, #tpu.memory_space<vmem>>[vector<16xi32>], vector<16xf32>,
      %parallel_loop3A_617 = arith.constant 16 : i32
      %parallel_loop3A_618 = arith.muli %parallel_loop3A_110, %parallel_loop3A_617 : i32
      %parallel_loop3A_619 = arith.constant 129 : i32
      %parallel_loop3A_620 = arith.index_cast %parallel_loop3A_619 : i32 to index
      %parallel_loop3A_621 = arith.index_cast %parallel_loop3A_618 : i32 to index
      %parallel_loop3A_622 = tpu.vector_load %arg12[%parallel_loop3A_620, %parallel_loop3A_621] {strides = array<i32>} : memref<134x512xf32, #tpu.memory_space<vmem>>, vector<16xf32>,
      tpu.vector_store %arg12[%parallel_loop3A_620, %parallel_loop3A_621], %parallel_loop3A_616 {strides = array<i32>} : memref<134x512xf32, #tpu.memory_space<vmem>>, vector<16xf32>,
      %parallel_loop3A_623 = arith.constant 4 : i32
      %parallel_loop3A_624 = vector.broadcast %parallel_loop3A_623 : i32 to vector<16xi32>
      %parallel_loop3A_625 = arith.addi %parallel_loop3A_582, %parallel_loop3A_624 : vector<16xi32>
      %parallel_loop3A_626 = tpu.vector_load_idx %arg15[%parallel_loop3A_625] : memref<5454xf32, #tpu.memory_space<vmem>>[vector<16xi32>], vector<16xf32>,
      %parallel_loop3A_627 = arith.constant 16 : i32
      %parallel_loop3A_628 = arith.muli %parallel_loop3A_110, %parallel_loop3A_627 : i32
      %parallel_loop3A_629 = arith.constant 130 : i32
      %parallel_loop3A_630 = arith.index_cast %parallel_loop3A_629 : i32 to index
      %parallel_loop3A_631 = arith.index_cast %parallel_loop3A_628 : i32 to index
      %parallel_loop3A_632 = tpu.vector_load %arg12[%parallel_loop3A_630, %parallel_loop3A_631] {strides = array<i32>} : memref<134x512xf32, #tpu.memory_space<vmem>>, vector<16xf32>,
      tpu.vector_store %arg12[%parallel_loop3A_630, %parallel_loop3A_631], %parallel_loop3A_626 {strides = array<i32>} : memref<134x512xf32, #tpu.memory_space<vmem>>, vector<16xf32>,
      %parallel_loop3A_633 = arith.constant 5 : i32
      %parallel_loop3A_634 = vector.broadcast %parallel_loop3A_633 : i32 to vector<16xi32>
      %parallel_loop3A_635 = arith.addi %parallel_loop3A_582, %parallel_loop3A_634 : vector<16xi32>
      %parallel_loop3A_636 = tpu.vector_load_idx %arg15[%parallel_loop3A_635] : memref<5454xf32, #tpu.memory_space<vmem>>[vector<16xi32>], vector<16xf32>,
      %parallel_loop3A_637 = arith.constant 16 : i32
      %parallel_loop3A_638 = arith.muli %parallel_loop3A_110, %parallel_loop3A_637 : i32
      %parallel_loop3A_639 = arith.constant 131 : i32
      %parallel_loop3A_640 = arith.index_cast %parallel_loop3A_639 : i32 to index
      %parallel_loop3A_641 = arith.index_cast %parallel_loop3A_638 : i32 to index
      %parallel_loop3A_642 = tpu.vector_load %arg12[%parallel_loop3A_640, %parallel_loop3A_641] {strides = array<i32>} : memref<134x512xf32, #tpu.memory_space<vmem>>, vector<16xf32>,
      tpu.vector_store %arg12[%parallel_loop3A_640, %parallel_loop3A_641], %parallel_loop3A_636 {strides = array<i32>} : memref<134x512xf32, #tpu.memory_space<vmem>>, vector<16xf32>,
      %parallel_loop3A_643 = arith.constant 6 : i32
      %parallel_loop3A_644 = vector.broadcast %parallel_loop3A_643 : i32 to vector<16xi32>
      %parallel_loop3A_645 = arith.addi %parallel_loop3A_582, %parallel_loop3A_644 : vector<16xi32>
      %parallel_loop3A_646 = tpu.vector_load_idx %arg15[%parallel_loop3A_645] : memref<5454xf32, #tpu.memory_space<vmem>>[vector<16xi32>], vector<16xf32>,
      %parallel_loop3A_647 = arith.constant 16 : i32
      %parallel_loop3A_648 = arith.muli %parallel_loop3A_110, %parallel_loop3A_647 : i32
      %parallel_loop3A_649 = arith.constant 132 : i32
      %parallel_loop3A_650 = arith.index_cast %parallel_loop3A_649 : i32 to index
      %parallel_loop3A_651 = arith.index_cast %parallel_loop3A_648 : i32 to index
      %parallel_loop3A_652 = tpu.vector_load %arg12[%parallel_loop3A_650, %parallel_loop3A_651] {strides = array<i32>} : memref<134x512xf32, #tpu.memory_space<vmem>>, vector<16xf32>,
      tpu.vector_store %arg12[%parallel_loop3A_650, %parallel_loop3A_651], %parallel_loop3A_646 {strides = array<i32>} : memref<134x512xf32, #tpu.memory_space<vmem>>, vector<16xf32>,
      %parallel_loop3A_653 = arith.constant 7 : i32
      %parallel_loop3A_654 = vector.broadcast %parallel_loop3A_653 : i32 to vector<16xi32>
      %parallel_loop3A_655 = arith.addi %parallel_loop3A_582, %parallel_loop3A_654 : vector<16xi32>
      %parallel_loop3A_656 = tpu.vector_load_idx %arg15[%parallel_loop3A_655] : memref<5454xf32, #tpu.memory_space<vmem>>[vector<16xi32>], vector<16xf32>,
      %parallel_loop3A_657 = arith.constant 16 : i32
      %parallel_loop3A_658 = arith.muli %parallel_loop3A_110, %parallel_loop3A_657 : i32
      %parallel_loop3A_659 = arith.constant 133 : i32
      %parallel_loop3A_660 = arith.index_cast %parallel_loop3A_659 : i32 to index
      %parallel_loop3A_661 = arith.index_cast %parallel_loop3A_658 : i32 to index
      %parallel_loop3A_662 = tpu.vector_load %arg12[%parallel_loop3A_660, %parallel_loop3A_661] {strides = array<i32>} : memref<134x512xf32, #tpu.memory_space<vmem>>, vector<16xf32>,
      tpu.vector_store %arg12[%parallel_loop3A_660, %parallel_loop3A_661], %parallel_loop3A_656 {strides = array<i32>} : memref<134x512xf32, #tpu.memory_space<vmem>>, vector<16xf32>,
    } {sc.loop_unroll_factor = 2 : i64, sc.parallel_access}
    %parallel_loop3A_9 = arith.constant 0 : i32
    %parallel_loop3A_10 = arith.constant 32 : i32
    %parallel_loop3A_11 = arith.constant 1 : i32
    scf.for %parallel_loop3A_110 = %parallel_loop3A_9 to %parallel_loop3A_10 step %parallel_loop3A_11  : i32 {
      %parallel_loop3A_111 = arith.constant 64 : index
      %parallel_loop3A_112 = tpu.vector_load %arg16[%parallel_loop3A_111] {strides = array<i32>} : memref<128xf32, #tpu.memory_space<vmem>>, vector<16xf32>,
      %parallel_loop3A_113 = arith.constant 80 : index
      %parallel_loop3A_114 = tpu.vector_load %arg16[%parallel_loop3A_113] {strides = array<i32>} : memref<128xf32, #tpu.memory_space<vmem>>, vector<16xf32>,
      %parallel_loop3A_115 = arith.constant 96 : index
      %parallel_loop3A_116 = tpu.vector_load %arg16[%parallel_loop3A_115] {strides = array<i32>} : memref<128xf32, #tpu.memory_space<vmem>>, vector<16xf32>,
      %parallel_loop3A_117 = arith.constant 112 : index
      %parallel_loop3A_118 = tpu.vector_load %arg16[%parallel_loop3A_117] {strides = array<i32>} : memref<128xf32, #tpu.memory_space<vmem>>, vector<16xf32>,
      %parallel_loop3A_119 = arith.constant 16 : i32
      %parallel_loop3A_120 = arith.muli %parallel_loop3A_110, %parallel_loop3A_119 : i32
      %parallel_loop3A_121 = arith.constant 0 : i32
      %parallel_loop3A_122 = arith.index_cast %parallel_loop3A_121 : i32 to index
      %parallel_loop3A_123 = arith.index_cast %parallel_loop3A_120 : i32 to index
      %parallel_loop3A_124 = tpu.vector_load %arg13[%parallel_loop3A_122, %parallel_loop3A_123] {strides = array<i32>} : memref<22x512xf32, #tpu.memory_space<vmem>>, vector<16xf32>,
      %parallel_loop3A_125 = vector.extract_strided_slice %parallel_loop3A_112 {offsets = [0], sizes = [1], strides = [1]} : vector<16xf32> to vector<1xf32>
      %parallel_loop3A_126 = vector.extract %parallel_loop3A_125[0] : f32 from vector<1xf32>
      %parallel_loop3A_127 = vector.extract_strided_slice %parallel_loop3A_116 {offsets = [0], sizes = [1], strides = [1]} : vector<16xf32> to vector<1xf32>
      %parallel_loop3A_128 = vector.extract %parallel_loop3A_127[0] : f32 from vector<1xf32>
      %parallel_loop3A_129 = vector.broadcast %parallel_loop3A_126 : f32 to vector<16xf32>
      %parallel_loop3A_130 = arith.mulf %parallel_loop3A_124, %parallel_loop3A_129 : vector<16xf32>
      %parallel_loop3A_131 = vector.broadcast %parallel_loop3A_128 : f32 to vector<16xf32>
      %parallel_loop3A_132 = arith.subf %parallel_loop3A_130, %parallel_loop3A_131 : vector<16xf32>
      %parallel_loop3A_133 = arith.constant 16 : i32
      %parallel_loop3A_134 = arith.muli %parallel_loop3A_110, %parallel_loop3A_133 : i32
      %parallel_loop3A_135 = arith.constant 64 : i32
      %parallel_loop3A_136 = arith.index_cast %parallel_loop3A_135 : i32 to index
      %parallel_loop3A_137 = arith.index_cast %parallel_loop3A_134 : i32 to index
      %parallel_loop3A_138 = tpu.vector_load %arg12[%parallel_loop3A_136, %parallel_loop3A_137] {strides = array<i32>} : memref<134x512xf32, #tpu.memory_space<vmem>>, vector<16xf32>,
      tpu.vector_store %arg12[%parallel_loop3A_136, %parallel_loop3A_137], %parallel_loop3A_132 {strides = array<i32>} : memref<134x512xf32, #tpu.memory_space<vmem>>, vector<16xf32>,
      %parallel_loop3A_139 = arith.constant 16 : i32
      %parallel_loop3A_140 = arith.muli %parallel_loop3A_110, %parallel_loop3A_139 : i32
      %parallel_loop3A_141 = arith.constant 1 : i32
      %parallel_loop3A_142 = arith.index_cast %parallel_loop3A_141 : i32 to index
      %parallel_loop3A_143 = arith.index_cast %parallel_loop3A_140 : i32 to index
      %parallel_loop3A_144 = tpu.vector_load %arg13[%parallel_loop3A_142, %parallel_loop3A_143] {strides = array<i32>} : memref<22x512xf32, #tpu.memory_space<vmem>>, vector<16xf32>,
      %parallel_loop3A_145 = vector.extract_strided_slice %parallel_loop3A_112 {offsets = [1], sizes = [1], strides = [1]} : vector<16xf32> to vector<1xf32>
      %parallel_loop3A_146 = vector.extract %parallel_loop3A_145[0] : f32 from vector<1xf32>
      %parallel_loop3A_147 = vector.extract_strided_slice %parallel_loop3A_116 {offsets = [1], sizes = [1], strides = [1]} : vector<16xf32> to vector<1xf32>
      %parallel_loop3A_148 = vector.extract %parallel_loop3A_147[0] : f32 from vector<1xf32>
      %parallel_loop3A_149 = vector.broadcast %parallel_loop3A_146 : f32 to vector<16xf32>
      %parallel_loop3A_150 = arith.mulf %parallel_loop3A_144, %parallel_loop3A_149 : vector<16xf32>
      %parallel_loop3A_151 = vector.broadcast %parallel_loop3A_148 : f32 to vector<16xf32>
      %parallel_loop3A_152 = arith.subf %parallel_loop3A_150, %parallel_loop3A_151 : vector<16xf32>
      %parallel_loop3A_153 = arith.constant 16 : i32
      %parallel_loop3A_154 = arith.muli %parallel_loop3A_110, %parallel_loop3A_153 : i32
      %parallel_loop3A_155 = arith.constant 65 : i32
      %parallel_loop3A_156 = arith.index_cast %parallel_loop3A_155 : i32 to index
      %parallel_loop3A_157 = arith.index_cast %parallel_loop3A_154 : i32 to index
      %parallel_loop3A_158 = tpu.vector_load %arg12[%parallel_loop3A_156, %parallel_loop3A_157] {strides = array<i32>} : memref<134x512xf32, #tpu.memory_space<vmem>>, vector<16xf32>,
      tpu.vector_store %arg12[%parallel_loop3A_156, %parallel_loop3A_157], %parallel_loop3A_152 {strides = array<i32>} : memref<134x512xf32, #tpu.memory_space<vmem>>, vector<16xf32>,
      %parallel_loop3A_159 = arith.constant 16 : i32
      %parallel_loop3A_160 = arith.muli %parallel_loop3A_110, %parallel_loop3A_159 : i32
      %parallel_loop3A_161 = arith.constant 2 : i32
      %parallel_loop3A_162 = arith.index_cast %parallel_loop3A_161 : i32 to index
      %parallel_loop3A_163 = arith.index_cast %parallel_loop3A_160 : i32 to index
      %parallel_loop3A_164 = tpu.vector_load %arg13[%parallel_loop3A_162, %parallel_loop3A_163] {strides = array<i32>} : memref<22x512xf32, #tpu.memory_space<vmem>>, vector<16xf32>,
      %parallel_loop3A_165 = vector.extract_strided_slice %parallel_loop3A_112 {offsets = [2], sizes = [1], strides = [1]} : vector<16xf32> to vector<1xf32>
      %parallel_loop3A_166 = vector.extract %parallel_loop3A_165[0] : f32 from vector<1xf32>
      %parallel_loop3A_167 = vector.extract_strided_slice %parallel_loop3A_116 {offsets = [2], sizes = [1], strides = [1]} : vector<16xf32> to vector<1xf32>
      %parallel_loop3A_168 = vector.extract %parallel_loop3A_167[0] : f32 from vector<1xf32>
      %parallel_loop3A_169 = vector.broadcast %parallel_loop3A_166 : f32 to vector<16xf32>
      %parallel_loop3A_170 = arith.mulf %parallel_loop3A_164, %parallel_loop3A_169 : vector<16xf32>
      %parallel_loop3A_171 = vector.broadcast %parallel_loop3A_168 : f32 to vector<16xf32>
      %parallel_loop3A_172 = arith.subf %parallel_loop3A_170, %parallel_loop3A_171 : vector<16xf32>
      %parallel_loop3A_173 = arith.constant 16 : i32
      %parallel_loop3A_174 = arith.muli %parallel_loop3A_110, %parallel_loop3A_173 : i32
      %parallel_loop3A_175 = arith.constant 66 : i32
      %parallel_loop3A_176 = arith.index_cast %parallel_loop3A_175 : i32 to index
      %parallel_loop3A_177 = arith.index_cast %parallel_loop3A_174 : i32 to index
      %parallel_loop3A_178 = tpu.vector_load %arg12[%parallel_loop3A_176, %parallel_loop3A_177] {strides = array<i32>} : memref<134x512xf32, #tpu.memory_space<vmem>>, vector<16xf32>,
      tpu.vector_store %arg12[%parallel_loop3A_176, %parallel_loop3A_177], %parallel_loop3A_172 {strides = array<i32>} : memref<134x512xf32, #tpu.memory_space<vmem>>, vector<16xf32>,
      %parallel_loop3A_179 = arith.constant 16 : i32
      %parallel_loop3A_180 = arith.muli %parallel_loop3A_110, %parallel_loop3A_179 : i32
      %parallel_loop3A_181 = arith.constant 3 : i32
      %parallel_loop3A_182 = arith.index_cast %parallel_loop3A_181 : i32 to index
      %parallel_loop3A_183 = arith.index_cast %parallel_loop3A_180 : i32 to index
      %parallel_loop3A_184 = tpu.vector_load %arg13[%parallel_loop3A_182, %parallel_loop3A_183] {strides = array<i32>} : memref<22x512xf32, #tpu.memory_space<vmem>>, vector<16xf32>,
      %parallel_loop3A_185 = vector.extract_strided_slice %parallel_loop3A_112 {offsets = [3], sizes = [1], strides = [1]} : vector<16xf32> to vector<1xf32>
      %parallel_loop3A_186 = vector.extract %parallel_loop3A_185[0] : f32 from vector<1xf32>
      %parallel_loop3A_187 = vector.extract_strided_slice %parallel_loop3A_116 {offsets = [3], sizes = [1], strides = [1]} : vector<16xf32> to vector<1xf32>
      %parallel_loop3A_188 = vector.extract %parallel_loop3A_187[0] : f32 from vector<1xf32>
      %parallel_loop3A_189 = vector.broadcast %parallel_loop3A_186 : f32 to vector<16xf32>
      %parallel_loop3A_190 = arith.mulf %parallel_loop3A_184, %parallel_loop3A_189 : vector<16xf32>
      %parallel_loop3A_191 = vector.broadcast %parallel_loop3A_188 : f32 to vector<16xf32>
      %parallel_loop3A_192 = arith.subf %parallel_loop3A_190, %parallel_loop3A_191 : vector<16xf32>
      %parallel_loop3A_193 = arith.constant 16 : i32
      %parallel_loop3A_194 = arith.muli %parallel_loop3A_110, %parallel_loop3A_193 : i32
      %parallel_loop3A_195 = arith.constant 67 : i32
      %parallel_loop3A_196 = arith.index_cast %parallel_loop3A_195 : i32 to index
      %parallel_loop3A_197 = arith.index_cast %parallel_loop3A_194 : i32 to index
      %parallel_loop3A_198 = tpu.vector_load %arg12[%parallel_loop3A_196, %parallel_loop3A_197] {strides = array<i32>} : memref<134x512xf32, #tpu.memory_space<vmem>>, vector<16xf32>,
      tpu.vector_store %arg12[%parallel_loop3A_196, %parallel_loop3A_197], %parallel_loop3A_192 {strides = array<i32>} : memref<134x512xf32, #tpu.memory_space<vmem>>, vector<16xf32>,
      %parallel_loop3A_199 = arith.constant 16 : i32
      %parallel_loop3A_200 = arith.muli %parallel_loop3A_110, %parallel_loop3A_199 : i32
      %parallel_loop3A_201 = arith.constant 4 : i32
      %parallel_loop3A_202 = arith.index_cast %parallel_loop3A_201 : i32 to index
      %parallel_loop3A_203 = arith.index_cast %parallel_loop3A_200 : i32 to index
      %parallel_loop3A_204 = tpu.vector_load %arg13[%parallel_loop3A_202, %parallel_loop3A_203] {strides = array<i32>} : memref<22x512xf32, #tpu.memory_space<vmem>>, vector<16xf32>,
      %parallel_loop3A_205 = vector.extract_strided_slice %parallel_loop3A_112 {offsets = [4], sizes = [1], strides = [1]} : vector<16xf32> to vector<1xf32>
      %parallel_loop3A_206 = vector.extract %parallel_loop3A_205[0] : f32 from vector<1xf32>
      %parallel_loop3A_207 = vector.extract_strided_slice %parallel_loop3A_116 {offsets = [4], sizes = [1], strides = [1]} : vector<16xf32> to vector<1xf32>
      %parallel_loop3A_208 = vector.extract %parallel_loop3A_207[0] : f32 from vector<1xf32>
      %parallel_loop3A_209 = vector.broadcast %parallel_loop3A_206 : f32 to vector<16xf32>
      %parallel_loop3A_210 = arith.mulf %parallel_loop3A_204, %parallel_loop3A_209 : vector<16xf32>
      %parallel_loop3A_211 = vector.broadcast %parallel_loop3A_208 : f32 to vector<16xf32>
      %parallel_loop3A_212 = arith.subf %parallel_loop3A_210, %parallel_loop3A_211 : vector<16xf32>
      %parallel_loop3A_213 = arith.constant 16 : i32
      %parallel_loop3A_214 = arith.muli %parallel_loop3A_110, %parallel_loop3A_213 : i32
      %parallel_loop3A_215 = arith.constant 68 : i32
      %parallel_loop3A_216 = arith.index_cast %parallel_loop3A_215 : i32 to index
      %parallel_loop3A_217 = arith.index_cast %parallel_loop3A_214 : i32 to index
      %parallel_loop3A_218 = tpu.vector_load %arg12[%parallel_loop3A_216, %parallel_loop3A_217] {strides = array<i32>} : memref<134x512xf32, #tpu.memory_space<vmem>>, vector<16xf32>,
      tpu.vector_store %arg12[%parallel_loop3A_216, %parallel_loop3A_217], %parallel_loop3A_212 {strides = array<i32>} : memref<134x512xf32, #tpu.memory_space<vmem>>, vector<16xf32>,
      %parallel_loop3A_219 = arith.constant 16 : i32
      %parallel_loop3A_220 = arith.muli %parallel_loop3A_110, %parallel_loop3A_219 : i32
      %parallel_loop3A_221 = arith.constant 5 : i32
      %parallel_loop3A_222 = arith.index_cast %parallel_loop3A_221 : i32 to index
      %parallel_loop3A_223 = arith.index_cast %parallel_loop3A_220 : i32 to index
      %parallel_loop3A_224 = tpu.vector_load %arg13[%parallel_loop3A_222, %parallel_loop3A_223] {strides = array<i32>} : memref<22x512xf32, #tpu.memory_space<vmem>>, vector<16xf32>,
      %parallel_loop3A_225 = vector.extract_strided_slice %parallel_loop3A_112 {offsets = [5], sizes = [1], strides = [1]} : vector<16xf32> to vector<1xf32>
      %parallel_loop3A_226 = vector.extract %parallel_loop3A_225[0] : f32 from vector<1xf32>
      %parallel_loop3A_227 = vector.extract_strided_slice %parallel_loop3A_116 {offsets = [5], sizes = [1], strides = [1]} : vector<16xf32> to vector<1xf32>
      %parallel_loop3A_228 = vector.extract %parallel_loop3A_227[0] : f32 from vector<1xf32>
      %parallel_loop3A_229 = vector.broadcast %parallel_loop3A_226 : f32 to vector<16xf32>
      %parallel_loop3A_230 = arith.mulf %parallel_loop3A_224, %parallel_loop3A_229 : vector<16xf32>
      %parallel_loop3A_231 = vector.broadcast %parallel_loop3A_228 : f32 to vector<16xf32>
      %parallel_loop3A_232 = arith.subf %parallel_loop3A_230, %parallel_loop3A_231 : vector<16xf32>
      %parallel_loop3A_233 = arith.constant 16 : i32
      %parallel_loop3A_234 = arith.muli %parallel_loop3A_110, %parallel_loop3A_233 : i32
      %parallel_loop3A_235 = arith.constant 69 : i32
      %parallel_loop3A_236 = arith.index_cast %parallel_loop3A_235 : i32 to index
      %parallel_loop3A_237 = arith.index_cast %parallel_loop3A_234 : i32 to index
      %parallel_loop3A_238 = tpu.vector_load %arg12[%parallel_loop3A_236, %parallel_loop3A_237] {strides = array<i32>} : memref<134x512xf32, #tpu.memory_space<vmem>>, vector<16xf32>,
      tpu.vector_store %arg12[%parallel_loop3A_236, %parallel_loop3A_237], %parallel_loop3A_232 {strides = array<i32>} : memref<134x512xf32, #tpu.memory_space<vmem>>, vector<16xf32>,
      %parallel_loop3A_239 = arith.constant 16 : i32
      %parallel_loop3A_240 = arith.muli %parallel_loop3A_110, %parallel_loop3A_239 : i32
      %parallel_loop3A_241 = arith.constant 6 : i32
      %parallel_loop3A_242 = arith.index_cast %parallel_loop3A_241 : i32 to index
      %parallel_loop3A_243 = arith.index_cast %parallel_loop3A_240 : i32 to index
      %parallel_loop3A_244 = tpu.vector_load %arg13[%parallel_loop3A_242, %parallel_loop3A_243] {strides = array<i32>} : memref<22x512xf32, #tpu.memory_space<vmem>>, vector<16xf32>,
      %parallel_loop3A_245 = vector.extract_strided_slice %parallel_loop3A_112 {offsets = [6], sizes = [1], strides = [1]} : vector<16xf32> to vector<1xf32>
      %parallel_loop3A_246 = vector.extract %parallel_loop3A_245[0] : f32 from vector<1xf32>
      %parallel_loop3A_247 = vector.extract_strided_slice %parallel_loop3A_116 {offsets = [6], sizes = [1], strides = [1]} : vector<16xf32> to vector<1xf32>
      %parallel_loop3A_248 = vector.extract %parallel_loop3A_247[0] : f32 from vector<1xf32>
      %parallel_loop3A_249 = vector.broadcast %parallel_loop3A_246 : f32 to vector<16xf32>
      %parallel_loop3A_250 = arith.mulf %parallel_loop3A_244, %parallel_loop3A_249 : vector<16xf32>
      %parallel_loop3A_251 = vector.broadcast %parallel_loop3A_248 : f32 to vector<16xf32>
      %parallel_loop3A_252 = arith.subf %parallel_loop3A_250, %parallel_loop3A_251 : vector<16xf32>
      %parallel_loop3A_253 = arith.constant 16 : i32
      %parallel_loop3A_254 = arith.muli %parallel_loop3A_110, %parallel_loop3A_253 : i32
      %parallel_loop3A_255 = arith.constant 70 : i32
      %parallel_loop3A_256 = arith.index_cast %parallel_loop3A_255 : i32 to index
      %parallel_loop3A_257 = arith.index_cast %parallel_loop3A_254 : i32 to index
      %parallel_loop3A_258 = tpu.vector_load %arg12[%parallel_loop3A_256, %parallel_loop3A_257] {strides = array<i32>} : memref<134x512xf32, #tpu.memory_space<vmem>>, vector<16xf32>,
      tpu.vector_store %arg12[%parallel_loop3A_256, %parallel_loop3A_257], %parallel_loop3A_252 {strides = array<i32>} : memref<134x512xf32, #tpu.memory_space<vmem>>, vector<16xf32>,
      %parallel_loop3A_259 = arith.constant 16 : i32
      %parallel_loop3A_260 = arith.muli %parallel_loop3A_110, %parallel_loop3A_259 : i32
      %parallel_loop3A_261 = arith.constant 7 : i32
      %parallel_loop3A_262 = arith.index_cast %parallel_loop3A_261 : i32 to index
      %parallel_loop3A_263 = arith.index_cast %parallel_loop3A_260 : i32 to index
      %parallel_loop3A_264 = tpu.vector_load %arg13[%parallel_loop3A_262, %parallel_loop3A_263] {strides = array<i32>} : memref<22x512xf32, #tpu.memory_space<vmem>>, vector<16xf32>,
      %parallel_loop3A_265 = vector.extract_strided_slice %parallel_loop3A_112 {offsets = [7], sizes = [1], strides = [1]} : vector<16xf32> to vector<1xf32>
      %parallel_loop3A_266 = vector.extract %parallel_loop3A_265[0] : f32 from vector<1xf32>
      %parallel_loop3A_267 = vector.extract_strided_slice %parallel_loop3A_116 {offsets = [7], sizes = [1], strides = [1]} : vector<16xf32> to vector<1xf32>
      %parallel_loop3A_268 = vector.extract %parallel_loop3A_267[0] : f32 from vector<1xf32>
      %parallel_loop3A_269 = vector.broadcast %parallel_loop3A_266 : f32 to vector<16xf32>
      %parallel_loop3A_270 = arith.mulf %parallel_loop3A_264, %parallel_loop3A_269 : vector<16xf32>
      %parallel_loop3A_271 = vector.broadcast %parallel_loop3A_268 : f32 to vector<16xf32>
      %parallel_loop3A_272 = arith.subf %parallel_loop3A_270, %parallel_loop3A_271 : vector<16xf32>
      %parallel_loop3A_273 = arith.constant 16 : i32
      %parallel_loop3A_274 = arith.muli %parallel_loop3A_110, %parallel_loop3A_273 : i32
      %parallel_loop3A_275 = arith.constant 71 : i32
      %parallel_loop3A_276 = arith.index_cast %parallel_loop3A_275 : i32 to index
      %parallel_loop3A_277 = arith.index_cast %parallel_loop3A_274 : i32 to index
      %parallel_loop3A_278 = tpu.vector_load %arg12[%parallel_loop3A_276, %parallel_loop3A_277] {strides = array<i32>} : memref<134x512xf32, #tpu.memory_space<vmem>>, vector<16xf32>,
      tpu.vector_store %arg12[%parallel_loop3A_276, %parallel_loop3A_277], %parallel_loop3A_272 {strides = array<i32>} : memref<134x512xf32, #tpu.memory_space<vmem>>, vector<16xf32>,
      %parallel_loop3A_279 = arith.constant 16 : i32
      %parallel_loop3A_280 = arith.muli %parallel_loop3A_110, %parallel_loop3A_279 : i32
      %parallel_loop3A_281 = arith.constant 8 : i32
      %parallel_loop3A_282 = arith.index_cast %parallel_loop3A_281 : i32 to index
      %parallel_loop3A_283 = arith.index_cast %parallel_loop3A_280 : i32 to index
      %parallel_loop3A_284 = tpu.vector_load %arg13[%parallel_loop3A_282, %parallel_loop3A_283] {strides = array<i32>} : memref<22x512xf32, #tpu.memory_space<vmem>>, vector<16xf32>,
      %parallel_loop3A_285 = vector.extract_strided_slice %parallel_loop3A_112 {offsets = [8], sizes = [1], strides = [1]} : vector<16xf32> to vector<1xf32>
      %parallel_loop3A_286 = vector.extract %parallel_loop3A_285[0] : f32 from vector<1xf32>
      %parallel_loop3A_287 = vector.extract_strided_slice %parallel_loop3A_116 {offsets = [8], sizes = [1], strides = [1]} : vector<16xf32> to vector<1xf32>
      %parallel_loop3A_288 = vector.extract %parallel_loop3A_287[0] : f32 from vector<1xf32>
      %parallel_loop3A_289 = vector.broadcast %parallel_loop3A_286 : f32 to vector<16xf32>
      %parallel_loop3A_290 = arith.mulf %parallel_loop3A_284, %parallel_loop3A_289 : vector<16xf32>
      %parallel_loop3A_291 = vector.broadcast %parallel_loop3A_288 : f32 to vector<16xf32>
      %parallel_loop3A_292 = arith.subf %parallel_loop3A_290, %parallel_loop3A_291 : vector<16xf32>
      %parallel_loop3A_293 = arith.constant 16 : i32
      %parallel_loop3A_294 = arith.muli %parallel_loop3A_110, %parallel_loop3A_293 : i32
      %parallel_loop3A_295 = arith.constant 72 : i32
      %parallel_loop3A_296 = arith.index_cast %parallel_loop3A_295 : i32 to index
      %parallel_loop3A_297 = arith.index_cast %parallel_loop3A_294 : i32 to index
      %parallel_loop3A_298 = tpu.vector_load %arg12[%parallel_loop3A_296, %parallel_loop3A_297] {strides = array<i32>} : memref<134x512xf32, #tpu.memory_space<vmem>>, vector<16xf32>,
      tpu.vector_store %arg12[%parallel_loop3A_296, %parallel_loop3A_297], %parallel_loop3A_292 {strides = array<i32>} : memref<134x512xf32, #tpu.memory_space<vmem>>, vector<16xf32>,
      %parallel_loop3A_299 = arith.constant 16 : i32
      %parallel_loop3A_300 = arith.muli %parallel_loop3A_110, %parallel_loop3A_299 : i32
      %parallel_loop3A_301 = arith.constant 9 : i32
      %parallel_loop3A_302 = arith.index_cast %parallel_loop3A_301 : i32 to index
      %parallel_loop3A_303 = arith.index_cast %parallel_loop3A_300 : i32 to index
      %parallel_loop3A_304 = tpu.vector_load %arg13[%parallel_loop3A_302, %parallel_loop3A_303] {strides = array<i32>} : memref<22x512xf32, #tpu.memory_space<vmem>>, vector<16xf32>,
      %parallel_loop3A_305 = vector.extract_strided_slice %parallel_loop3A_112 {offsets = [9], sizes = [1], strides = [1]} : vector<16xf32> to vector<1xf32>
      %parallel_loop3A_306 = vector.extract %parallel_loop3A_305[0] : f32 from vector<1xf32>
      %parallel_loop3A_307 = vector.extract_strided_slice %parallel_loop3A_116 {offsets = [9], sizes = [1], strides = [1]} : vector<16xf32> to vector<1xf32>
      %parallel_loop3A_308 = vector.extract %parallel_loop3A_307[0] : f32 from vector<1xf32>
      %parallel_loop3A_309 = vector.broadcast %parallel_loop3A_306 : f32 to vector<16xf32>
      %parallel_loop3A_310 = arith.mulf %parallel_loop3A_304, %parallel_loop3A_309 : vector<16xf32>
      %parallel_loop3A_311 = vector.broadcast %parallel_loop3A_308 : f32 to vector<16xf32>
      %parallel_loop3A_312 = arith.subf %parallel_loop3A_310, %parallel_loop3A_311 : vector<16xf32>
      %parallel_loop3A_313 = arith.constant 16 : i32
      %parallel_loop3A_314 = arith.muli %parallel_loop3A_110, %parallel_loop3A_313 : i32
      %parallel_loop3A_315 = arith.constant 73 : i32
      %parallel_loop3A_316 = arith.index_cast %parallel_loop3A_315 : i32 to index
      %parallel_loop3A_317 = arith.index_cast %parallel_loop3A_314 : i32 to index
      %parallel_loop3A_318 = tpu.vector_load %arg12[%parallel_loop3A_316, %parallel_loop3A_317] {strides = array<i32>} : memref<134x512xf32, #tpu.memory_space<vmem>>, vector<16xf32>,
      tpu.vector_store %arg12[%parallel_loop3A_316, %parallel_loop3A_317], %parallel_loop3A_312 {strides = array<i32>} : memref<134x512xf32, #tpu.memory_space<vmem>>, vector<16xf32>,
      %parallel_loop3A_319 = arith.constant 16 : i32
      %parallel_loop3A_320 = arith.muli %parallel_loop3A_110, %parallel_loop3A_319 : i32
      %parallel_loop3A_321 = arith.constant 10 : i32
      %parallel_loop3A_322 = arith.index_cast %parallel_loop3A_321 : i32 to index
      %parallel_loop3A_323 = arith.index_cast %parallel_loop3A_320 : i32 to index
      %parallel_loop3A_324 = tpu.vector_load %arg13[%parallel_loop3A_322, %parallel_loop3A_323] {strides = array<i32>} : memref<22x512xf32, #tpu.memory_space<vmem>>, vector<16xf32>,
      %parallel_loop3A_325 = vector.extract_strided_slice %parallel_loop3A_112 {offsets = [10], sizes = [1], strides = [1]} : vector<16xf32> to vector<1xf32>
      %parallel_loop3A_326 = vector.extract %parallel_loop3A_325[0] : f32 from vector<1xf32>
      %parallel_loop3A_327 = vector.extract_strided_slice %parallel_loop3A_116 {offsets = [10], sizes = [1], strides = [1]} : vector<16xf32> to vector<1xf32>
      %parallel_loop3A_328 = vector.extract %parallel_loop3A_327[0] : f32 from vector<1xf32>
      %parallel_loop3A_329 = vector.broadcast %parallel_loop3A_326 : f32 to vector<16xf32>
      %parallel_loop3A_330 = arith.mulf %parallel_loop3A_324, %parallel_loop3A_329 : vector<16xf32>
      %parallel_loop3A_331 = vector.broadcast %parallel_loop3A_328 : f32 to vector<16xf32>
      %parallel_loop3A_332 = arith.subf %parallel_loop3A_330, %parallel_loop3A_331 : vector<16xf32>
      %parallel_loop3A_333 = arith.constant 16 : i32
      %parallel_loop3A_334 = arith.muli %parallel_loop3A_110, %parallel_loop3A_333 : i32
      %parallel_loop3A_335 = arith.constant 74 : i32
      %parallel_loop3A_336 = arith.index_cast %parallel_loop3A_335 : i32 to index
      %parallel_loop3A_337 = arith.index_cast %parallel_loop3A_334 : i32 to index
      %parallel_loop3A_338 = tpu.vector_load %arg12[%parallel_loop3A_336, %parallel_loop3A_337] {strides = array<i32>} : memref<134x512xf32, #tpu.memory_space<vmem>>, vector<16xf32>,
      tpu.vector_store %arg12[%parallel_loop3A_336, %parallel_loop3A_337], %parallel_loop3A_332 {strides = array<i32>} : memref<134x512xf32, #tpu.memory_space<vmem>>, vector<16xf32>,
      %parallel_loop3A_339 = arith.constant 16 : i32
      %parallel_loop3A_340 = arith.muli %parallel_loop3A_110, %parallel_loop3A_339 : i32
      %parallel_loop3A_341 = arith.constant 11 : i32
      %parallel_loop3A_342 = arith.index_cast %parallel_loop3A_341 : i32 to index
      %parallel_loop3A_343 = arith.index_cast %parallel_loop3A_340 : i32 to index
      %parallel_loop3A_344 = tpu.vector_load %arg13[%parallel_loop3A_342, %parallel_loop3A_343] {strides = array<i32>} : memref<22x512xf32, #tpu.memory_space<vmem>>, vector<16xf32>,
      %parallel_loop3A_345 = vector.extract_strided_slice %parallel_loop3A_112 {offsets = [11], sizes = [1], strides = [1]} : vector<16xf32> to vector<1xf32>
      %parallel_loop3A_346 = vector.extract %parallel_loop3A_345[0] : f32 from vector<1xf32>
      %parallel_loop3A_347 = vector.extract_strided_slice %parallel_loop3A_116 {offsets = [11], sizes = [1], strides = [1]} : vector<16xf32> to vector<1xf32>
      %parallel_loop3A_348 = vector.extract %parallel_loop3A_347[0] : f32 from vector<1xf32>
      %parallel_loop3A_349 = vector.broadcast %parallel_loop3A_346 : f32 to vector<16xf32>
      %parallel_loop3A_350 = arith.mulf %parallel_loop3A_344, %parallel_loop3A_349 : vector<16xf32>
      %parallel_loop3A_351 = vector.broadcast %parallel_loop3A_348 : f32 to vector<16xf32>
      %parallel_loop3A_352 = arith.subf %parallel_loop3A_350, %parallel_loop3A_351 : vector<16xf32>
      %parallel_loop3A_353 = arith.constant 16 : i32
      %parallel_loop3A_354 = arith.muli %parallel_loop3A_110, %parallel_loop3A_353 : i32
      %parallel_loop3A_355 = arith.constant 75 : i32
      %parallel_loop3A_356 = arith.index_cast %parallel_loop3A_355 : i32 to index
      %parallel_loop3A_357 = arith.index_cast %parallel_loop3A_354 : i32 to index
      %parallel_loop3A_358 = tpu.vector_load %arg12[%parallel_loop3A_356, %parallel_loop3A_357] {strides = array<i32>} : memref<134x512xf32, #tpu.memory_space<vmem>>, vector<16xf32>,
      tpu.vector_store %arg12[%parallel_loop3A_356, %parallel_loop3A_357], %parallel_loop3A_352 {strides = array<i32>} : memref<134x512xf32, #tpu.memory_space<vmem>>, vector<16xf32>,
      %parallel_loop3A_359 = arith.constant 16 : i32
      %parallel_loop3A_360 = arith.muli %parallel_loop3A_110, %parallel_loop3A_359 : i32
      %parallel_loop3A_361 = arith.constant 12 : i32
      %parallel_loop3A_362 = arith.index_cast %parallel_loop3A_361 : i32 to index
      %parallel_loop3A_363 = arith.index_cast %parallel_loop3A_360 : i32 to index
      %parallel_loop3A_364 = tpu.vector_load %arg13[%parallel_loop3A_362, %parallel_loop3A_363] {strides = array<i32>} : memref<22x512xf32, #tpu.memory_space<vmem>>, vector<16xf32>,
      %parallel_loop3A_365 = vector.extract_strided_slice %parallel_loop3A_112 {offsets = [12], sizes = [1], strides = [1]} : vector<16xf32> to vector<1xf32>
      %parallel_loop3A_366 = vector.extract %parallel_loop3A_365[0] : f32 from vector<1xf32>
      %parallel_loop3A_367 = vector.extract_strided_slice %parallel_loop3A_116 {offsets = [12], sizes = [1], strides = [1]} : vector<16xf32> to vector<1xf32>
      %parallel_loop3A_368 = vector.extract %parallel_loop3A_367[0] : f32 from vector<1xf32>
      %parallel_loop3A_369 = vector.broadcast %parallel_loop3A_366 : f32 to vector<16xf32>
      %parallel_loop3A_370 = arith.mulf %parallel_loop3A_364, %parallel_loop3A_369 : vector<16xf32>
      %parallel_loop3A_371 = vector.broadcast %parallel_loop3A_368 : f32 to vector<16xf32>
      %parallel_loop3A_372 = arith.subf %parallel_loop3A_370, %parallel_loop3A_371 : vector<16xf32>
      %parallel_loop3A_373 = arith.constant 16 : i32
      %parallel_loop3A_374 = arith.muli %parallel_loop3A_110, %parallel_loop3A_373 : i32
      %parallel_loop3A_375 = arith.constant 76 : i32
      %parallel_loop3A_376 = arith.index_cast %parallel_loop3A_375 : i32 to index
      %parallel_loop3A_377 = arith.index_cast %parallel_loop3A_374 : i32 to index
      %parallel_loop3A_378 = tpu.vector_load %arg12[%parallel_loop3A_376, %parallel_loop3A_377] {strides = array<i32>} : memref<134x512xf32, #tpu.memory_space<vmem>>, vector<16xf32>,
      tpu.vector_store %arg12[%parallel_loop3A_376, %parallel_loop3A_377], %parallel_loop3A_372 {strides = array<i32>} : memref<134x512xf32, #tpu.memory_space<vmem>>, vector<16xf32>,
      %parallel_loop3A_379 = arith.constant 16 : i32
      %parallel_loop3A_380 = arith.muli %parallel_loop3A_110, %parallel_loop3A_379 : i32
      %parallel_loop3A_381 = arith.constant 13 : i32
      %parallel_loop3A_382 = arith.index_cast %parallel_loop3A_381 : i32 to index
      %parallel_loop3A_383 = arith.index_cast %parallel_loop3A_380 : i32 to index
      %parallel_loop3A_384 = tpu.vector_load %arg13[%parallel_loop3A_382, %parallel_loop3A_383] {strides = array<i32>} : memref<22x512xf32, #tpu.memory_space<vmem>>, vector<16xf32>,
      %parallel_loop3A_385 = vector.extract_strided_slice %parallel_loop3A_112 {offsets = [13], sizes = [1], strides = [1]} : vector<16xf32> to vector<1xf32>
      %parallel_loop3A_386 = vector.extract %parallel_loop3A_385[0] : f32 from vector<1xf32>
      %parallel_loop3A_387 = vector.extract_strided_slice %parallel_loop3A_116 {offsets = [13], sizes = [1], strides = [1]} : vector<16xf32> to vector<1xf32>
      %parallel_loop3A_388 = vector.extract %parallel_loop3A_387[0] : f32 from vector<1xf32>
      %parallel_loop3A_389 = vector.broadcast %parallel_loop3A_386 : f32 to vector<16xf32>
      %parallel_loop3A_390 = arith.mulf %parallel_loop3A_384, %parallel_loop3A_389 : vector<16xf32>
      %parallel_loop3A_391 = vector.broadcast %parallel_loop3A_388 : f32 to vector<16xf32>
      %parallel_loop3A_392 = arith.subf %parallel_loop3A_390, %parallel_loop3A_391 : vector<16xf32>
      %parallel_loop3A_393 = arith.constant 16 : i32
      %parallel_loop3A_394 = arith.muli %parallel_loop3A_110, %parallel_loop3A_393 : i32
      %parallel_loop3A_395 = arith.constant 77 : i32
      %parallel_loop3A_396 = arith.index_cast %parallel_loop3A_395 : i32 to index
      %parallel_loop3A_397 = arith.index_cast %parallel_loop3A_394 : i32 to index
      %parallel_loop3A_398 = tpu.vector_load %arg12[%parallel_loop3A_396, %parallel_loop3A_397] {strides = array<i32>} : memref<134x512xf32, #tpu.memory_space<vmem>>, vector<16xf32>,
      tpu.vector_store %arg12[%parallel_loop3A_396, %parallel_loop3A_397], %parallel_loop3A_392 {strides = array<i32>} : memref<134x512xf32, #tpu.memory_space<vmem>>, vector<16xf32>,
      %parallel_loop3A_399 = arith.constant 16 : i32
      %parallel_loop3A_400 = arith.muli %parallel_loop3A_110, %parallel_loop3A_399 : i32
      %parallel_loop3A_401 = arith.constant 14 : i32
      %parallel_loop3A_402 = arith.index_cast %parallel_loop3A_401 : i32 to index
      %parallel_loop3A_403 = arith.index_cast %parallel_loop3A_400 : i32 to index
      %parallel_loop3A_404 = tpu.vector_load %arg13[%parallel_loop3A_402, %parallel_loop3A_403] {strides = array<i32>} : memref<22x512xf32, #tpu.memory_space<vmem>>, vector<16xf32>,
      %parallel_loop3A_405 = vector.extract_strided_slice %parallel_loop3A_112 {offsets = [14], sizes = [1], strides = [1]} : vector<16xf32> to vector<1xf32>
      %parallel_loop3A_406 = vector.extract %parallel_loop3A_405[0] : f32 from vector<1xf32>
      %parallel_loop3A_407 = vector.extract_strided_slice %parallel_loop3A_116 {offsets = [14], sizes = [1], strides = [1]} : vector<16xf32> to vector<1xf32>
      %parallel_loop3A_408 = vector.extract %parallel_loop3A_407[0] : f32 from vector<1xf32>
      %parallel_loop3A_409 = vector.broadcast %parallel_loop3A_406 : f32 to vector<16xf32>
      %parallel_loop3A_410 = arith.mulf %parallel_loop3A_404, %parallel_loop3A_409 : vector<16xf32>
      %parallel_loop3A_411 = vector.broadcast %parallel_loop3A_408 : f32 to vector<16xf32>
      %parallel_loop3A_412 = arith.subf %parallel_loop3A_410, %parallel_loop3A_411 : vector<16xf32>
      %parallel_loop3A_413 = arith.constant 16 : i32
      %parallel_loop3A_414 = arith.muli %parallel_loop3A_110, %parallel_loop3A_413 : i32
      %parallel_loop3A_415 = arith.constant 78 : i32
      %parallel_loop3A_416 = arith.index_cast %parallel_loop3A_415 : i32 to index
      %parallel_loop3A_417 = arith.index_cast %parallel_loop3A_414 : i32 to index
      %parallel_loop3A_418 = tpu.vector_load %arg12[%parallel_loop3A_416, %parallel_loop3A_417] {strides = array<i32>} : memref<134x512xf32, #tpu.memory_space<vmem>>, vector<16xf32>,
      tpu.vector_store %arg12[%parallel_loop3A_416, %parallel_loop3A_417], %parallel_loop3A_412 {strides = array<i32>} : memref<134x512xf32, #tpu.memory_space<vmem>>, vector<16xf32>,
      %parallel_loop3A_419 = arith.constant 16 : i32
      %parallel_loop3A_420 = arith.muli %parallel_loop3A_110, %parallel_loop3A_419 : i32
      %parallel_loop3A_421 = arith.constant 15 : i32
      %parallel_loop3A_422 = arith.index_cast %parallel_loop3A_421 : i32 to index
      %parallel_loop3A_423 = arith.index_cast %parallel_loop3A_420 : i32 to index
      %parallel_loop3A_424 = tpu.vector_load %arg13[%parallel_loop3A_422, %parallel_loop3A_423] {strides = array<i32>} : memref<22x512xf32, #tpu.memory_space<vmem>>, vector<16xf32>,
      %parallel_loop3A_425 = vector.extract_strided_slice %parallel_loop3A_112 {offsets = [15], sizes = [1], strides = [1]} : vector<16xf32> to vector<1xf32>
      %parallel_loop3A_426 = vector.extract %parallel_loop3A_425[0] : f32 from vector<1xf32>
      %parallel_loop3A_427 = vector.extract_strided_slice %parallel_loop3A_116 {offsets = [15], sizes = [1], strides = [1]} : vector<16xf32> to vector<1xf32>
      %parallel_loop3A_428 = vector.extract %parallel_loop3A_427[0] : f32 from vector<1xf32>
      %parallel_loop3A_429 = vector.broadcast %parallel_loop3A_426 : f32 to vector<16xf32>
      %parallel_loop3A_430 = arith.mulf %parallel_loop3A_424, %parallel_loop3A_429 : vector<16xf32>
      %parallel_loop3A_431 = vector.broadcast %parallel_loop3A_428 : f32 to vector<16xf32>
      %parallel_loop3A_432 = arith.subf %parallel_loop3A_430, %parallel_loop3A_431 : vector<16xf32>
      %parallel_loop3A_433 = arith.constant 16 : i32
      %parallel_loop3A_434 = arith.muli %parallel_loop3A_110, %parallel_loop3A_433 : i32
      %parallel_loop3A_435 = arith.constant 79 : i32
      %parallel_loop3A_436 = arith.index_cast %parallel_loop3A_435 : i32 to index
      %parallel_loop3A_437 = arith.index_cast %parallel_loop3A_434 : i32 to index
      %parallel_loop3A_438 = tpu.vector_load %arg12[%parallel_loop3A_436, %parallel_loop3A_437] {strides = array<i32>} : memref<134x512xf32, #tpu.memory_space<vmem>>, vector<16xf32>,
      tpu.vector_store %arg12[%parallel_loop3A_436, %parallel_loop3A_437], %parallel_loop3A_432 {strides = array<i32>} : memref<134x512xf32, #tpu.memory_space<vmem>>, vector<16xf32>,
      %parallel_loop3A_439 = arith.constant 16 : i32
      %parallel_loop3A_440 = arith.muli %parallel_loop3A_110, %parallel_loop3A_439 : i32
      %parallel_loop3A_441 = arith.constant 16 : i32
      %parallel_loop3A_442 = arith.index_cast %parallel_loop3A_441 : i32 to index
      %parallel_loop3A_443 = arith.index_cast %parallel_loop3A_440 : i32 to index
      %parallel_loop3A_444 = tpu.vector_load %arg13[%parallel_loop3A_442, %parallel_loop3A_443] {strides = array<i32>} : memref<22x512xf32, #tpu.memory_space<vmem>>, vector<16xf32>,
      %parallel_loop3A_445 = vector.extract_strided_slice %parallel_loop3A_114 {offsets = [0], sizes = [1], strides = [1]} : vector<16xf32> to vector<1xf32>
      %parallel_loop3A_446 = vector.extract %parallel_loop3A_445[0] : f32 from vector<1xf32>
      %parallel_loop3A_447 = vector.extract_strided_slice %parallel_loop3A_118 {offsets = [0], sizes = [1], strides = [1]} : vector<16xf32> to vector<1xf32>
      %parallel_loop3A_448 = vector.extract %parallel_loop3A_447[0] : f32 from vector<1xf32>
      %parallel_loop3A_449 = vector.broadcast %parallel_loop3A_446 : f32 to vector<16xf32>
      %parallel_loop3A_450 = arith.mulf %parallel_loop3A_444, %parallel_loop3A_449 : vector<16xf32>
      %parallel_loop3A_451 = vector.broadcast %parallel_loop3A_448 : f32 to vector<16xf32>
      %parallel_loop3A_452 = arith.subf %parallel_loop3A_450, %parallel_loop3A_451 : vector<16xf32>
      %parallel_loop3A_453 = arith.constant 16 : i32
      %parallel_loop3A_454 = arith.muli %parallel_loop3A_110, %parallel_loop3A_453 : i32
      %parallel_loop3A_455 = arith.constant 80 : i32
      %parallel_loop3A_456 = arith.index_cast %parallel_loop3A_455 : i32 to index
      %parallel_loop3A_457 = arith.index_cast %parallel_loop3A_454 : i32 to index
      %parallel_loop3A_458 = tpu.vector_load %arg12[%parallel_loop3A_456, %parallel_loop3A_457] {strides = array<i32>} : memref<134x512xf32, #tpu.memory_space<vmem>>, vector<16xf32>,
      tpu.vector_store %arg12[%parallel_loop3A_456, %parallel_loop3A_457], %parallel_loop3A_452 {strides = array<i32>} : memref<134x512xf32, #tpu.memory_space<vmem>>, vector<16xf32>,
      %parallel_loop3A_459 = arith.constant 16 : i32
      %parallel_loop3A_460 = arith.muli %parallel_loop3A_110, %parallel_loop3A_459 : i32
      %parallel_loop3A_461 = arith.constant 17 : i32
      %parallel_loop3A_462 = arith.index_cast %parallel_loop3A_461 : i32 to index
      %parallel_loop3A_463 = arith.index_cast %parallel_loop3A_460 : i32 to index
      %parallel_loop3A_464 = tpu.vector_load %arg13[%parallel_loop3A_462, %parallel_loop3A_463] {strides = array<i32>} : memref<22x512xf32, #tpu.memory_space<vmem>>, vector<16xf32>,
      %parallel_loop3A_465 = vector.extract_strided_slice %parallel_loop3A_114 {offsets = [1], sizes = [1], strides = [1]} : vector<16xf32> to vector<1xf32>
      %parallel_loop3A_466 = vector.extract %parallel_loop3A_465[0] : f32 from vector<1xf32>
      %parallel_loop3A_467 = vector.extract_strided_slice %parallel_loop3A_118 {offsets = [1], sizes = [1], strides = [1]} : vector<16xf32> to vector<1xf32>
      %parallel_loop3A_468 = vector.extract %parallel_loop3A_467[0] : f32 from vector<1xf32>
      %parallel_loop3A_469 = vector.broadcast %parallel_loop3A_466 : f32 to vector<16xf32>
      %parallel_loop3A_470 = arith.mulf %parallel_loop3A_464, %parallel_loop3A_469 : vector<16xf32>
      %parallel_loop3A_471 = vector.broadcast %parallel_loop3A_468 : f32 to vector<16xf32>
      %parallel_loop3A_472 = arith.subf %parallel_loop3A_470, %parallel_loop3A_471 : vector<16xf32>
      %parallel_loop3A_473 = arith.constant 16 : i32
      %parallel_loop3A_474 = arith.muli %parallel_loop3A_110, %parallel_loop3A_473 : i32
      %parallel_loop3A_475 = arith.constant 81 : i32
      %parallel_loop3A_476 = arith.index_cast %parallel_loop3A_475 : i32 to index
      %parallel_loop3A_477 = arith.index_cast %parallel_loop3A_474 : i32 to index
      %parallel_loop3A_478 = tpu.vector_load %arg12[%parallel_loop3A_476, %parallel_loop3A_477] {strides = array<i32>} : memref<134x512xf32, #tpu.memory_space<vmem>>, vector<16xf32>,
      tpu.vector_store %arg12[%parallel_loop3A_476, %parallel_loop3A_477], %parallel_loop3A_472 {strides = array<i32>} : memref<134x512xf32, #tpu.memory_space<vmem>>, vector<16xf32>,
      %parallel_loop3A_479 = arith.constant 16 : i32
      %parallel_loop3A_480 = arith.muli %parallel_loop3A_110, %parallel_loop3A_479 : i32
      %parallel_loop3A_481 = arith.constant 18 : i32
      %parallel_loop3A_482 = arith.index_cast %parallel_loop3A_481 : i32 to index
      %parallel_loop3A_483 = arith.index_cast %parallel_loop3A_480 : i32 to index
      %parallel_loop3A_484 = tpu.vector_load %arg13[%parallel_loop3A_482, %parallel_loop3A_483] {strides = array<i32>} : memref<22x512xf32, #tpu.memory_space<vmem>>, vector<16xf32>,
      %parallel_loop3A_485 = vector.extract_strided_slice %parallel_loop3A_114 {offsets = [2], sizes = [1], strides = [1]} : vector<16xf32> to vector<1xf32>
      %parallel_loop3A_486 = vector.extract %parallel_loop3A_485[0] : f32 from vector<1xf32>
      %parallel_loop3A_487 = vector.extract_strided_slice %parallel_loop3A_118 {offsets = [2], sizes = [1], strides = [1]} : vector<16xf32> to vector<1xf32>
      %parallel_loop3A_488 = vector.extract %parallel_loop3A_487[0] : f32 from vector<1xf32>
      %parallel_loop3A_489 = vector.broadcast %parallel_loop3A_486 : f32 to vector<16xf32>
      %parallel_loop3A_490 = arith.mulf %parallel_loop3A_484, %parallel_loop3A_489 : vector<16xf32>
      %parallel_loop3A_491 = vector.broadcast %parallel_loop3A_488 : f32 to vector<16xf32>
      %parallel_loop3A_492 = arith.subf %parallel_loop3A_490, %parallel_loop3A_491 : vector<16xf32>
      %parallel_loop3A_493 = arith.constant 16 : i32
      %parallel_loop3A_494 = arith.muli %parallel_loop3A_110, %parallel_loop3A_493 : i32
      %parallel_loop3A_495 = arith.constant 82 : i32
      %parallel_loop3A_496 = arith.index_cast %parallel_loop3A_495 : i32 to index
      %parallel_loop3A_497 = arith.index_cast %parallel_loop3A_494 : i32 to index
      %parallel_loop3A_498 = tpu.vector_load %arg12[%parallel_loop3A_496, %parallel_loop3A_497] {strides = array<i32>} : memref<134x512xf32, #tpu.memory_space<vmem>>, vector<16xf32>,
      tpu.vector_store %arg12[%parallel_loop3A_496, %parallel_loop3A_497], %parallel_loop3A_492 {strides = array<i32>} : memref<134x512xf32, #tpu.memory_space<vmem>>, vector<16xf32>,
      %parallel_loop3A_499 = arith.constant 16 : i32
      %parallel_loop3A_500 = arith.muli %parallel_loop3A_110, %parallel_loop3A_499 : i32
      %parallel_loop3A_501 = arith.constant 19 : i32
      %parallel_loop3A_502 = arith.index_cast %parallel_loop3A_501 : i32 to index
      %parallel_loop3A_503 = arith.index_cast %parallel_loop3A_500 : i32 to index
      %parallel_loop3A_504 = tpu.vector_load %arg13[%parallel_loop3A_502, %parallel_loop3A_503] {strides = array<i32>} : memref<22x512xf32, #tpu.memory_space<vmem>>, vector<16xf32>,
      %parallel_loop3A_505 = vector.extract_strided_slice %parallel_loop3A_114 {offsets = [3], sizes = [1], strides = [1]} : vector<16xf32> to vector<1xf32>
      %parallel_loop3A_506 = vector.extract %parallel_loop3A_505[0] : f32 from vector<1xf32>
      %parallel_loop3A_507 = vector.extract_strided_slice %parallel_loop3A_118 {offsets = [3], sizes = [1], strides = [1]} : vector<16xf32> to vector<1xf32>
      %parallel_loop3A_508 = vector.extract %parallel_loop3A_507[0] : f32 from vector<1xf32>
      %parallel_loop3A_509 = vector.broadcast %parallel_loop3A_506 : f32 to vector<16xf32>
      %parallel_loop3A_510 = arith.mulf %parallel_loop3A_504, %parallel_loop3A_509 : vector<16xf32>
      %parallel_loop3A_511 = vector.broadcast %parallel_loop3A_508 : f32 to vector<16xf32>
      %parallel_loop3A_512 = arith.subf %parallel_loop3A_510, %parallel_loop3A_511 : vector<16xf32>
      %parallel_loop3A_513 = arith.constant 16 : i32
      %parallel_loop3A_514 = arith.muli %parallel_loop3A_110, %parallel_loop3A_513 : i32
      %parallel_loop3A_515 = arith.constant 83 : i32
      %parallel_loop3A_516 = arith.index_cast %parallel_loop3A_515 : i32 to index
      %parallel_loop3A_517 = arith.index_cast %parallel_loop3A_514 : i32 to index
      %parallel_loop3A_518 = tpu.vector_load %arg12[%parallel_loop3A_516, %parallel_loop3A_517] {strides = array<i32>} : memref<134x512xf32, #tpu.memory_space<vmem>>, vector<16xf32>,
      tpu.vector_store %arg12[%parallel_loop3A_516, %parallel_loop3A_517], %parallel_loop3A_512 {strides = array<i32>} : memref<134x512xf32, #tpu.memory_space<vmem>>, vector<16xf32>,
      %parallel_loop3A_519 = arith.constant 16 : i32
      %parallel_loop3A_520 = arith.muli %parallel_loop3A_110, %parallel_loop3A_519 : i32
      %parallel_loop3A_521 = arith.constant 20 : i32
      %parallel_loop3A_522 = arith.index_cast %parallel_loop3A_521 : i32 to index
      %parallel_loop3A_523 = arith.index_cast %parallel_loop3A_520 : i32 to index
      %parallel_loop3A_524 = tpu.vector_load %arg13[%parallel_loop3A_522, %parallel_loop3A_523] {strides = array<i32>} : memref<22x512xf32, #tpu.memory_space<vmem>>, vector<16xf32>,
      %parallel_loop3A_525 = vector.extract_strided_slice %parallel_loop3A_114 {offsets = [4], sizes = [1], strides = [1]} : vector<16xf32> to vector<1xf32>
      %parallel_loop3A_526 = vector.extract %parallel_loop3A_525[0] : f32 from vector<1xf32>
      %parallel_loop3A_527 = vector.extract_strided_slice %parallel_loop3A_118 {offsets = [4], sizes = [1], strides = [1]} : vector<16xf32> to vector<1xf32>
      %parallel_loop3A_528 = vector.extract %parallel_loop3A_527[0] : f32 from vector<1xf32>
      %parallel_loop3A_529 = vector.broadcast %parallel_loop3A_526 : f32 to vector<16xf32>
      %parallel_loop3A_530 = arith.mulf %parallel_loop3A_524, %parallel_loop3A_529 : vector<16xf32>
      %parallel_loop3A_531 = vector.broadcast %parallel_loop3A_528 : f32 to vector<16xf32>
      %parallel_loop3A_532 = arith.subf %parallel_loop3A_530, %parallel_loop3A_531 : vector<16xf32>
      %parallel_loop3A_533 = arith.constant 16 : i32
      %parallel_loop3A_534 = arith.muli %parallel_loop3A_110, %parallel_loop3A_533 : i32
      %parallel_loop3A_535 = arith.constant 84 : i32
      %parallel_loop3A_536 = arith.index_cast %parallel_loop3A_535 : i32 to index
      %parallel_loop3A_537 = arith.index_cast %parallel_loop3A_534 : i32 to index
      %parallel_loop3A_538 = tpu.vector_load %arg12[%parallel_loop3A_536, %parallel_loop3A_537] {strides = array<i32>} : memref<134x512xf32, #tpu.memory_space<vmem>>, vector<16xf32>,
      tpu.vector_store %arg12[%parallel_loop3A_536, %parallel_loop3A_537], %parallel_loop3A_532 {strides = array<i32>} : memref<134x512xf32, #tpu.memory_space<vmem>>, vector<16xf32>,
      %parallel_loop3A_539 = arith.constant 16 : i32
      %parallel_loop3A_540 = arith.muli %parallel_loop3A_110, %parallel_loop3A_539 : i32
      %parallel_loop3A_541 = arith.constant 21 : i32
      %parallel_loop3A_542 = arith.index_cast %parallel_loop3A_541 : i32 to index
      %parallel_loop3A_543 = arith.index_cast %parallel_loop3A_540 : i32 to index
      %parallel_loop3A_544 = tpu.vector_load %arg13[%parallel_loop3A_542, %parallel_loop3A_543] {strides = array<i32>} : memref<22x512xf32, #tpu.memory_space<vmem>>, vector<16xf32>,
      %parallel_loop3A_545 = vector.extract_strided_slice %parallel_loop3A_114 {offsets = [5], sizes = [1], strides = [1]} : vector<16xf32> to vector<1xf32>
      %parallel_loop3A_546 = vector.extract %parallel_loop3A_545[0] : f32 from vector<1xf32>
      %parallel_loop3A_547 = vector.extract_strided_slice %parallel_loop3A_118 {offsets = [5], sizes = [1], strides = [1]} : vector<16xf32> to vector<1xf32>
      %parallel_loop3A_548 = vector.extract %parallel_loop3A_547[0] : f32 from vector<1xf32>
      %parallel_loop3A_549 = vector.broadcast %parallel_loop3A_546 : f32 to vector<16xf32>
      %parallel_loop3A_550 = arith.mulf %parallel_loop3A_544, %parallel_loop3A_549 : vector<16xf32>
      %parallel_loop3A_551 = vector.broadcast %parallel_loop3A_548 : f32 to vector<16xf32>
      %parallel_loop3A_552 = arith.subf %parallel_loop3A_550, %parallel_loop3A_551 : vector<16xf32>
      %parallel_loop3A_553 = arith.constant 16 : i32
      %parallel_loop3A_554 = arith.muli %parallel_loop3A_110, %parallel_loop3A_553 : i32
      %parallel_loop3A_555 = arith.constant 85 : i32
      %parallel_loop3A_556 = arith.index_cast %parallel_loop3A_555 : i32 to index
      %parallel_loop3A_557 = arith.index_cast %parallel_loop3A_554 : i32 to index
      %parallel_loop3A_558 = tpu.vector_load %arg12[%parallel_loop3A_556, %parallel_loop3A_557] {strides = array<i32>} : memref<134x512xf32, #tpu.memory_space<vmem>>, vector<16xf32>,
      tpu.vector_store %arg12[%parallel_loop3A_556, %parallel_loop3A_557], %parallel_loop3A_552 {strides = array<i32>} : memref<134x512xf32, #tpu.memory_space<vmem>>, vector<16xf32>,
    } {sc.loop_unroll_factor = 2 : i64, sc.parallel_access}
    %dma_wait3A = arith.constant 0 : i32
    %dma_wait3A_12 = tpu.memref_slice %arg9[%dma_wait3A] : memref<512xi32, #tpu.memory_space<vmem>> -> memref<64xi32, #tpu.memory_space<vmem>>
    %dma_wait3A_13 = arith.constant 0 : i32
    %dma_wait3A_14 = arith.constant 0 : i32
    %dma_wait3A_15 = tpu.memref_slice %arg5[%dma_wait3A_13, %dma_wait3A_14] : memref<100001x128xf32, #tpu.memory_space<hbm>> -> memref<100001x128xf32, #tpu.memory_space<hbm>>
    tpu.wait_indirect_dma semaphore(%arg17 : memref<!tpu.dma_semaphore, #tpu.memory_space<semaphore_mem>>) src(%dma_wait3A_15 : memref<100001x128xf32, #tpu.memory_space<hbm>>) dst(%arg10 : memref<64x128xf32, #tpu.memory_space<vmem>>)
    %dma_start3A_16 = arith.constant 64 : i32
    %dma_start3A_17 = tpu.memref_slice %arg9[%dma_start3A_16] : memref<512xi32, #tpu.memory_space<vmem>> -> memref<64xi32, #tpu.memory_space<vmem>>
    %dma_start3A_18 = arith.constant 0 : i32
    %dma_start3A_19 = arith.constant 0 : i32
    %dma_start3A_20 = tpu.memref_slice %arg5[%dma_start3A_18, %dma_start3A_19] : memref<100001x128xf32, #tpu.memory_space<hbm>> -> memref<100001x128xf32, #tpu.memory_space<hbm>>
    tpu.enqueue_indirect_dma source(%dma_start3A_20 : memref<100001x128xf32, #tpu.memory_space<hbm>>) target(%arg11 : memref<64x128xf32, #tpu.memory_space<vmem>>) offsets(%dma_start3A_17 : memref<64xi32, #tpu.memory_space<vmem>>) semaphore(%arg17 : memref<!tpu.dma_semaphore, #tpu.memory_space<semaphore_mem>>)
    %parallel_loop3A_21 = arith.constant 0 : i32
    %parallel_loop3A_22 = arith.constant 256 : i32
    %parallel_loop3A_23 = arith.constant 1 : i32
    scf.for %parallel_loop3A_110 = %parallel_loop3A_21 to %parallel_loop3A_22 step %parallel_loop3A_23  : i32 {
      %parallel_loop3A_111 = arith.constant 64 : i32
      %parallel_loop3A_112 = arith.divsi %parallel_loop3A_110, %parallel_loop3A_111 : i32
      %parallel_loop3A_113 = arith.constant 0 : i32
      %parallel_loop3A_114 = arith.cmpi sgt, %parallel_loop3A_110, %parallel_loop3A_113 : i32
      %parallel_loop3A_115 = arith.extui %parallel_loop3A_114 : i1 to i32
      %parallel_loop3A_116 = arith.constant 0 : i32
      %parallel_loop3A_117 = arith.cmpi slt, %parallel_loop3A_110, %parallel_loop3A_116 : i32
      %parallel_loop3A_118 = arith.extui %parallel_loop3A_117 : i1 to i32
      %parallel_loop3A_119 = arith.subi %parallel_loop3A_115, %parallel_loop3A_118 : i32
      %parallel_loop3A_120 = arith.constant 0 : i32
      %parallel_loop3A_121 = arith.cmpi sgt, %parallel_loop3A_111, %parallel_loop3A_120 : i32
      %parallel_loop3A_122 = arith.extui %parallel_loop3A_121 : i1 to i32
      %parallel_loop3A_123 = arith.constant 0 : i32
      %parallel_loop3A_124 = arith.cmpi slt, %parallel_loop3A_111, %parallel_loop3A_123 : i32
      %parallel_loop3A_125 = arith.extui %parallel_loop3A_124 : i1 to i32
      %parallel_loop3A_126 = arith.subi %parallel_loop3A_122, %parallel_loop3A_125 : i32
      %parallel_loop3A_127 = arith.cmpi ne, %parallel_loop3A_119, %parallel_loop3A_126 : i32
      %parallel_loop3A_128 = arith.remsi %parallel_loop3A_110, %parallel_loop3A_111 : i32
      %parallel_loop3A_129 = arith.constant 0 : i32
      %parallel_loop3A_130 = arith.cmpi ne, %parallel_loop3A_128, %parallel_loop3A_129 : i32
      %parallel_loop3A_131 = arith.andi %parallel_loop3A_127, %parallel_loop3A_130 : i1
      %parallel_loop3A_132 = arith.constant 1 : i32
      %parallel_loop3A_133 = arith.subi %parallel_loop3A_112, %parallel_loop3A_132 : i32
      %parallel_loop3A_134 = arith.select %parallel_loop3A_131, %parallel_loop3A_133, %parallel_loop3A_112 : i32
      %parallel_loop3A_135 = arith.constant 64 : i32
      %parallel_loop3A_136 = arith.remsi %parallel_loop3A_110, %parallel_loop3A_135 : i32
      %parallel_loop3A_137 = arith.constant 16 : i32
      %parallel_loop3A_138 = arith.muli %parallel_loop3A_134, %parallel_loop3A_137 : i32
      %parallel_loop3A_139 = arith.constant 0 : i32
      %parallel_loop3A_140 = arith.addi %parallel_loop3A_139, %parallel_loop3A_138 : i32
      %parallel_loop3A_141 = tpu.iota {dimensions = array<i32: 0>} : vector<16xi32>
      %parallel_loop3A_142 = vector.broadcast %parallel_loop3A_136 : i32 to vector<16xi32>
      %parallel_loop3A_143 = arith.addi %parallel_loop3A_141, %parallel_loop3A_142 : vector<16xi32>
      %parallel_loop3A_144 = arith.constant 63 : i32
      %parallel_loop3A_145 = vector.broadcast %parallel_loop3A_144 : i32 to vector<16xi32>
      %parallel_loop3A_146 = arith.andi %parallel_loop3A_143, %parallel_loop3A_145 : vector<16xi32>
      %parallel_loop3A_147 = arith.constant 16 : i32
      %parallel_loop3A_148 = arith.muli %parallel_loop3A_134, %parallel_loop3A_147 : i32
      %parallel_loop3A_149 = vector.broadcast %parallel_loop3A_148 : i32 to vector<16xi32>
      %parallel_loop3A_150 = arith.addi %parallel_loop3A_141, %parallel_loop3A_149 : vector<16xi32>
      %parallel_loop3A_151 = tpu.vector_load_idx %arg10[%parallel_loop3A_150, %parallel_loop3A_146] : memref<64x128xf32, #tpu.memory_space<vmem>>[vector<16xi32>, vector<16xi32>], vector<16xf32>,
      %parallel_loop3A_152 = vector.broadcast %parallel_loop3A_140 : i32 to vector<16xi32>
      %parallel_loop3A_153 = arith.addi %parallel_loop3A_141, %parallel_loop3A_152 : vector<16xi32>
      tpu.vector_store_idx %arg12[%parallel_loop3A_146, %parallel_loop3A_153], %parallel_loop3A_151 : memref<134x512xf32, #tpu.memory_space<vmem>>[vector<16xi32>, vector<16xi32>], vector<16xf32>,
    } {sc.loop_unroll_factor = 8 : i64, sc.parallel_access}
    %dma_wait3A_24 = arith.constant 64 : i32
    %dma_wait3A_25 = tpu.memref_slice %arg9[%dma_wait3A_24] : memref<512xi32, #tpu.memory_space<vmem>> -> memref<64xi32, #tpu.memory_space<vmem>>
    %dma_wait3A_26 = arith.constant 0 : i32
    %dma_wait3A_27 = arith.constant 0 : i32
    %dma_wait3A_28 = tpu.memref_slice %arg5[%dma_wait3A_26, %dma_wait3A_27] : memref<100001x128xf32, #tpu.memory_space<hbm>> -> memref<100001x128xf32, #tpu.memory_space<hbm>>
    tpu.wait_indirect_dma semaphore(%arg17 : memref<!tpu.dma_semaphore, #tpu.memory_space<semaphore_mem>>) src(%dma_wait3A_28 : memref<100001x128xf32, #tpu.memory_space<hbm>>) dst(%arg11 : memref<64x128xf32, #tpu.memory_space<vmem>>)
    %dma_start3A_29 = arith.constant 128 : i32
    %dma_start3A_30 = tpu.memref_slice %arg9[%dma_start3A_29] : memref<512xi32, #tpu.memory_space<vmem>> -> memref<64xi32, #tpu.memory_space<vmem>>
    %dma_start3A_31 = arith.constant 0 : i32
    %dma_start3A_32 = arith.constant 0 : i32
    %dma_start3A_33 = tpu.memref_slice %arg5[%dma_start3A_31, %dma_start3A_32] : memref<100001x128xf32, #tpu.memory_space<hbm>> -> memref<100001x128xf32, #tpu.memory_space<hbm>>
    tpu.enqueue_indirect_dma source(%dma_start3A_33 : memref<100001x128xf32, #tpu.memory_space<hbm>>) target(%arg10 : memref<64x128xf32, #tpu.memory_space<vmem>>) offsets(%dma_start3A_30 : memref<64xi32, #tpu.memory_space<vmem>>) semaphore(%arg17 : memref<!tpu.dma_semaphore, #tpu.memory_space<semaphore_mem>>)
    %parallel_loop3A_34 = arith.constant 0 : i32
    %parallel_loop3A_35 = arith.constant 256 : i32
    %parallel_loop3A_36 = arith.constant 1 : i32
    scf.for %parallel_loop3A_110 = %parallel_loop3A_34 to %parallel_loop3A_35 step %parallel_loop3A_36  : i32 {
      %parallel_loop3A_111 = arith.constant 64 : i32
      %parallel_loop3A_112 = arith.divsi %parallel_loop3A_110, %parallel_loop3A_111 : i32
      %parallel_loop3A_113 = arith.constant 0 : i32
      %parallel_loop3A_114 = arith.cmpi sgt, %parallel_loop3A_110, %parallel_loop3A_113 : i32
      %parallel_loop3A_115 = arith.extui %parallel_loop3A_114 : i1 to i32
      %parallel_loop3A_116 = arith.constant 0 : i32
      %parallel_loop3A_117 = arith.cmpi slt, %parallel_loop3A_110, %parallel_loop3A_116 : i32
      %parallel_loop3A_118 = arith.extui %parallel_loop3A_117 : i1 to i32
      %parallel_loop3A_119 = arith.subi %parallel_loop3A_115, %parallel_loop3A_118 : i32
      %parallel_loop3A_120 = arith.constant 0 : i32
      %parallel_loop3A_121 = arith.cmpi sgt, %parallel_loop3A_111, %parallel_loop3A_120 : i32
      %parallel_loop3A_122 = arith.extui %parallel_loop3A_121 : i1 to i32
      %parallel_loop3A_123 = arith.constant 0 : i32
      %parallel_loop3A_124 = arith.cmpi slt, %parallel_loop3A_111, %parallel_loop3A_123 : i32
      %parallel_loop3A_125 = arith.extui %parallel_loop3A_124 : i1 to i32
      %parallel_loop3A_126 = arith.subi %parallel_loop3A_122, %parallel_loop3A_125 : i32
      %parallel_loop3A_127 = arith.cmpi ne, %parallel_loop3A_119, %parallel_loop3A_126 : i32
      %parallel_loop3A_128 = arith.remsi %parallel_loop3A_110, %parallel_loop3A_111 : i32
      %parallel_loop3A_129 = arith.constant 0 : i32
      %parallel_loop3A_130 = arith.cmpi ne, %parallel_loop3A_128, %parallel_loop3A_129 : i32
      %parallel_loop3A_131 = arith.andi %parallel_loop3A_127, %parallel_loop3A_130 : i1
      %parallel_loop3A_132 = arith.constant 1 : i32
      %parallel_loop3A_133 = arith.subi %parallel_loop3A_112, %parallel_loop3A_132 : i32
      %parallel_loop3A_134 = arith.select %parallel_loop3A_131, %parallel_loop3A_133, %parallel_loop3A_112 : i32
      %parallel_loop3A_135 = arith.constant 64 : i32
      %parallel_loop3A_136 = arith.remsi %parallel_loop3A_110, %parallel_loop3A_135 : i32
      %parallel_loop3A_137 = arith.constant 16 : i32
      %parallel_loop3A_138 = arith.muli %parallel_loop3A_134, %parallel_loop3A_137 : i32
      %parallel_loop3A_139 = arith.constant 64 : i32
      %parallel_loop3A_140 = arith.addi %parallel_loop3A_139, %parallel_loop3A_138 : i32
      %parallel_loop3A_141 = tpu.iota {dimensions = array<i32: 0>} : vector<16xi32>
      %parallel_loop3A_142 = vector.broadcast %parallel_loop3A_136 : i32 to vector<16xi32>
      %parallel_loop3A_143 = arith.addi %parallel_loop3A_141, %parallel_loop3A_142 : vector<16xi32>
      %parallel_loop3A_144 = arith.constant 63 : i32
      %parallel_loop3A_145 = vector.broadcast %parallel_loop3A_144 : i32 to vector<16xi32>
      %parallel_loop3A_146 = arith.andi %parallel_loop3A_143, %parallel_loop3A_145 : vector<16xi32>
      %parallel_loop3A_147 = arith.constant 16 : i32
      %parallel_loop3A_148 = arith.muli %parallel_loop3A_134, %parallel_loop3A_147 : i32
      %parallel_loop3A_149 = vector.broadcast %parallel_loop3A_148 : i32 to vector<16xi32>
      %parallel_loop3A_150 = arith.addi %parallel_loop3A_141, %parallel_loop3A_149 : vector<16xi32>
      %parallel_loop3A_151 = tpu.vector_load_idx %arg11[%parallel_loop3A_150, %parallel_loop3A_146] : memref<64x128xf32, #tpu.memory_space<vmem>>[vector<16xi32>, vector<16xi32>], vector<16xf32>,
      %parallel_loop3A_152 = vector.broadcast %parallel_loop3A_140 : i32 to vector<16xi32>
      %parallel_loop3A_153 = arith.addi %parallel_loop3A_141, %parallel_loop3A_152 : vector<16xi32>
      tpu.vector_store_idx %arg12[%parallel_loop3A_146, %parallel_loop3A_153], %parallel_loop3A_151 : memref<134x512xf32, #tpu.memory_space<vmem>>[vector<16xi32>, vector<16xi32>], vector<16xf32>,
    } {sc.loop_unroll_factor = 8 : i64, sc.parallel_access}
    %dma_wait3A_37 = arith.constant 128 : i32
    %dma_wait3A_38 = tpu.memref_slice %arg9[%dma_wait3A_37] : memref<512xi32, #tpu.memory_space<vmem>> -> memref<64xi32, #tpu.memory_space<vmem>>
    %dma_wait3A_39 = arith.constant 0 : i32
    %dma_wait3A_40 = arith.constant 0 : i32
    %dma_wait3A_41 = tpu.memref_slice %arg5[%dma_wait3A_39, %dma_wait3A_40] : memref<100001x128xf32, #tpu.memory_space<hbm>> -> memref<100001x128xf32, #tpu.memory_space<hbm>>
    tpu.wait_indirect_dma semaphore(%arg17 : memref<!tpu.dma_semaphore, #tpu.memory_space<semaphore_mem>>) src(%dma_wait3A_41 : memref<100001x128xf32, #tpu.memory_space<hbm>>) dst(%arg10 : memref<64x128xf32, #tpu.memory_space<vmem>>)
    %dma_start3A_42 = arith.constant 192 : i32
    %dma_start3A_43 = tpu.memref_slice %arg9[%dma_start3A_42] : memref<512xi32, #tpu.memory_space<vmem>> -> memref<64xi32, #tpu.memory_space<vmem>>
    %dma_start3A_44 = arith.constant 0 : i32
    %dma_start3A_45 = arith.constant 0 : i32
    %dma_start3A_46 = tpu.memref_slice %arg5[%dma_start3A_44, %dma_start3A_45] : memref<100001x128xf32, #tpu.memory_space<hbm>> -> memref<100001x128xf32, #tpu.memory_space<hbm>>
    tpu.enqueue_indirect_dma source(%dma_start3A_46 : memref<100001x128xf32, #tpu.memory_space<hbm>>) target(%arg11 : memref<64x128xf32, #tpu.memory_space<vmem>>) offsets(%dma_start3A_43 : memref<64xi32, #tpu.memory_space<vmem>>) semaphore(%arg17 : memref<!tpu.dma_semaphore, #tpu.memory_space<semaphore_mem>>)
    %parallel_loop3A_47 = arith.constant 0 : i32
    %parallel_loop3A_48 = arith.constant 256 : i32
    %parallel_loop3A_49 = arith.constant 1 : i32
    scf.for %parallel_loop3A_110 = %parallel_loop3A_47 to %parallel_loop3A_48 step %parallel_loop3A_49  : i32 {
      %parallel_loop3A_111 = arith.constant 64 : i32
      %parallel_loop3A_112 = arith.divsi %parallel_loop3A_110, %parallel_loop3A_111 : i32
      %parallel_loop3A_113 = arith.constant 0 : i32
      %parallel_loop3A_114 = arith.cmpi sgt, %parallel_loop3A_110, %parallel_loop3A_113 : i32
      %parallel_loop3A_115 = arith.extui %parallel_loop3A_114 : i1 to i32
      %parallel_loop3A_116 = arith.constant 0 : i32
      %parallel_loop3A_117 = arith.cmpi slt, %parallel_loop3A_110, %parallel_loop3A_116 : i32
      %parallel_loop3A_118 = arith.extui %parallel_loop3A_117 : i1 to i32
      %parallel_loop3A_119 = arith.subi %parallel_loop3A_115, %parallel_loop3A_118 : i32
      %parallel_loop3A_120 = arith.constant 0 : i32
      %parallel_loop3A_121 = arith.cmpi sgt, %parallel_loop3A_111, %parallel_loop3A_120 : i32
      %parallel_loop3A_122 = arith.extui %parallel_loop3A_121 : i1 to i32
      %parallel_loop3A_123 = arith.constant 0 : i32
      %parallel_loop3A_124 = arith.cmpi slt, %parallel_loop3A_111, %parallel_loop3A_123 : i32
      %parallel_loop3A_125 = arith.extui %parallel_loop3A_124 : i1 to i32
      %parallel_loop3A_126 = arith.subi %parallel_loop3A_122, %parallel_loop3A_125 : i32
      %parallel_loop3A_127 = arith.cmpi ne, %parallel_loop3A_119, %parallel_loop3A_126 : i32
      %parallel_loop3A_128 = arith.remsi %parallel_loop3A_110, %parallel_loop3A_111 : i32
      %parallel_loop3A_129 = arith.constant 0 : i32
      %parallel_loop3A_130 = arith.cmpi ne, %parallel_loop3A_128, %parallel_loop3A_129 : i32
      %parallel_loop3A_131 = arith.andi %parallel_loop3A_127, %parallel_loop3A_130 : i1
      %parallel_loop3A_132 = arith.constant 1 : i32
      %parallel_loop3A_133 = arith.subi %parallel_loop3A_112, %parallel_loop3A_132 : i32
      %parallel_loop3A_134 = arith.select %parallel_loop3A_131, %parallel_loop3A_133, %parallel_loop3A_112 : i32
      %parallel_loop3A_135 = arith.constant 64 : i32
      %parallel_loop3A_136 = arith.remsi %parallel_loop3A_110, %parallel_loop3A_135 : i32
      %parallel_loop3A_137 = arith.constant 16 : i32
      %parallel_loop3A_138 = arith.muli %parallel_loop3A_134, %parallel_loop3A_137 : i32
      %parallel_loop3A_139 = arith.constant 128 : i32
      %parallel_loop3A_140 = arith.addi %parallel_loop3A_139, %parallel_loop3A_138 : i32
      %parallel_loop3A_141 = tpu.iota {dimensions = array<i32: 0>} : vector<16xi32>
      %parallel_loop3A_142 = vector.broadcast %parallel_loop3A_136 : i32 to vector<16xi32>
      %parallel_loop3A_143 = arith.addi %parallel_loop3A_141, %parallel_loop3A_142 : vector<16xi32>
      %parallel_loop3A_144 = arith.constant 63 : i32
      %parallel_loop3A_145 = vector.broadcast %parallel_loop3A_144 : i32 to vector<16xi32>
      %parallel_loop3A_146 = arith.andi %parallel_loop3A_143, %parallel_loop3A_145 : vector<16xi32>
      %parallel_loop3A_147 = arith.constant 16 : i32
      %parallel_loop3A_148 = arith.muli %parallel_loop3A_134, %parallel_loop3A_147 : i32
      %parallel_loop3A_149 = vector.broadcast %parallel_loop3A_148 : i32 to vector<16xi32>
      %parallel_loop3A_150 = arith.addi %parallel_loop3A_141, %parallel_loop3A_149 : vector<16xi32>
      %parallel_loop3A_151 = tpu.vector_load_idx %arg10[%parallel_loop3A_150, %parallel_loop3A_146] : memref<64x128xf32, #tpu.memory_space<vmem>>[vector<16xi32>, vector<16xi32>], vector<16xf32>,
      %parallel_loop3A_152 = vector.broadcast %parallel_loop3A_140 : i32 to vector<16xi32>
      %parallel_loop3A_153 = arith.addi %parallel_loop3A_141, %parallel_loop3A_152 : vector<16xi32>
      tpu.vector_store_idx %arg12[%parallel_loop3A_146, %parallel_loop3A_153], %parallel_loop3A_151 : memref<134x512xf32, #tpu.memory_space<vmem>>[vector<16xi32>, vector<16xi32>], vector<16xf32>,
    } {sc.loop_unroll_factor = 8 : i64, sc.parallel_access}
    %dma_wait3A_50 = arith.constant 192 : i32
    %dma_wait3A_51 = tpu.memref_slice %arg9[%dma_wait3A_50] : memref<512xi32, #tpu.memory_space<vmem>> -> memref<64xi32, #tpu.memory_space<vmem>>
    %dma_wait3A_52 = arith.constant 0 : i32
    %dma_wait3A_53 = arith.constant 0 : i32
    %dma_wait3A_54 = tpu.memref_slice %arg5[%dma_wait3A_52, %dma_wait3A_53] : memref<100001x128xf32, #tpu.memory_space<hbm>> -> memref<100001x128xf32, #tpu.memory_space<hbm>>
    tpu.wait_indirect_dma semaphore(%arg17 : memref<!tpu.dma_semaphore, #tpu.memory_space<semaphore_mem>>) src(%dma_wait3A_54 : memref<100001x128xf32, #tpu.memory_space<hbm>>) dst(%arg11 : memref<64x128xf32, #tpu.memory_space<vmem>>)
    %dma_start3A_55 = arith.constant 256 : i32
    %dma_start3A_56 = tpu.memref_slice %arg9[%dma_start3A_55] : memref<512xi32, #tpu.memory_space<vmem>> -> memref<64xi32, #tpu.memory_space<vmem>>
    %dma_start3A_57 = arith.constant 0 : i32
    %dma_start3A_58 = arith.constant 0 : i32
    %dma_start3A_59 = tpu.memref_slice %arg5[%dma_start3A_57, %dma_start3A_58] : memref<100001x128xf32, #tpu.memory_space<hbm>> -> memref<100001x128xf32, #tpu.memory_space<hbm>>
    tpu.enqueue_indirect_dma source(%dma_start3A_59 : memref<100001x128xf32, #tpu.memory_space<hbm>>) target(%arg10 : memref<64x128xf32, #tpu.memory_space<vmem>>) offsets(%dma_start3A_56 : memref<64xi32, #tpu.memory_space<vmem>>) semaphore(%arg17 : memref<!tpu.dma_semaphore, #tpu.memory_space<semaphore_mem>>)
    %parallel_loop3A_60 = arith.constant 0 : i32
    %parallel_loop3A_61 = arith.constant 256 : i32
    %parallel_loop3A_62 = arith.constant 1 : i32
    scf.for %parallel_loop3A_110 = %parallel_loop3A_60 to %parallel_loop3A_61 step %parallel_loop3A_62  : i32 {
      %parallel_loop3A_111 = arith.constant 64 : i32
      %parallel_loop3A_112 = arith.divsi %parallel_loop3A_110, %parallel_loop3A_111 : i32
      %parallel_loop3A_113 = arith.constant 0 : i32
      %parallel_loop3A_114 = arith.cmpi sgt, %parallel_loop3A_110, %parallel_loop3A_113 : i32
      %parallel_loop3A_115 = arith.extui %parallel_loop3A_114 : i1 to i32
      %parallel_loop3A_116 = arith.constant 0 : i32
      %parallel_loop3A_117 = arith.cmpi slt, %parallel_loop3A_110, %parallel_loop3A_116 : i32
      %parallel_loop3A_118 = arith.extui %parallel_loop3A_117 : i1 to i32
      %parallel_loop3A_119 = arith.subi %parallel_loop3A_115, %parallel_loop3A_118 : i32
      %parallel_loop3A_120 = arith.constant 0 : i32
      %parallel_loop3A_121 = arith.cmpi sgt, %parallel_loop3A_111, %parallel_loop3A_120 : i32
      %parallel_loop3A_122 = arith.extui %parallel_loop3A_121 : i1 to i32
      %parallel_loop3A_123 = arith.constant 0 : i32
      %parallel_loop3A_124 = arith.cmpi slt, %parallel_loop3A_111, %parallel_loop3A_123 : i32
      %parallel_loop3A_125 = arith.extui %parallel_loop3A_124 : i1 to i32
      %parallel_loop3A_126 = arith.subi %parallel_loop3A_122, %parallel_loop3A_125 : i32
      %parallel_loop3A_127 = arith.cmpi ne, %parallel_loop3A_119, %parallel_loop3A_126 : i32
      %parallel_loop3A_128 = arith.remsi %parallel_loop3A_110, %parallel_loop3A_111 : i32
      %parallel_loop3A_129 = arith.constant 0 : i32
      %parallel_loop3A_130 = arith.cmpi ne, %parallel_loop3A_128, %parallel_loop3A_129 : i32
      %parallel_loop3A_131 = arith.andi %parallel_loop3A_127, %parallel_loop3A_130 : i1
      %parallel_loop3A_132 = arith.constant 1 : i32
      %parallel_loop3A_133 = arith.subi %parallel_loop3A_112, %parallel_loop3A_132 : i32
      %parallel_loop3A_134 = arith.select %parallel_loop3A_131, %parallel_loop3A_133, %parallel_loop3A_112 : i32
      %parallel_loop3A_135 = arith.constant 64 : i32
      %parallel_loop3A_136 = arith.remsi %parallel_loop3A_110, %parallel_loop3A_135 : i32
      %parallel_loop3A_137 = arith.constant 16 : i32
      %parallel_loop3A_138 = arith.muli %parallel_loop3A_134, %parallel_loop3A_137 : i32
      %parallel_loop3A_139 = arith.constant 192 : i32
      %parallel_loop3A_140 = arith.addi %parallel_loop3A_139, %parallel_loop3A_138 : i32
      %parallel_loop3A_141 = tpu.iota {dimensions = array<i32: 0>} : vector<16xi32>
      %parallel_loop3A_142 = vector.broadcast %parallel_loop3A_136 : i32 to vector<16xi32>
      %parallel_loop3A_143 = arith.addi %parallel_loop3A_141, %parallel_loop3A_142 : vector<16xi32>
      %parallel_loop3A_144 = arith.constant 63 : i32
      %parallel_loop3A_145 = vector.broadcast %parallel_loop3A_144 : i32 to vector<16xi32>
      %parallel_loop3A_146 = arith.andi %parallel_loop3A_143, %parallel_loop3A_145 : vector<16xi32>
      %parallel_loop3A_147 = arith.constant 16 : i32
      %parallel_loop3A_148 = arith.muli %parallel_loop3A_134, %parallel_loop3A_147 : i32
      %parallel_loop3A_149 = vector.broadcast %parallel_loop3A_148 : i32 to vector<16xi32>
      %parallel_loop3A_150 = arith.addi %parallel_loop3A_141, %parallel_loop3A_149 : vector<16xi32>
      %parallel_loop3A_151 = tpu.vector_load_idx %arg11[%parallel_loop3A_150, %parallel_loop3A_146] : memref<64x128xf32, #tpu.memory_space<vmem>>[vector<16xi32>, vector<16xi32>], vector<16xf32>,
      %parallel_loop3A_152 = vector.broadcast %parallel_loop3A_140 : i32 to vector<16xi32>
      %parallel_loop3A_153 = arith.addi %parallel_loop3A_141, %parallel_loop3A_152 : vector<16xi32>
      tpu.vector_store_idx %arg12[%parallel_loop3A_146, %parallel_loop3A_153], %parallel_loop3A_151 : memref<134x512xf32, #tpu.memory_space<vmem>>[vector<16xi32>, vector<16xi32>], vector<16xf32>,
    } {sc.loop_unroll_factor = 8 : i64, sc.parallel_access}
    %dma_wait3A_63 = arith.constant 256 : i32
    %dma_wait3A_64 = tpu.memref_slice %arg9[%dma_wait3A_63] : memref<512xi32, #tpu.memory_space<vmem>> -> memref<64xi32, #tpu.memory_space<vmem>>
    %dma_wait3A_65 = arith.constant 0 : i32
    %dma_wait3A_66 = arith.constant 0 : i32
    %dma_wait3A_67 = tpu.memref_slice %arg5[%dma_wait3A_65, %dma_wait3A_66] : memref<100001x128xf32, #tpu.memory_space<hbm>> -> memref<100001x128xf32, #tpu.memory_space<hbm>>
    tpu.wait_indirect_dma semaphore(%arg17 : memref<!tpu.dma_semaphore, #tpu.memory_space<semaphore_mem>>) src(%dma_wait3A_67 : memref<100001x128xf32, #tpu.memory_space<hbm>>) dst(%arg10 : memref<64x128xf32, #tpu.memory_space<vmem>>)
    %dma_start3A_68 = arith.constant 320 : i32
    %dma_start3A_69 = tpu.memref_slice %arg9[%dma_start3A_68] : memref<512xi32, #tpu.memory_space<vmem>> -> memref<64xi32, #tpu.memory_space<vmem>>
    %dma_start3A_70 = arith.constant 0 : i32
    %dma_start3A_71 = arith.constant 0 : i32
    %dma_start3A_72 = tpu.memref_slice %arg5[%dma_start3A_70, %dma_start3A_71] : memref<100001x128xf32, #tpu.memory_space<hbm>> -> memref<100001x128xf32, #tpu.memory_space<hbm>>
    tpu.enqueue_indirect_dma source(%dma_start3A_72 : memref<100001x128xf32, #tpu.memory_space<hbm>>) target(%arg11 : memref<64x128xf32, #tpu.memory_space<vmem>>) offsets(%dma_start3A_69 : memref<64xi32, #tpu.memory_space<vmem>>) semaphore(%arg17 : memref<!tpu.dma_semaphore, #tpu.memory_space<semaphore_mem>>)
    %parallel_loop3A_73 = arith.constant 0 : i32
    %parallel_loop3A_74 = arith.constant 256 : i32
    %parallel_loop3A_75 = arith.constant 1 : i32
    scf.for %parallel_loop3A_110 = %parallel_loop3A_73 to %parallel_loop3A_74 step %parallel_loop3A_75  : i32 {
      %parallel_loop3A_111 = arith.constant 64 : i32
      %parallel_loop3A_112 = arith.divsi %parallel_loop3A_110, %parallel_loop3A_111 : i32
      %parallel_loop3A_113 = arith.constant 0 : i32
      %parallel_loop3A_114 = arith.cmpi sgt, %parallel_loop3A_110, %parallel_loop3A_113 : i32
      %parallel_loop3A_115 = arith.extui %parallel_loop3A_114 : i1 to i32
      %parallel_loop3A_116 = arith.constant 0 : i32
      %parallel_loop3A_117 = arith.cmpi slt, %parallel_loop3A_110, %parallel_loop3A_116 : i32
      %parallel_loop3A_118 = arith.extui %parallel_loop3A_117 : i1 to i32
      %parallel_loop3A_119 = arith.subi %parallel_loop3A_115, %parallel_loop3A_118 : i32
      %parallel_loop3A_120 = arith.constant 0 : i32
      %parallel_loop3A_121 = arith.cmpi sgt, %parallel_loop3A_111, %parallel_loop3A_120 : i32
      %parallel_loop3A_122 = arith.extui %parallel_loop3A_121 : i1 to i32
      %parallel_loop3A_123 = arith.constant 0 : i32
      %parallel_loop3A_124 = arith.cmpi slt, %parallel_loop3A_111, %parallel_loop3A_123 : i32
      %parallel_loop3A_125 = arith.extui %parallel_loop3A_124 : i1 to i32
      %parallel_loop3A_126 = arith.subi %parallel_loop3A_122, %parallel_loop3A_125 : i32
      %parallel_loop3A_127 = arith.cmpi ne, %parallel_loop3A_119, %parallel_loop3A_126 : i32
      %parallel_loop3A_128 = arith.remsi %parallel_loop3A_110, %parallel_loop3A_111 : i32
      %parallel_loop3A_129 = arith.constant 0 : i32
      %parallel_loop3A_130 = arith.cmpi ne, %parallel_loop3A_128, %parallel_loop3A_129 : i32
      %parallel_loop3A_131 = arith.andi %parallel_loop3A_127, %parallel_loop3A_130 : i1
      %parallel_loop3A_132 = arith.constant 1 : i32
      %parallel_loop3A_133 = arith.subi %parallel_loop3A_112, %parallel_loop3A_132 : i32
      %parallel_loop3A_134 = arith.select %parallel_loop3A_131, %parallel_loop3A_133, %parallel_loop3A_112 : i32
      %parallel_loop3A_135 = arith.constant 64 : i32
      %parallel_loop3A_136 = arith.remsi %parallel_loop3A_110, %parallel_loop3A_135 : i32
      %parallel_loop3A_137 = arith.constant 16 : i32
      %parallel_loop3A_138 = arith.muli %parallel_loop3A_134, %parallel_loop3A_137 : i32
      %parallel_loop3A_139 = arith.constant 256 : i32
      %parallel_loop3A_140 = arith.addi %parallel_loop3A_139, %parallel_loop3A_138 : i32
      %parallel_loop3A_141 = tpu.iota {dimensions = array<i32: 0>} : vector<16xi32>
      %parallel_loop3A_142 = vector.broadcast %parallel_loop3A_136 : i32 to vector<16xi32>
      %parallel_loop3A_143 = arith.addi %parallel_loop3A_141, %parallel_loop3A_142 : vector<16xi32>
      %parallel_loop3A_144 = arith.constant 63 : i32
      %parallel_loop3A_145 = vector.broadcast %parallel_loop3A_144 : i32 to vector<16xi32>
      %parallel_loop3A_146 = arith.andi %parallel_loop3A_143, %parallel_loop3A_145 : vector<16xi32>
      %parallel_loop3A_147 = arith.constant 16 : i32
      %parallel_loop3A_148 = arith.muli %parallel_loop3A_134, %parallel_loop3A_147 : i32
      %parallel_loop3A_149 = vector.broadcast %parallel_loop3A_148 : i32 to vector<16xi32>
      %parallel_loop3A_150 = arith.addi %parallel_loop3A_141, %parallel_loop3A_149 : vector<16xi32>
      %parallel_loop3A_151 = tpu.vector_load_idx %arg10[%parallel_loop3A_150, %parallel_loop3A_146] : memref<64x128xf32, #tpu.memory_space<vmem>>[vector<16xi32>, vector<16xi32>], vector<16xf32>,
      %parallel_loop3A_152 = vector.broadcast %parallel_loop3A_140 : i32 to vector<16xi32>
      %parallel_loop3A_153 = arith.addi %parallel_loop3A_141, %parallel_loop3A_152 : vector<16xi32>
      tpu.vector_store_idx %arg12[%parallel_loop3A_146, %parallel_loop3A_153], %parallel_loop3A_151 : memref<134x512xf32, #tpu.memory_space<vmem>>[vector<16xi32>, vector<16xi32>], vector<16xf32>,
    } {sc.loop_unroll_factor = 8 : i64, sc.parallel_access}
    %dma_wait3A_76 = arith.constant 320 : i32
    %dma_wait3A_77 = tpu.memref_slice %arg9[%dma_wait3A_76] : memref<512xi32, #tpu.memory_space<vmem>> -> memref<64xi32, #tpu.memory_space<vmem>>
    %dma_wait3A_78 = arith.constant 0 : i32
    %dma_wait3A_79 = arith.constant 0 : i32
    %dma_wait3A_80 = tpu.memref_slice %arg5[%dma_wait3A_78, %dma_wait3A_79] : memref<100001x128xf32, #tpu.memory_space<hbm>> -> memref<100001x128xf32, #tpu.memory_space<hbm>>
    tpu.wait_indirect_dma semaphore(%arg17 : memref<!tpu.dma_semaphore, #tpu.memory_space<semaphore_mem>>) src(%dma_wait3A_80 : memref<100001x128xf32, #tpu.memory_space<hbm>>) dst(%arg11 : memref<64x128xf32, #tpu.memory_space<vmem>>)
    %dma_start3A_81 = arith.constant 384 : i32
    %dma_start3A_82 = tpu.memref_slice %arg9[%dma_start3A_81] : memref<512xi32, #tpu.memory_space<vmem>> -> memref<64xi32, #tpu.memory_space<vmem>>
    %dma_start3A_83 = arith.constant 0 : i32
    %dma_start3A_84 = arith.constant 0 : i32
    %dma_start3A_85 = tpu.memref_slice %arg5[%dma_start3A_83, %dma_start3A_84] : memref<100001x128xf32, #tpu.memory_space<hbm>> -> memref<100001x128xf32, #tpu.memory_space<hbm>>
    tpu.enqueue_indirect_dma source(%dma_start3A_85 : memref<100001x128xf32, #tpu.memory_space<hbm>>) target(%arg10 : memref<64x128xf32, #tpu.memory_space<vmem>>) offsets(%dma_start3A_82 : memref<64xi32, #tpu.memory_space<vmem>>) semaphore(%arg17 : memref<!tpu.dma_semaphore, #tpu.memory_space<semaphore_mem>>)
    %parallel_loop3A_86 = arith.constant 0 : i32
    %parallel_loop3A_87 = arith.constant 256 : i32
    %parallel_loop3A_88 = arith.constant 1 : i32
    scf.for %parallel_loop3A_110 = %parallel_loop3A_86 to %parallel_loop3A_87 step %parallel_loop3A_88  : i32 {
      %parallel_loop3A_111 = arith.constant 64 : i32
      %parallel_loop3A_112 = arith.divsi %parallel_loop3A_110, %parallel_loop3A_111 : i32
      %parallel_loop3A_113 = arith.constant 0 : i32
      %parallel_loop3A_114 = arith.cmpi sgt, %parallel_loop3A_110, %parallel_loop3A_113 : i32
      %parallel_loop3A_115 = arith.extui %parallel_loop3A_114 : i1 to i32
      %parallel_loop3A_116 = arith.constant 0 : i32
      %parallel_loop3A_117 = arith.cmpi slt, %parallel_loop3A_110, %parallel_loop3A_116 : i32
      %parallel_loop3A_118 = arith.extui %parallel_loop3A_117 : i1 to i32
      %parallel_loop3A_119 = arith.subi %parallel_loop3A_115, %parallel_loop3A_118 : i32
      %parallel_loop3A_120 = arith.constant 0 : i32
      %parallel_loop3A_121 = arith.cmpi sgt, %parallel_loop3A_111, %parallel_loop3A_120 : i32
      %parallel_loop3A_122 = arith.extui %parallel_loop3A_121 : i1 to i32
      %parallel_loop3A_123 = arith.constant 0 : i32
      %parallel_loop3A_124 = arith.cmpi slt, %parallel_loop3A_111, %parallel_loop3A_123 : i32
      %parallel_loop3A_125 = arith.extui %parallel_loop3A_124 : i1 to i32
      %parallel_loop3A_126 = arith.subi %parallel_loop3A_122, %parallel_loop3A_125 : i32
      %parallel_loop3A_127 = arith.cmpi ne, %parallel_loop3A_119, %parallel_loop3A_126 : i32
      %parallel_loop3A_128 = arith.remsi %parallel_loop3A_110, %parallel_loop3A_111 : i32
      %parallel_loop3A_129 = arith.constant 0 : i32
      %parallel_loop3A_130 = arith.cmpi ne, %parallel_loop3A_128, %parallel_loop3A_129 : i32
      %parallel_loop3A_131 = arith.andi %parallel_loop3A_127, %parallel_loop3A_130 : i1
      %parallel_loop3A_132 = arith.constant 1 : i32
      %parallel_loop3A_133 = arith.subi %parallel_loop3A_112, %parallel_loop3A_132 : i32
      %parallel_loop3A_134 = arith.select %parallel_loop3A_131, %parallel_loop3A_133, %parallel_loop3A_112 : i32
      %parallel_loop3A_135 = arith.constant 64 : i32
      %parallel_loop3A_136 = arith.remsi %parallel_loop3A_110, %parallel_loop3A_135 : i32
      %parallel_loop3A_137 = arith.constant 16 : i32
      %parallel_loop3A_138 = arith.muli %parallel_loop3A_134, %parallel_loop3A_137 : i32
      %parallel_loop3A_139 = arith.constant 320 : i32
      %parallel_loop3A_140 = arith.addi %parallel_loop3A_139, %parallel_loop3A_138 : i32
      %parallel_loop3A_141 = tpu.iota {dimensions = array<i32: 0>} : vector<16xi32>
      %parallel_loop3A_142 = vector.broadcast %parallel_loop3A_136 : i32 to vector<16xi32>
      %parallel_loop3A_143 = arith.addi %parallel_loop3A_141, %parallel_loop3A_142 : vector<16xi32>
      %parallel_loop3A_144 = arith.constant 63 : i32
      %parallel_loop3A_145 = vector.broadcast %parallel_loop3A_144 : i32 to vector<16xi32>
      %parallel_loop3A_146 = arith.andi %parallel_loop3A_143, %parallel_loop3A_145 : vector<16xi32>
      %parallel_loop3A_147 = arith.constant 16 : i32
      %parallel_loop3A_148 = arith.muli %parallel_loop3A_134, %parallel_loop3A_147 : i32
      %parallel_loop3A_149 = vector.broadcast %parallel_loop3A_148 : i32 to vector<16xi32>
      %parallel_loop3A_150 = arith.addi %parallel_loop3A_141, %parallel_loop3A_149 : vector<16xi32>
      %parallel_loop3A_151 = tpu.vector_load_idx %arg11[%parallel_loop3A_150, %parallel_loop3A_146] : memref<64x128xf32, #tpu.memory_space<vmem>>[vector<16xi32>, vector<16xi32>], vector<16xf32>,
      %parallel_loop3A_152 = vector.broadcast %parallel_loop3A_140 : i32 to vector<16xi32>
      %parallel_loop3A_153 = arith.addi %parallel_loop3A_141, %parallel_loop3A_152 : vector<16xi32>
      tpu.vector_store_idx %arg12[%parallel_loop3A_146, %parallel_loop3A_153], %parallel_loop3A_151 : memref<134x512xf32, #tpu.memory_space<vmem>>[vector<16xi32>, vector<16xi32>], vector<16xf32>,
    } {sc.loop_unroll_factor = 8 : i64, sc.parallel_access}
    %dma_wait3A_89 = arith.constant 384 : i32
    %dma_wait3A_90 = tpu.memref_slice %arg9[%dma_wait3A_89] : memref<512xi32, #tpu.memory_space<vmem>> -> memref<64xi32, #tpu.memory_space<vmem>>
    %dma_wait3A_91 = arith.constant 0 : i32
    %dma_wait3A_92 = arith.constant 0 : i32
    %dma_wait3A_93 = tpu.memref_slice %arg5[%dma_wait3A_91, %dma_wait3A_92] : memref<100001x128xf32, #tpu.memory_space<hbm>> -> memref<100001x128xf32, #tpu.memory_space<hbm>>
    tpu.wait_indirect_dma semaphore(%arg17 : memref<!tpu.dma_semaphore, #tpu.memory_space<semaphore_mem>>) src(%dma_wait3A_93 : memref<100001x128xf32, #tpu.memory_space<hbm>>) dst(%arg10 : memref<64x128xf32, #tpu.memory_space<vmem>>)
    %dma_start3A_94 = arith.constant 448 : i32
    %dma_start3A_95 = tpu.memref_slice %arg9[%dma_start3A_94] : memref<512xi32, #tpu.memory_space<vmem>> -> memref<64xi32, #tpu.memory_space<vmem>>
    %dma_start3A_96 = arith.constant 0 : i32
    %dma_start3A_97 = arith.constant 0 : i32
    %dma_start3A_98 = tpu.memref_slice %arg5[%dma_start3A_96, %dma_start3A_97] : memref<100001x128xf32, #tpu.memory_space<hbm>> -> memref<100001x128xf32, #tpu.memory_space<hbm>>
    tpu.enqueue_indirect_dma source(%dma_start3A_98 : memref<100001x128xf32, #tpu.memory_space<hbm>>) target(%arg11 : memref<64x128xf32, #tpu.memory_space<vmem>>) offsets(%dma_start3A_95 : memref<64xi32, #tpu.memory_space<vmem>>) semaphore(%arg17 : memref<!tpu.dma_semaphore, #tpu.memory_space<semaphore_mem>>)
    %parallel_loop3A_99 = arith.constant 0 : i32
    %parallel_loop3A_100 = arith.constant 256 : i32
    %parallel_loop3A_101 = arith.constant 1 : i32
    scf.for %parallel_loop3A_110 = %parallel_loop3A_99 to %parallel_loop3A_100 step %parallel_loop3A_101  : i32 {
      %parallel_loop3A_111 = arith.constant 64 : i32
      %parallel_loop3A_112 = arith.divsi %parallel_loop3A_110, %parallel_loop3A_111 : i32
      %parallel_loop3A_113 = arith.constant 0 : i32
      %parallel_loop3A_114 = arith.cmpi sgt, %parallel_loop3A_110, %parallel_loop3A_113 : i32
      %parallel_loop3A_115 = arith.extui %parallel_loop3A_114 : i1 to i32
      %parallel_loop3A_116 = arith.constant 0 : i32
      %parallel_loop3A_117 = arith.cmpi slt, %parallel_loop3A_110, %parallel_loop3A_116 : i32
      %parallel_loop3A_118 = arith.extui %parallel_loop3A_117 : i1 to i32
      %parallel_loop3A_119 = arith.subi %parallel_loop3A_115, %parallel_loop3A_118 : i32
      %parallel_loop3A_120 = arith.constant 0 : i32
      %parallel_loop3A_121 = arith.cmpi sgt, %parallel_loop3A_111, %parallel_loop3A_120 : i32
      %parallel_loop3A_122 = arith.extui %parallel_loop3A_121 : i1 to i32
      %parallel_loop3A_123 = arith.constant 0 : i32
      %parallel_loop3A_124 = arith.cmpi slt, %parallel_loop3A_111, %parallel_loop3A_123 : i32
      %parallel_loop3A_125 = arith.extui %parallel_loop3A_124 : i1 to i32
      %parallel_loop3A_126 = arith.subi %parallel_loop3A_122, %parallel_loop3A_125 : i32
      %parallel_loop3A_127 = arith.cmpi ne, %parallel_loop3A_119, %parallel_loop3A_126 : i32
      %parallel_loop3A_128 = arith.remsi %parallel_loop3A_110, %parallel_loop3A_111 : i32
      %parallel_loop3A_129 = arith.constant 0 : i32
      %parallel_loop3A_130 = arith.cmpi ne, %parallel_loop3A_128, %parallel_loop3A_129 : i32
      %parallel_loop3A_131 = arith.andi %parallel_loop3A_127, %parallel_loop3A_130 : i1
      %parallel_loop3A_132 = arith.constant 1 : i32
      %parallel_loop3A_133 = arith.subi %parallel_loop3A_112, %parallel_loop3A_132 : i32
      %parallel_loop3A_134 = arith.select %parallel_loop3A_131, %parallel_loop3A_133, %parallel_loop3A_112 : i32
      %parallel_loop3A_135 = arith.constant 64 : i32
      %parallel_loop3A_136 = arith.remsi %parallel_loop3A_110, %parallel_loop3A_135 : i32
      %parallel_loop3A_137 = arith.constant 16 : i32
      %parallel_loop3A_138 = arith.muli %parallel_loop3A_134, %parallel_loop3A_137 : i32
      %parallel_loop3A_139 = arith.constant 384 : i32
      %parallel_loop3A_140 = arith.addi %parallel_loop3A_139, %parallel_loop3A_138 : i32
      %parallel_loop3A_141 = tpu.iota {dimensions = array<i32: 0>} : vector<16xi32>
      %parallel_loop3A_142 = vector.broadcast %parallel_loop3A_136 : i32 to vector<16xi32>
      %parallel_loop3A_143 = arith.addi %parallel_loop3A_141, %parallel_loop3A_142 : vector<16xi32>
      %parallel_loop3A_144 = arith.constant 63 : i32
      %parallel_loop3A_145 = vector.broadcast %parallel_loop3A_144 : i32 to vector<16xi32>
      %parallel_loop3A_146 = arith.andi %parallel_loop3A_143, %parallel_loop3A_145 : vector<16xi32>
      %parallel_loop3A_147 = arith.constant 16 : i32
      %parallel_loop3A_148 = arith.muli %parallel_loop3A_134, %parallel_loop3A_147 : i32
      %parallel_loop3A_149 = vector.broadcast %parallel_loop3A_148 : i32 to vector<16xi32>
      %parallel_loop3A_150 = arith.addi %parallel_loop3A_141, %parallel_loop3A_149 : vector<16xi32>
      %parallel_loop3A_151 = tpu.vector_load_idx %arg10[%parallel_loop3A_150, %parallel_loop3A_146] : memref<64x128xf32, #tpu.memory_space<vmem>>[vector<16xi32>, vector<16xi32>], vector<16xf32>,
      %parallel_loop3A_152 = vector.broadcast %parallel_loop3A_140 : i32 to vector<16xi32>
      %parallel_loop3A_153 = arith.addi %parallel_loop3A_141, %parallel_loop3A_152 : vector<16xi32>
      tpu.vector_store_idx %arg12[%parallel_loop3A_146, %parallel_loop3A_153], %parallel_loop3A_151 : memref<134x512xf32, #tpu.memory_space<vmem>>[vector<16xi32>, vector<16xi32>], vector<16xf32>,
    } {sc.loop_unroll_factor = 8 : i64, sc.parallel_access}
    %dma_wait3A_102 = arith.constant 448 : i32
    %dma_wait3A_103 = tpu.memref_slice %arg9[%dma_wait3A_102] : memref<512xi32, #tpu.memory_space<vmem>> -> memref<64xi32, #tpu.memory_space<vmem>>
    %dma_wait3A_104 = arith.constant 0 : i32
    %dma_wait3A_105 = arith.constant 0 : i32
    %dma_wait3A_106 = tpu.memref_slice %arg5[%dma_wait3A_104, %dma_wait3A_105] : memref<100001x128xf32, #tpu.memory_space<hbm>> -> memref<100001x128xf32, #tpu.memory_space<hbm>>
    tpu.wait_indirect_dma semaphore(%arg17 : memref<!tpu.dma_semaphore, #tpu.memory_space<semaphore_mem>>) src(%dma_wait3A_106 : memref<100001x128xf32, #tpu.memory_space<hbm>>) dst(%arg11 : memref<64x128xf32, #tpu.memory_space<vmem>>)
    %parallel_loop3A_107 = arith.constant 0 : i32
    %parallel_loop3A_108 = arith.constant 256 : i32
    %parallel_loop3A_109 = arith.constant 1 : i32
    scf.for %parallel_loop3A_110 = %parallel_loop3A_107 to %parallel_loop3A_108 step %parallel_loop3A_109  : i32 {
      %parallel_loop3A_111 = arith.constant 64 : i32
      %parallel_loop3A_112 = arith.divsi %parallel_loop3A_110, %parallel_loop3A_111 : i32
      %parallel_loop3A_113 = arith.constant 0 : i32
      %parallel_loop3A_114 = arith.cmpi sgt, %parallel_loop3A_110, %parallel_loop3A_113 : i32
      %parallel_loop3A_115 = arith.extui %parallel_loop3A_114 : i1 to i32
      %parallel_loop3A_116 = arith.constant 0 : i32
      %parallel_loop3A_117 = arith.cmpi slt, %parallel_loop3A_110, %parallel_loop3A_116 : i32
      %parallel_loop3A_118 = arith.extui %parallel_loop3A_117 : i1 to i32
      %parallel_loop3A_119 = arith.subi %parallel_loop3A_115, %parallel_loop3A_118 : i32
      %parallel_loop3A_120 = arith.constant 0 : i32
      %parallel_loop3A_121 = arith.cmpi sgt, %parallel_loop3A_111, %parallel_loop3A_120 : i32
      %parallel_loop3A_122 = arith.extui %parallel_loop3A_121 : i1 to i32
      %parallel_loop3A_123 = arith.constant 0 : i32
      %parallel_loop3A_124 = arith.cmpi slt, %parallel_loop3A_111, %parallel_loop3A_123 : i32
      %parallel_loop3A_125 = arith.extui %parallel_loop3A_124 : i1 to i32
      %parallel_loop3A_126 = arith.subi %parallel_loop3A_122, %parallel_loop3A_125 : i32
      %parallel_loop3A_127 = arith.cmpi ne, %parallel_loop3A_119, %parallel_loop3A_126 : i32
      %parallel_loop3A_128 = arith.remsi %parallel_loop3A_110, %parallel_loop3A_111 : i32
      %parallel_loop3A_129 = arith.constant 0 : i32
      %parallel_loop3A_130 = arith.cmpi ne, %parallel_loop3A_128, %parallel_loop3A_129 : i32
      %parallel_loop3A_131 = arith.andi %parallel_loop3A_127, %parallel_loop3A_130 : i1
      %parallel_loop3A_132 = arith.constant 1 : i32
      %parallel_loop3A_133 = arith.subi %parallel_loop3A_112, %parallel_loop3A_132 : i32
      %parallel_loop3A_134 = arith.select %parallel_loop3A_131, %parallel_loop3A_133, %parallel_loop3A_112 : i32
      %parallel_loop3A_135 = arith.constant 64 : i32
      %parallel_loop3A_136 = arith.remsi %parallel_loop3A_110, %parallel_loop3A_135 : i32
      %parallel_loop3A_137 = arith.constant 16 : i32
      %parallel_loop3A_138 = arith.muli %parallel_loop3A_134, %parallel_loop3A_137 : i32
      %parallel_loop3A_139 = arith.constant 448 : i32
      %parallel_loop3A_140 = arith.addi %parallel_loop3A_139, %parallel_loop3A_138 : i32
      %parallel_loop3A_141 = tpu.iota {dimensions = array<i32: 0>} : vector<16xi32>
      %parallel_loop3A_142 = vector.broadcast %parallel_loop3A_136 : i32 to vector<16xi32>
      %parallel_loop3A_143 = arith.addi %parallel_loop3A_141, %parallel_loop3A_142 : vector<16xi32>
      %parallel_loop3A_144 = arith.constant 63 : i32
      %parallel_loop3A_145 = vector.broadcast %parallel_loop3A_144 : i32 to vector<16xi32>
      %parallel_loop3A_146 = arith.andi %parallel_loop3A_143, %parallel_loop3A_145 : vector<16xi32>
      %parallel_loop3A_147 = arith.constant 16 : i32
      %parallel_loop3A_148 = arith.muli %parallel_loop3A_134, %parallel_loop3A_147 : i32
      %parallel_loop3A_149 = vector.broadcast %parallel_loop3A_148 : i32 to vector<16xi32>
      %parallel_loop3A_150 = arith.addi %parallel_loop3A_141, %parallel_loop3A_149 : vector<16xi32>
      %parallel_loop3A_151 = tpu.vector_load_idx %arg11[%parallel_loop3A_150, %parallel_loop3A_146] : memref<64x128xf32, #tpu.memory_space<vmem>>[vector<16xi32>, vector<16xi32>], vector<16xf32>,
      %parallel_loop3A_152 = vector.broadcast %parallel_loop3A_140 : i32 to vector<16xi32>
      %parallel_loop3A_153 = arith.addi %parallel_loop3A_141, %parallel_loop3A_152 : vector<16xi32>
      tpu.vector_store_idx %arg12[%parallel_loop3A_146, %parallel_loop3A_153], %parallel_loop3A_151 : memref<134x512xf32, #tpu.memory_space<vmem>>[vector<16xi32>, vector<16xi32>], vector<16xf32>,
    } {sc.loop_unroll_factor = 8 : i64, sc.parallel_access}
    "tpu.region"() ({
      %run_scoped3A = tpu.sem_alloc : memref<!tpu.dma_semaphore, #tpu.memory_space<semaphore_mem>>
      %dma_start3A_110 = arith.constant 0 : i32
      %dma_start3A_111 = tpu.memref_slice %arg8[%dma_start3A_110, %mul3A_2] : memref<134x16384xf32, #tpu.memory_space<hbm>> -> memref<134x512xf32, #tpu.memory_space<hbm>>
      %dma_start3A_112 = arith.constant 0 : i32
      %dma_start3A_113 = tpu.memref_slice %arg8[%dma_start3A_112, %mul3A_2] : memref<134x16384xf32, #tpu.memory_space<hbm>> -> memref<134x512xf32, #tpu.memory_space<hbm>>
      tpu.enqueue_dma source(%arg12 : memref<134x512xf32, #tpu.memory_space<vmem>>) target(%dma_start3A_113 : memref<134x512xf32, #tpu.memory_space<hbm>>) target_semaphore(%run_scoped3A : memref<!tpu.dma_semaphore, #tpu.memory_space<semaphore_mem>>)
      %dma_wait3A_114 = arith.constant 0 : i32
      %dma_wait3A_115 = tpu.memref_slice %arg8[%dma_wait3A_114, %mul3A_2] : memref<134x16384xf32, #tpu.memory_space<hbm>> -> memref<134x512xf32, #tpu.memory_space<hbm>>
      %dma_wait3A_116 = arith.constant 0 : i32
      %dma_wait3A_117 = tpu.memref_slice %arg8[%dma_wait3A_116, %mul3A_2] : memref<134x16384xf32, #tpu.memory_space<hbm>> -> memref<134x512xf32, #tpu.memory_space<hbm>>
      tpu.wait_dma2 semaphore(%run_scoped3A : memref<!tpu.dma_semaphore, #tpu.memory_space<semaphore_mem>>) src(%arg12 : memref<134x512xf32, #tpu.memory_space<vmem>>) dst(%dma_wait3A_117 : memref<134x512xf32, #tpu.memory_space<hbm>>)
      tpu.yield
    }) : () -> ()
    return
  }
}

</mosaic_0001>

<sc_bundles>
// kernel: kernel.3.cloned.1.call-start
scs
__scs_entry_jumppad:
0x0: {  	(pc) =	sbr.rel $0x88, $3  }
0x1: {  	(tag) =	ssettag $0x0;
	lr =	simm.s32 $0x1  }
0x2: {  	[smem:$0x3F9A] =	sst lr;
	_ =	strace $0xD0000000  }
0x3: {  	_ = 	snop  }
0x4: {  	_ = 	snop  }
0x5: {  	_ = 	snop  }
0x6: {  	_ = 	snop  }
0x7: {  	_ = 	snop  }
__scs_overlays_trampoline_lowered:
0x8: {  	[smem:$0x3FA9] =	sst s0  }
0x9: {  	[smem:$0x3FAA] =	sst s1  }
0xa: {  	[smem:$0x3FAB] =	sst s2  }
0xb: {  	[smem:$0x3FAC] =	sst s3  }
0xc: {  	[smem:$0x3FAD] =	sst s4  }
0xd: {  	[smem:$0x3FAE] =	sst s5  }
0xe: {  	[smem:$0x3FAF] =	sst s6  }
0xf: {  	[smem:$0x3FB0] =	sst s7  }
0x10: {  	[smem:$0x3FB1] =	sst s8  }
0x11: {  	[smem:$0x3FB2] =	sst s9;
	s0 =	simm.s32 @!p0 $0x0  }
0x12: {  	s1 =	sld [smem:$0x3F98];
	s0 =	simm.s32 @p0 $0x1  }
0x13: {  	[smem:$0x3FB3] =	sst s0;
	s0 =	simm.s32 @!p1 $0x0  }
0x14: {  	s2 =	sld [smem:$0x3F97];
	s0 =	simm.s32 @p1 $0x1  }
0x15: {  	[smem:$0x3FB4] =	sst s0;
	s0 =	simm.s32 @!p2 $0x0  }
0x16: {  	s3 =	sld [smem:$0x3FDB];
	s0 =	simm.s32 @p2 $0x1  }
0x17: {  	s4 =	simm.s32 $0x1BF5;
	[smem:$0x3FB6] =	sst s0  }
0x18: {  	s0 =	sld [smem:$0x3F99];
	_ =	swait.ge [sflag:s4], $0x0  }
0x19: {  	s7 =	sld [smem:$0x3F9A]  }
0x1a: {  	s8 =	sadd.s32 $0xFFFFE003, lr  }
0x1b: {  	s9 =	sadd.s32 $0xFFFFFEF7, lr;
	s5 =	simm.s32 $0xFFFFFFFF;
	p2 =	slt.u32 s8, $0xFFFFF086  }
0x1c: {  	p1 =	slt.u32 s9, $0xF7A;
	s5 =	simm.s32 @!p2 $0x0  }
0x1d: {  	s5 =	simm.s32 @p1 $0x1;
	p0 =	seq.s32 s7, s2  }
0x1e: {  	s7 =	smul.u32 @!p0 $0xF7A, s2;
	p2 =	seq.s32 @!p0 s5, $0x0  }
0x1f: {  	s9 =	smul.u32 $0xF7A, s1;
	s8 =	simm.s32 @!p0 $0x1BF5;
	p2 =	por !p2, p0  }
0x20: {  	[sflag:s8] =	ssyncset.s32 @!p0 $0xFFFFF086;
	s6 =	sadd.s32 @!p0 s3, s7;
	s7 =	simm.s32 @!p0 $0x108  }
0x21: {  	s3 =	sadd.s32 s3, s9;
	s6 =	sadd.s32 @!p0 $0x88, s6;
	s7 =	simm.s32 @p2 $0x1082  }
0x22: {  	[simem:s7], [sflag:s8] =	dma.local @!p0 [hbm:s6], $0xF7A  }
0x23: {  	s9 =	sor.u32 $0xD0000000, s2;
	s6 =	simm.s32 $0x108;
	_ =	swait.ge @!p0 [sflag:s8], $0x0  }
0x24: {  	s3 =	sadd.s32 $0x88, s3;
	s6 =	simm.s32 @!p1 $0x1082;
	[sflag:s4] =	ssyncset.s32 $0xFFFFF086  }
0x25: {  	[simem:s6], [sflag:s4] =	dma.local [hbm:s3], $0xF7A  }
0x26: {  	[smem:$0x3F9A] =	sst s1;
	(tag) =	ssettag s2;
	_ =	strace s9  }
0x27: {  	s1 =	sld [smem:$0x3FAA]  }
0x28: {  	s2 =	sld [smem:$0x3FAB]  }
0x29: {  	s4 =	sld [smem:$0x3FAD]  }
0x2a: {  	p0 =	seq.s32 s5, $0x0;
	s5 =	sld [smem:$0x3FAE]  }
0x2b: {  	s6 =	sld [smem:$0x3FAF]  }
0x2c: {  	s7 =	sld [smem:$0x3FB0]  }
0x2d: {  	s3 =	simm.s32 $0x108;
	s8 =	sld [smem:$0x3FB1]  }
0x2e: {  	s3 =	simm.s32 @!p0 $0x1082;
	s9 =	sld [smem:$0x3FB2]  }
0x2f: {  	lr =	sadd.s32 s0, s3;
	s0 =	sld [smem:$0x3FA9]  }
0x30: {  	s3 =	sld [smem:$0x3FAC]  }
0x31: {  	[smem:$0x3FB5] =	sst s10  }
0x32: {  	s10 =	sld [smem:$0x3FB3];
	_ =	sdelay $0x3  }
0x33: {  	p0 =	seq.s32 s10, $0x1;
	s10 =	sld [smem:$0x3FB5];
	_ =	sdelay $0x3  }
0x34: {  	[smem:$0x3FB5] =	sst s10  }
0x35: {  	s10 =	sld [smem:$0x3FB4];
	_ =	sdelay $0x3  }
0x36: {  	p1 =	seq.s32 s10, $0x1;
	s10 =	sld [smem:$0x3FB5];
	_ =	sdelay $0x3  }
0x37: {  	[smem:$0x3FB5] =	sst s10  }
0x38: {  	s10 =	sld [smem:$0x3FB6]  }
0x39: {  	_ = 	snop;
	(pc) =	sbr.ind lr, $3  }
0x3a: {  	_ = 	snop  }
0x3b: {  	_ = 	snop  }
0x3c: {  	p2 =	seq.s32 s10, $0x1;
	s10 =	sld [smem:$0x3FB5]  }
0x3d: {  	_ =	shalt  }
0x3e: {  	_ =	shalt  }
0x3f: {  	_ =	shalt  }
0x40: {  	_ =	shalt  }
0x41: {  	_ =	shalt  }
0x42: {  	_ =	shalt  }
0x43: {  	_ =	shalt  }
0x44: {  	_ =	shalt  }
0x45: {  	_ =	shalt  }
0x46: {  	_ =	shalt  }
0x47: {  	_ =	shalt  }
0x48: {  	_ =	shalt  }
0x49: {  	_ =	shalt  }
0x4a: {  	_ =	shalt  }
0x4b: {  	_ =	shalt  }
0x4c: {  	_ =	shalt  }
0x4d: {  	_ =	shalt  }
0x4e: {  	_ =	shalt  }
0x4f: {  	_ =	shalt  }
0x50: {  	_ =	shalt  }
0x51: {  	_ =	shalt  }
0x52: {  	_ =	shalt  }
0x53: {  	_ =	shalt  }
0x54: {  	_ =	shalt  }
0x55: {  	_ =	shalt  }
0x56: {  	_ =	shalt  }
0x57: {  	_ =	shalt  }
0x58: {  	_ =	shalt  }
0x59: {  	_ =	shalt  }
0x5a: {  	_ =	shalt  }
0x5b: {  	_ =	shalt  }
0x5c: {  	_ =	shalt  }
0x5d: {  	_ =	shalt  }
0x5e: {  	_ =	shalt  }
0x5f: {  	_ =	shalt  }
0x60: {  	_ =	shalt  }
0x61: {  	_ =	shalt  }
0x62: {  	_ =	shalt  }
0x63: {  	_ =	shalt  }
0x64: {  	_ =	shalt  }
0x65: {  	_ =	shalt  }
0x66: {  	_ =	shalt  }
0x67: {  	_ =	shalt  }
0x68: {  	_ =	shalt  }
0x69: {  	_ =	shalt  }
0x6a: {  	_ =	shalt  }
0x6b: {  	_ =	shalt  }
0x6c: {  	_ =	shalt  }
0x6d: {  	_ =	shalt  }
0x6e: {  	_ =	shalt  }
0x6f: {  	_ =	shalt  }
0x70: {  	_ =	shalt  }
0x71: {  	_ =	shalt  }
0x72: {  	_ =	shalt  }
0x73: {  	_ =	shalt  }
0x74: {  	_ =	shalt  }
0x75: {  	_ =	shalt  }
0x76: {  	_ =	shalt  }
0x77: {  	_ =	shalt  }
0x78: {  	_ =	shalt  }
0x79: {  	_ =	shalt  }
0x7a: {  	_ =	shalt  }
0x7b: {  	_ =	shalt  }
0x7c: {  	_ =	shalt  }
0x7d: {  	_ =	shalt  }
0x7e: {  	_ =	shalt  }
0x7f: {  	_ =	shalt  }
0x80: {  	_ =	shalt  }
0x81: {  	_ =	shalt  }
0x82: {  	_ =	shalt  }
0x83: {  	_ =	shalt  }
0x84: {  	_ =	shalt  }
0x85: {  	_ =	shalt  }
0x86: {  	_ =	shalt  }
0x87: {  	_ =	shalt  }
.Lfunc_end0:
.L_simem_size_0:
called_computation_lowered:
.L_overlay_start_0:
0x88: {  	s2 =	sld [smem:$0x3FD9]  }
0x89: {  	s3 =	sld [smem:$0x3FFE];
	_ =	sdelay $0x1  }
0x8a: {  	s1 =	srdreg.scid  }
0x8b: {  	s0 =	sand.u32 $0x1, s1  }
0x8c: {  	s17 =	sshll.u32 s0, $0xA;
	s2 =	sadd.s32 s3, s2  }
0x8d: {  	s2 =	sadd.s32 s2, s17  }
0x8e: {  	[smem:$0x3FC1] =	sst s2  }
0x8f: {  	_ = 	snop  }
0x90: {  	s2 =	sld [smem:$0x3FC9]  }
0x91: {  	s18 =	sld [smem:$0x3FC8]  }
0x92: {  	s4 =	sld [smem:$0x3FC7]  }
0x93: {  	s5 =	sld [smem:$0x3FD0];
	(tm) =	ssettm $0x1  }
0x94: {  	s6 =	sld [smem:$0x3FFB];
	_ =	sdelay $0x3  }
0x95: {  	_ =	strace s6  }
0x96: {  	s6 =	sld [smem:$0x3FFC];
	_ =	sdelay $0x3  }
0x97: {  	_ =	strace s6  }
0x98: {  	s6 =	sld [smem:$0x3FFD];
	_ =	sdelay $0x3  }
0x99: {  	_ =	strace s6  }
0x9a: {  	_ =	strace $0x8FFFFFFF  }
0x9b: {  	s19 =	sld [smem:$0x3FDB];
	_ =	sdelay $0x1  }
0x9c: {  	s7 =	simm.s32 $_scs_section_size  }
0x9d: {  	s8 =	simm.s32 $_size__tile_overlayer_lowered;
	s9 =	simm.s32 $_tile_overlayer_lowered  }
0x9e: {  	s22 =	simm.s32 $0x1BFF;
	s21 =	sshll.u32 s9, $0x1;
	s6 =	sadd.s32 s7, s19  }
0x9f: {  	s10 =	simm.s32 $0x0;
	s20 =	sshll.u32 s8, $0x1;
	s8 =	sadd.s32 s21, s6  }
0xa0: {  	[timem:s10], [sflag:s22] =	dma.local [hbm:s8], s20  }
0xa1: {  	_ =	swait.ge [sflag:s22], s20  }
0xa2: {  	s7 =	ssub.s32 $0x0, s20;
	[sflag:s22] =	ssyncset.done $0x0  }
0xa3: {  	[sflag:s22] =	ssyncadd.s32 s7;
	_ =	sdelay $0x1  }
0xa4: {  	s23 =	simm.s32 $0x1B8B  }
0xa5: {  	_ =	swait.ge [sflag:s23], $0x1  }
0xa6: {  	[sflag:s23] =	ssyncset.done $0x0  }
0xa7: {  	s25 =	simm.s32 $0x1B8E;
	s24 =	sld [smem:$0x3FFE];
	[sflag:s23] =	ssyncadd.s32 $0xFFFFFFFF  }
0xa8: {  	s26 =	simm.s32 $execute0_lowered;
	[smem:$0x3FD2] =	sst s25  }
0xa9: {  	s8 =	sshll.u32 s26, $0x1;
	_ =	strace $0x80000046;
	[dreg:$0x1] =	wrdreg $0xFFFFFFFF  }
0xaa: {  	s28 =	simm.s32 $_size_execute0_lowered;
	s6 =	sadd.s32 s6, s8;
	[dreg:$0x0] =	wrdreg $0x0  }
0xab: {  	s8 =	sshll.u32 s28, $0x1;
	[dreg:$0x2] =	wrdreg s6  }
0xac: {  	[dreg:$0x3] =	wrdreg s8  }
0xad: {  	[dreg:$0x4] =	wrdreg $0xC0  }
0xae: {  	_ =	task [dreg:s10], $0x5FFFF  }
0xaf: {  	[dreg:$0x1] =	wrdreg $0xFFFFFFFF  }
0xb0: {  	[dreg:$0x0] =	wrdreg $0x60  }
0xb1: {  	[dreg:$0x2] =	wrdreg s2  }
0xb2: {  	[dreg:$0x3] =	wrdreg s18  }
0xb3: {  	[dreg:$0x4] =	wrdreg s4  }
0xb4: {  	[dreg:$0x5] =	wrdreg s24  }
0xb5: {  	[dreg:$0x6] =	wrdreg s5  }
0xb6: {  	[dreg:$0x7] =	wrdreg $0x9  }
0xb7: {  	_ =	task.clear_ibuf [dreg:s10], $0x8FFFF;
	_ =	strace $0x90000046  }
0xb8: {  	s29 =	simm.s32 $0x9;
	_ =	strace $0x80000048  }
0xb9: {  	_ =	swait.ge [sflag:s29], $0x1  }
0xba: {  	[sflag:s29] =	ssyncadd.s32 $0xFFFFFFFF  }
0xbb: {  	_ =	strace $0x90000048  }
0xbc: {  	_ =	sfence  }
0xbd: {  	s30 =	sld [smem:$0x0];
	_ =	sdelay $0x2  }
0xbe: {  	s31 =	sshll.u32 s1, $0xD;
	s1 =	sshrl.u32 s1, $0x2  }
0xbf: {  	s3 =	sand.u32 $0x4000, s31;
	s1 =	sadd.s32 s1, s30  }
0xc0: {  	s0 =	sor.u32 s3, s0;
	s1 =	sshll.u32 s1, $0x11  }
0xc1: {  	s0 =	sor.u32 s1, s0  }
0xc2: {  	s0 =	sadd.s32 $0x8F2B, s0  }
0xc3: {  	[sflag:s0] =	ssyncadd.remote.s32 $0x1  }
0xc4: {  	_ =	sfence.sel $0xFFFF  }
0xc5: {  	[dreg:$0x0] =	wrdreg $0xFFFFFFFF;
	(pc) =	sbr.abs _section_cstart, $3  }
0xc6: {  	[dreg:$0x1] =	wrdreg $0xFFFFFFFF  }
0xc7: {  	_ =	task.clear_ibuf [dreg:s10], $0x2FFFF;
	_ =	strace $0x9FFFFFFF  }
0xc8: {  	(tm) =	ssettm $0x7FFFFFFF  }
0xc9: {  	_ =	shalt  }
tec
execute0_lowered:
.L_overlay_start_1:
0x0: {  	(tag) =	ssettag $0x1  }
0x1: {  	v0 =	vimm.s32 $0x38F;
	vm14 =	vcmask $0x300  }
0x2: {  	vm13 =	vcmask $0x704;
	vm12 =	vcmask $0xB08;
	vm11 =	vcmask $0xF0C  }
0x3: {  	vm10 =	vcmask $0x1310;
	vm9 =	vcmask $0x1714;
	vm8 =	vcmask $0x1B18  }
0x4: {  	vm7 =	vcmask $0x1F1C;
	vm6 =	vcmask $0x2320;
	vm5 =	vcmask $0x2724  }
0x5: {  	vm4 =	vcmask $0x2B28;
	vm3 =	vcmask $0x2F2C;
	vm2 =	vcmask $0x3330  }
0x6: {  	vm1 =	vcmask $0x3734;
	vm0 =	vcmask $0x3B38;
	v2 =	vimm.s32 $0x78F  }
0x7: {  	v3 =	vimm.s32 $0xB8F;
	v4 =	vimm.s32 $0xF8F;
	v0 =	vsel vm14, $0x0, v0  }
0x8: {  	v2 =	vsel vm14, $0x400, v2;
	v3 =	vsel vm14, $0x800, v3;
	v4 =	vsel vm14, $0xC00, v4  }
0x9: {  	v0 =	vsel vm13, $0x81, v0;
	v2 =	vsel vm13, $0x481, v2;
	v3 =	vsel vm13, $0x881, v3  }
0xa: {  	v4 =	vsel vm13, $0xC81, v4;
	v0 =	vsel vm12, $0x102, v0;
	v2 =	vsel vm12, $0x502, v2  }
0xb: {  	s0 =	rddreg [dreg:$0x0];
	v3 =	vsel vm12, $0x902, v3;
	v4 =	vsel vm12, $0xD02, v4;
	v0 =	vsel vm11, $0x183, v0  }
0xc: {  	s1 =	rddreg [dreg:$0x1];
	v2 =	vsel vm11, $0x583, v2;
	v3 =	vsel vm11, $0x983, v3;
	v4 =	vsel vm11, $0xD83, v4  }
0xd: {  	s2 =	rddreg [dreg:$0x2];
	v0 =	vsel vm10, $0x204, v0;
	v2 =	vsel vm10, $0x604, v2;
	v3 =	vsel vm10, $0xA04, v3  }
0xe: {  	s3 =	rddreg [dreg:$0x3];
	v4 =	vsel vm10, $0xE04, v4;
	v0 =	vsel vm9, $0x285, v0;
	v2 =	vsel vm9, $0x685, v2  }
0xf: {  	s4 =	rddreg [dreg:$0x4];
	v3 =	vsel vm9, $0xA85, v3;
	v4 =	vsel vm9, $0xE85, v4;
	v0 =	vsel vm8, $0x306, v0  }
0x10: {  	s5 =	simm.s32 $0x0;
	s23 =	srdreg.scid;
	s7 =	stileid.u32;
	v2 =	vsel vm8, $0x706, v2;
	v3 =	vsel vm8, $0xB06, v3;
	v4 =	vsel vm8, $0xF06, v4  }
0x11: {  	s10 =	simm.s32 $0x40;
	s11 =	simm.s32 $0x200;
	[smem:$0x7FF] =	sst s5;
	v0 =	vsel vm7, $0x387, v0;
	v2 =	vsel vm7, $0x787, v2;
	v3 =	vsel vm7, $0xB87, v3  }
0x12: {  	s9 =	sadd.s32 $0x187400, s3;
	s7 =	sshll.u32 s7, $0xA;
	s8 =	sadd.s32 $0x800, s3;
	v4 =	vsel vm7, $0xF87, v4;
	v0 =	vsel vm6, $0x8, v0;
	v2 =	vsel vm6, $0x408, v2  }
0x13: {  	s5 =	sand.u32 $0x1, s23;
	s3 =	sadd.s32 $0xC00, s3;
	_ =	strace $0x80000047;
	v3 =	vsel vm6, $0x808, v3;
	v4 =	vsel vm6, $0xC08, v4;
	v0 =	vsel vm5, $0x89, v0  }
0x14: {  	s6 =	ssub.s32 $0x2, s5;
	s5 =	sshll.u32 s5, $0x9;
	[smem:$0x7F6] =	sst s8;
	v2 =	vsel vm5, $0x489, v2;
	v3 =	vsel vm5, $0x889, v3;
	v4 =	vsel vm5, $0xC89, v4  }
0x15: {  	s18 =	simm.s32 $0x19200;
	[smem:$0x7F7] =	sst s3;
	s5 =	sor.u32 s5, s7;
	v0 =	vsel vm4, $0x10A, v0;
	v2 =	vsel vm4, $0x50A, v2;
	v3 =	vsel vm4, $0x90A, v3  }
0x16: {  	[smem:$0x7FD] =	sst s9;
	s24 =	sshrl.u32 s6, $0x1;
	s28 =	sadd.s32 s2, s5;
	v4 =	vsel vm4, $0xD0A, v4;
	v0 =	vsel vm3, $0x18B, v0;
	v2 =	vsel vm3, $0x58B, v2  }
0x17: {  	s25 =	ssub.s32 s6, s24;
	s29 =	sadd.s32 s1, s5;
	[smem:$0x7F9] =	sst s28;
	v3 =	vsel vm3, $0x98B, v3;
	v4 =	vsel vm3, $0xD8B, v4;
	v0 =	vsel vm2, $0x20C, v0  }
0x18: {  	s26 =	sshrl.u32 s5, $0x3;
	s30 =	sadd.s32 s4, s5;
	[smem:$0x7FA] =	sst s29;
	v2 =	vsel vm2, $0x60C, v2;
	v3 =	vsel vm2, $0xA0C, v3;
	v4 =	vsel vm2, $0xE0C, v4  }
0x19: {  	s2 =	simm.s32 $0x2;
	s0 =	sadd.s32 s0, s26;
	[smem:$0x7FB] =	sst s30;
	v1 =	vsel vm1, $0x28D, v0;
	v0 =	vlaneseq.u32;
	v2 =	vsel vm1, $0x68D, v2  }
0x1a: {  	s4 =	simm.s32 $0x1000;
	s31 =	smax.u32 s25, $0x1;
	[smem:$0x7F8] =	sst s0;
	v3 =	vsel vm1, $0xA8D, v3;
	v4 =	vsel vm1, $0xE8D, v4;
	v1 =	vsel vm0, $0x30E, v1  }
0x1b: {  	s5 =	simm.s32 $0x20000;
	s1 =	simm.s32 $0x0;
	[smem:$0x7FC] =	sst s31;
	v2 =	vsel vm0, $0x70E, v2;
	v3 =	vsel vm0, $0xB0E, v3;
	v4 =	vsel vm0, $0xF0E, v4  }
.LBB2_1:
0x1c: {  	s8 =	sld [smem:$0x7F8];
	_ =	sdelay $0x1  }
0x1d: {  	[smem:$0x7E9] =	sst s1;
	s0 =	simm.s32 $0x0  }
0x1e: {  	[tilespmem:s0], [sflag:$0x2] =	stream.linear.gather [hbm4b:s8+s0], $0x200, $0x38;
	[tilespmem:$0x1A800] =	vst v63  }
0x1f: {  	_ =	swait.ge [sflag:s2], $0x200  }
0x20: {  	[sflag:s2] =	ssyncset.done $0x0  }
0x21: {  	[sflag:s2] =	ssyncadd.s32 $0xFFFFFE00  }
0x22: {  	[tilespmem:s11], [sflag:$0x1] =	stream.indirect.gather [hbm4b:s9+s10], $0x80, s0, s10, $0xb8;
	[tilespmem:$0x1A800] =	vst v63  }
0x23: {  	s10 =	sld [smem:$0x7F9];
	_ =	sdelay $0x1  }
0x24: {  	s3 =	simm.s32 $0x18200  }
0x25: {  	[tilespmem:s3], [sflag:$0x2] =	stream.linear.gather [hbm4b:s10+s0], $0x1000, $0x38;
	[tilespmem:$0x1A800] =	vst v63  }
0x26: {  	_ =	swait.ge [sflag:s2], $0x1000  }
0x27: {  	s11 =	sld [smem:$0x7FA]  }
0x28: {  	[sflag:s2] =	ssyncset.done $0x0  }
0x29: {  	s12 =	simm.s32 $0x15200;
	[sflag:s2] =	ssyncadd.s32 $0xFFFFF000  }
0x2a: {  	[tilespmem:s12], [sflag:$0x2] =	stream.strided.gather [hbm4b:s11+s4], $0x3000, s5, s4, $0x38;
	[tilespmem:$0x1A800] =	vst v63  }
0x2b: {  	_ =	swait.ge [sflag:s2], $0x3000  }
0x2c: {  	s13 =	sld [smem:$0x7F6]  }
0x2d: {  	[sflag:s2] =	ssyncset.done $0x0  }
0x2e: {  	[sflag:s2] =	ssyncadd.s32 $0xFFFFD000  }
0x2f: {  	[tilespmem:s18], [sflag:$0x2] =	stream.linear.gather [hbm4b:s13+s0], $0x1580, $0x38;
	[tilespmem:$0x1A800] =	vst v63  }
0x30: {  	_ =	swait.ge [sflag:s2], $0x1580  }
0x31: {  	s14 =	sld [smem:$0x7F7]  }
0x32: {  	[sflag:s2] =	ssyncset.done $0x0  }
0x33: {  	s15 =	simm.s32 $0x1A780;
	[sflag:s2] =	ssyncadd.s32 $0xFFFFEA80  }
0x34: {  	[tilespmem:s15], [sflag:$0x2] =	stream.linear.gather [hbm4b:s14+s0], $0x80, $0x38;
	[tilespmem:$0x1A800] =	vst v63  }
0x35: {  	s7 =	sand.u32 $0xC00, s0;
	s9 =	sand.u32 $0x60, s0;
	_ =	swait.ge [sflag:s2], $0x80  }
0x36: {  	s16 =	sor.u32 $0x18200, s7;
	s6 =	sor.u32 $0x10, s9;
	[sflag:s2] =	ssyncset.done $0x0  }
0x37: {  	s4 =	sor.u32 s6, s16;
	[sflag:s2] =	ssyncadd.s32 $0xFFFFFF80  }
0x38: {  	v5 =	vld [tilespmem:s4+$0x0];
	_ =	sdelay $0x4  }
0x39: {  	v5 =	vmul.u32 $0x9, v5;
	_ =	sdelay $0x5  }
0x3a: {  	v6 =	vld.idx.msk [tilespmem:v5+s18+$0x0], $0xffff  }
0x3b: {  	s3 =	sor.u32 s9, s16;
	v7 =	vadd.s32 $0x1, v5  }
0x3c: {  	v8 =	vld [tilespmem:s3+$0x0]  }
0x3d: {  	s17 =	sadd.s32 $0xE500, s7  }
0x3e: {  	s19 =	sor.u32 s6, s17  }
0x3f: {  	[tilespmem:s19+$0x0] =	vst v6  }
0x40: {  	v6 =	vld.idx.msk [tilespmem:v7+s18+$0x0], $0xffff  }
0x41: {  	v7 =	vmul.u32 $0x9, v8;
	v8 =	vadd.s32 $0x2, v5;
	_ =	sdelay $0x1  }
0x42: {  	s20 =	sadd.s32 $0xE580, s7  }
0x43: {  	s21 =	sor.u32 s6, s20  }
0x44: {  	[tilespmem:s21+$0x0] =	vst v6  }
0x45: {  	v6 =	vld.idx.msk [tilespmem:v8+s18+$0x0], $0xffff  }
0x46: {  	v9 =	vadd.s32 $0x3, v5;
	v8 =	vld.idx.msk [tilespmem:v7+s18+$0x0], $0xffff  }
0x47: {  	v10 =	vadd.s32 $0x1, v7  }
0x48: {  	s22 =	sor.u32 $0xF200, s7  }
0x49: {  	s8 =	sor.u32 s6, s22  }
0x4a: {  	s1 =	sor.u32 s9, s17;
	[tilespmem:s8+$0x0] =	vst v6  }
0x4b: {  	[tilespmem:s1+$0x0] =	vst v8;
	v6 =	vld.idx.msk [tilespmem:v9+s18+$0x0], $0xffff  }
0x4c: {  	v8 =	vld.idx.msk [tilespmem:v10+s18+$0x0], $0xffff;
	v9 =	vadd.s32 $0x4, v5  }
0x4d: {  	v10 =	vadd.s32 $0x2, v7  }
0x4e: {  	s23 =	sor.u32 $0xF280, s7  }
0x4f: {  	s24 =	sor.u32 s6, s23  }
0x50: {  	s2 =	sor.u32 s9, s20;
	[tilespmem:s24+$0x0] =	vst v6  }
0x51: {  	[tilespmem:s2+$0x0] =	vst v8;
	v6 =	vld.idx.msk [tilespmem:v9+s18+$0x0], $0xffff  }
0x52: {  	v8 =	vld.idx.msk [tilespmem:v10+s18+$0x0], $0xffff;
	v9 =	vadd.s32 $0x5, v5  }
0x53: {  	v10 =	vadd.s32 $0x3, v7  }
0x54: {  	s25 =	sor.u32 $0xF300, s7  }
0x55: {  	s26 =	sor.u32 s6, s25  }
0x56: {  	s5 =	sor.u32 s9, s22;
	[tilespmem:s26+$0x0] =	vst v6  }
0x57: {  	[tilespmem:s5+$0x0] =	vst v8;
	v6 =	vld.idx.msk [tilespmem:v9+s18+$0x0], $0xffff  }
0x58: {  	v8 =	vld.idx.msk [tilespmem:v10+s18+$0x0], $0xffff;
	v9 =	vadd.s32 $0x6, v5  }
0x59: {  	v10 =	vadd.s32 $0x4, v7  }
0x5a: {  	s0 =	sor.u32 $0xF380, s7  }
0x5b: {  	s10 =	sor.u32 s6, s0  }
0x5c: {  	s1 =	sor.u32 s9, s23;
	[tilespmem:s10+$0x0] =	vst v6  }
0x5d: {  	[tilespmem:s1+$0x0] =	vst v8;
	v6 =	vld.idx.msk [tilespmem:v9+s18+$0x0], $0xffff  }
0x5e: {  	v5 =	vadd.s32 $0x7, v5;
	v8 =	vld.idx.msk [tilespmem:v10+s18+$0x0], $0xffff  }
0x5f: {  	v9 =	vadd.s32 $0x5, v7  }
0x60: {  	s11 =	sadd.s32 $0xF400, s7  }
0x61: {  	s12 =	sor.u32 s6, s11  }
0x62: {  	s2 =	sor.u32 s9, s25;
	[tilespmem:s12+$0x0] =	vst v6  }
0x63: {  	[tilespmem:s2+$0x0] =	vst v8;
	v5 =	vld.idx.msk [tilespmem:v5+s18+$0x0], $0xffff  }
0x64: {  	v6 =	vld.idx.msk [tilespmem:v9+s18+$0x0], $0xffff  }
0x65: {  	v8 =	vadd.s32 $0x6, v7  }
0x66: {  	s13 =	sadd.s32 $0xF480, s7  }
0x67: {  	s14 =	sor.u32 s6, s13  }
0x68: {  	s5 =	sor.u32 s9, s0;
	[tilespmem:s14+$0x0] =	vst v5  }
0x69: {  	[tilespmem:s5+$0x0] =	vst v6;
	v5 =	vld [tilespmem:s4+$0x80]  }
0x6a: {  	v6 =	vld.idx.msk [tilespmem:v8+s18+$0x0], $0xffff  }
0x6b: {  	v7 =	vadd.s32 $0x7, v7;
	_ =	sdelay $0x2  }
0x6c: {  	s1 =	sor.u32 s9, s11;
	v5 =	vmul.u32 $0x9, v5  }
0x6d: {  	[tilespmem:s1+$0x0] =	vst v6  }
0x6e: {  	v6 =	vld.idx.msk [tilespmem:v7+s18+$0x0], $0xffff;
	v7 =	vadd.s32 $0x38D, v5;
	_ =	sdelay $0x3  }
0x6f: {  	s15 =	sor.u32 s9, s13  }
0x70: {  	[tilespmem:s15+$0x0] =	vst v6;
	v6 =	vld.idx.msk [tilespmem:v7+s18+$0x0], $0xffff  }
0x71: {  	v8 =	vadd.s32 $0x38E, v5;
	v7 =	vld [tilespmem:s3+$0x80];
	_ =	sdelay $0x1  }
0x72: {  	s16 =	sadd.s32 $0xF500, s7  }
0x73: {  	s17 =	sor.u32 s6, s16  }
0x74: {  	[tilespmem:s17+$0x0] =	vst v6  }
0x75: {  	v6 =	vmul.u32 $0x9, v7;
	v7 =	vld.idx.msk [tilespmem:v8+s18+$0x0], $0xffff  }
0x76: {  	v8 =	vadd.s32 $0x38F, v5  }
0x77: {  	v9 =	vadd.s32 $0x38D, v6  }
0x78: {  	s19 =	sadd.s32 $0xF580, s7  }
0x79: {  	s20 =	sor.u32 s6, s19  }
0x7a: {  	[tilespmem:s20+$0x0] =	vst v7  }
0x7b: {  	v7 =	vld.idx.msk [tilespmem:v8+s18+$0x0], $0xffff  }
0x7c: {  	v8 =	vld.idx.msk [tilespmem:v9+s18+$0x0], $0xffff;
	v9 =	vadd.s32 $0x390, v5  }
0x7d: {  	v10 =	vadd.s32 $0x38E, v6  }
0x7e: {  	s21 =	sor.u32 $0x10200, s7  }
0x7f: {  	s22 =	sor.u32 s6, s21  }
0x80: {  	s1 =	sor.u32 s9, s16;
	[tilespmem:s22+$0x0] =	vst v7  }
0x81: {  	[tilespmem:s1+$0x0] =	vst v8;
	v7 =	vld.idx.msk [tilespmem:v9+s18+$0x0], $0xffff  }
0x82: {  	s23 =	simm.s32 $0x100;
	s24 =	simm.s32 $0x20;
	v8 =	vld.idx.msk [tilespmem:v10+s18+$0x0], $0xffff;
	v9 =	vadd.s32 $0x391, v5  }
0x83: {  	s8 =	sand.u32 $0xC00, s23;
	s0 =	smov.u32 s9;
	s10 =	sand.u32 $0x60, s24;
	v10 =	vadd.s32 $0x38F, v6  }
0x84: {  	s12 =	sor.u32 $0x10280, s7;
	s9 =	sor.u32 $0x10, s10;
	s1 =	sor.u32 $0x18200, s8  }
0x85: {  	s13 =	sor.u32 s6, s12;
	s5 =	sor.u32 s9, s1  }
0x86: {  	s2 =	sor.u32 s0, s19;
	v11 =	vld [tilespmem:s5+$0x0];
	[tilespmem:s13+$0x0] =	vst v7  }
0x87: {  	[tilespmem:s2+$0x0] =	vst v8;
	v7 =	vld.idx.msk [tilespmem:v9+s18+$0x0], $0xffff  }
0x88: {  	v8 =	vld.idx.msk [tilespmem:v10+s18+$0x0], $0xffff;
	v9 =	vadd.s32 $0x392, v5  }
0x89: {  	v10 =	vadd.s32 $0x390, v6  }
0x8a: {  	s25 =	sor.u32 $0x10300, s7  }
0x8b: {  	s26 =	sor.u32 s6, s25  }
0x8c: {  	s11 =	sor.u32 s0, s21;
	v11 =	vmul.u32 $0x9, v11;
	[tilespmem:s26+$0x0] =	vst v7  }
0x8d: {  	[tilespmem:s11+$0x0] =	vst v8;
	v7 =	vld.idx.msk [tilespmem:v9+s18+$0x0], $0xffff  }
0x8e: {  	s28 =	sor.u32 s10, s1;
	v8 =	vld.idx.msk [tilespmem:v10+s18+$0x0], $0xffff;
	v9 =	vadd.s32 $0x393, v5  }
0x8f: {  	v10 =	vld [tilespmem:s28+$0x0]  }
0x90: {  	v12 =	vadd.s32 $0x391, v6;
	s1 =	sor.u32 $0x10380, s7  }
0x91: {  	s16 =	sor.u32 s6, s1  }
0x92: {  	v13 =	vld.idx.msk [tilespmem:v11+s18+$0x0], $0xffff;
	[tilespmem:s16+$0x0] =	vst v7  }
0x93: {  	s12 =	sor.u32 s0, s12;
	v7 =	vadd.s32 $0x1, v11;
	v9 =	vld.idx.msk [tilespmem:v9+s18+$0x0], $0xffff  }
0x94: {  	v5 =	vadd.s32 $0x394, v5;
	[tilespmem:s12+$0x0] =	vst v8;
	v8 =	vmul.u32 $0x9, v10  }
0x95: {  	s17 =	sadd.s32 $0xE500, s8;
	v10 =	vld.idx.msk [tilespmem:v12+s18+$0x0], $0xffff  }
0x96: {  	s19 =	sor.u32 s9, s17;
	s20 =	sadd.s32 $0x10400, s7;
	v12 =	vadd.s32 $0x392, v6  }
0x97: {  	s14 =	sor.u32 s6, s20;
	[tilespmem:s19+$0x0] =	vst v13  }
0x98: {  	v7 =	vld.idx.msk [tilespmem:v7+s18+$0x0], $0xffff;
	[tilespmem:s14+$0x0] =	vst v9  }
0x99: {  	s2 =	sor.u32 s0, s25;
	v9 =	vadd.s32 $0x2, v11;
	v5 =	vld.idx.msk [tilespmem:v5+s18+$0x0], $0xffff  }
0x9a: {  	[tilespmem:s2+$0x0] =	vst v10;
	v10 =	vld.idx.msk [tilespmem:v8+s18+$0x0], $0xffff  }
0x9b: {  	s21 =	sadd.s32 $0xE580, s8;
	v13 =	vadd.s32 $0x1, v8;
	v12 =	vld.idx.msk [tilespmem:v12+s18+$0x0], $0xffff  }
0x9c: {  	s23 =	sadd.s32 $0x10480, s7;
	v14 =	vadd.s32 $0x393, v6;
	s22 =	sor.u32 s9, s21  }
0x9d: {  	s15 =	sor.u32 s6, s23;
	[tilespmem:s22+$0x0] =	vst v7  }
0x9e: {  	s12 =	sor.u32 s10, s17;
	v7 =	vld.idx.msk [tilespmem:v9+s18+$0x0], $0xffff;
	[tilespmem:s15+$0x0] =	vst v5  }
0x9f: {  	s11 =	sor.u32 s0, s1;
	[tilespmem:s12+$0x0] =	vst v10;
	v5 =	vadd.s32 $0x3, v11;
	v9 =	vld [tilespmem:s4+$0x100]  }
0xa0: {  	v10 =	vld.idx.msk [tilespmem:v13+s18+$0x0], $0xffff;
	[tilespmem:s11+$0x0] =	vst v12  }
0xa1: {  	s24 =	sor.u32 $0xF200, s8;
	v12 =	vadd.s32 $0x2, v8;
	v13 =	vld.idx.msk [tilespmem:v14+s18+$0x0], $0xffff  }
0xa2: {  	s25 =	sor.u32 s9, s24;
	v6 =	vadd.s32 $0x394, v6  }
0xa3: {  	[tilespmem:s25+$0x0] =	vst v7  }
0xa4: {  	s2 =	sor.u32 s10, s21;
	v5 =	vld.idx.msk [tilespmem:v5+s18+$0x0], $0xffff;
	v7 =	vmul.u32 $0x9, v9  }
0xa5: {  	s26 =	sor.u32 s0, s20;
	[tilespmem:s2+$0x0] =	vst v10;
	v9 =	vadd.s32 $0x4, v11  }
0xa6: {  	v10 =	vld.idx.msk [tilespmem:v12+s18+$0x0], $0xffff;
	[tilespmem:s26+$0x0] =	vst v13;
	v12 =	vadd.s32 $0x71A, v7  }
0xa7: {  	s1 =	sor.u32 $0xF280, s8;
	v13 =	vadd.s32 $0x3, v8;
	v6 =	vld.idx.msk [tilespmem:v6+s18+$0x0], $0xffff  }
0xa8: {  	s13 =	sor.u32 s9, s1  }
0xa9: {  	[tilespmem:s13+$0x0] =	vst v5  }
0xaa: {  	s11 =	sor.u32 s10, s24;
	v5 =	vld.idx.msk [tilespmem:v9+s18+$0x0], $0xffff  }
0xab: {  	s15 =	sor.u32 s0, s23;
	v9 =	vadd.s32 $0x5, v11;
	[tilespmem:s11+$0x0] =	vst v10;
	v10 =	vld.idx.msk [tilespmem:v12+s18+$0x0], $0xffff  }
0xac: {  	[tilespmem:s15+$0x0] =	vst v6;
	v6 =	vadd.s32 $0x71B, v7;
	v12 =	vld.idx.msk [tilespmem:v13+s18+$0x0], $0xffff  }
0xad: {  	s16 =	sor.u32 $0xF300, s8;
	v13 =	vadd.s32 $0x4, v8;
	v14 =	vld [tilespmem:s3+$0x100]  }
0xae: {  	s19 =	sadd.s32 $0x10500, s7;
	s17 =	sor.u32 s9, s16  }
0xaf: {  	s20 =	sor.u32 s6, s19;
	[tilespmem:s17+$0x0] =	vst v5  }
0xb0: {  	s2 =	sor.u32 s10, s1;
	v5 =	vld.idx.msk [tilespmem:v9+s18+$0x0], $0xffff;
	[tilespmem:s20+$0x0] =	vst v10  }
0xb1: {  	v9 =	vadd.s32 $0x6, v11;
	[tilespmem:s2+$0x0] =	vst v12;
	v6 =	vld.idx.msk [tilespmem:v6+s18+$0x0], $0xffff  }
0xb2: {  	v12 =	vmul.u32 $0x9, v14;
	v10 =	vld.idx.msk [tilespmem:v13+s18+$0x0], $0xffff;
	v13 =	vadd.s32 $0x71C, v7  }
0xb3: {  	s21 =	sor.u32 $0xF380, s8;
	v14 =	vadd.s32 $0x5, v8  }
0xb4: {  	s22 =	sor.u32 s9, s21;
	s23 =	sadd.s32 $0x10580, s7;
	v15 =	vadd.s32 $0x71A, v12  }
0xb5: {  	s24 =	sor.u32 s6, s23;
	[tilespmem:s22+$0x0] =	vst v5  }
0xb6: {  	s11 =	sor.u32 s10, s16;
	v5 =	vld.idx.msk [tilespmem:v9+s18+$0x0], $0xffff;
	[tilespmem:s24+$0x0] =	vst v6  }
0xb7: {  	v6 =	vadd.s32 $0x7, v11;
	[tilespmem:s11+$0x0] =	vst v10;
	v9 =	vld.idx.msk [tilespmem:v13+s18+$0x0], $0xffff  }
0xb8: {  	v11 =	vadd.s32 $0x71D, v7;
	v10 =	vld.idx.msk [tilespmem:v14+s18+$0x0], $0xffff  }
0xb9: {  	s25 =	sadd.s32 $0xF400, s8;
	v13 =	vadd.s32 $0x6, v8;
	v14 =	vld.idx.msk [tilespmem:v15+s18+$0x0], $0xffff  }
0xba: {  	s1 =	sor.u32 $0x11200, s7;
	s26 =	sor.u32 s9, s25;
	v15 =	vadd.s32 $0x71B, v12  }
0xbb: {  	s16 =	sor.u32 s6, s1;
	[tilespmem:s26+$0x0] =	vst v5  }
0xbc: {  	s2 =	sor.u32 s10, s21;
	v5 =	vld.idx.msk [tilespmem:v6+s18+$0x0], $0xffff;
	[tilespmem:s16+$0x0] =	vst v9  }
0xbd: {  	s17 =	sor.u32 s0, s19;
	[tilespmem:s2+$0x0] =	vst v10;
	v6 =	vld.idx.msk [tilespmem:v11+s18+$0x0], $0xffff  }
0xbe: {  	[tilespmem:s17+$0x0] =	vst v14;
	v10 =	vadd.s32 $0x71E, v7;
	v9 =	vld.idx.msk [tilespmem:v13+s18+$0x0], $0xffff  }
0xbf: {  	s19 =	sadd.s32 $0xF480, s8;
	v8 =	vadd.s32 $0x7, v8;
	v11 =	vld.idx.msk [tilespmem:v15+s18+$0x0], $0xffff  }
0xc0: {  	s20 =	sor.u32 s9, s19;
	s21 =	sor.u32 $0x11280, s7;
	v13 =	vadd.s32 $0x71C, v12  }
0xc1: {  	s22 =	sor.u32 s6, s21;
	[tilespmem:s20+$0x0] =	vst v5  }
0xc2: {  	s11 =	sor.u32 s10, s25;
	v5 =	vld [tilespmem:s5+$0x80];
	[tilespmem:s22+$0x0] =	vst v6  }
0xc3: {  	s23 =	sor.u32 s0, s23;
	[tilespmem:s11+$0x0] =	vst v9;
	v6 =	vld.idx.msk [tilespmem:v10+s18+$0x0], $0xffff  }
0xc4: {  	[tilespmem:s23+$0x0] =	vst v11;
	v9 =	vadd.s32 $0x71F, v7;
	v8 =	vld.idx.msk [tilespmem:v8+s18+$0x0], $0xffff  }
0xc5: {  	v11 =	vld.idx.msk [tilespmem:v13+s18+$0x0], $0xffff  }
0xc6: {  	s24 =	sor.u32 $0x11300, s7;
	v13 =	vadd.s32 $0x71D, v12  }
0xc7: {  	s25 =	sor.u32 s6, s24;
	v10 =	vmul.u32 $0x9, v5  }
0xc8: {  	s2 =	sor.u32 s10, s19;
	[tilespmem:s25+$0x0] =	vst v6  }
0xc9: {  	s26 =	sor.u32 s0, s1;
	v5 =	vadd.s32 $0x38D, v10;
	[tilespmem:s2+$0x0] =	vst v8;
	v6 =	vld.idx.msk [tilespmem:v9+s18+$0x0], $0xffff  }
0xca: {  	[tilespmem:s26+$0x0] =	vst v11;
	v11 =	vadd.s32 $0x720, v7;
	v8 =	vld [tilespmem:s28+$0x80]  }
0xcb: {  	v13 =	vld.idx.msk [tilespmem:v13+s18+$0x0], $0xffff  }
0xcc: {  	s1 =	sor.u32 $0x11380, s7;
	v14 =	vadd.s32 $0x71E, v12  }
0xcd: {  	s15 =	sor.u32 s6, s1  }
0xce: {  	v5 =	vld.idx.msk [tilespmem:v5+s18+$0x0], $0xffff;
	[tilespmem:s15+$0x0] =	vst v6  }
0xcf: {  	s16 =	sor.u32 s0, s21;
	v15 =	vadd.s32 $0x38E, v10;
	v9 =	vmul.u32 $0x9, v8;
	v6 =	vld.idx.msk [tilespmem:v11+s18+$0x0], $0xffff  }
0xd0: {  	v7 =	vadd.s32 $0x721, v7;
	[tilespmem:s16+$0x0] =	vst v13  }
0xd1: {  	s17 =	sadd.s32 $0xF500, s8;
	v11 =	vld.idx.msk [tilespmem:v14+s18+$0x0], $0xffff;
	v8 =	vadd.s32 $0x38D, v9  }
0xd2: {  	s19 =	sor.u32 s9, s17;
	s20 =	sadd.s32 $0x11400, s7;
	v13 =	vadd.s32 $0x71F, v12  }
0xd3: {  	s21 =	sor.u32 s6, s20;
	[tilespmem:s19+$0x0] =	vst v5  }
0xd4: {  	v5 =	vld.idx.msk [tilespmem:v15+s18+$0x0], $0xffff;
	[tilespmem:s21+$0x0] =	vst v6  }
0xd5: {  	s11 =	sor.u32 s0, s24;
	v14 =	vadd.s32 $0x38F, v10;
	v6 =	vld.idx.msk [tilespmem:v7+s18+$0x0], $0xffff  }
0xd6: {  	[tilespmem:s11+$0x0] =	vst v11;
	v7 =	vld.idx.msk [tilespmem:v8+s18+$0x0], $0xffff  }
0xd7: {  	s22 =	sadd.s32 $0xF580, s8;
	v8 =	vadd.s32 $0x38E, v9;
	v11 =	vld.idx.msk [tilespmem:v13+s18+$0x0], $0xffff  }
0xd8: {  	s24 =	sadd.s32 $0x11480, s7;
	s23 =	sor.u32 s9, s22;
	v13 =	vadd.s32 $0x720, v12  }
0xd9: {  	s26 =	sor.u32 s6, s24;
	[tilespmem:s23+$0x0] =	vst v5  }
0xda: {  	s12 =	sor.u32 s10, s17;
	v5 =	vld.idx.msk [tilespmem:v14+s18+$0x0], $0xffff;
	[tilespmem:s26+$0x0] =	vst v6  }
0xdb: {  	s2 =	sor.u32 s0, s1;
	v14 =	vadd.s32 $0x390, v10;
	[tilespmem:s12+$0x0] =	vst v7;
	v6 =	vld [tilespmem:s4+$0x180]  }
0xdc: {  	[tilespmem:s2+$0x0] =	vst v11;
	v7 =	vld.idx.msk [tilespmem:v8+s18+$0x0], $0xffff  }
0xdd: {  	s1 =	sor.u32 $0x10200, s8;
	v11 =	vadd.s32 $0x38F, v9;
	v13 =	vld.idx.msk [tilespmem:v13+s18+$0x0], $0xffff  }
0xde: {  	s14 =	sor.u32 s9, s1;
	v12 =	vadd.s32 $0x721, v12  }
0xdf: {  	[tilespmem:s14+$0x0] =	vst v5  }
0xe0: {  	s17 =	simm.s32 $0x200;
	s16 =	sor.u32 s10, s22;
	s19 =	simm.s32 $0x40;
	v5 =	vld.idx.msk [tilespmem:v14+s18+$0x0], $0xffff  }
0xe1: {  	s13 =	sor.u32 s0, s20;
	s14 =	sand.u32 $0xC00, s17;
	v8 =	vmul.u32 $0x9, v6;
	v6 =	vadd.s32 $0x391, v10;
	[tilespmem:s16+$0x0] =	vst v7;
	s16 =	sand.u32 $0x60, s19  }
0xe2: {  	s11 =	sor.u32 $0x18200, s14;
	[tilespmem:s13+$0x0] =	vst v13;
	v7 =	vld.idx.msk [tilespmem:v11+s18+$0x0], $0xffff;
	s25 =	sor.u32 $0x10, s16  }
0xe3: {  	s20 =	sor.u32 $0x10280, s8;
	v12 =	vld.idx.msk [tilespmem:v12+s18+$0x0], $0xffff;
	v11 =	vadd.s32 $0xAA7, v8;
	s31 =	sor.u32 s25, s11  }
0xe4: {  	s21 =	sor.u32 s9, s20;
	v14 =	vld [tilespmem:s31+$0x0];
	[dreg:$0x7] =	wrdreg s31  }
0xe5: {  	v13 =	vadd.s32 $0x390, v9;
	s2 =	smov.u32 s16;
	[tilespmem:s21+$0x0] =	vst v5  }
0xe6: {  	s30 =	sor.u32 s2, s11;
	v5 =	vld.idx.msk [tilespmem:v6+s18+$0x0], $0xffff  }
0xe7: {  	s22 =	sor.u32 s10, s1;
	v6 =	vld [tilespmem:s30+$0x0];
	[dreg:$0x6] =	wrdreg s30  }
0xe8: {  	v15 =	vadd.s32 $0x392, v10;
	s23 =	sor.u32 s0, s24;
	[tilespmem:s22+$0x0] =	vst v7;
	v11 =	vld.idx.msk [tilespmem:v11+s18+$0x0], $0xffff  }
0xe9: {  	[tilespmem:s23+$0x0] =	vst v12;
	v12 =	vadd.s32 $0xAA8, v8  }
0xea: {  	s29 =	smov.u32 s3;
	s24 =	sor.u32 $0x10300, s8;
	v13 =	vld.idx.msk [tilespmem:v13+s18+$0x0], $0xffff  }
0xeb: {  	s1 =	sor.u32 s9, s24;
	v17 =	vld [tilespmem:s3+$0x180];
	[smem:$0x7EB] =	sst s3;
	s3 =	sadd.s32 $0x11500, s7  }
0xec: {  	s17 =	sor.u32 s6, s3;
	[tilespmem:s1+$0x0] =	vst v5  }
0xed: {  	v7 =	vmul.u32 $0x9, v14;
	v14 =	vld.idx.msk [tilespmem:v15+s18+$0x0], $0xffff;
	[tilespmem:s17+$0x0] =	vst v11  }
0xee: {  	v11 =	vld.idx.msk [tilespmem:v12+s18+$0x0], $0xffff;
	v12 =	vadd.s32 $0x393, v10;
	_ =	sdelay $0x1  }
0xef: {  	s19 =	sor.u32 $0x10380, s8  }
0xf0: {  	s13 =	sor.u32 s10, s20;
	s20 =	sor.u32 s9, s19  }
0xf1: {  	[tilespmem:s20+$0x0] =	vst v14  }
0xf2: {  	v12 =	vld.idx.msk [tilespmem:v12+s18+$0x0], $0xffff  }
0xf3: {  	v10 =	vadd.s32 $0x394, v10  }
0xf4: {  	v16 =	vadd.s32 $0x391, v9  }
0xf5: {  	s16 =	sadd.s32 $0x10400, s8  }
0xf6: {  	s11 =	sor.u32 s10, s24;
	s24 =	sor.u32 s9, s16  }
0xf7: {  	[tilespmem:s24+$0x0] =	vst v12  }
0xf8: {  	[tilespmem:s13+$0x0] =	vst v13;
	v10 =	vld.idx.msk [tilespmem:v10+s18+$0x0], $0xffff  }
0xf9: {  	v13 =	vld.idx.msk [tilespmem:v16+s18+$0x0], $0xffff  }
0xfa: {  	s12 =	sadd.s32 $0x11580, s7;
	v16 =	vadd.s32 $0x392, v9  }
0xfb: {  	s21 =	sor.u32 s6, s12;
	s20 =	sadd.s32 $0x10480, s8  }
0xfc: {  	[tilespmem:s21+$0x0] =	vst v11;
	s21 =	sor.u32 s9, s20  }
0xfd: {  	v5 =	vmul.u32 $0x9, v17;
	[tilespmem:s21+$0x0] =	vst v10  }
0xfe: {  	v15 =	vadd.s32 $0xAA9, v8;
	[tilespmem:s11+$0x0] =	vst v13;
	v10 =	vld [tilespmem:s5+$0x100]  }
0xff: {  	v18 =	vadd.s32 $0xAA7, v5;
	v13 =	vld.idx.msk [tilespmem:v16+s18+$0x0], $0xffff  }
0x100: {  	v16 =	vadd.s32 $0x393, v9  }
0x101: {  	v17 =	vld.idx.msk [tilespmem:v7+s18+$0x0], $0xffff;
	_ =	sdelay $0x1  }
0x102: {  	s13 =	sor.u32 s10, s19;
	v14 =	vadd.s32 $0x1, v7;
	v11 =	vld.idx.msk [tilespmem:v15+s18+$0x0], $0xffff;
	v10 =	vmul.u32 $0x9, v10  }
0x103: {  	s22 =	sadd.s32 $0xE500, s14;
	v15 =	vadd.s32 $0xAAA, v8;
	v18 =	vld.idx.msk [tilespmem:v18+s18+$0x0], $0xffff;
	[tilespmem:s13+$0x0] =	vst v13  }
0x104: {  	s23 =	sor.u32 s25, s22;
	v13 =	vld.idx.msk [tilespmem:v16+s18+$0x0], $0xffff;
	v16 =	vadd.s32 $0x71A, v10  }
0x105: {  	v6 =	vmul.u32 $0x9, v6;
	s17 =	sor.u32 $0x12200, s7;
	[tilespmem:s23+$0x0] =	vst v17;
	v17 =	vadd.s32 $0xAA8, v5  }
0x106: {  	s1 =	sor.u32 s6, s17  }
0x107: {  	v14 =	vld.idx.msk [tilespmem:v14+s18+$0x0], $0xffff;
	[tilespmem:s1+$0x0] =	vst v11  }
0x108: {  	s3 =	sor.u32 s0, s3;
	v11 =	vld.idx.msk [tilespmem:v15+s18+$0x0], $0xffff  }
0x109: {  	[tilespmem:s3+$0x0] =	vst v18;
	v16 =	vld.idx.msk [tilespmem:v16+s18+$0x0], $0xffff  }
0x10a: {  	s15 =	sadd.s32 $0xE580, s14;
	v15 =	vld.idx.msk [tilespmem:v17+s18+$0x0], $0xffff;
	v17 =	vadd.s32 $0x71B, v10  }
0x10b: {  	s19 =	sor.u32 s25, s15;
	v19 =	vld.idx.msk [tilespmem:v6+s18+$0x0], $0xffff  }
0x10c: {  	v20 =	vadd.s32 $0x1, v6;
	[tilespmem:s19+$0x0] =	vst v14;
	s19 =	sadd.s32 $0x10500, s8  }
0x10d: {  	s11 =	sor.u32 s2, s22;
	s22 =	sor.u32 s9, s19  }
0x10e: {  	[tilespmem:s22+$0x0] =	vst v16  }
0x10f: {  	v12 =	vadd.s32 $0x2, v7;
	v16 =	vld.idx.msk [tilespmem:v17+s18+$0x0], $0xffff  }
0x110: {  	[tilespmem:s11+$0x0] =	vst v19;
	v17 =	vadd.s32 $0x71C, v10  }
0x111: {  	v9 =	vadd.s32 $0x394, v9;
	v19 =	vld.idx.msk [tilespmem:v20+s18+$0x0], $0xffff  }
0x112: {  	v20 =	vadd.s32 $0x2, v6;
	s21 =	sadd.s32 $0x10580, s8  }
0x113: {  	v18 =	vadd.s32 $0xAAB, v8;
	s23 =	sor.u32 s9, s21  }
0x114: {  	s26 =	smov.u32 s10;
	s24 =	sor.u32 s10, s16;
	s10 =	simm.s32 $0x19200;
	v12 =	vld.idx.msk [tilespmem:v12+s18+$0x0], $0xffff;
	[tilespmem:s23+$0x0] =	vst v16  }
0x115: {  	s13 =	sor.u32 s2, s15;
	[tilespmem:s24+$0x0] =	vst v13;
	s22 =	sor.u32 $0x12280, s7;
	v13 =	vld.idx.msk [tilespmem:v17+s10+$0x0], $0xffff  }
0x116: {  	[tilespmem:s13+$0x0] =	vst v19;
	v9 =	vld.idx.msk [tilespmem:v9+s10+$0x0], $0xffff;
	s1 =	sor.u32 s6, s22;
	v16 =	vadd.s32 $0x71D, v10  }
0x117: {  	v14 =	vld.idx.msk [tilespmem:v20+s18+$0x0], $0xffff;
	[tilespmem:s1+$0x0] =	vst v11  }
0x118: {  	s18 =	sor.u32 $0x11200, s8;
	v11 =	vld.idx.msk [tilespmem:v18+s10+$0x0], $0xffff  }
0x119: {  	s3 =	sor.u32 s9, s18;
	v17 =	vadd.s32 $0xAAC, v8  }
0x11a: {  	s11 =	sor.u32 s26, s20;
	[tilespmem:s3+$0x0] =	vst v13  }
0x11b: {  	s20 =	sor.u32 $0x12300, s7;
	[tilespmem:s11+$0x0] =	vst v9;
	v9 =	vld.idx.msk [tilespmem:v16+s10+$0x0], $0xffff  }
0x11c: {  	s13 =	sor.u32 s6, s20;
	v13 =	vld [tilespmem:s28+$0x100];
	[smem:$0x7EA] =	sst s28;
	v16 =	vadd.s32 $0x71E, v10  }
0x11d: {  	[tilespmem:s13+$0x0] =	vst v11  }
0x11e: {  	s13 =	sor.u32 $0x11280, s8;
	v11 =	vld.idx.msk [tilespmem:v17+s10+$0x0], $0xffff  }
0x11f: {  	v17 =	vadd.s32 $0xAAD, v8;
	s15 =	sor.u32 s9, s13  }
0x120: {  	[tilespmem:s15+$0x0] =	vst v9  }
0x121: {  	v18 =	vadd.s32 $0x3, v7;
	s15 =	sor.u32 $0x12380, s7;
	v9 =	vmul.u32 $0x9, v13;
	v13 =	vld.idx.msk [tilespmem:v16+s10+$0x0], $0xffff  }
0x122: {  	s23 =	sor.u32 $0xF200, s14;
	s16 =	sor.u32 s6, s15;
	v16 =	vadd.s32 $0x71F, v10  }
0x123: {  	s24 =	sor.u32 s25, s23;
	[tilespmem:s16+$0x0] =	vst v11;
	v11 =	vadd.s32 $0x71A, v9  }
0x124: {  	v19 =	vadd.s32 $0xAA9, v5;
	s11 =	sor.u32 $0x11300, s8;
	[tilespmem:s24+$0x0] =	vst v12;
	v12 =	vld.idx.msk [tilespmem:v17+s10+$0x0], $0xffff  }
0x125: {  	s1 =	sor.u32 s9, s11  }
0x126: {  	v8 =	vadd.s32 $0xAAE, v8;
	v17 =	vld.idx.msk [tilespmem:v18+s10+$0x0], $0xffff;
	[tilespmem:s1+$0x0] =	vst v13  }
0x127: {  	s12 =	sor.u32 s0, s12;
	s16 =	sadd.s32 $0x12400, s7;
	v13 =	vadd.s32 $0x4, v7;
	v16 =	vld.idx.msk [tilespmem:v16+s10+$0x0], $0xffff  }
0x128: {  	[tilespmem:s12+$0x0] =	vst v15;
	v18 =	vadd.s32 $0x3, v6;
	s3 =	sor.u32 s6, s16;
	v11 =	vld.idx.msk [tilespmem:v11+s10+$0x0], $0xffff  }
0x129: {  	s23 =	sor.u32 s2, s23;
	v15 =	vadd.s32 $0x720, v10;
	s24 =	sor.u32 $0xF280, s14;
	[tilespmem:s3+$0x0] =	vst v12;
	v12 =	vld.idx.msk [tilespmem:v19+s10+$0x0], $0xffff  }
0x12a: {  	s12 =	sor.u32 $0x11380, s8;
	[tilespmem:s23+$0x0] =	vst v14;
	s1 =	sor.u32 s25, s24;
	v19 =	vadd.s32 $0x71B, v9  }
0x12b: {  	[tilespmem:s1+$0x0] =	vst v17;
	v17 =	vadd.s32 $0xAAA, v5;
	s3 =	sor.u32 s9, s12;
	v8 =	vld.idx.msk [tilespmem:v8+s10+$0x0], $0xffff  }
0x12c: {  	s19 =	sor.u32 s26, s19;
	v13 =	vld.idx.msk [tilespmem:v13+s10+$0x0], $0xffff;
	[tilespmem:s3+$0x0] =	vst v16  }
0x12d: {  	v14 =	vld.idx.msk [tilespmem:v18+s10+$0x0], $0xffff;
	s1 =	sor.u32 s0, s17;
	v16 =	vadd.s32 $0x5, v7;
	[tilespmem:s19+$0x0] =	vst v11  }
0x12e: {  	s17 =	sadd.s32 $0x12480, s7;
	v11 =	vadd.s32 $0x4, v6;
	v15 =	vld.idx.msk [tilespmem:v15+s10+$0x0], $0xffff;
	[tilespmem:s1+$0x0] =	vst v12  }
0x12f: {  	s23 =	sor.u32 $0xF300, s14;
	v10 =	vadd.s32 $0x721, v10;
	s3 =	sor.u32 s6, s17;
	v12 =	vld.idx.msk [tilespmem:v19+s10+$0x0], $0xffff  }
0x130: {  	s1 =	sor.u32 s25, s23;
	[tilespmem:s3+$0x0] =	vst v8;
	v8 =	vld.idx.msk [tilespmem:v17+s10+$0x0], $0xffff;
	v17 =	vadd.s32 $0x71C, v9  }
0x131: {  	s24 =	sor.u32 s2, s24;
	s19 =	sadd.s32 $0x11400, s8;
	v18 =	vld [tilespmem:s4+$0x200];
	[tilespmem:s1+$0x0] =	vst v13;
	v13 =	vadd.s32 $0xAAB, v5  }
0x132: {  	[tilespmem:s24+$0x0] =	vst v14;
	s3 =	sor.u32 s9, s19;
	v14 =	vld.idx.msk [tilespmem:v16+s10+$0x0], $0xffff  }
0x133: {  	s21 =	sor.u32 s26, s21;
	v16 =	vadd.s32 $0x6, v7;
	[tilespmem:s3+$0x0] =	vst v15;
	v15 =	vld.idx.msk [tilespmem:v11+s10+$0x0], $0xffff  }
0x134: {  	s24 =	sor.u32 s0, s22;
	[tilespmem:s21+$0x0] =	vst v12;
	v12 =	vadd.s32 $0x5, v6;
	v10 =	vld.idx.msk [tilespmem:v10+s10+$0x0], $0xffff  }
0x135: {  	s22 =	sor.u32 $0xF380, s14;
	[tilespmem:s24+$0x0] =	vst v8;
	v8 =	vld.idx.msk [tilespmem:v17+s10+$0x0], $0xffff  }
0x136: {  	s1 =	sor.u32 s25, s22;
	v17 =	vadd.s32 $0x71D, v9;
	v11 =	vmul.u32 $0x9, v18;
	v13 =	vld.idx.msk [tilespmem:v13+s10+$0x0], $0xffff  }
0x137: {  	s23 =	sor.u32 s2, s23;
	s21 =	sadd.s32 $0x11480, s8;
	[tilespmem:s1+$0x0] =	vst v14;
	v14 =	vadd.s32 $0xAAC, v5  }
0x138: {  	s3 =	sor.u32 s9, s21;
	[tilespmem:s23+$0x0] =	vst v15;
	v15 =	vld.idx.msk [tilespmem:v16+s10+$0x0], $0xffff;
	v16 =	vadd.s32 $0xE34, v11  }
0x139: {  	s18 =	sor.u32 s26, s18;
	v7 =	vadd.s32 $0x7, v7;
	[tilespmem:s3+$0x0] =	vst v10;
	v10 =	vld.idx.msk [tilespmem:v12+s10+$0x0], $0xffff  }
0x13a: {  	s20 =	sor.u32 s0, s20;
	v12 =	vadd.s32 $0x6, v6;
	[tilespmem:s18+$0x0] =	vst v8;
	v8 =	vld [tilespmem:s5+$0x180]  }
0x13b: {  	s18 =	sadd.s32 $0xF400, s14;
	[tilespmem:s20+$0x0] =	vst v13;
	v13 =	vld.idx.msk [tilespmem:v17+s10+$0x0], $0xffff  }
0x13c: {  	v17 =	vadd.s32 $0x71E, v9;
	s24 =	sor.u32 s25, s18;
	v14 =	vld.idx.msk [tilespmem:v14+s10+$0x0], $0xffff  }
0x13d: {  	s22 =	sor.u32 s2, s22;
	v18 =	vadd.s32 $0xAAD, v5;
	[tilespmem:s24+$0x0] =	vst v15;
	v15 =	vld.idx.msk [tilespmem:v16+s10+$0x0], $0xffff  }
0x13e: {  	[tilespmem:s22+$0x0] =	vst v10;
	v7 =	vld.idx.msk [tilespmem:v7+s10+$0x0], $0xffff;
	v10 =	vadd.s32 $0xE35, v11  }
0x13f: {  	s22 =	sor.u32 s26, s13;
	v12 =	vld.idx.msk [tilespmem:v12+s10+$0x0], $0xffff;
	v8 =	vmul.u32 $0x9, v8  }
0x140: {  	s15 =	sor.u32 s0, s15;
	v6 =	vadd.s32 $0x7, v6;
	s13 =	sadd.s32 $0x12500, s7;
	[tilespmem:s22+$0x0] =	vst v13  }
0x141: {  	s23 =	sor.u32 s6, s13;
	[tilespmem:s15+$0x0] =	vst v14;
	s15 =	sadd.s32 $0xF480, s14;
	v13 =	vld.idx.msk [tilespmem:v17+s10+$0x0], $0xffff;
	v14 =	vadd.s32 $0xAA7, v8  }
0x142: {  	v16 =	vadd.s32 $0x71F, v9;
	v17 =	vld.idx.msk [tilespmem:v18+s10+$0x0], $0xffff;
	s24 =	sor.u32 s25, s15;
	[tilespmem:s23+$0x0] =	vst v15  }
0x143: {  	v5 =	vadd.s32 $0xAAE, v5;
	s18 =	sor.u32 s2, s18;
	[tilespmem:s24+$0x0] =	vst v7;
	v7 =	vld.idx.msk [tilespmem:v10+s10+$0x0], $0xffff  }
0x144: {  	[tilespmem:s18+$0x0] =	vst v12;
	v10 =	vld [tilespmem:s31+$0x80];
	v12 =	vadd.s32 $0xE36, v11  }
0x145: {  	s11 =	sor.u32 s26, s11;
	v15 =	vld.idx.msk [tilespmem:v6+s10+$0x0], $0xffff  }
0x146: {  	s16 =	sor.u32 s0, s16;
	s18 =	sadd.s32 $0x12580, s7;
	[tilespmem:s11+$0x0] =	vst v13;
	v13 =	vld.idx.msk [tilespmem:v14+s10+$0x0], $0xffff  }
0x147: {  	s22 =	sor.u32 s6, s18;
	[tilespmem:s16+$0x0] =	vst v17;
	v14 =	vld.idx.msk [tilespmem:v16+s10+$0x0], $0xffff;
	v16 =	vadd.s32 $0xAA8, v8  }
0x148: {  	v17 =	vadd.s32 $0x720, v9;
	v5 =	vld.idx.msk [tilespmem:v5+s10+$0x0], $0xffff;
	[tilespmem:s22+$0x0] =	vst v7  }
0x149: {  	s15 =	sor.u32 s2, s15;
	s11 =	sadd.s32 $0x11500, s8;
	v6 =	vmul.u32 $0x9, v10;
	v7 =	vld.idx.msk [tilespmem:v12+s10+$0x0], $0xffff  }
0x14a: {  	s23 =	sor.u32 s9, s11;
	v10 =	vadd.s32 $0xE37, v11;
	[tilespmem:s15+$0x0] =	vst v15  }
0x14b: {  	s12 =	sor.u32 s26, s12;
	v12 =	vld [tilespmem:s30+$0x80];
	v15 =	vadd.s32 $0x38D, v6;
	[tilespmem:s23+$0x0] =	vst v13  }
0x14c: {  	s24 =	sor.u32 s0, s17;
	s17 =	sor.u32 $0x13200, s7;
	[tilespmem:s12+$0x0] =	vst v14;
	v13 =	vld.idx.msk [tilespmem:v16+s10+$0x0], $0xffff  }
0x14d: {  	s15 =	sor.u32 s6, s17;
	v14 =	vadd.s32 $0xAA9, v8;
	[tilespmem:s24+$0x0] =	vst v5;
	v5 =	vld.idx.msk [tilespmem:v17+s10+$0x0], $0xffff  }
0x14e: {  	v9 =	vadd.s32 $0x721, v9;
	v16 =	vld [tilespmem:s29+$0x200];
	[tilespmem:s15+$0x0] =	vst v7  }
0x14f: {  	s20 =	sadd.s32 $0x11580, s8;
	v10 =	vld.idx.msk [tilespmem:v10+s10+$0x0], $0xffff  }
0x150: {  	s16 =	sor.u32 s9, s20;
	v7 =	vmul.u32 $0x9, v12;
	v12 =	vld.idx.msk [tilespmem:v15+s10+$0x0], $0xffff;
	v15 =	vadd.s32 $0xE38, v11  }
0x151: {  	s22 =	sor.u32 s26, s19;
	v17 =	vadd.s32 $0x38E, v6;
	[tilespmem:s16+$0x0] =	vst v13  }
0x152: {  	s1 =	smov.u32 s14;
	s16 =	sor.u32 $0x13280, s7;
	v13 =	vadd.s32 $0x38D, v7;
	[tilespmem:s22+$0x0] =	vst v5;
	v14 =	vld.idx.msk [tilespmem:v14+s10+$0x0], $0xffff  }
0x153: {  	s12 =	sadd.s32 $0xF500, s1;
	s23 =	sor.u32 s6, s16;
	v5 =	vmul.u32 $0x9, v16;
	v9 =	vld.idx.msk [tilespmem:v9+s10+$0x0], $0xffff;
	v16 =	vadd.s32 $0xAAA, v8  }
0x154: {  	s24 =	sor.u32 s25, s12;
	[tilespmem:s23+$0x0] =	vst v10  }
0x155: {  	s22 =	sor.u32 $0x12200, s8;
	v10 =	vadd.s32 $0xE34, v5;
	[tilespmem:s24+$0x0] =	vst v12;
	v12 =	vld.idx.msk [tilespmem:v15+s10+$0x0], $0xffff  }
0x156: {  	s19 =	sor.u32 s9, s22;
	v15 =	vld.idx.msk [tilespmem:v17+s10+$0x0], $0xffff;
	v17 =	vadd.s32 $0xE39, v11  }
0x157: {  	s21 =	sor.u32 s26, s21;
	v18 =	vadd.s32 $0x38F, v6;
	v13 =	vld.idx.msk [tilespmem:v13+s10+$0x0], $0xffff;
	[tilespmem:s19+$0x0] =	vst v14  }
0x158: {  	s15 =	sor.u32 $0x13300, s7;
	v14 =	vadd.s32 $0x38E, v7;
	[tilespmem:s21+$0x0] =	vst v9;
	v9 =	vld.idx.msk [tilespmem:v16+s10+$0x0], $0xffff  }
0x159: {  	v19 =	vadd.s32 $0xAAB, v8;
	s23 =	sor.u32 s6, s15;
	s21 =	sadd.s32 $0xF580, s1;
	v16 =	vld [tilespmem:s28+$0x180]  }
0x15a: {  	s14 =	smov.u32 s2;
	s24 =	sor.u32 s25, s21;
	v20 =	vld.idx.msk [tilespmem:v10+s10+$0x0], $0xffff;
	[tilespmem:s23+$0x0] =	vst v12  }
0x15b: {  	s12 =	sor.u32 s14, s12;
	s19 =	sor.u32 $0x12280, s8;
	v12 =	vadd.s32 $0xE35, v5;
	[tilespmem:s24+$0x0] =	vst v15;
	v15 =	vld.idx.msk [tilespmem:v17+s10+$0x0], $0xffff  }
0x15c: {  	s2 =	smov.u32 s26;
	s26 =	sor.u32 s9, s19;
	v17 =	vadd.s32 $0xE3A, v11;
	[tilespmem:s12+$0x0] =	vst v13;
	v13 =	vld.idx.msk [tilespmem:v18+s10+$0x0], $0xffff  }
0x15d: {  	v18 =	vadd.s32 $0x390, v6;
	v14 =	vld.idx.msk [tilespmem:v14+s10+$0x0], $0xffff;
	[tilespmem:s26+$0x0] =	vst v9  }
0x15e: {  	s3 =	smov.u32 s0;
	s0 =	sor.u32 s0, s13;
	s13 =	sor.u32 $0x13380, s7;
	v9 =	vadd.s32 $0x38F, v7;
	v10 =	vmul.u32 $0x9, v16;
	v16 =	vld.idx.msk [tilespmem:v19+s10+$0x0], $0xffff  }
0x15f: {  	s28 =	sor.u32 $0x10200, s1;
	s23 =	sor.u32 s6, s13;
	v19 =	vadd.s32 $0xAAC, v8;
	[tilespmem:s0+$0x0] =	vst v20  }
0x160: {  	s24 =	sor.u32 s25, s28;
	s12 =	simm.s32 $0x300;
	[tilespmem:s23+$0x0] =	vst v15;
	v12 =	vld.idx.msk [tilespmem:v12+s10+$0x0], $0xffff;
	v15 =	vadd.s32 $0xAA7, v10  }
0x161: {  	s26 =	sor.u32 s14, s21;
	s21 =	sor.u32 $0x12300, s8;
	s0 =	simm.s32 $0x60;
	[tilespmem:s24+$0x0] =	vst v13;
	v13 =	vld.idx.msk [tilespmem:v17+s10+$0x0], $0xffff  }
0x162: {  	s23 =	sand.u32 $0x60, s0;
	s24 =	sand.u32 $0xC00, s12;
	[tilespmem:s26+$0x0] =	vst v14;
	v14 =	vld.idx.msk [tilespmem:v18+s10+$0x0], $0xffff;
	s26 =	sor.u32 s9, s21  }
0x163: {  	v11 =	vadd.s32 $0xE3B, v11;
	s31 =	sor.u32 $0x10, s23;
	s29 =	sor.u32 $0x18200, s24;
	[tilespmem:s26+$0x0] =	vst v16;
	v9 =	vld.idx.msk [tilespmem:v9+s10+$0x0], $0xffff  }
0x164: {  	s12 =	sadd.s32 $0x13400, s7;
	v16 =	vadd.s32 $0x391, v6;
	s0 =	sor.u32 s31, s29;
	v17 =	vld.idx.msk [tilespmem:v19+s10+$0x0], $0xffff  }
0x165: {  	s30 =	sor.u32 $0x10280, s1;
	s26 =	sor.u32 s6, s12;
	v15 =	vld.idx.msk [tilespmem:v15+s10+$0x0], $0xffff;
	[smem:$0x7F5] =	sst s0  }
0x166: {  	v18 =	vadd.s32 $0xAAD, v8;
	[tilespmem:s26+$0x0] =	vst v13;
	v13 =	vld [tilespmem:s0+$0x0];
	s0 =	sor.u32 s25, s30  }
0x167: {  	v19 =	vadd.s32 $0xAA8, v10;
	[tilespmem:s0+$0x0] =	vst v14;
	s0 =	sor.u32 s23, s29  }
0x168: {  	s26 =	sor.u32 $0x12380, s8;
	v14 =	vadd.s32 $0x390, v7;
	v11 =	vld.idx.msk [tilespmem:v11+s10+$0x0], $0xffff;
	[dreg:$0x8] =	wrdreg s0  }
0x169: {  	s29 =	sor.u32 s9, s26;
	v16 =	vld.idx.msk [tilespmem:v16+s10+$0x0], $0xffff  }
0x16a: {  	s11 =	sor.u32 s2, s11;
	[tilespmem:s29+$0x0] =	vst v17;
	v17 =	vadd.s32 $0xE36, v5;
	v20 =	vld [tilespmem:s0+$0x0]  }
0x16b: {  	s28 =	sor.u32 s14, s28;
	[tilespmem:s11+$0x0] =	vst v15;
	v15 =	vadd.s32 $0x392, v6;
	v18 =	vld.idx.msk [tilespmem:v18+s10+$0x0], $0xffff;
	s11 =	sadd.s32 $0x13480, s7  }
0x16c: {  	v21 =	vadd.s32 $0xAAE, v8;
	[tilespmem:s28+$0x0] =	vst v9;
	v19 =	vld.idx.msk [tilespmem:v19+s10+$0x0], $0xffff;
	s28 =	sor.u32 s6, s11  }
0x16d: {  	s18 =	sor.u32 s3, s18;
	[tilespmem:s28+$0x0] =	vst v11;
	v11 =	vld.idx.msk [tilespmem:v14+s10+$0x0], $0xffff;
	v14 =	vadd.s32 $0xAA9, v10;
	s28 =	sor.u32 $0x10300, s1  }
0x16e: {  	v22 =	vadd.s32 $0x391, v7;
	[tilespmem:s18+$0x0] =	vst v12;
	v9 =	vmul.u32 $0x9, v13;
	v12 =	vld [tilespmem:s4+$0x280];
	s0 =	sor.u32 s25, s28;
	s4 =	sadd.s32 $0x12400, s8  }
0x16f: {  	[tilespmem:s0+$0x0] =	vst v16;
	v13 =	vld.idx.msk [tilespmem:v17+s10+$0x0], $0xffff;
	v8 =	vmul.u32 $0x9, v20;
	s0 =	sor.u32 s9, s4  }
0x170: {  	[tilespmem:s0+$0x0] =	vst v18;
	v15 =	vld.idx.msk [tilespmem:v15+s10+$0x0], $0xffff;
	s0 =	sor.u32 s2, s20  }
0x171: {  	v16 =	vadd.s32 $0x393, v6;
	s20 =	sor.u32 s14, s30;
	[tilespmem:s0+$0x0] =	vst v19;
	v17 =	vld.idx.msk [tilespmem:v21+s10+$0x0], $0xffff  }
0x172: {  	[tilespmem:s20+$0x0] =	vst v11;
	v11 =	vld.idx.msk [tilespmem:v14+s10+$0x0], $0xffff  }
0x173: {  	s18 =	sor.u32 $0x10380, s1;
	v18 =	vadd.s32 $0xAAA, v10;
	v14 =	vld.idx.msk [tilespmem:v22+s10+$0x0], $0xffff  }
0x174: {  	s29 =	sor.u32 s25, s18;
	v19 =	vadd.s32 $0x392, v7;
	v20 =	vld.idx.msk [tilespmem:v9+s10+$0x0], $0xffff;
	s20 =	sadd.s32 $0x12480, s8  }
0x175: {  	[tilespmem:s29+$0x0] =	vst v15;
	v15 =	vadd.s32 $0xE37, v5;
	v21 =	vld.idx.msk [tilespmem:v8+s10+$0x0], $0xffff;
	s29 =	sor.u32 s9, s20  }
0x176: {  	s22 =	sor.u32 s2, s22;
	[tilespmem:s29+$0x0] =	vst v17;
	v17 =	vadd.s32 $0x1, v9;
	v16 =	vld.idx.msk [tilespmem:v16+s10+$0x0], $0xffff  }
0x177: {  	s0 =	sor.u32 s14, s28;
	[tilespmem:s22+$0x0] =	vst v11;
	v11 =	vadd.s32 $0x1, v8;
	v22 =	vld [tilespmem:s5+$0x200]  }
0x178: {  	s17 =	sor.u32 s3, s17;
	s22 =	sadd.s32 $0xE500, s24;
	[tilespmem:s0+$0x0] =	vst v14;
	v14 =	vld.idx.msk [tilespmem:v18+s10+$0x0], $0xffff  }
0x179: {  	[tilespmem:s17+$0x0] =	vst v13;
	v13 =	vadd.s32 $0xAAB, v10;
	s0 =	sor.u32 s31, s22;
	v18 =	vld.idx.msk [tilespmem:v19+s10+$0x0], $0xffff  }
0x17a: {  	v6 =	vadd.s32 $0x394, v6;
	[tilespmem:s0+$0x0] =	vst v20;
	s0 =	sor.u32 s23, s22;
	s22 =	sadd.s32 $0x10400, s1;
	v15 =	vld.idx.msk [tilespmem:v15+s10+$0x0], $0xffff  }
0x17b: {  	s30 =	smov.u32 s1;
	v19 =	vadd.s32 $0x393, v7;
	[tilespmem:s0+$0x0] =	vst v21;
	s1 =	sor.u32 s25, s22;
	v17 =	vld.idx.msk [tilespmem:v17+s10+$0x0], $0xffff  }
0x17c: {  	v20 =	vadd.s32 $0xE38, v5;
	s0 =	sor.u32 s2, s19;
	[tilespmem:s1+$0x0] =	vst v16;
	v16 =	vld.idx.msk [tilespmem:v11+s10+$0x0], $0xffff;
	v11 =	vmul.u32 $0x9, v22  }
0x17d: {  	v21 =	vadd.s32 $0x2, v9;
	s19 =	sor.u32 s14, s18;
	[tilespmem:s0+$0x0] =	vst v14  }
0x17e: {  	s16 =	sor.u32 s3, s16;
	[tilespmem:s19+$0x0] =	vst v18;
	v13 =	vld.idx.msk [tilespmem:v13+s10+$0x0], $0xffff;
	v18 =	vadd.s32 $0xE34, v11  }
0x17f: {  	v22 =	vld.idx.msk [tilespmem:v6+s10+$0x0], $0xffff;
	s0 =	sadd.s32 $0xE580, s24;
	[tilespmem:s16+$0x0] =	vst v15;
	v15 =	vadd.s32 $0xAAC, v10  }
0x180: {  	v14 =	vadd.s32 $0x2, v8;
	s18 =	sor.u32 s31, s0;
	v19 =	vld.idx.msk [tilespmem:v19+s10+$0x0], $0xffff  }
0x181: {  	s1 =	smov.u32 s2;
	v6 =	vmul.u32 $0x9, v12;
	s19 =	sor.u32 s23, s0;
	[tilespmem:s18+$0x0] =	vst v17;
	v12 =	vld.idx.msk [tilespmem:v20+s10+$0x0], $0xffff  }
0x182: {  	s17 =	sadd.s32 $0x10480, s30;
	v7 =	vadd.s32 $0x394, v7;
	s0 =	sor.u32 s1, s21;
	[tilespmem:s19+$0x0] =	vst v16;
	v17 =	vld.idx.msk [tilespmem:v21+s10+$0x0], $0xffff  }
0x183: {  	s18 =	sor.u32 s25, s17;
	v16 =	vadd.s32 $0x11C1, v6;
	[tilespmem:s0+$0x0] =	vst v13;
	v18 =	vld.idx.msk [tilespmem:v18+s10+$0x0], $0xffff  }
0x184: {  	v20 =	vadd.s32 $0xE35, v11;
	[tilespmem:s18+$0x0] =	vst v22;
	v15 =	vld.idx.msk [tilespmem:v15+s10+$0x0], $0xffff  }
0x185: {  	s19 =	sor.u32 s14, s22;
	s18 =	sor.u32 $0xF200, s24;
	v14 =	vld.idx.msk [tilespmem:v14+s10+$0x0], $0xffff;
	v13 =	vadd.s32 $0x3, v9;
	s29 =	rddreg [dreg:$0x7]  }
0x186: {  	s16 =	sadd.s32 $0x12500, s8;
	v21 =	vadd.s32 $0xAAD, v10;
	s21 =	sor.u32 s31, s18;
	[tilespmem:s19+$0x0] =	vst v19;
	v22 =	vld [tilespmem:s29+$0x100]  }
0x187: {  	s22 =	sor.u32 s9, s16;
	v19 =	vadd.s32 $0x3, v8;
	v7 =	vld.idx.msk [tilespmem:v7+s10+$0x0], $0xffff;
	[tilespmem:s21+$0x0] =	vst v17  }
0x188: {  	s0 =	sor.u32 s1, s26;
	v16 =	vld.idx.msk [tilespmem:v16+s10+$0x0], $0xffff;
	v17 =	vadd.s32 $0xE39, v5;
	[tilespmem:s22+$0x0] =	vst v18  }
0x189: {  	s19 =	sor.u32 s3, s15;
	v18 =	vadd.s32 $0x11C2, v6;
	[tilespmem:s0+$0x0] =	vst v15;
	v15 =	vld.idx.msk [tilespmem:v20+s10+$0x0], $0xffff  }
0x18a: {  	s18 =	sor.u32 s23, s18;
	[tilespmem:s19+$0x0] =	vst v12;
	v13 =	vld.idx.msk [tilespmem:v13+s10+$0x0], $0xffff;
	v20 =	vadd.s32 $0xE36, v11  }
0x18b: {  	s17 =	sor.u32 s14, s17;
	s15 =	sadd.s32 $0x13500, s7;
	[tilespmem:s18+$0x0] =	vst v14;
	v14 =	vld.idx.msk [tilespmem:v21+s10+$0x0], $0xffff  }
0x18c: {  	v12 =	vadd.s32 $0xAAE, v10;
	s21 =	sor.u32 s6, s15;
	s18 =	sadd.s32 $0x12580, s8;
	v19 =	vld.idx.msk [tilespmem:v19+s10+$0x0], $0xffff;
	[tilespmem:s17+$0x0] =	vst v7  }
0x18d: {  	s22 =	sor.u32 s9, s18;
	v10 =	vmul.u32 $0x9, v22;
	[tilespmem:s21+$0x0] =	vst v16;
	v16 =	vadd.s32 $0x4, v9;
	v17 =	vld.idx.msk [tilespmem:v17+s10+$0x0], $0xffff  }
0x18e: {  	v18 =	vld.idx.msk [tilespmem:v18+s10+$0x0], $0xffff;
	[tilespmem:s22+$0x0] =	vst v15  }
0x18f: {  	s26 =	sor.u32 s1, s4;
	s0 =	sor.u32 $0xF280, s24;
	v7 =	vadd.s32 $0x71A, v10;
	s28 =	rddreg [dreg:$0x6];
	v20 =	vld.idx.msk [tilespmem:v20+s10+$0x0], $0xffff  }
0x190: {  	s4 =	sor.u32 s31, s0;
	v15 =	vadd.s32 $0x4, v8;
	[tilespmem:s26+$0x0] =	vst v14;
	v21 =	vld [tilespmem:s28+$0x100]  }
0x191: {  	s21 =	sadd.s32 $0x13580, s7;
	[tilespmem:s4+$0x0] =	vst v13;
	v12 =	vld.idx.msk [tilespmem:v12+s10+$0x0], $0xffff  }
0x192: {  	s19 =	sor.u32 s23, s0;
	v16 =	vld.idx.msk [tilespmem:v16+s10+$0x0], $0xffff;
	[smem:$0x7EC] =	sst s21  }
0x193: {  	s2 =	smov.u32 s3;
	s3 =	sor.u32 $0x13200, s8;
	s22 =	sor.u32 s6, s21;
	v13 =	vadd.s32 $0xE37, v11;
	[tilespmem:s19+$0x0] =	vst v19  }
0x194: {  	v22 =	vadd.s32 $0x5, v9;
	s26 =	sor.u32 s9, s3;
	v19 =	vld.idx.msk [tilespmem:v7+s10+$0x0], $0xffff;
	[tilespmem:s22+$0x0] =	vst v18  }
0x195: {  	s0 =	sor.u32 s1, s20;
	s4 =	sor.u32 $0xF300, s24;
	v18 =	vadd.s32 $0x71B, v10;
	v15 =	vld.idx.msk [tilespmem:v15+s10+$0x0], $0xffff;
	[tilespmem:s26+$0x0] =	vst v20  }
0x196: {  	s21 =	sor.u32 s31, s4;
	[tilespmem:s0+$0x0] =	vst v12  }
0x197: {  	s22 =	sadd.s32 $0x10500, s30;
	v7 =	vmul.u32 $0x9, v21;
	[tilespmem:s21+$0x0] =	vst v16  }
0x198: {  	v20 =	vadd.s32 $0x5, v8;
	s26 =	sor.u32 s25, s22;
	v13 =	vld.idx.msk [tilespmem:v13+s10+$0x0], $0xffff;
	s19 =	sld [smem:$0x7EA]  }
0x199: {  	s0 =	sor.u32 s23, s4;
	[tilespmem:s26+$0x0] =	vst v19;
	v22 =	vld.idx.msk [tilespmem:v22+s10+$0x0], $0xffff;
	v12 =	vadd.s32 $0x71A, v7  }
0x19a: {  	[tilespmem:s0+$0x0] =	vst v15;
	v15 =	vld.idx.msk [tilespmem:v18+s10+$0x0], $0xffff;
	v18 =	vadd.s32 $0x6, v9  }
0x19b: {  	v21 =	vadd.s32 $0xE38, v11;
	s21 =	sor.u32 $0x13280, s8;
	v16 =	vld [tilespmem:s19+$0x200]  }
0x19c: {  	s20 =	sor.u32 $0xF380, s24;
	s4 =	sor.u32 s9, s21  }
0x19d: {  	v19 =	vadd.s32 $0xE3A, v5;
	s26 =	sadd.s32 $0x10580, s30;
	s0 =	sor.u32 s31, s20;
	v20 =	vld.idx.msk [tilespmem:v20+s10+$0x0], $0xffff;
	[tilespmem:s4+$0x0] =	vst v13  }
0x19e: {  	v23 =	vadd.s32 $0x71C, v10;
	s4 =	sor.u32 s25, s26;
	[tilespmem:s0+$0x0] =	vst v22;
	v12 =	vld.idx.msk [tilespmem:v12+s10+$0x0], $0xffff  }
0x19f: {  	v24 =	vadd.s32 $0x6, v8;
	s13 =	sor.u32 s2, s13;
	[tilespmem:s4+$0x0] =	vst v15;
	v15 =	vld.idx.msk [tilespmem:v18+s10+$0x0], $0xffff  }
0x1a0: {  	[tilespmem:s13+$0x0] =	vst v17;
	v17 =	vadd.s32 $0x71B, v7;
	v13 =	vmul.u32 $0x9, v16;
	v16 =	vld.idx.msk [tilespmem:v21+s10+$0x0], $0xffff  }
0x1a1: {  	s17 =	sor.u32 s23, s20;
	v9 =	vadd.s32 $0x7, v9  }
0x1a2: {  	s20 =	sor.u32 s14, s22;
	v19 =	vld.idx.msk [tilespmem:v19+s10+$0x0], $0xffff;
	v21 =	vadd.s32 $0xE39, v11;
	[tilespmem:s17+$0x0] =	vst v20;
	s17 =	sadd.s32 $0xF400, s24  }
0x1a3: {  	s13 =	sor.u32 $0x13300, s8;
	v20 =	vld.idx.msk [tilespmem:v23+s10+$0x0], $0xffff;
	s0 =	sor.u32 s31, s17;
	v18 =	vadd.s32 $0xE34, v13;
	[tilespmem:s20+$0x0] =	vst v12  }
0x1a4: {  	s22 =	sor.u32 s9, s13;
	v12 =	vld.idx.msk [tilespmem:v24+s10+$0x0], $0xffff;
	[tilespmem:s0+$0x0] =	vst v15  }
0x1a5: {  	[tilespmem:s22+$0x0] =	vst v16;
	v16 =	vld.idx.msk [tilespmem:v17+s10+$0x0], $0xffff  }
0x1a6: {  	v14 =	vadd.s32 $0x11C3, v6;
	v9 =	vld.idx.msk [tilespmem:v9+s10+$0x0], $0xffff  }
0x1a7: {  	s12 =	sor.u32 s2, s12;
	v22 =	vadd.s32 $0x71D, v10;
	s22 =	sor.u32 $0x11200, s30;
	v17 =	vld.idx.msk [tilespmem:v21+s10+$0x0], $0xffff  }
0x1a8: {  	v8 =	vadd.s32 $0x7, v8;
	[tilespmem:s12+$0x0] =	vst v19;
	s4 =	sor.u32 s25, s22;
	v15 =	vld.idx.msk [tilespmem:v18+s10+$0x0], $0xffff  }
0x1a9: {  	s17 =	sor.u32 s23, s17;
	v18 =	vadd.s32 $0xE3A, v11;
	[tilespmem:s4+$0x0] =	vst v20;
	s4 =	sor.u32 s1, s16;
	s16 =	sadd.s32 $0xF480, s24  }
0x1aa: {  	s20 =	sor.u32 $0x13380, s8;
	v20 =	vadd.s32 $0xE35, v13;
	[tilespmem:s17+$0x0] =	vst v12;
	s17 =	sor.u32 s31, s16  }
0x1ab: {  	v14 =	vld.idx.msk [tilespmem:v14+s10+$0x0], $0xffff;
	v5 =	vadd.s32 $0xE3B, v5;
	s0 =	sor.u32 s9, s20;
	[tilespmem:s17+$0x0] =	vst v9  }
0x1ac: {  	v19 =	vadd.s32 $0x71C, v7;
	v12 =	vld.idx.msk [tilespmem:v22+s10+$0x0], $0xffff;
	[tilespmem:s0+$0x0] =	vst v17  }
0x1ad: {  	v8 =	vld.idx.msk [tilespmem:v8+s10+$0x0], $0xffff;
	s0 =	sor.u32 s14, s26;
	[tilespmem:s4+$0x0] =	vst v15  }
0x1ae: {  	v17 =	vadd.s32 $0x71E, v10;
	v15 =	vld.idx.msk [tilespmem:v18+s10+$0x0], $0xffff;
	[tilespmem:s0+$0x0] =	vst v16  }
0x1af: {  	v11 =	vadd.s32 $0xE3B, v11;
	s26 =	sor.u32 $0x11280, s30;
	v9 =	vld.idx.msk [tilespmem:v20+s10+$0x0], $0xffff;
	s0 =	sld [smem:$0x7F5]  }
0x1b0: {  	v5 =	vld.idx.msk [tilespmem:v5+s10+$0x0], $0xffff;
	s4 =	sor.u32 s25, s26  }
0x1b1: {  	s16 =	sor.u32 s23, s16;
	s17 =	sadd.s32 $0x13400, s8;
	[tilespmem:s4+$0x0] =	vst v12;
	v19 =	vld.idx.msk [tilespmem:v19+s10+$0x0], $0xffff  }
0x1b2: {  	s4 =	sor.u32 s9, s17;
	[tilespmem:s16+$0x0] =	vst v8;
	v16 =	vld [tilespmem:s0+$0x80]  }
0x1b3: {  	s16 =	sor.u32 s1, s18;
	v17 =	vld.idx.msk [tilespmem:v17+s10+$0x0], $0xffff;
	[tilespmem:s4+$0x0] =	vst v15  }
0x1b4: {  	v18 =	vadd.s32 $0xE36, v13;
	s18 =	sor.u32 $0x14200, s7;
	s12 =	rddreg [dreg:$0x8];
	[tilespmem:s16+$0x0] =	vst v9;
	v11 =	vld.idx.msk [tilespmem:v11+s10+$0x0], $0xffff  }
0x1b5: {  	s11 =	sor.u32 s2, s11;
	v15 =	vld [tilespmem:s12+$0x80];
	[smem:$0x7ED] =	sst s18  }
0x1b6: {  	s12 =	sor.u32 s6, s18;
	[tilespmem:s11+$0x0] =	vst v5  }
0x1b7: {  	v8 =	vadd.s32 $0x11C4, v6;
	[tilespmem:s12+$0x0] =	vst v14  }
0x1b8: {  	v20 =	vadd.s32 $0x71F, v10;
	s18 =	sld [smem:$0x7EB]  }
0x1b9: {  	s16 =	sor.u32 $0x11300, s30;
	v5 =	vld.idx.msk [tilespmem:v18+s10+$0x0], $0xffff  }
0x1ba: {  	v9 =	vadd.s32 $0x71D, v7;
	s11 =	sor.u32 s25, s16  }
0x1bb: {  	s12 =	sor.u32 s14, s22;
	v12 =	vmul.u32 $0x9, v16;
	v16 =	vadd.s32 $0xE37, v13;
	[tilespmem:s11+$0x0] =	vst v17;
	v14 =	vld [tilespmem:s18+$0x280];
	s18 =	sadd.s32 $0x13480, s8  }
0x1bc: {  	v8 =	vld.idx.msk [tilespmem:v8+s10+$0x0], $0xffff;
	[tilespmem:s12+$0x0] =	vst v19;
	s22 =	sor.u32 s9, s18  }
0x1bd: {  	s3 =	sor.u32 s1, s3;
	v19 =	vld.idx.msk [tilespmem:v20+s10+$0x0], $0xffff;
	v17 =	vadd.s32 $0x38D, v12;
	[tilespmem:s22+$0x0] =	vst v11  }
0x1be: {  	v18 =	vadd.s32 $0x11C5, v6;
	[tilespmem:s3+$0x0] =	vst v5;
	v11 =	vld [tilespmem:s5+$0x280];
	s5 =	sor.u32 $0x14280, s7  }
0x1bf: {  	v20 =	vld.idx.msk [tilespmem:v9+s10+$0x0], $0xffff;
	v9 =	vmul.u32 $0x9, v15;
	v15 =	vadd.s32 $0x720, v10;
	[smem:$0x7EE] =	sst s5  }
0x1c0: {  	v5 =	vadd.s32 $0x71E, v7;
	v16 =	vld.idx.msk [tilespmem:v16+s10+$0x0], $0xffff  }
0x1c1: {  	s4 =	sor.u32 $0x11380, s30;
	v21 =	vadd.s32 $0x38D, v9;
	s3 =	sor.u32 s6, s5  }
0x1c2: {  	s11 =	sor.u32 s25, s4;
	[tilespmem:s3+$0x0] =	vst v8;
	v8 =	vld.idx.msk [tilespmem:v17+s10+$0x0], $0xffff  }
0x1c3: {  	s12 =	sor.u32 s14, s26;
	v17 =	vadd.s32 $0xE38, v13;
	[tilespmem:s11+$0x0] =	vst v19;
	v18 =	vld.idx.msk [tilespmem:v18+s10+$0x0], $0xffff  }
0x1c4: {  	s21 =	sor.u32 s1, s21;
	v19 =	vadd.s32 $0x38E, v12;
	[tilespmem:s12+$0x0] =	vst v20;
	v15 =	vld.idx.msk [tilespmem:v15+s10+$0x0], $0xffff  }
0x1c5: {  	v10 =	vadd.s32 $0x721, v10;
	s22 =	sor.u32 $0x14300, s7;
	s5 =	sadd.s32 $0xF500, s24;
	v22 =	vld.idx.msk [tilespmem:v5+s10+$0x0], $0xffff;
	[tilespmem:s21+$0x0] =	vst v16  }
0x1c6: {  	v20 =	vadd.s32 $0x11C6, v6;
	s26 =	sor.u32 s31, s5;
	v21 =	vld.idx.msk [tilespmem:v21+s10+$0x0], $0xffff;
	[smem:$0x7EF] =	sst s22  }
0x1c7: {  	s11 =	sor.u32 s6, s22;
	v16 =	vadd.s32 $0x71F, v7;
	s22 =	sadd.s32 $0x11400, s30;
	[tilespmem:s26+$0x0] =	vst v8  }
0x1c8: {  	v8 =	vadd.s32 $0x38E, v9;
	v17 =	vld.idx.msk [tilespmem:v17+s10+$0x0], $0xffff;
	[tilespmem:s11+$0x0] =	vst v18;
	s12 =	sor.u32 s25, s22  }
0x1c9: {  	v5 =	vmul.u32 $0x9, v14;
	v14 =	vadd.s32 $0xE39, v13;
	v18 =	vld.idx.msk [tilespmem:v19+s10+$0x0], $0xffff;
	[tilespmem:s12+$0x0] =	vst v15  }
0x1ca: {  	s16 =	sor.u32 s14, s16;
	v19 =	vadd.s32 $0x38F, v12;
	v10 =	vld.idx.msk [tilespmem:v10+s10+$0x0], $0xffff  }
0x1cb: {  	s5 =	sor.u32 s23, s5;
	[tilespmem:s16+$0x0] =	vst v22;
	v15 =	vld.idx.msk [tilespmem:v20+s10+$0x0], $0xffff;
	v20 =	vadd.s32 $0x11C1, v5  }
0x1cc: {  	s21 =	sor.u32 s1, s13;
	[tilespmem:s5+$0x0] =	vst v21;
	s16 =	sadd.s32 $0xF580, s24;
	v16 =	vld.idx.msk [tilespmem:v16+s10+$0x0], $0xffff  }
0x1cd: {  	s26 =	sor.u32 s31, s16;
	[tilespmem:s21+$0x0] =	vst v17;
	v17 =	vadd.s32 $0x720, v7;
	v8 =	vld.idx.msk [tilespmem:v8+s10+$0x0], $0xffff;
	s21 =	sadd.s32 $0x11480, s30  }
0x1ce: {  	[tilespmem:s26+$0x0] =	vst v18;
	v18 =	vadd.s32 $0x11C7, v6;
	v14 =	vld.idx.msk [tilespmem:v14+s10+$0x0], $0xffff;
	s3 =	sor.u32 s25, s21  }
0x1cf: {  	v21 =	vadd.s32 $0xE3A, v13;
	s5 =	sor.u32 $0x14380, s7;
	v19 =	vld.idx.msk [tilespmem:v19+s10+$0x0], $0xffff;
	[tilespmem:s3+$0x0] =	vst v10  }
0x1d0: {  	s4 =	sor.u32 s14, s4;
	v10 =	vld.idx.msk [tilespmem:v20+s10+$0x0], $0xffff;
	v20 =	vadd.s32 $0x390, v12;
	[smem:$0x7F0] =	sst s5  }
0x1d1: {  	s11 =	sor.u32 s6, s5;
	[tilespmem:s4+$0x0] =	vst v16;
	v16 =	vadd.s32 $0x38F, v9;
	v22 =	vld [tilespmem:s29+$0x180]  }
0x1d2: {  	v23 =	vadd.s32 $0x11C2, v5;
	s12 =	sor.u32 s1, s20;
	s20 =	sor.u32 $0x10200, s24;
	[tilespmem:s11+$0x0] =	vst v15;
	v17 =	vld.idx.msk [tilespmem:v17+s10+$0x0], $0xffff  }
0x1d3: {  	v7 =	vadd.s32 $0x721, v7;
	s26 =	sor.u32 s31, s20;
	[tilespmem:s12+$0x0] =	vst v14;
	v14 =	vld.idx.msk [tilespmem:v18+s10+$0x0], $0xffff  }
0x1d4: {  	s13 =	smov.u32 s29;
	s3 =	sor.u32 s23, s16;
	[tilespmem:s26+$0x0] =	vst v19;
	v18 =	vld.idx.msk [tilespmem:v21+s10+$0x0], $0xffff  }
0x1d5: {  	s16 =	simm.s32 $0x80;
	s5 =	sor.u32 s2, s15;
	[tilespmem:s3+$0x0] =	vst v8;
	v8 =	vadd.s32 $0xE3B, v13;
	s12 =	simm.s32 $0x400;
	v13 =	vld.idx.msk [tilespmem:v20+s10+$0x0], $0xffff  }
0x1d6: {  	s29 =	sand.u32 $0x60, s16;
	[tilespmem:s5+$0x0] =	vst v10;
	s26 =	sor.u32 s14, s22;
	s16 =	sand.u32 $0xC00, s12;
	v10 =	vld.idx.msk [tilespmem:v16+s10+$0x0], $0xffff;
	v15 =	vmul.u32 $0x9, v22;
	v16 =	vadd.s32 $0x391, v12  }
0x1d7: {  	s17 =	sor.u32 s1, s17;
	s15 =	sor.u32 $0x10, s29;
	s3 =	sor.u32 $0x18200, s16;
	[tilespmem:s26+$0x0] =	vst v17;
	v17 =	vld.idx.msk [tilespmem:v23+s10+$0x0], $0xffff  }
0x1d8: {  	s22 =	sor.u32 $0x10280, s24;
	s5 =	sor.u32 s15, s3;
	v7 =	vld.idx.msk [tilespmem:v7+s10+$0x0], $0xffff;
	v19 =	vadd.s32 $0xAA7, v15;
	[smem:$0x7F2] =	sst s1  }
0x1d9: {  	s12 =	sor.u32 s31, s22;
	[tilespmem:s17+$0x0] =	vst v18;
	v18 =	vadd.s32 $0x390, v9;
	v20 =	vld [tilespmem:s5+$0x0]  }
0x1da: {  	[tilespmem:s12+$0x0] =	vst v13;
	v8 =	vld.idx.msk [tilespmem:v8+s10+$0x0], $0xffff  }
0x1db: {  	s20 =	sor.u32 s23, s20;
	s3 =	sor.u32 s29, s3;
	v13 =	vld.idx.msk [tilespmem:v16+s10+$0x0], $0xffff  }
0x1dc: {  	s26 =	sor.u32 s14, s21;
	v16 =	vld [tilespmem:s3+$0x0];
	[tilespmem:s20+$0x0] =	vst v10  }
0x1dd: {  	s4 =	sadd.s32 $0x14400, s7;
	v10 =	vld.idx.msk [tilespmem:v19+s10+$0x0], $0xffff;
	[tilespmem:s26+$0x0] =	vst v7  }
0x1de: {  	s18 =	sor.u32 s1, s18;
	v18 =	vld.idx.msk [tilespmem:v18+s10+$0x0], $0xffff;
	[smem:$0x7F1] =	sst s4  }
0x1df: {  	s12 =	sor.u32 s6, s4;
	s20 =	sor.u32 $0x10300, s24;
	[tilespmem:s18+$0x0] =	vst v8  }
0x1e0: {  	v6 =	vadd.s32 $0x11C8, v6;
	s21 =	sadd.s32 $0x11500, s30;
	[tilespmem:s12+$0x0] =	vst v14;
	s18 =	sor.u32 s31, s20  }
0x1e1: {  	v19 =	vadd.s32 $0x392, v12;
	v7 =	vld [tilespmem:s19+$0x280];
	[tilespmem:s18+$0x0] =	vst v13;
	s19 =	sor.u32 s25, s21  }
0x1e2: {  	v21 =	vadd.s32 $0xAA8, v15;
	s26 =	sor.u32 s23, s22;
	[tilespmem:s19+$0x0] =	vst v10  }
0x1e3: {  	v8 =	vadd.s32 $0x391, v9;
	v22 =	vld [tilespmem:s28+$0x180];
	v14 =	vmul.u32 $0x9, v20;
	[tilespmem:s26+$0x0] =	vst v18  }
0x1e4: {  	s1 =	sld [smem:$0x7EC]  }
0x1e5: {  	v23 =	vadd.s32 $0x11C3, v5;
	v6 =	vld.idx.msk [tilespmem:v6+s10+$0x0], $0xffff;
	v13 =	vmul.u32 $0x9, v16  }
0x1e6: {  	v16 =	vld.idx.msk [tilespmem:v19+s10+$0x0], $0xffff  }
0x1e7: {  	v19 =	vadd.s32 $0x393, v12;
	v18 =	vld.idx.msk [tilespmem:v21+s10+$0x0], $0xffff;
	s1 =	sor.u32 s2, s1  }
0x1e8: {  	v20 =	vadd.s32 $0xAA9, v15;
	v10 =	vmul.u32 $0x9, v22;
	[tilespmem:s1+$0x0] =	vst v17;
	v17 =	vld.idx.msk [tilespmem:v8+s10+$0x0], $0xffff  }
0x1e9: {  	s19 =	sor.u32 $0x10380, s24;
	v21 =	vadd.s32 $0x392, v9;
	v22 =	vld.idx.msk [tilespmem:v14+s10+$0x0], $0xffff  }
0x1ea: {  	s4 =	sor.u32 s31, s19;
	s1 =	sadd.s32 $0x11580, s30;
	v8 =	vld.idx.msk [tilespmem:v23+s10+$0x0], $0xffff;
	v23 =	vadd.s32 $0xAA7, v10  }
0x1eb: {  	v24 =	vadd.s32 $0x1, v14;
	[tilespmem:s4+$0x0] =	vst v16;
	v16 =	vld.idx.msk [tilespmem:v13+s10+$0x0], $0xffff;
	s12 =	sor.u32 s25, s1  }
0x1ec: {  	s20 =	sor.u32 s23, s20;
	v19 =	vld.idx.msk [tilespmem:v19+s10+$0x0], $0xffff;
	[tilespmem:s12+$0x0] =	vst v18;
	v18 =	vadd.s32 $0x1, v13  }
0x1ed: {  	s22 =	sadd.s32 $0xE500, s16;
	v12 =	vadd.s32 $0x394, v12;
	[tilespmem:s20+$0x0] =	vst v17;
	v17 =	vld.idx.msk [tilespmem:v20+s10+$0x0], $0xffff  }
0x1ee: {  	s26 =	sor.u32 s15, s22;
	v20 =	vld.idx.msk [tilespmem:v21+s10+$0x0], $0xffff;
	v21 =	vadd.s32 $0xAAA, v15  }
0x1ef: {  	s18 =	sor.u32 s29, s22;
	s22 =	sadd.s32 $0x10400, s24;
	[tilespmem:s26+$0x0] =	vst v22;
	v22 =	vadd.s32 $0x393, v9;
	v23 =	vld.idx.msk [tilespmem:v23+s10+$0x0], $0xffff  }
0x1f0: {  	s4 =	sor.u32 s31, s22;
	v24 =	vld.idx.msk [tilespmem:v24+s10+$0x0], $0xffff;
	[tilespmem:s18+$0x0] =	vst v16;
	v16 =	vadd.s32 $0xAA8, v10;
	s18 =	sor.u32 $0x12200, s30  }
0x1f1: {  	[tilespmem:s4+$0x0] =	vst v19;
	v19 =	vadd.s32 $0x2, v14;
	s12 =	sor.u32 s25, s18;
	v18 =	vld.idx.msk [tilespmem:v18+s10+$0x0], $0xffff  }
0x1f2: {  	s19 =	sor.u32 s23, s19;
	v25 =	vld.idx.msk [tilespmem:v12+s10+$0x0], $0xffff;
	[tilespmem:s12+$0x0] =	vst v17;
	v17 =	vadd.s32 $0x2, v13  }
0x1f3: {  	s26 =	sor.u32 s14, s21;
	s4 =	sadd.s32 $0xE580, s16;
	v12 =	vmul.u32 $0x9, v11;
	[tilespmem:s19+$0x0] =	vst v20;
	v20 =	vld.idx.msk [tilespmem:v21+s10+$0x0], $0xffff  }
0x1f4: {  	s12 =	sor.u32 s15, s4;
	[tilespmem:s26+$0x0] =	vst v23;
	v21 =	vadd.s32 $0xAAB, v15;
	v11 =	vld.idx.msk [tilespmem:v22+s10+$0x0], $0xffff  }
0x1f5: {  	s21 =	sor.u32 s29, s4;
	[tilespmem:s12+$0x0] =	vst v24;
	s26 =	sadd.s32 $0x10480, s24;
	v16 =	vld.idx.msk [tilespmem:v16+s10+$0x0], $0xffff;
	v22 =	vadd.s32 $0x11C1, v12  }
0x1f6: {  	v9 =	vadd.s32 $0x394, v9;
	s20 =	sor.u32 $0x12280, s30;
	[tilespmem:s21+$0x0] =	vst v18;
	v18 =	vld.idx.msk [tilespmem:v19+s10+$0x0], $0xffff;
	s4 =	sor.u32 s31, s26  }
0x1f7: {  	s12 =	sor.u32 s25, s20;
	v19 =	vadd.s32 $0xAA9, v10;
	[tilespmem:s4+$0x0] =	vst v25;
	v17 =	vld.idx.msk [tilespmem:v17+s10+$0x0], $0xffff  }
0x1f8: {  	s21 =	sor.u32 s23, s22;
	v23 =	vld [tilespmem:s0+$0x100];
	[tilespmem:s12+$0x0] =	vst v20;
	v20 =	vadd.s32 $0x3, v14  }
0x1f9: {  	s1 =	sor.u32 s14, s1;
	s22 =	sor.u32 $0xF200, s16;
	v21 =	vld.idx.msk [tilespmem:v21+s10+$0x0], $0xffff;
	[tilespmem:s21+$0x0] =	vst v11  }
0x1fa: {  	s0 =	sor.u32 s15, s22;
	v22 =	vld.idx.msk [tilespmem:v22+s10+$0x0], $0xffff;
	[tilespmem:s1+$0x0] =	vst v16  }
0x1fb: {  	v24 =	vadd.s32 $0x3, v13;
	s4 =	sor.u32 s29, s22;
	[tilespmem:s0+$0x0] =	vst v18;
	v9 =	vld.idx.msk [tilespmem:v9+s10+$0x0], $0xffff  }
0x1fc: {  	v25 =	vadd.s32 $0xAAC, v15;
	s22 =	sadd.s32 $0x13500, s8;
	s21 =	sor.u32 $0x12300, s30;
	v18 =	vld.idx.msk [tilespmem:v19+s10+$0x0], $0xffff;
	[tilespmem:s4+$0x0] =	vst v17  }
0x1fd: {  	v16 =	vadd.s32 $0x11C2, v12;
	s12 =	sor.u32 s25, s21;
	v19 =	vld.idx.msk [tilespmem:v20+s10+$0x0], $0xffff;
	[smem:$0x7F3] =	sst s22  }
0x1fe: {  	s1 =	sor.u32 s9, s22;
	[tilespmem:s12+$0x0] =	vst v21  }
0x1ff: {  	v11 =	vmul.u32 $0x9, v23;
	v17 =	vadd.s32 $0xAAA, v10;
	s4 =	sor.u32 s23, s26;
	[tilespmem:s1+$0x0] =	vst v22  }
0x200: {  	s18 =	sor.u32 s14, s18;
	v20 =	vld.idx.msk [tilespmem:v24+s10+$0x0], $0xffff;
	v21 =	vadd.s32 $0x4, v14;
	[tilespmem:s4+$0x0] =	vst v9  }
0x201: {  	v22 =	vadd.s32 $0x71A, v11;
	v23 =	vld.idx.msk [tilespmem:v25+s10+$0x0], $0xffff;
	[tilespmem:s18+$0x0] =	vst v18  }
0x202: {  	s12 =	sor.u32 $0xF280, s16;
	v9 =	vadd.s32 $0x4, v13;
	v16 =	vld.idx.msk [tilespmem:v16+s10+$0x0], $0xffff;
	s18 =	rddreg [dreg:$0x8]  }
0x203: {  	v24 =	vadd.s32 $0xAAD, v15;
	s22 =	sor.u32 s15, s12;
	v18 =	vld [tilespmem:s18+$0x100]  }
0x204: {  	v17 =	vld.idx.msk [tilespmem:v17+s10+$0x0], $0xffff;
	[tilespmem:s22+$0x0] =	vst v19;
	v19 =	vadd.s32 $0x11C3, v12  }
0x205: {  	v25 =	vadd.s32 $0xAAB, v10;
	s19 =	sor.u32 s29, s12;
	s18 =	sor.u32 $0x12380, s30;
	v21 =	vld.idx.msk [tilespmem:v21+s10+$0x0], $0xffff  }
0x206: {  	s12 =	sadd.s32 $0x13580, s8;
	s26 =	sor.u32 s25, s18;
	[tilespmem:s19+$0x0] =	vst v20;
	v20 =	vld.idx.msk [tilespmem:v22+s10+$0x0], $0xffff;
	v22 =	vadd.s32 $0x5, v14  }
0x207: {  	v26 =	vadd.s32 $0x71B, v11;
	s0 =	sor.u32 s9, s12;
	[tilespmem:s26+$0x0] =	vst v23;
	v23 =	vld.idx.msk [tilespmem:v9+s10+$0x0], $0xffff  }
0x208: {  	s20 =	sor.u32 s14, s20;
	s1 =	sor.u32 $0xF300, s16;
	[tilespmem:s0+$0x0] =	vst v16;
	v16 =	vadd.s32 $0x5, v13;
	v24 =	vld.idx.msk [tilespmem:v24+s10+$0x0], $0xffff  }
0x209: {  	s17 =	smov.u32 s28;
	s28 =	sadd.s32 $0x10500, s24;
	v15 =	vadd.s32 $0xAAE, v15;
	s19 =	sor.u32 s15, s1;
	[tilespmem:s20+$0x0] =	vst v17;
	v9 =	vmul.u32 $0x9, v18;
	v17 =	vld.idx.msk [tilespmem:v19+s10+$0x0], $0xffff  }
0x20a: {  	s26 =	sor.u32 s31, s28;
	v18 =	vld.idx.msk [tilespmem:v25+s10+$0x0], $0xffff;
	v19 =	vadd.s32 $0x11C4, v12;
	[tilespmem:s19+$0x0] =	vst v21  }
0x20b: {  	s22 =	sadd.s32 $0x12400, s30;
	s0 =	sor.u32 s29, s1;
	[tilespmem:s26+$0x0] =	vst v20;
	v20 =	vadd.s32 $0x71A, v9;
	v21 =	vld.idx.msk [tilespmem:v22+s10+$0x0], $0xffff  }
0x20c: {  	s1 =	sor.u32 s25, s22;
	s20 =	sor.u32 $0x14200, s8;
	[tilespmem:s0+$0x0] =	vst v23;
	v22 =	vadd.s32 $0xAAC, v10;
	v23 =	vld.idx.msk [tilespmem:v26+s10+$0x0], $0xffff  }
0x20d: {  	s19 =	sor.u32 s9, s20;
	[tilespmem:s1+$0x0] =	vst v24;
	v16 =	vld.idx.msk [tilespmem:v16+s10+$0x0], $0xffff;
	v24 =	vadd.s32 $0x6, v14  }
0x20e: {  	v15 =	vld.idx.msk [tilespmem:v15+s10+$0x0], $0xffff;
	[tilespmem:s19+$0x0] =	vst v17;
	v17 =	vadd.s32 $0x71C, v11  }
0x20f: {  	s11 =	smov.u32 s2;
	s21 =	sor.u32 s14, s21;
	v25 =	vadd.s32 $0x6, v13;
	s0 =	sor.u32 $0xF380, s16;
	v19 =	vld.idx.msk [tilespmem:v19+s10+$0x0], $0xffff  }
0x210: {  	s2 =	smov.u32 s30;
	s30 =	sadd.s32 $0x10580, s24;
	s1 =	sor.u32 s15, s0;
	[tilespmem:s21+$0x0] =	vst v18;
	v18 =	vld.idx.msk [tilespmem:v20+s10+$0x0], $0xffff  }
0x211: {  	s19 =	sor.u32 s31, s30;
	[tilespmem:s1+$0x0] =	vst v21;
	v20 =	vld.idx.msk [tilespmem:v22+s10+$0x0], $0xffff;
	v21 =	vadd.s32 $0x11C5, v12  }
0x212: {  	s26 =	sadd.s32 $0x12480, s2;
	s0 =	sor.u32 s29, s0;
	[tilespmem:s19+$0x0] =	vst v23;
	v22 =	vadd.s32 $0x71B, v9;
	v23 =	vld.idx.msk [tilespmem:v24+s10+$0x0], $0xffff  }
0x213: {  	v14 =	vadd.s32 $0x7, v14;
	s21 =	sor.u32 $0x14280, s8;
	s1 =	sor.u32 s25, s26;
	[tilespmem:s0+$0x0] =	vst v16;
	v16 =	vld.idx.msk [tilespmem:v17+s10+$0x0], $0xffff  }
0x214: {  	s19 =	sor.u32 s9, s21;
	[tilespmem:s1+$0x0] =	vst v15;
	v15 =	vadd.s32 $0xAAD, v10;
	v17 =	vld.idx.msk [tilespmem:v25+s10+$0x0], $0xffff  }
0x215: {  	s1 =	sor.u32 s23, s28;
	s28 =	sadd.s32 $0xF400, s16;
	v24 =	vld [tilespmem:s13+$0x200];
	[tilespmem:s19+$0x0] =	vst v19  }
0x216: {  	s13 =	sor.u32 s15, s28;
	[tilespmem:s1+$0x0] =	vst v18;
	v18 =	vld.idx.msk [tilespmem:v21+s10+$0x0], $0xffff  }
0x217: {  	s18 =	sor.u32 s14, s18;
	v19 =	vadd.s32 $0x71D, v11;
	s1 =	sor.u32 $0x11200, s24;
	v21 =	vld.idx.msk [tilespmem:v22+s10+$0x0], $0xffff;
	[tilespmem:s13+$0x0] =	vst v23  }
0x218: {  	v13 =	vadd.s32 $0x7, v13;
	[tilespmem:s18+$0x0] =	vst v20;
	s19 =	sor.u32 s31, s1;
	v14 =	vld.idx.msk [tilespmem:v14+s10+$0x0], $0xffff  }
0x219: {  	v22 =	vadd.s32 $0x11C6, v12;
	s13 =	sor.u32 s29, s28;
	v15 =	vld.idx.msk [tilespmem:v15+s10+$0x0], $0xffff;
	[tilespmem:s19+$0x0] =	vst v16;
	s19 =	sor.u32 $0x14300, s8  }
0x21a: {  	v20 =	vadd.s32 $0x71C, v9;
	[tilespmem:s13+$0x0] =	vst v17;
	s18 =	sor.u32 s9, s19  }
0x21b: {  	s28 =	sadd.s32 $0xF480, s16;
	s13 =	sor.u32 s23, s30;
	[tilespmem:s18+$0x0] =	vst v18  }
0x21c: {  	v10 =	vadd.s32 $0xAAE, v10;
	v16 =	vld.idx.msk [tilespmem:v19+s10+$0x0], $0xffff;
	v19 =	vmul.u32 $0x9, v24;
	[tilespmem:s13+$0x0] =	vst v21;
	s18 =	sor.u32 s15, s28  }
0x21d: {  	s22 =	sor.u32 s14, s22;
	v17 =	vadd.s32 $0x71E, v11;
	v13 =	vld.idx.msk [tilespmem:v13+s10+$0x0], $0xffff;
	[tilespmem:s18+$0x0] =	vst v14  }
0x21e: {  	v18 =	vadd.s32 $0xE34, v19;
	v21 =	vld.idx.msk [tilespmem:v22+s10+$0x0], $0xffff;
	[tilespmem:s22+$0x0] =	vst v15  }
0x21f: {  	s30 =	sor.u32 $0x11280, s24;
	v14 =	vld.idx.msk [tilespmem:v20+s10+$0x0], $0xffff;
	[dreg:$0xa] =	wrdreg s5  }
0x220: {  	v20 =	vld [tilespmem:s5+$0x80];
	s5 =	sor.u32 s31, s30  }
0x221: {  	s13 =	sor.u32 s29, s28;
	s22 =	sor.u32 $0x14380, s8;
	v10 =	vld.idx.msk [tilespmem:v10+s10+$0x0], $0xffff;
	[tilespmem:s5+$0x0] =	vst v16  }
0x222: {  	s18 =	sor.u32 s9, s22;
	[tilespmem:s13+$0x0] =	vst v13;
	v17 =	vld.idx.msk [tilespmem:v17+s10+$0x0], $0xffff  }
0x223: {  	v13 =	vld.idx.msk [tilespmem:v18+s10+$0x0], $0xffff;
	[tilespmem:s18+$0x0] =	vst v21  }
0x224: {  	s1 =	sor.u32 s23, s1;
	[dreg:$0x9] =	wrdreg s3  }
0x225: {  	v15 =	vadd.s32 $0x11C7, v12;
	s5 =	sor.u32 s14, s26;
	[tilespmem:s1+$0x0] =	vst v14;
	s1 =	sor.u32 $0x11300, s24  }
0x226: {  	s28 =	sadd.s32 $0x12500, s2;
	v16 =	vadd.s32 $0x71D, v9;
	[tilespmem:s5+$0x0] =	vst v10;
	s13 =	sor.u32 s31, s1  }
0x227: {  	s4 =	smov.u32 s14;
	v22 =	vadd.s32 $0x71F, v11;
	s14 =	sor.u32 s25, s28;
	[tilespmem:s13+$0x0] =	vst v17  }
0x228: {  	v23 =	vadd.s32 $0xE35, v19;
	v21 =	vld [tilespmem:s3+$0x80];
	[tilespmem:s14+$0x0] =	vst v13  }
0x229: {  	s0 =	sld [smem:$0x7ED]  }
0x22a: {  	v15 =	vld.idx.msk [tilespmem:v15+s10+$0x0], $0xffff  }
0x22b: {  	v10 =	vld.idx.msk [tilespmem:v16+s10+$0x0], $0xffff  }
0x22c: {  	v18 =	vmul.u32 $0x9, v20;
	v13 =	vadd.s32 $0x71E, v9;
	v20 =	vld.idx.msk [tilespmem:v22+s10+$0x0], $0xffff;
	s0 =	sor.u32 s11, s0  }
0x22d: {  	s18 =	sadd.s32 $0x14400, s8;
	v14 =	vadd.s32 $0x11C4, v5;
	[tilespmem:s0+$0x0] =	vst v8;
	v8 =	vmul.u32 $0x9, v21;
	v21 =	vld.idx.msk [tilespmem:v23+s10+$0x0], $0xffff  }
0x22e: {  	v16 =	vld [tilespmem:s17+$0x200];
	s17 =	sor.u32 s9, s18;
	v17 =	vadd.s32 $0x38D, v18  }
0x22f: {  	v12 =	vadd.s32 $0x11C8, v12;
	s26 =	sor.u32 s23, s30;
	s30 =	sor.u32 $0x11380, s24;
	[tilespmem:s17+$0x0] =	vst v15  }
0x230: {  	s3 =	sor.u32 s31, s30;
	v22 =	vadd.s32 $0x720, v11;
	[tilespmem:s26+$0x0] =	vst v10;
	s26 =	sadd.s32 $0x12580, s2  }
0x231: {  	v13 =	vld.idx.msk [tilespmem:v13+s10+$0x0], $0xffff;
	s5 =	sor.u32 s25, s26;
	[tilespmem:s3+$0x0] =	vst v20  }
0x232: {  	v15 =	vadd.s32 $0xE36, v19;
	v14 =	vld.idx.msk [tilespmem:v14+s10+$0x0], $0xffff;
	[tilespmem:s5+$0x0] =	vst v21  }
0x233: {  	v17 =	vld.idx.msk [tilespmem:v17+s10+$0x0], $0xffff;
	v23 =	vadd.s32 $0x38D, v8;
	s0 =	sld [smem:$0x7EE]  }
0x234: {  	v12 =	vld.idx.msk [tilespmem:v12+s10+$0x0], $0xffff;
	v26 =	vmul.u32 $0x9, v16;
	v16 =	vadd.s32 $0x38E, v18  }
0x235: {  	s1 =	sor.u32 s23, s1;
	v21 =	vld.idx.msk [tilespmem:v22+s10+$0x0], $0xffff  }
0x236: {  	s14 =	smov.u32 s11;
	[tilespmem:s1+$0x0] =	vst v13;
	s0 =	sor.u32 s11, s0;
	s11 =	sadd.s32 $0xF500, s16  }
0x237: {  	s8 =	sadd.s32 $0x14480, s8;
	v15 =	vld.idx.msk [tilespmem:v15+s10+$0x0], $0xffff;
	[tilespmem:s0+$0x0] =	vst v14;
	s13 =	sor.u32 s15, s11  }
0x238: {  	s9 =	sor.u32 s9, s8;
	s5 =	sadd.s32 $0x11400, s24;
	v14 =	vld.idx.msk [tilespmem:v23+s10+$0x0], $0xffff;
	[tilespmem:s13+$0x0] =	vst v17  }
0x239: {  	v10 =	vadd.s32 $0x11C5, v5;
	s3 =	sor.u32 s31, s5;
	[tilespmem:s9+$0x0] =	vst v12;
	s0 =	sadd.s32 $0x14480, s7;
	v13 =	vld.idx.msk [tilespmem:v16+s10+$0x0], $0xffff  }
0x23a: {  	v20 =	vadd.s32 $0x71F, v9;
	[tilespmem:s3+$0x0] =	vst v21;
	s17 =	sor.u32 s6, s0;
	s13 =	sor.u32 $0x13200, s2  }
0x23b: {  	v22 =	vadd.s32 $0xE34, v26;
	[tilespmem:s17+$0x0] =	vst v6;
	s6 =	sor.u32 s25, s13  }
0x23c: {  	v11 =	vadd.s32 $0x721, v11;
	s7 =	sor.u32 s29, s11;
	s3 =	sadd.s32 $0xF580, s16;
	[tilespmem:s6+$0x0] =	vst v15  }
0x23d: {  	v17 =	vmul.u32 $0x9, v7;
	v7 =	vadd.s32 $0xE37, v19;
	s11 =	sor.u32 s15, s3;
	[tilespmem:s7+$0x0] =	vst v14  }
0x23e: {  	v32 =	vld.idx.msk [tilespmem:v10+s10+$0x0], $0xffff;
	v10 =	vadd.s32 $0x38E, v8;
	[tilespmem:s11+$0x0] =	vst v13  }
0x23f: {  	v16 =	vld.idx.msk [tilespmem:v20+s10+$0x0], $0xffff;
	s1 =	sld [smem:$0x7F0]  }
0x240: {  	v21 =	vld.idx.msk [tilespmem:v22+s10+$0x0], $0xffff  }
0x241: {  	v11 =	vld.idx.msk [tilespmem:v11+s10+$0x0], $0xffff  }
0x242: {  	v7 =	vld.idx.msk [tilespmem:v7+s10+$0x0], $0xffff;
	s6 =	sor.u32 s14, s1  }
0x243: {  	v10 =	vld.idx.msk [tilespmem:v10+s10+$0x0], $0xffff;
	s11 =	sor.u32 s23, s30;
	[dreg:$0x16] =	wrdreg s6  }
0x244: {  	v6 =	vadd.s32 $0x11C1, v17;
	s17 =	sld [smem:$0x7EF];
	[tilespmem:s11+$0x0] =	vst v16  }
0x245: {  	v20 =	vadd.s32 $0x38F, v18;
	s1 =	sld [smem:$0x7F1];
	_ =	sdelay $0x2  }
0x246: {  	s7 =	smov.u32 s14;
	s1 =	sor.u32 s14, s1  }
0x247: {  	s0 =	sor.u32 s7, s0;
	s9 =	sor.u32 s14, s17;
	v6 =	vld.idx.msk [tilespmem:v6+s10+$0x0], $0xffff;
	[dreg:$0xf] =	wrdreg s1  }
0x248: {  	s17 =	sor.u32 s4, s28;
	s28 =	sadd.s32 $0x11480, s24;
	v29 =	vld.idx.msk [tilespmem:v20+s10+$0x0], $0xffff;
	[dreg:$0xe] =	wrdreg s0  }
0x249: {  	s14 =	smov.u32 s24;
	s24 =	sor.u32 s31, s28;
	[tilespmem:s17+$0x0] =	vst v21  }
0x24a: {  	v15 =	vadd.s32 $0x720, v9;
	[tilespmem:s24+$0x0] =	vst v11  }
0x24b: {  	v22 =	vadd.s32 $0xE35, v26;
	s11 =	sld [smem:$0x7F2];
	_ =	sdelay $0x2  }
0x24c: {  	s6 =	sor.u32 $0x13280, s2;
	s0 =	sld [smem:$0x7F3];
	s1 =	sor.u32 s11, s12  }
0x24d: {  	v31 =	vld.idx.msk [tilespmem:v15+s10+$0x0], $0xffff;
	s12 =	sor.u32 s25, s6;
	[smem:$0x7F4] =	sst s1  }
0x24e: {  	v12 =	vadd.s32 $0xE38, v19;
	s20 =	sor.u32 s11, s20;
	v33 =	vld.idx.msk [tilespmem:v22+s10+$0x0], $0xffff;
	s10 =	sld [smem:$0x7F5];
	[tilespmem:s12+$0x0] =	vst v7  }
0x24f: {  	s3 =	sor.u32 s29, s3;
	v13 =	vadd.s32 $0x38F, v8;
	s21 =	sor.u32 s11, s21;
	[dreg:$0x12] =	wrdreg s20  }
0x250: {  	v34 =	vadd.s32 $0x721, v9;
	v30 =	vadd.s32 $0x11C2, v17;
	s17 =	smov.u32 s31;
	s31 =	smov.u32 s2;
	[dreg:$0x10] =	wrdreg s21  }
0x251: {  	v36 =	vadd.s32 $0xE36, v26;
	v24 =	vadd.s32 $0xE37, v26;
	v11 =	vadd.s32 $0x390, v18;
	s7 =	sor.u32 s11, s0;
	s30 =	sor.u32 s11, s19;
	s24 =	sor.u32 s11, s22;
	[tilespmem:s3+$0x0] =	vst v10  }
0x252: {  	v28 =	vadd.s32 $0x390, v8;
	v23 =	vadd.s32 $0x391, v8;
	v9 =	vadd.s32 $0xE3B, v26;
	s18 =	sor.u32 s11, s18;
	v35 =	vld [tilespmem:s10+$0x180];
	[dreg:$0x13] =	wrdreg s24;
	s24 =	simm.s32 $0x19200  }
0x253: {  	v14 =	vadd.s32 $0x11C7, v5;
	v16 =	vadd.s32 $0x11C6, v5;
	v5 =	vadd.s32 $0x11C8, v5;
	s22 =	sor.u32 s4, s26;
	s1 =	sor.u32 $0x10200, s16;
	v25 =	vld.idx.msk [tilespmem:v12+s24+$0x0], $0xffff;
	[dreg:$0x11] =	wrdreg s18  }
0x254: {  	v20 =	vadd.s32 $0x394, v8;
	v21 =	vadd.s32 $0x393, v8;
	v15 =	vadd.s32 $0xE38, v26;
	s26 =	sor.u32 s23, s5;
	s21 =	sor.u32 s11, s8;
	s20 =	sor.u32 s15, s1;
	[tilespmem:s7+$0x0] =	vst v6;
	v27 =	vld.idx.msk [tilespmem:v13+s24+$0x0], $0xffff  }
0x255: {  	v22 =	vadd.s32 $0x392, v8;
	v8 =	vadd.s32 $0x11C4, v17;
	v7 =	vadd.s32 $0x11C5, v17;
	s8 =	simm.s32 $0x8;
	s3 =	smov.u32 s25;
	s12 =	smov.u32 s10;
	[tilespmem:s20+$0x0] =	vst v29;
	v29 =	vld.idx.msk [tilespmem:v30+s24+$0x0], $0xffff  }
0x256: {  	v10 =	vadd.s32 $0xE3A, v26;
	s10 =	smov.u32 s4;
	v12 =	vadd.s32 $0xE39, v26;
	s18 =	sor.u32 s4, s13;
	v26 =	vadd.s32 $0x11C3, v17;
	s13 =	sor.u32 $0x13300, s2;
	[tilespmem:s26+$0x0] =	vst v31;
	v31 =	vld.idx.msk [tilespmem:v11+s24+$0x0], $0xffff  }
0x257: {  	s26 =	sor.u32 s23, s28;
	s28 =	sor.u32 s4, s6;
	s7 =	sor.u32 s29, s1;
	[tilespmem:s22+$0x0] =	vst v33;
	v13 =	vadd.s32 $0x11C6, v17;
	v6 =	vadd.s32 $0x11C8, v17;
	v33 =	vadd.s32 $0x391, v18;
	v30 =	vld.idx.msk [tilespmem:v34+s24+$0x0], $0xffff  }
0x258: {  	[tilespmem:s9+$0x0] =	vst v32;
	s20 =	simm.s32 $0x500;
	s6 =	simm.s32 $0xA0;
	s9 =	sor.u32 s25, s13;
	v11 =	vadd.s32 $0x11C7, v17;
	v34 =	vadd.s32 $0xE39, v19;
	v32 =	vld.idx.msk [tilespmem:v36+s24+$0x0], $0xffff;
	v17 =	vmul.u32 $0x9, v35  }
.LBB2_2:
0x259: {  	_ = 	snop  }
0x25a: {  	[dreg:$0x19] =	wrdreg s21  }
0x25b: {  	s19 =	sand.u32 $0x60, s6;
	s0 =	sld [smem:$0x7F4]  }
0x25c: {  	s21 =	sand.u32 $0xC00, s20;
	s22 =	sor.u32 s10, s13;
	s4 =	sor.u32 $0x10280, s16;
	[tilespmem:s9+$0x0] =	vst v25;
	v25 =	vld.idx.msk [tilespmem:v16+s24+$0x0], $0xffff  }
0x25d: {  	s11 =	simm.s32 $0x19200;
	s5 =	sor.u32 $0x18200, s21;
	s13 =	sor.u32 $0x10, s19;
	v16 =	vmov v13;
	[tilespmem:s7+$0x0] =	vst v27;
	v13 =	vld.idx.msk [tilespmem:v34+s24+$0x0], $0xffff  }
0x25e: {  	v35 =	vadd.s32 $0xAA7, v17;
	s25 =	sor.u32 s15, s4;
	s7 =	sor.u32 s13, s5;
	v27 =	vld.idx.msk [tilespmem:v28+s11+$0x0], $0xffff;
	[tilespmem:s0+$0x0] =	vst v29  }
0x25f: {  	v28 =	vld [tilespmem:s7+$0x0];
	[tilespmem:s25+$0x0] =	vst v31  }
0x260: {  	s2 =	rddreg [dreg:$0x13];
	s1 =	sor.u32 s19, s5;
	v29 =	vadd.s32 $0xE3A, v19;
	[tilespmem:s26+$0x0] =	vst v30  }
0x261: {  	[smem:$0x7E6] =	sst s1;
	v31 =	vld.idx.msk [tilespmem:v33+s11+$0x0], $0xffff;
	[tilespmem:s18+$0x0] =	vst v32  }
0x262: {  	s0 =	sor.u32 $0x13380, s31;
	v32 =	vld [tilespmem:s1+$0x0];
	s1 =	rddreg [dreg:$0x16]  }
0x263: {  	v53 =	vadd.s32 $0x392, v18;
	s5 =	smov.u32 s2;
	s2 =	rddreg [dreg:$0x8];
	s9 =	sor.u32 s3, s0;
	v30 =	vld.idx.msk [tilespmem:v35+s11+$0x0], $0xffff;
	[tilespmem:s1+$0x0] =	vst v25  }
0x264: {  	s4 =	sor.u32 s29, s4;
	v54 =	vadd.s32 $0xAA8, v17;
	v25 =	vld [tilespmem:s2+$0x180];
	[tilespmem:s9+$0x0] =	vst v13  }
0x265: {  	s24 =	smov.u32 s3;
	s26 =	sor.u32 s10, s0;
	[tilespmem:s4+$0x0] =	vst v27;
	s9 =	sor.u32 $0x10300, s16;
	v13 =	vld.idx.msk [tilespmem:v29+s11+$0x0], $0xffff  }
0x266: {  	s0 =	smov.u32 s14;
	s14 =	sadd.s32 $0x11500, s14;
	v55 =	vld.idx.msk [tilespmem:v23+s11+$0x0], $0xffff;
	s3 =	sor.u32 s15, s9  }
0x267: {  	s1 =	sor.u32 s17, s14;
	v23 =	vmul.u32 $0x9, v28;
	v24 =	vld.idx.msk [tilespmem:v24+s11+$0x0], $0xffff;
	v28 =	vadd.s32 $0xE3B, v19;
	[tilespmem:s3+$0x0] =	vst v31  }
0x268: {  	[dreg:$0x16] =	wrdreg s5;
	s5 =	sadd.s32 $0x13400, s31;
	v33 =	vld.idx.msk [tilespmem:v53+s11+$0x0], $0xffff;
	[tilespmem:s1+$0x0] =	vst v30  }
0x269: {  	v39 =	vadd.s32 $0x393, v18;
	s3 =	sor.u32 s24, s5;
	v32 =	vmul.u32 $0x9, v32;
	v34 =	vld.idx.msk [tilespmem:v54+s11+$0x0], $0xffff  }
0x26a: {  	s4 =	sor.u32 s29, s9;
	v40 =	vld.idx.msk [tilespmem:v26+s11+$0x0], $0xffff;
	[tilespmem:s3+$0x0] =	vst v13  }
0x26b: {  	[smem:$0x7E7] =	sst s30;
	s18 =	sor.u32 s23, s14;
	v42 =	vld.idx.msk [tilespmem:v14+s11+$0x0], $0xffff;
	s9 =	sor.u32 $0x10380, s16;
	v36 =	vmul.u32 $0x9, v25;
	[tilespmem:s4+$0x0] =	vst v55  }
0x26c: {  	v41 =	vadd.s32 $0xAA9, v17;
	s14 =	sor.u32 s10, s5;
	v14 =	vmov v11;
	s5 =	sadd.s32 $0x11580, s0;
	s3 =	sor.u32 s15, s9;
	v11 =	vld.idx.msk [tilespmem:v28+s11+$0x0], $0xffff;
	[tilespmem:s28+$0x0] =	vst v24  }
0x26d: {  	s25 =	smov.u32 s17;
	s1 =	sor.u32 s17, s5;
	v57 =	vadd.s32 $0x1, v23;
	s17 =	rddreg [dreg:$0x12];
	v37 =	vadd.s32 $0x1, v32;
	v56 =	vld.idx.msk [tilespmem:v23+s11+$0x0], $0xffff;
	v43 =	vadd.s32 $0xAA7, v36;
	[tilespmem:s3+$0x0] =	vst v33  }
0x26e: {  	v38 =	vadd.s32 $0x2, v32;
	v31 =	vadd.s32 $0x3, v32;
	v27 =	vadd.s32 $0x4, v32;
	s4 =	sor.u32 s29, s9;
	s9 =	sor.u32 s23, s5;
	s3 =	sadd.s32 $0x13480, s31;
	v39 =	vld.idx.msk [tilespmem:v39+s11+$0x0], $0xffff;
	[tilespmem:s1+$0x0] =	vst v34  }
0x26f: {  	v29 =	vadd.s32 $0x5, v32;
	v19 =	vadd.s32 $0x6, v32;
	v13 =	vadd.s32 $0x7, v32;
	v32 =	vld.idx.msk [tilespmem:v32+s11+$0x0], $0xffff;
	[tilespmem:s17+$0x0] =	vst v40;
	s17 =	sor.u32 s10, s3;
	s5 =	sor.u32 s24, s3;
	s3 =	rddreg [dreg:$0xf]  }
0x270: {  	s28 =	sadd.s32 $0xE500, s21;
	s1 =	rddreg [dreg:$0x11];
	v22 =	vld.idx.msk [tilespmem:v22+s11+$0x0], $0xffff;
	[tilespmem:s3+$0x0] =	vst v42  }
0x271: {  	v18 =	vadd.s32 $0x394, v18;
	s30 =	sor.u32 s19, s28;
	s28 =	sor.u32 s13, s28;
	v34 =	vld.idx.msk [tilespmem:v41+s11+$0x0], $0xffff;
	s3 =	rddreg [dreg:$0x7];
	[tilespmem:s5+$0x0] =	vst v11  }
0x272: {  	v58 =	vld.idx.msk [tilespmem:v43+s11+$0x0], $0xffff;
	s5 =	smov.u32 s1;
	s1 =	smov.u32 s12;
	s12 =	rddreg [dreg:$0xa];
	[tilespmem:s28+$0x0] =	vst v56  }
0x273: {  	v59 =	vadd.s32 $0xAAA, v17;
	[dreg:$0xf] =	wrdreg s5;
	s5 =	sadd.s32 $0x10400, s16;
	v11 =	vld [tilespmem:s3+$0x280]  }
0x274: {  	v44 =	vadd.s32 $0xAA8, v36;
	s3 =	smov.u32 s12;
	[tilespmem:s30+$0x0] =	vst v32;
	v60 =	vld.idx.msk [tilespmem:v57+s11+$0x0], $0xffff;
	s12 =	sor.u32 s29, s5;
	s5 =	sor.u32 s15, s5  }
0x275: {  	s30 =	sor.u32 $0x12200, s0;
	v61 =	vld.idx.msk [tilespmem:v37+s11+$0x0], $0xffff;
	[tilespmem:s5+$0x0] =	vst v39  }
0x276: {  	v62 =	vadd.s32 $0x2, v23;
	s5 =	sor.u32 s25, s30;
	[tilespmem:s4+$0x0] =	vst v22;
	v18 =	vld.idx.msk [tilespmem:v18+s11+$0x0], $0xffff  }
0x277: {  	[tilespmem:s5+$0x0] =	vst v34;
	s5 =	sadd.s32 $0xE580, s21;
	v63 =	vld.idx.msk [tilespmem:v21+s11+$0x0], $0xffff  }
0x278: {  	s28 =	sor.u32 s23, s30;
	v22 =	vld.idx.msk [tilespmem:v59+s11+$0x0], $0xffff;
	[tilespmem:s18+$0x0] =	vst v58;
	s4 =	sor.u32 s13, s5  }
0x279: {  	v40 =	vadd.s32 $0xAAB, v17;
	s30 =	smov.u32 s7;
	s7 =	sor.u32 s19, s5;
	s18 =	sadd.s32 $0x10480, s16;
	v21 =	vmul.u32 $0x9, v11;
	v11 =	vld.idx.msk [tilespmem:v44+s11+$0x0], $0xffff;
	[tilespmem:s4+$0x0] =	vst v60  }
0x27a: {  	v15 =	vld.idx.msk [tilespmem:v15+s11+$0x0], $0xffff;
	s4 =	sor.u32 s15, s18;
	[tilespmem:s7+$0x0] =	vst v61  }
0x27b: {  	v42 =	vld.idx.msk [tilespmem:v62+s11+$0x0], $0xffff;
	s7 =	sor.u32 $0x12280, s0;
	v41 =	vadd.s32 $0x11C1, v21;
	[tilespmem:s4+$0x0] =	vst v18  }
0x27c: {  	v45 =	vadd.s32 $0xAA9, v36;
	s5 =	sor.u32 s29, s18;
	v43 =	vld.idx.msk [tilespmem:v38+s11+$0x0], $0xffff;
	s18 =	sor.u32 s23, s7;
	s7 =	sor.u32 s25, s7;
	[tilespmem:s12+$0x0] =	vst v63  }
0x27d: {  	v18 =	vadd.s32 $0x3, v23;
	v44 =	vld [tilespmem:s3+$0x100];
	[tilespmem:s7+$0x0] =	vst v22  }
0x27e: {  	v22 =	vld.idx.msk [tilespmem:v40+s11+$0x0], $0xffff;
	[tilespmem:s9+$0x0] =	vst v11  }
0x27f: {  	s7 =	sor.u32 $0xF200, s21;
	v20 =	vld.idx.msk [tilespmem:v20+s11+$0x0], $0xffff  }
0x280: {  	v46 =	vadd.s32 $0xAAC, v17;
	s4 =	sor.u32 s13, s7;
	[tilespmem:s22+$0x0] =	vst v15;
	v32 =	vld.idx.msk [tilespmem:v41+s11+$0x0], $0xffff  }
0x281: {  	v47 =	vadd.s32 $0x11C2, v21;
	s12 =	sor.u32 s19, s7;
	[tilespmem:s4+$0x0] =	vst v42;
	v15 =	vld.idx.msk [tilespmem:v45+s11+$0x0], $0xffff  }
0x282: {  	s9 =	sor.u32 $0x12300, s0;
	[tilespmem:s12+$0x0] =	vst v43;
	v18 =	vld.idx.msk [tilespmem:v18+s11+$0x0], $0xffff  }
0x283: {  	v30 =	vadd.s32 $0xAAA, v36;
	s22 =	sadd.s32 $0x13500, s31;
	s4 =	sor.u32 s25, s9;
	v31 =	vld.idx.msk [tilespmem:v31+s11+$0x0], $0xffff;
	v11 =	vmul.u32 $0x9, v44  }
0x284: {  	v48 =	vadd.s32 $0x4, v23;
	s12 =	sor.u32 s23, s9;
	s9 =	sor.u32 s10, s22;
	s22 =	sor.u32 s24, s22;
	v12 =	vld.idx.msk [tilespmem:v12+s11+$0x0], $0xffff;
	[tilespmem:s4+$0x0] =	vst v22  }
0x285: {  	v22 =	vadd.s32 $0x71A, v11;
	v34 =	vld.idx.msk [tilespmem:v46+s11+$0x0], $0xffff;
	[tilespmem:s22+$0x0] =	vst v32  }
0x286: {  	s7 =	sor.u32 $0xF280, s21;
	[tilespmem:s5+$0x0] =	vst v20;
	s22 =	rddreg [dreg:$0x9];
	v20 =	vld.idx.msk [tilespmem:v47+s11+$0x0], $0xffff  }
0x287: {  	s4 =	sor.u32 s13, s7;
	v49 =	vld [tilespmem:s22+$0x100];
	[tilespmem:s28+$0x0] =	vst v15;
	v15 =	vadd.s32 $0xAAD, v17  }
0x288: {  	[smem:$0x7E8] =	sst s9;
	s9 =	sor.u32 s19, s7;
	[tilespmem:s4+$0x0] =	vst v18;
	v18 =	vld.idx.msk [tilespmem:v30+s11+$0x0], $0xffff;
	v30 =	vadd.s32 $0x11C3, v21  }
0x289: {  	s5 =	sor.u32 $0x12380, s0;
	[tilespmem:s9+$0x0] =	vst v31;
	v31 =	vld.idx.msk [tilespmem:v48+s11+$0x0], $0xffff  }
0x28a: {  	v25 =	vadd.s32 $0xAAB, v36;
	s4 =	sor.u32 s25, s5;
	s9 =	sadd.s32 $0x13580, s31;
	v22 =	vld.idx.msk [tilespmem:v22+s11+$0x0], $0xffff;
	[tilespmem:s26+$0x0] =	vst v12  }
0x28b: {  	s7 =	sor.u32 s23, s5;
	[tilespmem:s4+$0x0] =	vst v34;
	s5 =	sor.u32 s24, s9;
	v50 =	vld.idx.msk [tilespmem:v27+s11+$0x0], $0xffff;
	v27 =	vadd.s32 $0x5, v23  }
0x28c: {  	v51 =	vadd.s32 $0x71B, v11;
	v15 =	vld.idx.msk [tilespmem:v15+s11+$0x0], $0xffff;
	[tilespmem:s5+$0x0] =	vst v20  }
0x28d: {  	s26 =	sor.u32 s10, s9;
	s9 =	sor.u32 $0xF300, s21;
	v20 =	vld.idx.msk [tilespmem:v30+s11+$0x0], $0xffff;
	[tilespmem:s18+$0x0] =	vst v18  }
0x28e: {  	[smem:$0x7F4] =	sst s26;
	s4 =	sor.u32 s13, s9;
	s26 =	sadd.s32 $0x10500, s16;
	v32 =	vmul.u32 $0x9, v49;
	v18 =	vadd.s32 $0xAAE, v17;
	v53 =	vld.idx.msk [tilespmem:v10+s11+$0x0], $0xffff  }
0x28f: {  	v55 =	vadd.s32 $0x11C4, v21;
	s5 =	sor.u32 s19, s9;
	s9 =	sor.u32 s15, s26;
	[tilespmem:s4+$0x0] =	vst v31;
	v54 =	vld.idx.msk [tilespmem:v25+s11+$0x0], $0xffff  }
0x290: {  	s18 =	sor.u32 s29, s26;
	s26 =	sadd.s32 $0x12400, s0;
	v30 =	vadd.s32 $0x71A, v32;
	v39 =	vld.idx.msk [tilespmem:v27+s11+$0x0], $0xffff;
	[tilespmem:s9+$0x0] =	vst v22  }
0x291: {  	v28 =	vadd.s32 $0xAAC, v36;
	s4 =	sor.u32 s25, s26;
	[tilespmem:s5+$0x0] =	vst v50;
	s5 =	sor.u32 $0x14200, s31;
	v22 =	vld.idx.msk [tilespmem:v51+s11+$0x0], $0xffff  }
0x292: {  	v56 =	vadd.s32 $0x6, v23;
	s9 =	sor.u32 s23, s26;
	v29 =	vld.idx.msk [tilespmem:v29+s11+$0x0], $0xffff;
	s26 =	sor.u32 s10, s5;
	s5 =	sor.u32 s24, s5;
	[tilespmem:s4+$0x0] =	vst v15  }
0x293: {  	v15 =	vadd.s32 $0x71C, v11;
	v18 =	vld.idx.msk [tilespmem:v18+s11+$0x0], $0xffff;
	[tilespmem:s5+$0x0] =	vst v20  }
0x294: {  	[dreg:$0x12] =	wrdreg s26;
	s26 =	sor.u32 $0xF380, s21;
	[tilespmem:s14+$0x0] =	vst v53;
	v20 =	vld.idx.msk [tilespmem:v55+s11+$0x0], $0xffff  }
0x295: {  	v57 =	vadd.s32 $0x11C5, v21;
	v52 =	vadd.s32 $0x71B, v32;
	s4 =	sor.u32 s13, s26;
	s14 =	sadd.s32 $0x10580, s16;
	v30 =	vld.idx.msk [tilespmem:v30+s11+$0x0], $0xffff;
	[tilespmem:s12+$0x0] =	vst v54  }
0x296: {  	v31 =	vadd.s32 $0x71C, v32;
	v12 =	vadd.s32 $0x71D, v32;
	v10 =	vadd.s32 $0x71E, v32;
	s5 =	sor.u32 s19, s26;
	[tilespmem:s4+$0x0] =	vst v39;
	s26 =	sor.u32 s15, s14;
	v28 =	vld.idx.msk [tilespmem:v28+s11+$0x0], $0xffff  }
0x297: {  	v25 =	vadd.s32 $0x720, v32;
	v17 =	vadd.s32 $0x721, v32;
	v27 =	vadd.s32 $0x71F, v32;
	s4 =	sor.u32 s29, s14;
	s14 =	sadd.s32 $0x12480, s0;
	v32 =	vld.idx.msk [tilespmem:v56+s11+$0x0], $0xffff;
	[tilespmem:s26+$0x0] =	vst v22  }
0x298: {  	s28 =	sor.u32 $0x14280, s31;
	[tilespmem:s5+$0x0] =	vst v29;
	s26 =	sor.u32 s25, s14;
	v22 =	vadd.s32 $0x7, v23;
	v15 =	vld.idx.msk [tilespmem:v15+s11+$0x0], $0xffff  }
0x299: {  	v26 =	vadd.s32 $0xAAD, v36;
	s12 =	sor.u32 s23, s14;
	s14 =	sor.u32 s24, s28;
	v19 =	vld.idx.msk [tilespmem:v19+s11+$0x0], $0xffff;
	[tilespmem:s26+$0x0] =	vst v18  }
0x29a: {  	v18 =	vadd.s32 $0x71D, v11;
	v23 =	vld [tilespmem:s1+$0x200];
	[tilespmem:s14+$0x0] =	vst v20;
	s14 =	sadd.s32 $0xF400, s21  }
0x29b: {  	[tilespmem:s18+$0x0] =	vst v30;
	v20 =	vld.idx.msk [tilespmem:v57+s11+$0x0], $0xffff;
	s5 =	sor.u32 s13, s14  }
0x29c: {  	s26 =	sor.u32 s10, s28;
	s28 =	sor.u32 $0x11200, s16;
	v29 =	vld.idx.msk [tilespmem:v52+s11+$0x0], $0xffff;
	[tilespmem:s5+$0x0] =	vst v32  }
0x29d: {  	[dreg:$0x7] =	wrdreg s1;
	s1 =	sor.u32 s19, s14;
	s14 =	sor.u32 s15, s28;
	[tilespmem:s7+$0x0] =	vst v28;
	v28 =	vadd.s32 $0x11C6, v21;
	v22 =	vld.idx.msk [tilespmem:v22+s11+$0x0], $0xffff  }
0x29e: {  	s18 =	sor.u32 $0x14300, s31;
	v26 =	vld.idx.msk [tilespmem:v26+s11+$0x0], $0xffff;
	[tilespmem:s14+$0x0] =	vst v15  }
0x29f: {  	v24 =	vadd.s32 $0xAAE, v36;
	s7 =	sor.u32 s24, s18;
	[tilespmem:s1+$0x0] =	vst v19;
	v15 =	vld.idx.msk [tilespmem:v18+s11+$0x0], $0xffff  }
0x2a0: {  	s1 =	sadd.s32 $0xF480, s21;
	v13 =	vld.idx.msk [tilespmem:v13+s11+$0x0], $0xffff;
	v19 =	vmul.u32 $0x9, v23;
	[tilespmem:s7+$0x0] =	vst v20  }
0x2a1: {  	v18 =	vadd.s32 $0x71E, v11;
	v9 =	vld.idx.msk [tilespmem:v9+s11+$0x0], $0xffff;
	s7 =	sor.u32 s13, s1;
	[tilespmem:s4+$0x0] =	vst v29  }
0x2a2: {  	s14 =	sor.u32 $0x11280, s16;
	v20 =	vadd.s32 $0xE34, v19;
	v23 =	vld.idx.msk [tilespmem:v28+s11+$0x0], $0xffff;
	s4 =	sor.u32 s19, s1;
	[tilespmem:s7+$0x0] =	vst v22;
	s7 =	sor.u32 $0x14380, s31  }
0x2a3: {  	s1 =	sor.u32 s15, s14;
	v28 =	vld.idx.msk [tilespmem:v31+s11+$0x0], $0xffff;
	[tilespmem:s9+$0x0] =	vst v26;
	s9 =	sor.u32 s29, s14;
	s14 =	sor.u32 s10, s7  }
0x2a4: {  	v22 =	vld.idx.msk [tilespmem:v24+s11+$0x0], $0xffff;
	v24 =	vadd.s32 $0x11C7, v21;
	[dreg:$0x13] =	wrdreg s14  }
0x2a5: {  	v26 =	vld [tilespmem:s30+$0x80];
	[tilespmem:s1+$0x0] =	vst v15;
	s14 =	sld [smem:$0x7E6]  }
0x2a6: {  	[tilespmem:s4+$0x0] =	vst v13;
	v13 =	vld.idx.msk [tilespmem:v18+s11+$0x0], $0xffff  }
0x2a7: {  	s4 =	sor.u32 s24, s7;
	[tilespmem:s17+$0x0] =	vst v9;
	v15 =	vld.idx.msk [tilespmem:v20+s11+$0x0], $0xffff  }
0x2a8: {  	s5 =	sor.u32 s29, s28;
	v20 =	vadd.s32 $0x71F, v11;
	[tilespmem:s4+$0x0] =	vst v23;
	v9 =	vld [tilespmem:s14+$0x80]  }
0x2a9: {  	[tilespmem:s5+$0x0] =	vst v28;
	v24 =	vld.idx.msk [tilespmem:v24+s11+$0x0], $0xffff  }
0x2aa: {  	s17 =	sor.u32 $0x11300, s16;
	v23 =	vadd.s32 $0xE35, v19;
	v12 =	vld.idx.msk [tilespmem:v12+s11+$0x0], $0xffff;
	[tilespmem:s12+$0x0] =	vst v22  }
0x2ab: {  	s1 =	sadd.s32 $0x12500, s0;
	v21 =	vadd.s32 $0x11C8, v21;
	s4 =	sor.u32 s15, s17;
	v18 =	vmul.u32 $0x9, v26;
	s12 =	rddreg [dreg:$0x6];
	v26 =	vld [tilespmem:s2+$0x200]  }
0x2ac: {  	s28 =	sor.u32 s10, s18;
	s7 =	sor.u32 s23, s1;
	s5 =	sor.u32 s25, s1;
	[tilespmem:s4+$0x0] =	vst v13;
	v13 =	vld [tilespmem:s12+$0x280]  }
0x2ad: {  	s18 =	sor.u32 s29, s17;
	s17 =	smov.u32 s2;
	v30 =	vadd.s32 $0x38D, v18;
	v31 =	vld.idx.msk [tilespmem:v20+s11+$0x0], $0xffff;
	[tilespmem:s5+$0x0] =	vst v15;
	s5 =	sadd.s32 $0x14400, s31  }
0x2ae: {  	[dreg:$0x6] =	wrdreg s17;
	s17 =	smov.u32 s14;
	v8 =	vld.idx.msk [tilespmem:v8+s11+$0x0], $0xffff;
	s4 =	sor.u32 s24, s5  }
0x2af: {  	v60 =	vadd.s32 $0x720, v11;
	s1 =	sor.u32 $0x11380, s16;
	s14 =	sadd.s32 $0x14480, s31;
	[dreg:$0x9] =	wrdreg s17;
	v15 =	vld.idx.msk [tilespmem:v23+s11+$0x0], $0xffff;
	[tilespmem:s4+$0x0] =	vst v24  }
0x2b0: {  	s12 =	smov.u32 s22;
	s2 =	sadd.s32 $0x12580, s0;
	s17 =	rddreg [dreg:$0x10];
	v9 =	vmul.u32 $0x9, v9;
	[tilespmem:s9+$0x0] =	vst v12;
	v62 =	vld.idx.msk [tilespmem:v21+s11+$0x0], $0xffff  }
0x2b1: {  	v61 =	vadd.s32 $0xE36, v19;
	[dreg:$0x8] =	wrdreg s12;
	s12 =	sor.u32 s25, s2;
	s31 =	smov.u32 s23;
	v37 =	vld.idx.msk [tilespmem:v10+s11+$0x0], $0xffff  }
0x2b2: {  	s22 =	sor.u32 s10, s5;
	s10 =	sor.u32 s10, s14;
	s4 =	sor.u32 s15, s1;
	v58 =	vadd.s32 $0x38D, v9;
	v59 =	vadd.s32 $0x38E, v9;
	v30 =	vld.idx.msk [tilespmem:v30+s11+$0x0], $0xffff  }
0x2b3: {  	[dreg:$0x11] =	wrdreg s22;
	s9 =	sor.u32 s29, s1;
	s22 =	sor.u32 s23, s2;
	v29 =	vadd.s32 $0x38F, v9;
	v28 =	vadd.s32 $0x390, v9;
	v23 =	vadd.s32 $0x391, v9;
	[tilespmem:s4+$0x0] =	vst v31;
	v31 =	vld.idx.msk [tilespmem:v5+s11+$0x0], $0xffff  }
0x2b4: {  	s2 =	smov.u32 s0;
	s0 =	smov.u32 s16;
	s16 =	sadd.s32 $0xF500, s21;
	v22 =	vadd.s32 $0x392, v9;
	v63 =	vmul.u32 $0x9, v13;
	v13 =	vadd.s32 $0x38E, v18;
	[tilespmem:s17+$0x0] =	vst v8;
	v34 =	vld.idx.msk [tilespmem:v60+s11+$0x0], $0xffff  }
0x2b5: {  	s23 =	smov.u32 s29;
	s29 =	smov.u32 s19;
	v21 =	vadd.s32 $0x393, v9;
	v20 =	vadd.s32 $0x394, v9;
	v9 =	vmul.u32 $0x9, v26;
	s4 =	sor.u32 s24, s14;
	[tilespmem:s12+$0x0] =	vst v15;
	v54 =	vld.idx.msk [tilespmem:v7+s11+$0x0], $0xffff  }
0x2b6: {  	v51 =	vadd.s32 $0x721, v11;
	s1 =	sor.u32 s19, s16;
	s5 =	sor.u32 s13, s16;
	s16 =	smov.u32 s21;
	v35 =	vld.idx.msk [tilespmem:v61+s11+$0x0], $0xffff;
	[tilespmem:s4+$0x0] =	vst v62  }
0x2b7: {  	s21 =	rddreg [dreg:$0x19];
	v48 =	vadd.s32 $0xE34, v9;
	s17 =	smov.u32 s25;
	s24 =	sor.u32 $0x13200, s2;
	v32 =	vld.idx.msk [tilespmem:v58+s11+$0x0], $0xffff;
	[tilespmem:s18+$0x0] =	vst v37  }
0x2b8: {  	s25 =	rddreg [dreg:$0xe];
	s14 =	smov.u32 s26;
	s18 =	sadd.s32 $0x11400, s0;
	[tilespmem:s5+$0x0] =	vst v30;
	v30 =	vadd.s32 $0xE37, v19;
	v27 =	vld.idx.msk [tilespmem:v27+s11+$0x0], $0xffff  }
0x2b9: {  	s26 =	sadd.s32 $0xF580, s16;
	s19 =	sor.u32 s23, s18;
	s4 =	sor.u32 s15, s18;
	v55 =	vld.idx.msk [tilespmem:v13+s11+$0x0], $0xffff;
	[tilespmem:s25+$0x0] =	vst v31  }
0x2ba: {  	s18 =	sor.u32 s31, s24;
	s5 =	sor.u32 s17, s24;
	s24 =	smov.u32 s21;
	v31 =	vadd.s32 $0x38F, v18;
	[tilespmem:s4+$0x0] =	vst v34  }
0x2bb: {  	v52 =	vadd.s32 $0x11C1, v63;
	s12 =	smov.u32 s15;
	s15 =	smov.u32 s13;
	[dreg:$0xe] =	wrdreg s24;
	v57 =	vld.idx.msk [tilespmem:v51+s11+$0x0], $0xffff;
	[tilespmem:s5+$0x0] =	vst v35  }
0x2bc: {  	s24 =	sor.u32 s29, s26;
	v56 =	vld.idx.msk [tilespmem:v48+s11+$0x0], $0xffff;
	[tilespmem:s1+$0x0] =	vst v32;
	s1 =	sor.u32 s15, s26;
	s26 =	sld [smem:$0x7E7]  }
0x2bd: {  	v30 =	vld.idx.msk [tilespmem:v30+s11+$0x0], $0xffff  }
0x2be: {  	v49 =	vadd.s32 $0xE35, v9;
	v32 =	vld.idx.msk [tilespmem:v59+s11+$0x0], $0xffff;
	[tilespmem:s1+$0x0] =	vst v55  }
0x2bf: {  	s5 =	sadd.s32 $0x11480, s0;
	[tilespmem:s26+$0x0] =	vst v54;
	v31 =	vld.idx.msk [tilespmem:v31+s11+$0x0], $0xffff  }
0x2c0: {  	v53 =	vadd.s32 $0x11C2, v63;
	v26 =	vadd.s32 $0x11C3, v63;
	v58 =	vadd.s32 $0xE38, v19;
	s1 =	sor.u32 s12, s5;
	v59 =	vld.idx.msk [tilespmem:v52+s11+$0x0], $0xffff;
	[tilespmem:s9+$0x0] =	vst v27  }
0x2c1: {  	s8 =	sadd.s32 $0x2, s8;
	s20 =	sadd.s32 $0x100, s20;
	v8 =	vadd.s32 $0x11C4, v63;
	v11 =	vadd.s32 $0x11C7, v63;
	v61 =	vadd.s32 $0x390, v18;
	s4 =	smov.u32 s3;
	[tilespmem:s1+$0x0] =	vst v57;
	v60 =	vld.idx.msk [tilespmem:v25+s11+$0x0], $0xffff  }
0x2c2: {  	s6 =	sadd.s32 $0x20, s6;
	v5 =	vmovc v6;
	v6 =	vadd.s32 $0x11C8, v63;
	v7 =	vadd.s32 $0x11C5, v63;
	v13 =	vadd.s32 $0x11C6, v63;
	s3 =	smov.u32 s17;
	[tilespmem:s7+$0x0] =	vst v56;
	s7 =	sor.u32 $0x13280, s2;
	v63 =	vld [tilespmem:s4+$0x180]  }
0x2c3: {  	s25 =	sld [smem:$0x7E8];
	v62 =	vld.idx.msk [tilespmem:v49+s11+$0x0], $0xffff;
	s9 =	sor.u32 s3, s7;
	[tilespmem:s24+$0x0] =	vst v32;
	s24 =	sor.u32 $0x10200, s16  }
0x2c4: {  	p0 =	slt.u32 s8, $0x1E;
	[dreg:$0xa] =	wrdreg s30;
	v50 =	vadd.s32 $0xE36, v9;
	[tilespmem:s9+$0x0] =	vst v30;
	v27 =	vld.idx.msk [tilespmem:v29+s11+$0x0], $0xffff;
	s1 =	sor.u32 s15, s24  }
.Ltmp0:
0x2c5: {  	s30 =	smov.u32 s28;
	[dreg:$0x10] =	wrdreg s14;
	v25 =	vld.idx.msk [tilespmem:v58+s11+$0x0], $0xffff;
	[tilespmem:s1+$0x0] =	vst v31;
	(pc) =	sbr.rel @p0 .LBB2_2-.Ltmp0, $4  }
0x2c6: {  	s14 =	smov.u32 s0;
	s21 =	smov.u32 s10;
	s10 =	smov.u32 s31;
	[tilespmem:s25+$0x0] =	vst v59;
	v31 =	vld.idx.msk [tilespmem:v61+s11+$0x0], $0xffff  }
0x2c7: {  	v33 =	vadd.s32 $0x391, v18;
	v24 =	vadd.s32 $0xE37, v9;
	s13 =	sor.u32 $0x13300, s2;
	s17 =	smov.u32 s12;
	s12 =	smov.u32 s4;
	v29 =	vld.idx.msk [tilespmem:v53+s11+$0x0], $0xffff;
	[tilespmem:s19+$0x0] =	vst v60  }
0x2c8: {  	v12 =	vadd.s32 $0xE39, v9;
	v10 =	vadd.s32 $0xE3A, v9;
	v15 =	vadd.s32 $0xE38, v9;
	s28 =	sor.u32 s31, s7;
	s7 =	sor.u32 s29, s24;
	s24 =	simm.s32 $0x19200;
	v30 =	vld.idx.msk [tilespmem:v17+s11+$0x0], $0xffff;
	[tilespmem:s22+$0x0] =	vst v62  }
0x2c9: {  	v9 =	vadd.s32 $0xE3B, v9;
	v34 =	vadd.s32 $0xE39, v19;
	s26 =	sor.u32 s23, s5;
	s31 =	smov.u32 s2;
	s9 =	sor.u32 s3, s13;
	v17 =	vmul.u32 $0x9, v63;
	v32 =	vld.idx.msk [tilespmem:v50+s24+$0x0], $0xffff  }
0x2ca: {  	_ =	sdelay $0x1  }
0x2cb: {  	[tilespmem:s9+$0x0] =	vst v25;
	s1 =	sor.u32 $0x10280, s16  }
0x2cc: {  	[tilespmem:s7+$0x0] =	vst v27;
	s4 =	sor.u32 s15, s1  }
0x2cd: {  	v25 =	vadd.s32 $0xAA7, v17;
	v27 =	vld.idx.msk [tilespmem:v34+s24+$0x0], $0xffff;
	[tilespmem:s4+$0x0] =	vst v31  }
0x2ce: {  	v62 =	vadd.s32 $0xE3A, v19;
	v28 =	vld.idx.msk [tilespmem:v28+s24+$0x0], $0xffff;
	s0 =	sld [smem:$0x7F4];
	_ =	sdelay $0x1  }
0x2cf: {  	s8 =	sor.u32 $0x13380, s31;
	[tilespmem:s26+$0x0] =	vst v30  }
0x2d0: {  	s9 =	sor.u32 s3, s8;
	[tilespmem:s0+$0x0] =	vst v29;
	v29 =	vld.idx.msk [tilespmem:v33+s24+$0x0], $0xffff  }
0x2d1: {  	s11 =	sor.u32 s29, s1;
	v25 =	vld.idx.msk [tilespmem:v25+s24+$0x0], $0xffff;
	[tilespmem:s9+$0x0] =	vst v27  }
0x2d2: {  	v30 =	vadd.s32 $0x392, v18;
	[tilespmem:s11+$0x0] =	vst v28;
	v28 =	vld.idx.msk [tilespmem:v62+s24+$0x0], $0xffff  }
0x2d3: {  	v16 =	vld.idx.msk [tilespmem:v16+s24+$0x0], $0xffff;
	s19 =	sor.u32 $0x10300, s16  }
0x2d4: {  	s6 =	sadd.s32 $0x11500, s14;
	s20 =	sor.u32 s15, s19;
	[tilespmem:s18+$0x0] =	vst v32;
	v23 =	vld.idx.msk [tilespmem:v23+s24+$0x0], $0xffff  }
0x2d5: {  	s22 =	sor.u32 s17, s6;
	s0 =	sadd.s32 $0x13400, s31;
	[tilespmem:s20+$0x0] =	vst v29  }
0x2d6: {  	s25 =	sor.u32 s3, s0;
	[tilespmem:s22+$0x0] =	vst v25  }
0x2d7: {  	v25 =	vld.idx.msk [tilespmem:v30+s24+$0x0], $0xffff;
	s4 =	rddreg [dreg:$0x16];
	[tilespmem:s25+$0x0] =	vst v28  }
0x2d8: {  	s1 =	sor.u32 s29, s19;
	v24 =	vld.idx.msk [tilespmem:v24+s24+$0x0], $0xffff;
	v29 =	vadd.s32 $0x393, v18;
	[tilespmem:s4+$0x0] =	vst v16  }
0x2d9: {  	s9 =	rddreg [dreg:$0x8];
	[tilespmem:s1+$0x0] =	vst v23  }
0x2da: {  	s26 =	sor.u32 $0x10380, s16;
	v22 =	vld.idx.msk [tilespmem:v22+s24+$0x0], $0xffff  }
0x2db: {  	s2 =	sor.u32 s15, s26  }
0x2dc: {  	[tilespmem:s2+$0x0] =	vst v25  }
0x2dd: {  	v27 =	vadd.s32 $0xAA8, v17;
	[tilespmem:s28+$0x0] =	vst v24;
	v24 =	vld.idx.msk [tilespmem:v29+s24+$0x0], $0xffff  }
0x2de: {  	v18 =	vadd.s32 $0x394, v18;
	s1 =	sor.u32 s29, s26  }
0x2df: {  	[tilespmem:s1+$0x0] =	vst v22  }
0x2e0: {  	s11 =	sadd.s32 $0x10400, s16;
	v21 =	vld.idx.msk [tilespmem:v21+s24+$0x0], $0xffff  }
0x2e1: {  	s18 =	sor.u32 s15, s11  }
0x2e2: {  	v27 =	vld.idx.msk [tilespmem:v27+s24+$0x0], $0xffff;
	[tilespmem:s18+$0x0] =	vst v24  }
0x2e3: {  	v18 =	vld.idx.msk [tilespmem:v18+s24+$0x0], $0xffff  }
0x2e4: {  	s1 =	sor.u32 s29, s11  }
0x2e5: {  	s7 =	sadd.s32 $0x11580, s14;
	[tilespmem:s1+$0x0] =	vst v21  }
0x2e6: {  	s5 =	sor.u32 s17, s7;
	s19 =	sadd.s32 $0x10480, s16;
	v20 =	vld.idx.msk [tilespmem:v20+s24+$0x0], $0xffff  }
0x2e7: {  	s20 =	sor.u32 s15, s19;
	[tilespmem:s5+$0x0] =	vst v27  }
0x2e8: {  	[tilespmem:s20+$0x0] =	vst v18  }
0x2e9: {  	s20 =	rddreg [dreg:$0xa]  }
0x2ea: {  	s1 =	sor.u32 s29, s19;
	v18 =	vld [tilespmem:s20+$0x100]  }
0x2eb: {  	[tilespmem:s1+$0x0] =	vst v20  }
0x2ec: {  	s19 =	rddreg [dreg:$0x9]  }
0x2ed: {  	v20 =	vld [tilespmem:s19+$0x100];
	_ =	sdelay $0x1  }
0x2ee: {  	v18 =	vmul.u32 $0x9, v18;
	_ =	sdelay $0x1  }
0x2ef: {  	v21 =	vadd.s32 $0x71A, v18  }
0x2f0: {  	v20 =	vmul.u32 $0x9, v20;
	_ =	sdelay $0x1  }
0x2f1: {  	v22 =	vadd.s32 $0x71A, v20;
	_ =	sdelay $0x1  }
0x2f2: {  	v21 =	vld.idx.msk [tilespmem:v21+s24+$0x0], $0xffff  }
0x2f3: {  	v24 =	vadd.s32 $0x71B, v18;
	_ =	sdelay $0x1  }
0x2f4: {  	s22 =	sadd.s32 $0x10500, s16;
	v22 =	vld.idx.msk [tilespmem:v22+s24+$0x0], $0xffff  }
0x2f5: {  	s25 =	sor.u32 s15, s22;
	v25 =	vadd.s32 $0x71B, v20  }
0x2f6: {  	[tilespmem:s25+$0x0] =	vst v21  }
0x2f7: {  	v21 =	vld.idx.msk [tilespmem:v24+s24+$0x0], $0xffff  }
0x2f8: {  	s1 =	sor.u32 s29, s22;
	v24 =	vadd.s32 $0x71C, v18  }
0x2f9: {  	[tilespmem:s1+$0x0] =	vst v22  }
0x2fa: {  	s26 =	sadd.s32 $0x10580, s16;
	v22 =	vld.idx.msk [tilespmem:v25+s24+$0x0], $0xffff  }
0x2fb: {  	s2 =	sor.u32 s15, s26;
	v25 =	vadd.s32 $0x71C, v20  }
0x2fc: {  	v19 =	vadd.s32 $0xE3B, v19;
	[tilespmem:s2+$0x0] =	vst v21  }
0x2fd: {  	v21 =	vld.idx.msk [tilespmem:v24+s24+$0x0], $0xffff  }
0x2fe: {  	s1 =	sor.u32 s29, s26;
	v24 =	vadd.s32 $0x71D, v18  }
0x2ff: {  	v16 =	vld.idx.msk [tilespmem:v26+s24+$0x0], $0xffff;
	[tilespmem:s1+$0x0] =	vst v22  }
0x300: {  	v30 =	vadd.s32 $0xAA9, v17;
	s5 =	sor.u32 $0x11200, s16;
	v22 =	vld.idx.msk [tilespmem:v25+s24+$0x0], $0xffff  }
0x301: {  	v19 =	vld.idx.msk [tilespmem:v19+s24+$0x0], $0xffff;
	s11 =	sor.u32 s15, s5;
	v25 =	vadd.s32 $0x71D, v20  }
0x302: {  	v14 =	vld.idx.msk [tilespmem:v14+s24+$0x0], $0xffff;
	[tilespmem:s11+$0x0] =	vst v21  }
0x303: {  	v21 =	vld.idx.msk [tilespmem:v24+s24+$0x0], $0xffff  }
0x304: {  	v28 =	vld [tilespmem:s9+$0x180];
	s1 =	sor.u32 s29, s5;
	v24 =	vadd.s32 $0x71E, v18  }
0x305: {  	v23 =	vld.idx.msk [tilespmem:v30+s24+$0x0], $0xffff;
	[tilespmem:s1+$0x0] =	vst v22  }
0x306: {  	s18 =	sor.u32 $0x11280, s16;
	v22 =	vld.idx.msk [tilespmem:v25+s24+$0x0], $0xffff  }
0x307: {  	s22 =	sor.u32 s15, s18;
	v25 =	vadd.s32 $0x71E, v20  }
0x308: {  	[tilespmem:s22+$0x0] =	vst v21  }
0x309: {  	v21 =	vld.idx.msk [tilespmem:v24+s24+$0x0], $0xffff  }
0x30a: {  	s1 =	sor.u32 s29, s18;
	v24 =	vadd.s32 $0x71F, v18  }
0x30b: {  	[tilespmem:s1+$0x0] =	vst v22  }
0x30c: {  	s25 =	sor.u32 $0x11300, s16;
	v22 =	vld.idx.msk [tilespmem:v25+s24+$0x0], $0xffff  }
0x30d: {  	s26 =	sor.u32 s15, s25;
	v25 =	vadd.s32 $0x71F, v20  }
0x30e: {  	[tilespmem:s26+$0x0] =	vst v21  }
0x30f: {  	v21 =	vld.idx.msk [tilespmem:v24+s24+$0x0], $0xffff  }
0x310: {  	s1 =	sor.u32 s29, s25;
	v24 =	vadd.s32 $0x720, v18  }
0x311: {  	[tilespmem:s1+$0x0] =	vst v22  }
0x312: {  	s2 =	sor.u32 $0x11380, s16;
	v22 =	vld.idx.msk [tilespmem:v25+s24+$0x0], $0xffff  }
0x313: {  	s5 =	sor.u32 s15, s2;
	v25 =	vadd.s32 $0x720, v20  }
0x314: {  	[tilespmem:s5+$0x0] =	vst v21  }
0x315: {  	v21 =	vld.idx.msk [tilespmem:v24+s24+$0x0], $0xffff  }
0x316: {  	v18 =	vadd.s32 $0x721, v18;
	s1 =	sor.u32 s29, s2  }
0x317: {  	[tilespmem:s1+$0x0] =	vst v22  }
0x318: {  	s11 =	sadd.s32 $0x11400, s16;
	v22 =	vld.idx.msk [tilespmem:v25+s24+$0x0], $0xffff  }
0x319: {  	s18 =	sor.u32 s15, s11;
	v20 =	vadd.s32 $0x721, v20  }
0x31a: {  	[tilespmem:s18+$0x0] =	vst v21  }
0x31b: {  	v18 =	vld.idx.msk [tilespmem:v18+s24+$0x0], $0xffff  }
0x31c: {  	s1 =	sor.u32 s29, s11  }
0x31d: {  	[tilespmem:s1+$0x0] =	vst v22  }
0x31e: {  	s22 =	sadd.s32 $0x11480, s16;
	v20 =	vld.idx.msk [tilespmem:v20+s24+$0x0], $0xffff  }
0x31f: {  	s25 =	sor.u32 s15, s22  }
0x320: {  	[tilespmem:s25+$0x0] =	vst v18  }
0x321: {  	v18 =	vld [tilespmem:s20+$0x180]  }
0x322: {  	s1 =	sor.u32 s29, s22  }
0x323: {  	[tilespmem:s1+$0x0] =	vst v20  }
0x324: {  	v20 =	vld [tilespmem:s19+$0x180];
	_ =	sdelay $0x1  }
0x325: {  	v18 =	vmul.u32 $0x9, v18;
	_ =	sdelay $0x1  }
0x326: {  	v21 =	vmul.u32 $0x9, v28;
	v22 =	vadd.s32 $0xAA7, v18  }
0x327: {  	v20 =	vmul.u32 $0x9, v20  }
0x328: {  	v24 =	vadd.s32 $0xAA7, v21  }
0x329: {  	v25 =	vadd.s32 $0xAA7, v20;
	_ =	sdelay $0x1  }
0x32a: {  	v22 =	vld.idx.msk [tilespmem:v22+s24+$0x0], $0xffff  }
0x32b: {  	v26 =	vadd.s32 $0xAA8, v18  }
0x32c: {  	v24 =	vld.idx.msk [tilespmem:v24+s24+$0x0], $0xffff  }
0x32d: {  	s26 =	sadd.s32 $0x11500, s16;
	v27 =	vadd.s32 $0xAA8, v21;
	v25 =	vld.idx.msk [tilespmem:v25+s24+$0x0], $0xffff  }
0x32e: {  	s2 =	sor.u32 s15, s26;
	v28 =	vadd.s32 $0xAA8, v20  }
0x32f: {  	[tilespmem:s2+$0x0] =	vst v22  }
0x330: {  	s5 =	sor.u32 s23, s6;
	v22 =	vld.idx.msk [tilespmem:v26+s24+$0x0], $0xffff  }
0x331: {  	s1 =	sor.u32 s29, s26;
	[tilespmem:s5+$0x0] =	vst v24;
	v24 =	vadd.s32 $0xAA9, v18  }
0x332: {  	[tilespmem:s1+$0x0] =	vst v25;
	v25 =	vld.idx.msk [tilespmem:v27+s24+$0x0], $0xffff  }
0x333: {  	s6 =	sadd.s32 $0x11580, s16;
	v26 =	vadd.s32 $0xAA9, v21;
	v27 =	vld.idx.msk [tilespmem:v28+s24+$0x0], $0xffff  }
0x334: {  	s11 =	sor.u32 s15, s6;
	v28 =	vadd.s32 $0xAA9, v20  }
0x335: {  	[tilespmem:s11+$0x0] =	vst v22;
	v22 =	vadd.s32 $0xAAA, v17  }
0x336: {  	s18 =	sor.u32 s23, s7;
	v24 =	vld.idx.msk [tilespmem:v24+s24+$0x0], $0xffff  }
0x337: {  	s22 =	sor.u32 $0x12200, s14;
	s1 =	sor.u32 s29, s6;
	[tilespmem:s18+$0x0] =	vst v25;
	v25 =	vadd.s32 $0xAAA, v18  }
0x338: {  	s25 =	sor.u32 s17, s22;
	[tilespmem:s1+$0x0] =	vst v27;
	v26 =	vld.idx.msk [tilespmem:v26+s24+$0x0], $0xffff  }
0x339: {  	[tilespmem:s25+$0x0] =	vst v23;
	v23 =	vadd.s32 $0xAAA, v21;
	s26 =	sor.u32 $0x12200, s16;
	v27 =	vld.idx.msk [tilespmem:v28+s24+$0x0], $0xffff  }
0x33a: {  	s5 =	sor.u32 s15, s26;
	v28 =	vadd.s32 $0xAAA, v20;
	v22 =	vld.idx.msk [tilespmem:v22+s24+$0x0], $0xffff  }
0x33b: {  	[tilespmem:s5+$0x0] =	vst v24;
	v24 =	vadd.s32 $0xAAB, v17  }
0x33c: {  	s4 =	sor.u32 s23, s22;
	v25 =	vld.idx.msk [tilespmem:v25+s24+$0x0], $0xffff  }
0x33d: {  	s2 =	sor.u32 $0x12280, s14;
	s1 =	sor.u32 s29, s26;
	[tilespmem:s4+$0x0] =	vst v26;
	v26 =	vadd.s32 $0xAAB, v18  }
0x33e: {  	s6 =	sor.u32 s17, s2;
	[tilespmem:s1+$0x0] =	vst v27;
	v23 =	vld.idx.msk [tilespmem:v23+s24+$0x0], $0xffff  }
0x33f: {  	s7 =	sor.u32 $0x12280, s16;
	[tilespmem:s6+$0x0] =	vst v22;
	v22 =	vadd.s32 $0xAAB, v21;
	v27 =	vld.idx.msk [tilespmem:v28+s24+$0x0], $0xffff  }
0x340: {  	s11 =	sor.u32 s15, s7;
	v28 =	vadd.s32 $0xAAB, v20;
	v24 =	vld.idx.msk [tilespmem:v24+s24+$0x0], $0xffff  }
0x341: {  	[tilespmem:s11+$0x0] =	vst v25;
	v25 =	vadd.s32 $0xAAC, v17  }
0x342: {  	s4 =	sor.u32 s23, s2;
	v26 =	vld.idx.msk [tilespmem:v26+s24+$0x0], $0xffff  }
0x343: {  	s18 =	sor.u32 $0x12300, s14;
	s1 =	sor.u32 s29, s7;
	[tilespmem:s4+$0x0] =	vst v23;
	v23 =	vadd.s32 $0xAAC, v18  }
0x344: {  	s22 =	sor.u32 s17, s18;
	[tilespmem:s1+$0x0] =	vst v27;
	v22 =	vld.idx.msk [tilespmem:v22+s24+$0x0], $0xffff  }
0x345: {  	s25 =	sor.u32 $0x12300, s16;
	[tilespmem:s22+$0x0] =	vst v24;
	v24 =	vadd.s32 $0xAAC, v21;
	v27 =	vld.idx.msk [tilespmem:v28+s24+$0x0], $0xffff  }
0x346: {  	s26 =	sor.u32 s15, s25;
	v28 =	vadd.s32 $0xAAC, v20;
	v25 =	vld.idx.msk [tilespmem:v25+s24+$0x0], $0xffff  }
0x347: {  	[tilespmem:s26+$0x0] =	vst v26;
	v26 =	vadd.s32 $0xAAD, v17  }
0x348: {  	s4 =	sor.u32 s23, s18;
	v23 =	vld.idx.msk [tilespmem:v23+s24+$0x0], $0xffff  }
0x349: {  	s2 =	sor.u32 $0x12380, s14;
	s1 =	sor.u32 s29, s25;
	[tilespmem:s4+$0x0] =	vst v22;
	v22 =	vadd.s32 $0xAAD, v18  }
0x34a: {  	s6 =	sor.u32 s17, s2;
	[tilespmem:s1+$0x0] =	vst v27;
	v24 =	vld.idx.msk [tilespmem:v24+s24+$0x0], $0xffff  }
0x34b: {  	s7 =	sor.u32 $0x12380, s16;
	[tilespmem:s6+$0x0] =	vst v25;
	v25 =	vadd.s32 $0xAAD, v21;
	v27 =	vld.idx.msk [tilespmem:v28+s24+$0x0], $0xffff  }
0x34c: {  	s11 =	sor.u32 s15, s7;
	v28 =	vadd.s32 $0xAAD, v20;
	v26 =	vld.idx.msk [tilespmem:v26+s24+$0x0], $0xffff  }
0x34d: {  	v17 =	vadd.s32 $0xAAE, v17;
	[tilespmem:s11+$0x0] =	vst v23  }
0x34e: {  	s4 =	sor.u32 s23, s2;
	v22 =	vld.idx.msk [tilespmem:v22+s24+$0x0], $0xffff  }
0x34f: {  	s18 =	sadd.s32 $0x12400, s14;
	v18 =	vadd.s32 $0xAAE, v18;
	s1 =	sor.u32 s29, s7;
	[tilespmem:s4+$0x0] =	vst v24  }
0x350: {  	s22 =	sor.u32 s17, s18;
	[tilespmem:s1+$0x0] =	vst v27;
	v23 =	vld.idx.msk [tilespmem:v25+s24+$0x0], $0xffff  }
0x351: {  	s25 =	sadd.s32 $0x12400, s16;
	v21 =	vadd.s32 $0xAAE, v21;
	[tilespmem:s22+$0x0] =	vst v26;
	v24 =	vld.idx.msk [tilespmem:v28+s24+$0x0], $0xffff  }
0x352: {  	s26 =	sor.u32 s15, s25;
	v20 =	vadd.s32 $0xAAE, v20;
	v17 =	vld.idx.msk [tilespmem:v17+s24+$0x0], $0xffff  }
0x353: {  	[tilespmem:s26+$0x0] =	vst v22  }
0x354: {  	s4 =	sor.u32 s23, s18;
	v18 =	vld.idx.msk [tilespmem:v18+s24+$0x0], $0xffff  }
0x355: {  	s2 =	sadd.s32 $0x12480, s14;
	s1 =	sor.u32 s29, s25;
	[tilespmem:s4+$0x0] =	vst v23  }
0x356: {  	s5 =	sor.u32 s17, s2;
	[tilespmem:s1+$0x0] =	vst v24;
	v21 =	vld.idx.msk [tilespmem:v21+s24+$0x0], $0xffff  }
0x357: {  	s6 =	sadd.s32 $0x12480, s16;
	[tilespmem:s5+$0x0] =	vst v17;
	v17 =	vld.idx.msk [tilespmem:v20+s24+$0x0], $0xffff  }
0x358: {  	s7 =	sor.u32 s15, s6;
	v20 =	vld [tilespmem:s12+$0x200]  }
0x359: {  	[tilespmem:s7+$0x0] =	vst v18  }
0x35a: {  	s4 =	sor.u32 s23, s2;
	v18 =	vld [tilespmem:s20+$0x200]  }
0x35b: {  	s1 =	sor.u32 s29, s6;
	[tilespmem:s4+$0x0] =	vst v21  }
0x35c: {  	[tilespmem:s1+$0x0] =	vst v17;
	v17 =	vld [tilespmem:s9+$0x200]  }
0x35d: {  	v22 =	vmul.u32 $0x9, v20;
	v23 =	vld [tilespmem:s19+$0x200];
	_ =	sdelay $0x1  }
0x35e: {  	v24 =	vadd.s32 $0xE34, v22;
	v21 =	vmul.u32 $0x9, v18;
	_ =	sdelay $0x1  }
0x35f: {  	v20 =	vmul.u32 $0x9, v17;
	v17 =	vadd.s32 $0xE34, v21  }
0x360: {  	v18 =	vmul.u32 $0x9, v23  }
0x361: {  	v23 =	vadd.s32 $0xE34, v20  }
0x362: {  	v24 =	vld.idx.msk [tilespmem:v24+s24+$0x0], $0xffff;
	v25 =	vadd.s32 $0xE34, v18  }
0x363: {  	v26 =	vadd.s32 $0xE35, v22  }
0x364: {  	v17 =	vld.idx.msk [tilespmem:v17+s24+$0x0], $0xffff  }
0x365: {  	s11 =	sadd.s32 $0x12500, s14;
	v27 =	vadd.s32 $0xE35, v21  }
0x366: {  	s18 =	sor.u32 s17, s11;
	v23 =	vld.idx.msk [tilespmem:v23+s24+$0x0], $0xffff  }
0x367: {  	s22 =	sadd.s32 $0x12500, s16;
	[tilespmem:s18+$0x0] =	vst v24;
	v24 =	vadd.s32 $0xE35, v20;
	v25 =	vld.idx.msk [tilespmem:v25+s24+$0x0], $0xffff  }
0x368: {  	s25 =	sor.u32 s15, s22;
	s6 =	sadd.s32 $0x13480, s31;
	v28 =	vadd.s32 $0xE35, v18;
	v26 =	vld.idx.msk [tilespmem:v26+s24+$0x0], $0xffff  }
0x369: {  	s7 =	sor.u32 s3, s6;
	[tilespmem:s25+$0x0] =	vst v17;
	v17 =	vadd.s32 $0xE36, v22  }
0x36a: {  	[tilespmem:s7+$0x0] =	vst v19;
	s1 =	sor.u32 s23, s11;
	v27 =	vld.idx.msk [tilespmem:v27+s24+$0x0], $0xffff  }
0x36b: {  	s26 =	sor.u32 s29, s22;
	s2 =	sadd.s32 $0x12580, s14;
	[tilespmem:s1+$0x0] =	vst v23;
	v23 =	vadd.s32 $0xE36, v21  }
0x36c: {  	s5 =	sor.u32 s17, s2;
	[tilespmem:s26+$0x0] =	vst v25;
	v24 =	vld.idx.msk [tilespmem:v24+s24+$0x0], $0xffff  }
0x36d: {  	s11 =	sadd.s32 $0x12580, s16;
	v25 =	vadd.s32 $0xE36, v20;
	[tilespmem:s5+$0x0] =	vst v26;
	v26 =	vld.idx.msk [tilespmem:v28+s24+$0x0], $0xffff  }
0x36e: {  	v19 =	vadd.s32 $0xE36, v18;
	s18 =	sor.u32 s15, s11;
	v17 =	vld.idx.msk [tilespmem:v17+s24+$0x0], $0xffff;
	s22 =	rddreg [dreg:$0x7]  }
0x36f: {  	v28 =	vld [tilespmem:s22+$0x280];
	[tilespmem:s18+$0x0] =	vst v27;
	v27 =	vadd.s32 $0xE37, v22  }
0x370: {  	s25 =	sor.u32 s23, s2;
	v23 =	vld.idx.msk [tilespmem:v23+s24+$0x0], $0xffff  }
0x371: {  	s2 =	sor.u32 $0x13200, s14;
	s26 =	sor.u32 s29, s11;
	[tilespmem:s25+$0x0] =	vst v24;
	v24 =	vadd.s32 $0xE37, v21  }
0x372: {  	s7 =	sor.u32 s17, s2;
	[tilespmem:s26+$0x0] =	vst v26;
	v25 =	vld.idx.msk [tilespmem:v25+s24+$0x0], $0xffff  }
0x373: {  	s11 =	sor.u32 $0x13200, s16;
	v26 =	vadd.s32 $0xE37, v20;
	[tilespmem:s7+$0x0] =	vst v17;
	v19 =	vld.idx.msk [tilespmem:v19+s24+$0x0], $0xffff  }
0x374: {  	s18 =	sor.u32 s15, s11;
	v17 =	vmul.u32 $0x9, v28;
	v27 =	vld.idx.msk [tilespmem:v27+s24+$0x0], $0xffff;
	v28 =	vadd.s32 $0xE37, v18  }
0x375: {  	v15 =	vld.idx.msk [tilespmem:v15+s24+$0x0], $0xffff;
	[tilespmem:s18+$0x0] =	vst v23;
	v23 =	vadd.s32 $0xE38, v22  }
0x376: {  	s4 =	sor.u32 s23, s2;
	v29 =	vadd.s32 $0x11C1, v17;
	v24 =	vld.idx.msk [tilespmem:v24+s24+$0x0], $0xffff  }
0x377: {  	s1 =	sor.u32 s29, s11;
	s22 =	sor.u32 $0x13280, s14;
	[tilespmem:s4+$0x0] =	vst v25  }
0x378: {  	s25 =	sor.u32 s17, s22;
	s26 =	sor.u32 $0x13280, s16;
	v25 =	vadd.s32 $0xE38, v21;
	[tilespmem:s1+$0x0] =	vst v19;
	v19 =	vld.idx.msk [tilespmem:v26+s24+$0x0], $0xffff  }
0x379: {  	s2 =	sor.u32 s15, s26;
	v26 =	vadd.s32 $0xE38, v20;
	s1 =	sor.u32 s29, s26;
	s26 =	sor.u32 s10, s13;
	[tilespmem:s25+$0x0] =	vst v27;
	v27 =	vld.idx.msk [tilespmem:v28+s24+$0x0], $0xffff  }
0x37a: {  	v28 =	vadd.s32 $0xE38, v18;
	[tilespmem:s26+$0x0] =	vst v15;
	v23 =	vld.idx.msk [tilespmem:v23+s24+$0x0], $0xffff  }
0x37b: {  	[tilespmem:s2+$0x0] =	vst v24;
	v24 =	vld.idx.msk [tilespmem:v29+s24+$0x0], $0xffff;
	v29 =	vadd.s32 $0xE39, v22  }
0x37c: {  	s4 =	sor.u32 s23, s22;
	v12 =	vld.idx.msk [tilespmem:v12+s24+$0x0], $0xffff  }
0x37d: {  	s5 =	sor.u32 $0x13300, s14;
	v30 =	vadd.s32 $0x11C2, v17;
	v25 =	vld.idx.msk [tilespmem:v25+s24+$0x0], $0xffff;
	[tilespmem:s4+$0x0] =	vst v19  }
0x37e: {  	s11 =	sadd.s32 $0x13500, s31;
	s7 =	sor.u32 s17, s5;
	v19 =	vadd.s32 $0xE39, v21;
	[tilespmem:s1+$0x0] =	vst v27;
	v26 =	vld.idx.msk [tilespmem:v26+s24+$0x0], $0xffff  }
0x37f: {  	s18 =	sor.u32 s3, s11;
	s22 =	sor.u32 $0x13300, s16;
	[tilespmem:s7+$0x0] =	vst v23;
	v23 =	vadd.s32 $0xE39, v20;
	v27 =	vld.idx.msk [tilespmem:v28+s24+$0x0], $0xffff  }
0x380: {  	s25 =	sor.u32 s15, s22;
	s4 =	sor.u32 s29, s22;
	s22 =	sor.u32 s10, s8;
	v28 =	vadd.s32 $0xE39, v18;
	[tilespmem:s18+$0x0] =	vst v24;
	v24 =	vld.idx.msk [tilespmem:v29+s24+$0x0], $0xffff  }
0x381: {  	[tilespmem:s22+$0x0] =	vst v12  }
0x382: {  	s2 =	sor.u32 s23, s5;
	v29 =	vadd.s32 $0xE3A, v22;
	[tilespmem:s25+$0x0] =	vst v25;
	v25 =	vld.idx.msk [tilespmem:v30+s24+$0x0], $0xffff  }
0x383: {  	v15 =	vadd.s32 $0x11C3, v17;
	s5 =	sor.u32 $0x13380, s14;
	v19 =	vld.idx.msk [tilespmem:v19+s24+$0x0], $0xffff;
	[tilespmem:s2+$0x0] =	vst v26  }
0x384: {  	s25 =	sor.u32 s17, s5;
	v26 =	vadd.s32 $0xE3A, v21;
	[tilespmem:s4+$0x0] =	vst v27;
	v23 =	vld.idx.msk [tilespmem:v23+s24+$0x0], $0xffff  }
0x385: {  	s7 =	sadd.s32 $0x13580, s31;
	[tilespmem:s25+$0x0] =	vst v24;
	v24 =	vadd.s32 $0xE3A, v20;
	v27 =	vld.idx.msk [tilespmem:v28+s24+$0x0], $0xffff  }
0x386: {  	s26 =	sor.u32 s3, s7;
	v10 =	vld.idx.msk [tilespmem:v10+s24+$0x0], $0xffff;
	s2 =	sor.u32 $0x13380, s16;
	v28 =	vadd.s32 $0xE3A, v18  }
0x387: {  	s13 =	sor.u32 s15, s2;
	[tilespmem:s26+$0x0] =	vst v25;
	v25 =	vld.idx.msk [tilespmem:v29+s24+$0x0], $0xffff  }
0x388: {  	s25 =	sor.u32 s23, s5;
	[tilespmem:s13+$0x0] =	vst v19;
	v15 =	vld.idx.msk [tilespmem:v15+s24+$0x0], $0xffff;
	v19 =	vadd.s32 $0xE3B, v22  }
0x389: {  	v12 =	vadd.s32 $0x11C4, v17;
	s26 =	sor.u32 s29, s2;
	v22 =	vld.idx.msk [tilespmem:v26+s24+$0x0], $0xffff;
	[tilespmem:s25+$0x0] =	vst v23  }
0x38a: {  	s0 =	sor.u32 s10, s0;
	v21 =	vadd.s32 $0xE3B, v21;
	s2 =	sadd.s32 $0x13400, s14;
	[tilespmem:s26+$0x0] =	vst v27;
	v23 =	vld.idx.msk [tilespmem:v24+s24+$0x0], $0xffff  }
0x38b: {  	s8 =	sor.u32 $0x14200, s31;
	[tilespmem:s0+$0x0] =	vst v10;
	s5 =	sor.u32 s17, s2;
	v24 =	vld.idx.msk [tilespmem:v28+s24+$0x0], $0xffff  }
0x38c: {  	s22 =	sadd.s32 $0x13400, s16;
	v20 =	vadd.s32 $0xE3B, v20;
	v9 =	vld.idx.msk [tilespmem:v9+s24+$0x0], $0xffff;
	s13 =	sor.u32 s3, s8;
	[tilespmem:s5+$0x0] =	vst v25  }
0x38d: {  	v18 =	vadd.s32 $0xE3B, v18;
	s25 =	sor.u32 s15, s22;
	[tilespmem:s13+$0x0] =	vst v15;
	v15 =	vld.idx.msk [tilespmem:v19+s24+$0x0], $0xffff  }
0x38e: {  	s26 =	sor.u32 s23, s2;
	[tilespmem:s25+$0x0] =	vst v22;
	v12 =	vld.idx.msk [tilespmem:v12+s24+$0x0], $0xffff  }
0x38f: {  	s1 =	sor.u32 s29, s22;
	v10 =	vadd.s32 $0x11C5, v17;
	v19 =	vld.idx.msk [tilespmem:v21+s24+$0x0], $0xffff;
	[tilespmem:s26+$0x0] =	vst v23  }
0x390: {  	s2 =	sadd.s32 $0x13480, s14;
	s26 =	sor.u32 s10, s6;
	[tilespmem:s1+$0x0] =	vst v24  }
0x391: {  	s4 =	sor.u32 s17, s2;
	s13 =	sor.u32 $0x14280, s31;
	v20 =	vld.idx.msk [tilespmem:v20+s24+$0x0], $0xffff;
	[tilespmem:s26+$0x0] =	vst v9  }
0x392: {  	s22 =	sadd.s32 $0x13480, s16;
	s5 =	sor.u32 s3, s13;
	[tilespmem:s4+$0x0] =	vst v15;
	v15 =	vld.idx.msk [tilespmem:v18+s24+$0x0], $0xffff  }
0x393: {  	s25 =	sor.u32 s15, s22;
	[tilespmem:s5+$0x0] =	vst v12;
	v12 =	vld [tilespmem:s12+$0x280]  }
0x394: {  	[tilespmem:s25+$0x0] =	vst v19;
	v10 =	vld.idx.msk [tilespmem:v10+s24+$0x0], $0xffff  }
0x395: {  	s2 =	sor.u32 s23, s2;
	v19 =	vadd.s32 $0x11C6, v17;
	v9 =	vld [tilespmem:s20+$0x280];
	s5 =	rddreg [dreg:$0x6]  }
0x396: {  	s6 =	sor.u32 s29, s22;
	v21 =	vld [tilespmem:s5+$0x280];
	[tilespmem:s2+$0x0] =	vst v20  }
0x397: {  	s5 =	sor.u32 $0x14300, s31;
	v20 =	vld [tilespmem:s9+$0x280];
	[tilespmem:s6+$0x0] =	vst v15  }
0x398: {  	s12 =	sor.u32 s3, s5;
	v18 =	vmul.u32 $0x9, v12;
	v22 =	vld [tilespmem:s19+$0x280]  }
0x399: {  	[tilespmem:s12+$0x0] =	vst v10  }
0x39a: {  	v19 =	vld.idx.msk [tilespmem:v19+s24+$0x0], $0xffff;
	v23 =	vadd.s32 $0x11C1, v18;
	v12 =	vmul.u32 $0x9, v9  }
0x39b: {  	v24 =	vadd.s32 $0x11C7, v17;
	v15 =	vmul.u32 $0x9, v21  }
0x39c: {  	v10 =	vmul.u32 $0x9, v20;
	v20 =	vadd.s32 $0x11C1, v12  }
0x39d: {  	s4 =	sor.u32 $0x14380, s31;
	v21 =	vadd.s32 $0x11C1, v15;
	v9 =	vmul.u32 $0x9, v22  }
0x39e: {  	s20 =	sor.u32 s3, s4;
	v22 =	vadd.s32 $0x11C1, v10  }
0x39f: {  	[tilespmem:s20+$0x0] =	vst v19;
	v19 =	vld.idx.msk [tilespmem:v23+s24+$0x0], $0xffff;
	v23 =	vadd.s32 $0x11C1, v9  }
0x3a0: {  	v25 =	vadd.s32 $0x11C2, v18;
	v24 =	vld.idx.msk [tilespmem:v24+s24+$0x0], $0xffff;
	s0 =	rddreg [dreg:$0x12]  }
0x3a1: {  	v20 =	vld.idx.msk [tilespmem:v20+s24+$0x0], $0xffff;
	[tilespmem:s0+$0x0] =	vst v16  }
0x3a2: {  	s22 =	sadd.s32 $0x13500, s14;
	v16 =	vld.idx.msk [tilespmem:v21+s24+$0x0], $0xffff;
	s0 =	rddreg [dreg:$0xf]  }
0x3a3: {  	s25 =	sor.u32 s17, s22;
	v21 =	vadd.s32 $0x11C2, v12;
	[tilespmem:s0+$0x0] =	vst v14;
	s0 =	sadd.s32 $0x14400, s31;
	v22 =	vld.idx.msk [tilespmem:v22+s24+$0x0], $0xffff  }
0x3a4: {  	s2 =	sadd.s32 $0x13500, s16;
	v14 =	vadd.s32 $0x11C2, v15;
	s26 =	sor.u32 s3, s0;
	[tilespmem:s25+$0x0] =	vst v19;
	v23 =	vld.idx.msk [tilespmem:v23+s24+$0x0], $0xffff  }
0x3a5: {  	s12 =	sor.u32 s15, s2;
	v19 =	vadd.s32 $0x11C2, v10;
	[tilespmem:s26+$0x0] =	vst v24;
	v24 =	vld.idx.msk [tilespmem:v25+s24+$0x0], $0xffff  }
0x3a6: {  	v17 =	vadd.s32 $0x11C8, v17;
	s19 =	sor.u32 s10, s11;
	[tilespmem:s12+$0x0] =	vst v20  }
0x3a7: {  	s1 =	sor.u32 s23, s22;
	v8 =	vld.idx.msk [tilespmem:v8+s24+$0x0], $0xffff;
	v25 =	vadd.s32 $0x11C2, v9;
	[tilespmem:s19+$0x0] =	vst v16  }
0x3a8: {  	s22 =	sor.u32 s29, s2;
	v26 =	vadd.s32 $0x11C3, v18;
	s20 =	sadd.s32 $0x13580, s14;
	v16 =	vld.idx.msk [tilespmem:v21+s24+$0x0], $0xffff;
	[tilespmem:s1+$0x0] =	vst v22  }
0x3a9: {  	s25 =	sor.u32 s17, s20;
	v20 =	vadd.s32 $0x11C3, v12;
	v14 =	vld.idx.msk [tilespmem:v14+s24+$0x0], $0xffff;
	[tilespmem:s22+$0x0] =	vst v23  }
0x3aa: {  	v19 =	vld.idx.msk [tilespmem:v19+s24+$0x0], $0xffff;
	[tilespmem:s25+$0x0] =	vst v24  }
0x3ab: {  	s26 =	sadd.s32 $0x13580, s16;
	v17 =	vld.idx.msk [tilespmem:v17+s24+$0x0], $0xffff;
	v21 =	vadd.s32 $0x11C3, v15;
	s6 =	rddreg [dreg:$0x10]  }
0x3ac: {  	s18 =	smov.u32 s10;
	s2 =	sor.u32 s15, s26;
	v22 =	vadd.s32 $0x11C3, v10;
	v23 =	vld.idx.msk [tilespmem:v25+s24+$0x0], $0xffff;
	[tilespmem:s6+$0x0] =	vst v8  }
0x3ad: {  	s7 =	sor.u32 s18, s7;
	v24 =	vadd.s32 $0x11C3, v9;
	v8 =	vld.idx.msk [tilespmem:v26+s24+$0x0], $0xffff;
	[tilespmem:s2+$0x0] =	vst v16  }
0x3ae: {  	s1 =	sadd.s32 $0x14480, s31;
	v25 =	vadd.s32 $0x11C4, v18;
	[tilespmem:s7+$0x0] =	vst v14;
	s7 =	sor.u32 s23, s20;
	v14 =	vld.idx.msk [tilespmem:v20+s24+$0x0], $0xffff  }
0x3af: {  	s11 =	sor.u32 s3, s1;
	[tilespmem:s7+$0x0] =	vst v19;
	v19 =	vadd.s32 $0x11C4, v12  }
0x3b0: {  	s9 =	sor.u32 $0x14200, s14;
	s10 =	sor.u32 s29, s26;
	[tilespmem:s11+$0x0] =	vst v17;
	v16 =	vld.idx.msk [tilespmem:v21+s24+$0x0], $0xffff  }
0x3b1: {  	s12 =	sor.u32 $0x14200, s16;
	s2 =	sor.u32 s17, s9;
	v21 =	vld.idx.msk [tilespmem:v22+s24+$0x0], $0xffff;
	[tilespmem:s10+$0x0] =	vst v23  }
0x3b2: {  	s19 =	sor.u32 s15, s12;
	v20 =	vadd.s32 $0x11C4, v15;
	v22 =	vld.idx.msk [tilespmem:v24+s24+$0x0], $0xffff;
	[tilespmem:s2+$0x0] =	vst v8  }
0x3b3: {  	v8 =	vadd.s32 $0x11C4, v10;
	v17 =	vld.idx.msk [tilespmem:v25+s24+$0x0], $0xffff;
	[tilespmem:s19+$0x0] =	vst v14  }
0x3b4: {  	s8 =	sor.u32 s18, s8;
	v23 =	vadd.s32 $0x11C4, v9;
	v14 =	vld.idx.msk [tilespmem:v19+s24+$0x0], $0xffff  }
0x3b5: {  	v5 =	vld.idx.msk [tilespmem:v5+s24+$0x0], $0xffff;
	s20 =	sor.u32 s23, s9;
	v24 =	vadd.s32 $0x11C5, v18;
	[tilespmem:s8+$0x0] =	vst v16  }
0x3b6: {  	s22 =	sor.u32 $0x14280, s14;
	v7 =	vld.idx.msk [tilespmem:v7+s24+$0x0], $0xffff;
	s2 =	sor.u32 s29, s12;
	v19 =	vadd.s32 $0x11C5, v12;
	[tilespmem:s20+$0x0] =	vst v21  }
0x3b7: {  	s26 =	sor.u32 $0x14280, s16;
	s25 =	sor.u32 s17, s22;
	v16 =	vld.idx.msk [tilespmem:v20+s24+$0x0], $0xffff;
	[tilespmem:s2+$0x0] =	vst v22  }
0x3b8: {  	s10 =	sor.u32 s15, s26;
	v20 =	vadd.s32 $0x11C5, v15;
	v8 =	vld.idx.msk [tilespmem:v8+s24+$0x0], $0xffff;
	[tilespmem:s25+$0x0] =	vst v17  }
0x3b9: {  	v21 =	vld.idx.msk [tilespmem:v23+s24+$0x0], $0xffff;
	v17 =	vadd.s32 $0x11C5, v10;
	s9 =	rddreg [dreg:$0xe];
	[tilespmem:s10+$0x0] =	vst v14  }
0x3ba: {  	v22 =	vadd.s32 $0x11C5, v9;
	[tilespmem:s9+$0x0] =	vst v5;
	v5 =	vld.idx.msk [tilespmem:v24+s24+$0x0], $0xffff  }
0x3bb: {  	s11 =	sor.u32 s18, s13;
	v23 =	vadd.s32 $0x11C6, v18;
	[tilespmem:s30+$0x0] =	vst v7;
	v14 =	vld.idx.msk [tilespmem:v19+s24+$0x0], $0xffff  }
0x3bc: {  	s12 =	sor.u32 s23, s22;
	[tilespmem:s11+$0x0] =	vst v16;
	v19 =	vadd.s32 $0x11C6, v12  }
0x3bd: {  	s13 =	sor.u32 $0x14300, s14;
	s2 =	sor.u32 s29, s26;
	v16 =	vld.idx.msk [tilespmem:v20+s24+$0x0], $0xffff;
	[tilespmem:s12+$0x0] =	vst v8  }
0x3be: {  	s19 =	sor.u32 s17, s13;
	s20 =	sor.u32 $0x14300, s16;
	v8 =	vadd.s32 $0x11C6, v15;
	[tilespmem:s2+$0x0] =	vst v21;
	v17 =	vld.idx.msk [tilespmem:v17+s24+$0x0], $0xffff  }
0x3bf: {  	s22 =	sor.u32 s15, s20;
	v20 =	vld.idx.msk [tilespmem:v22+s24+$0x0], $0xffff;
	[tilespmem:s19+$0x0] =	vst v5  }
0x3c0: {  	v21 =	vadd.s32 $0x11C6, v9;
	[tilespmem:s22+$0x0] =	vst v14;
	v7 =	vld.idx.msk [tilespmem:v23+s24+$0x0], $0xffff  }
0x3c1: {  	s5 =	sor.u32 s18, s5;
	v5 =	vadd.s32 $0x11C6, v10;
	v14 =	vld.idx.msk [tilespmem:v19+s24+$0x0], $0xffff  }
0x3c2: {  	s25 =	sor.u32 s23, s13;
	v13 =	vld.idx.msk [tilespmem:v13+s24+$0x0], $0xffff;
	v22 =	vadd.s32 $0x11C7, v18;
	[tilespmem:s5+$0x0] =	vst v16  }
0x3c3: {  	s26 =	sor.u32 $0x14380, s14;
	s2 =	sor.u32 s29, s20;
	v16 =	vadd.s32 $0x11C7, v12;
	v8 =	vld.idx.msk [tilespmem:v8+s24+$0x0], $0xffff;
	[tilespmem:s25+$0x0] =	vst v17  }
0x3c4: {  	s7 =	sor.u32 $0x14380, s16;
	s3 =	sor.u32 s17, s26;
	[tilespmem:s2+$0x0] =	vst v20  }
0x3c5: {  	s8 =	sor.u32 s15, s7;
	v17 =	vadd.s32 $0x11C7, v15;
	v19 =	vld.idx.msk [tilespmem:v21+s24+$0x0], $0xffff;
	[tilespmem:s3+$0x0] =	vst v7  }
0x3c6: {  	v5 =	vld.idx.msk [tilespmem:v5+s24+$0x0], $0xffff;
	s3 =	rddreg [dreg:$0x13];
	[tilespmem:s8+$0x0] =	vst v14  }
0x3c7: {  	s4 =	sor.u32 s18, s4;
	v7 =	vadd.s32 $0x11C7, v10;
	[tilespmem:s3+$0x0] =	vst v13;
	v13 =	vld.idx.msk [tilespmem:v22+s24+$0x0], $0xffff  }
0x3c8: {  	v20 =	vadd.s32 $0x11C7, v9;
	[tilespmem:s4+$0x0] =	vst v8;
	v8 =	vld.idx.msk [tilespmem:v16+s24+$0x0], $0xffff  }
0x3c9: {  	v18 =	vadd.s32 $0x11C8, v18;
	s2 =	sor.u32 s29, s7;
	v11 =	vld.idx.msk [tilespmem:v11+s24+$0x0], $0xffff  }
0x3ca: {  	s10 =	sadd.s32 $0x14400, s14;
	s9 =	sor.u32 s23, s26;
	v12 =	vadd.s32 $0x11C8, v12;
	v14 =	vld.idx.msk [tilespmem:v17+s24+$0x0], $0xffff;
	[tilespmem:s2+$0x0] =	vst v19  }
0x3cb: {  	s11 =	sor.u32 s17, s10;
	s12 =	sadd.s32 $0x14400, s16;
	[tilespmem:s9+$0x0] =	vst v5;
	v5 =	vadd.s32 $0x11C8, v15  }
0x3cc: {  	s13 =	sor.u32 s15, s12;
	v7 =	vld.idx.msk [tilespmem:v7+s24+$0x0], $0xffff;
	[tilespmem:s11+$0x0] =	vst v13  }
0x3cd: {  	v10 =	vadd.s32 $0x11C8, v10;
	v13 =	vld.idx.msk [tilespmem:v20+s24+$0x0], $0xffff;
	s3 =	rddreg [dreg:$0x11];
	[tilespmem:s13+$0x0] =	vst v8  }
0x3ce: {  	s0 =	sor.u32 s18, s0;
	v9 =	vadd.s32 $0x11C8, v9;
	[tilespmem:s3+$0x0] =	vst v11;
	v11 =	vld.idx.msk [tilespmem:v18+s24+$0x0], $0xffff  }
0x3cf: {  	[tilespmem:s0+$0x0] =	vst v14;
	v8 =	vld.idx.msk [tilespmem:v12+s24+$0x0], $0xffff  }
0x3d0: {  	s19 =	sor.u32 s23, s10;
	v5 =	vld.idx.msk [tilespmem:v5+s24+$0x0], $0xffff  }
0x3d1: {  	s20 =	sadd.s32 $0x14480, s14;
	s2 =	sor.u32 s29, s12;
	v6 =	vld.idx.msk [tilespmem:v6+s24+$0x0], $0xffff;
	[tilespmem:s19+$0x0] =	vst v7  }
0x3d2: {  	s22 =	sor.u32 s17, s20;
	s25 =	sadd.s32 $0x14480, s16;
	v7 =	vld.idx.msk [tilespmem:v10+s24+$0x0], $0xffff;
	[tilespmem:s2+$0x0] =	vst v13  }
0x3d3: {  	s26 =	sor.u32 s15, s25;
	v9 =	vld.idx.msk [tilespmem:v9+s24+$0x0], $0xffff;
	[tilespmem:s22+$0x0] =	vst v11  }
0x3d4: {  	s1 =	sor.u32 s18, s1;
	[tilespmem:s26+$0x0] =	vst v8  }
0x3d5: {  	[tilespmem:s1+$0x0] =	vst v5  }
0x3d6: {  	s0 =	sor.u32 s23, s20;
	[tilespmem:s21+$0x0] =	vst v6  }
0x3d7: {  	s4 =	sor.u32 s29, s25;
	s2 =	simm.s32 $0x0;
	[tilespmem:s0+$0x0] =	vst v7  }
0x3d8: {  	s31 =	sand.u32 $0xC00, s2;
	[tilespmem:s4+$0x0] =	vst v9  }
0x3d9: {  	s12 =	sand.u32 $0x60, s2;
	s5 =	sor.u32 $0x15200, s31;
	v16 =	vld [tilespmem:$0x1A7C0]  }
0x3da: {  	s19 =	sor.u32 $0x10, s12;
	s6 =	sor.u32 s12, s5;
	v13 =	vld [tilespmem:$0x1A7E0]  }
0x3db: {  	s0 =	sor.u32 s19, s5;
	v5 =	vld [tilespmem:s6+$0x0]  }
0x3dc: {  	v6 =	vld [tilespmem:s0+$0x0];
	_ =	sdelay $0x1  }
0x3dd: {  	v7 =	vbroadcast v16, $0x0;
	_ =	sdelay $0x1  }
0x3de: {  	v8 =	vbroadcast v13, $0x0;
	v9 =	vmul.f32 v5, v7  }
0x3df: {  	v7 =	vmul.f32 v6, v7  }
0x3e0: {  	s7 =	sor.u32 $0xC200, s31;
	v9 =	vsub.f32 v9, v8  }
0x3e1: {  	s8 =	sor.u32 s12, s7;
	v5 =	vld [tilespmem:$0x1A7F0];
	v7 =	vsub.f32 v7, v8  }
0x3e2: {  	s3 =	sor.u32 s19, s7;
	v6 =	vld [tilespmem:$0x1A7D0];
	[tilespmem:s8+$0x0] =	vst v9  }
0x3e3: {  	[tilespmem:s3+$0x0] =	vst v7;
	v8 =	vld [tilespmem:s6+$0x80]  }
0x3e4: {  	v7 =	vld [tilespmem:s0+$0x80];
	_ =	sdelay $0x1  }
0x3e5: {  	v9 =	vbroadcast v16, $0x1;
	_ =	sdelay $0x1  }
0x3e6: {  	v10 =	vbroadcast v13, $0x1;
	v8 =	vmul.f32 v8, v9  }
0x3e7: {  	v7 =	vmul.f32 v7, v9  }
0x3e8: {  	s9 =	sor.u32 $0xC280, s31;
	v8 =	vsub.f32 v8, v10  }
0x3e9: {  	s10 =	sor.u32 s12, s9;
	v7 =	vsub.f32 v7, v10  }
0x3ea: {  	s3 =	sor.u32 s19, s9;
	[tilespmem:s10+$0x0] =	vst v8  }
0x3eb: {  	[tilespmem:s3+$0x0] =	vst v7;
	v8 =	vld [tilespmem:s6+$0x100]  }
0x3ec: {  	v7 =	vld [tilespmem:s0+$0x100];
	_ =	sdelay $0x1  }
0x3ed: {  	v9 =	vbroadcast v16, $0x2;
	_ =	sdelay $0x1  }
0x3ee: {  	v10 =	vbroadcast v13, $0x2;
	v8 =	vmul.f32 v8, v9  }
0x3ef: {  	v7 =	vmul.f32 v7, v9  }
0x3f0: {  	s11 =	sor.u32 $0xC300, s31;
	v8 =	vsub.f32 v8, v10  }
0x3f1: {  	s13 =	sor.u32 s12, s11;
	v7 =	vsub.f32 v7, v10  }
0x3f2: {  	s3 =	sor.u32 s19, s11;
	[tilespmem:s13+$0x0] =	vst v8  }
0x3f3: {  	[tilespmem:s3+$0x0] =	vst v7;
	v8 =	vld [tilespmem:s6+$0x180]  }
0x3f4: {  	v7 =	vld [tilespmem:s0+$0x180];
	_ =	sdelay $0x1  }
0x3f5: {  	v9 =	vbroadcast v16, $0x3;
	_ =	sdelay $0x1  }
0x3f6: {  	v10 =	vbroadcast v13, $0x3;
	v8 =	vmul.f32 v8, v9  }
0x3f7: {  	v7 =	vmul.f32 v7, v9  }
0x3f8: {  	s14 =	sor.u32 $0xC380, s31;
	v8 =	vsub.f32 v8, v10  }
0x3f9: {  	s15 =	sor.u32 s12, s14;
	v7 =	vsub.f32 v7, v10  }
0x3fa: {  	s3 =	sor.u32 s19, s14;
	[tilespmem:s15+$0x0] =	vst v8  }
0x3fb: {  	[tilespmem:s3+$0x0] =	vst v7;
	v8 =	vld [tilespmem:s6+$0x200]  }
0x3fc: {  	v7 =	vld [tilespmem:s0+$0x200];
	_ =	sdelay $0x1  }
0x3fd: {  	v9 =	vbroadcast v16, $0x4;
	_ =	sdelay $0x1  }
0x3fe: {  	v10 =	vbroadcast v13, $0x4;
	v8 =	vmul.f32 v8, v9  }
0x3ff: {  	v7 =	vmul.f32 v7, v9  }
0x400: {  	s16 =	sadd.s32 $0xC400, s31;
	v8 =	vsub.f32 v8, v10  }
0x401: {  	s17 =	sor.u32 s12, s16;
	v7 =	vsub.f32 v7, v10  }
0x402: {  	s3 =	sor.u32 s19, s16;
	[tilespmem:s17+$0x0] =	vst v8  }
0x403: {  	s1 =	simm.s32 $0x100;
	v12 =	vld [tilespmem:$0x1A7C0];
	[tilespmem:s3+$0x0] =	vst v7;
	s3 =	simm.s32 $0x20  }
0x404: {  	s23 =	sand.u32 $0xC00, s1;
	v8 =	vld [tilespmem:s6+$0x280];
	s21 =	sand.u32 $0x60, s3  }
0x405: {  	s18 =	sor.u32 $0x15200, s23;
	v7 =	vld [tilespmem:s0+$0x280];
	s22 =	sor.u32 $0x10, s21  }
0x406: {  	v11 =	vld [tilespmem:$0x1A7E0];
	s0 =	sor.u32 s22, s18  }
0x407: {  	v9 =	vbroadcast v16, $0x5;
	s5 =	sor.u32 s21, s18;
	v10 =	vld [tilespmem:s0+$0x0]  }
0x408: {  	v14 =	vld [tilespmem:s5+$0x0]  }
0x409: {  	v15 =	vbroadcast v13, $0x5;
	v8 =	vmul.f32 v8, v9  }
0x40a: {  	s20 =	sand.u32 $0x3, s2;
	v7 =	vmul.f32 v7, v9;
	v9 =	vbroadcast v12, $0x0  }
0x40b: {  	s24 =	sadd.s32 $0xC480, s31;
	s4 =	sshll.u32 s20, $0x5;
	v8 =	vsub.f32 v8, v15  }
0x40c: {  	s25 =	sor.u32 s12, s24;
	s4 =	sadd.s32 $0x0, s4;
	v17 =	vbroadcast v11, $0x0;
	v15 =	vsub.f32 v7, v15;
	v10 =	vmul.f32 v10, v9  }
0x40d: {  	s26 =	sor.u32 $0x300, s4;
	s4 =	sadd.s32 $0x10, s4;
	s6 =	sor.u32 s19, s24;
	v7 =	vld [tilespmem:$0x1A7F0];
	[tilespmem:s25+$0x0] =	vst v8;
	v8 =	vmul.f32 v14, v9  }
0x40e: {  	s8 =	sor.u32 $0x300, s4;
	s9 =	sor.u32 $0xC200, s23;
	[tilespmem:s6+$0x0] =	vst v15;
	v9 =	vld [tilespmem:s26+$0x15200];
	v10 =	vsub.f32 v10, v17  }
0x40f: {  	s10 =	sor.u32 s22, s9;
	v14 =	vld [tilespmem:s8+$0x15200];
	v15 =	vsub.f32 v8, v17  }
0x410: {  	s7 =	sor.u32 s21, s9;
	v8 =	vld [tilespmem:$0x1A7D0];
	[tilespmem:s10+$0x0] =	vst v10  }
0x411: {  	[tilespmem:s7+$0x0] =	vst v15;
	v10 =	vld [tilespmem:s0+$0x80]  }
0x412: {  	v15 =	vbroadcast v16, $0x6;
	v17 =	vld [tilespmem:s5+$0x80]  }
0x413: {  	v18 =	vbroadcast v13, $0x6  }
0x414: {  	v19 =	vbroadcast v12, $0x1;
	v14 =	vmul.f32 v14, v15  }
0x415: {  	v9 =	vmul.f32 v9, v15  }
0x416: {  	s11 =	sadd.s32 $0xC500, s31;
	v15 =	vbroadcast v11, $0x1;
	v14 =	vsub.f32 v14, v18;
	v10 =	vmul.f32 v10, v19  }
0x417: {  	s2 =	sor.u32 s2, s2;
	s6 =	sor.u32 s19, s11;
	v9 =	vsub.f32 v9, v18;
	v17 =	vmul.f32 v17, v19  }
0x418: {  	s4 =	sor.u32 $0x380, s4;
	s13 =	sor.u32 s12, s11;
	s14 =	sor.u32 $0xC280, s23;
	[tilespmem:s6+$0x0] =	vst v14;
	v10 =	vsub.f32 v10, v15  }
0x419: {  	s2 =	sor.u32 $0x380, s2;
	s15 =	sor.u32 s22, s14;
	[tilespmem:s13+$0x0] =	vst v9;
	v9 =	vld [tilespmem:s4+$0x15200];
	v14 =	vsub.f32 v17, v15  }
0x41a: {  	s6 =	sor.u32 s21, s14;
	v15 =	vld [tilespmem:s2+$0x15200];
	[tilespmem:s15+$0x0] =	vst v10  }
0x41b: {  	[tilespmem:s6+$0x0] =	vst v14;
	v10 =	vld [tilespmem:s0+$0x100]  }
0x41c: {  	v14 =	vbroadcast v16, $0x7;
	v17 =	vld [tilespmem:s5+$0x100]  }
0x41d: {  	v18 =	vbroadcast v13, $0x7  }
0x41e: {  	v19 =	vbroadcast v12, $0x2;
	v9 =	vmul.f32 v9, v14  }
0x41f: {  	v14 =	vmul.f32 v15, v14  }
0x420: {  	s16 =	sadd.s32 $0xC580, s31;
	v15 =	vbroadcast v11, $0x2;
	v9 =	vsub.f32 v9, v18;
	v10 =	vmul.f32 v10, v19  }
0x421: {  	s17 =	sor.u32 s19, s16;
	s18 =	sor.u32 $0x16200, s31;
	v14 =	vsub.f32 v14, v18;
	v17 =	vmul.f32 v17, v19  }
0x422: {  	s24 =	sor.u32 $0xC300, s23;
	s20 =	sor.u32 s19, s18;
	s2 =	sor.u32 s12, s16;
	[tilespmem:s17+$0x0] =	vst v9;
	v9 =	vsub.f32 v10, v15  }
0x423: {  	s25 =	sor.u32 s12, s18;
	s26 =	sor.u32 s22, s24;
	v10 =	vld [tilespmem:s20+$0x0];
	[tilespmem:s2+$0x0] =	vst v14;
	v14 =	vsub.f32 v17, v15  }
0x424: {  	s8 =	sor.u32 s21, s24;
	v15 =	vld [tilespmem:s25+$0x0];
	[tilespmem:s26+$0x0] =	vst v9  }
0x425: {  	[tilespmem:s8+$0x0] =	vst v14;
	v9 =	vld [tilespmem:s0+$0x180]  }
0x426: {  	v14 =	vbroadcast v16, $0x8;
	v17 =	vld [tilespmem:s5+$0x180]  }
0x427: {  	v18 =	vbroadcast v13, $0x8  }
0x428: {  	v19 =	vbroadcast v12, $0x3;
	v10 =	vmul.f32 v10, v14  }
0x429: {  	v14 =	vmul.f32 v15, v14  }
0x42a: {  	s9 =	sor.u32 $0xD200, s31;
	v15 =	vbroadcast v11, $0x3;
	v10 =	vsub.f32 v10, v18;
	v9 =	vmul.f32 v9, v19  }
0x42b: {  	s11 =	sor.u32 s19, s9;
	s10 =	sor.u32 $0x16280, s31;
	v14 =	vsub.f32 v14, v18;
	v17 =	vmul.f32 v17, v19  }
0x42c: {  	s13 =	sor.u32 s19, s10;
	s14 =	sor.u32 $0xC380, s23;
	s2 =	sor.u32 s12, s9;
	[tilespmem:s11+$0x0] =	vst v10;
	v9 =	vsub.f32 v9, v15  }
0x42d: {  	s4 =	sor.u32 s12, s10;
	s15 =	sor.u32 s22, s14;
	v10 =	vld [tilespmem:s13+$0x0];
	[tilespmem:s2+$0x0] =	vst v14;
	v14 =	vsub.f32 v17, v15  }
0x42e: {  	s16 =	sor.u32 s21, s14;
	v15 =	vld [tilespmem:s4+$0x0];
	[tilespmem:s15+$0x0] =	vst v9  }
0x42f: {  	[tilespmem:s16+$0x0] =	vst v14;
	v9 =	vld [tilespmem:s0+$0x200]  }
0x430: {  	v14 =	vbroadcast v16, $0x9;
	v17 =	vld [tilespmem:s5+$0x200]  }
0x431: {  	v18 =	vbroadcast v13, $0x9  }
0x432: {  	v19 =	vbroadcast v12, $0x4;
	v10 =	vmul.f32 v10, v14  }
0x433: {  	v14 =	vmul.f32 v15, v14  }
0x434: {  	s17 =	sor.u32 $0xD280, s31;
	v15 =	vbroadcast v11, $0x4;
	v10 =	vsub.f32 v10, v18;
	v9 =	vmul.f32 v9, v19  }
0x435: {  	s18 =	sor.u32 $0x16300, s31;
	s20 =	sor.u32 s19, s17;
	v14 =	vsub.f32 v14, v18;
	v17 =	vmul.f32 v17, v19  }
0x436: {  	s24 =	sadd.s32 $0xC400, s23;
	s25 =	sor.u32 s19, s18;
	s2 =	sor.u32 s12, s17;
	[tilespmem:s20+$0x0] =	vst v10;
	v9 =	vsub.f32 v9, v15  }
0x437: {  	s26 =	sor.u32 s22, s24;
	s4 =	sor.u32 s12, s18;
	[tilespmem:s2+$0x0] =	vst v14;
	v10 =	vsub.f32 v17, v15;
	v17 =	vld [tilespmem:s25+$0x0]  }
0x438: {  	s9 =	sor.u32 s21, s24;
	v18 =	vld [tilespmem:s4+$0x0];
	[tilespmem:s26+$0x0] =	vst v9  }
0x439: {  	s4 =	simm.s32 $0x40;
	[tilespmem:s9+$0x0] =	vst v10;
	v9 =	vld [tilespmem:s0+$0x280];
	s0 =	simm.s32 $0x200  }
0x43a: {  	s20 =	sand.u32 $0x60, s4;
	v10 =	vbroadcast v16, $0xA;
	v19 =	vld [tilespmem:s5+$0x280];
	s15 =	sand.u32 $0xC00, s0  }
0x43b: {  	v20 =	vbroadcast v13, $0xA;
	v15 =	vld [tilespmem:$0x1A7C0];
	s30 =	sor.u32 $0x10, s20;
	s10 =	sor.u32 $0x15200, s15  }
0x43c: {  	v21 =	vbroadcast v12, $0x5;
	v14 =	vld [tilespmem:$0x1A7E0];
	v17 =	vmul.f32 v17, v10;
	s6 =	sor.u32 s30, s10  }
0x43d: {  	s11 =	simm.s32 $0x1;
	s5 =	sor.u32 s20, s10;
	v22 =	vld [tilespmem:s6+$0x0]  }
0x43e: {  	v23 =	vbroadcast v11, $0x5;
	s14 =	sor.u32 $0xD300, s31;
	s13 =	sand.u32 $0x3, s11;
	v24 =	vld [tilespmem:s5+$0x0];
	v17 =	vsub.f32 v17, v20;
	v9 =	vmul.f32 v9, v21  }
0x43f: {  	s17 =	sor.u32 s19, s14;
	s16 =	sor.u32 $0x16380, s31;
	s2 =	sshll.u32 s13, $0x5;
	v19 =	vmul.f32 v19, v21  }
0x440: {  	s18 =	sadd.s32 $0xC480, s23;
	s24 =	sor.u32 s19, s16;
	s2 =	sadd.s32 $0x100, s2;
	v10 =	vmul.f32 v18, v10;
	v18 =	vbroadcast v15, $0x0;
	[tilespmem:s17+$0x0] =	vst v17;
	v17 =	vsub.f32 v9, v23  }
0x441: {  	s25 =	sor.u32 s22, s18;
	s11 =	sadd.s32 $0x10, s2;
	v19 =	vsub.f32 v19, v23;
	v21 =	vld [tilespmem:s24+$0x0]  }
0x442: {  	s26 =	sor.u32 $0x300, s11;
	s10 =	sor.u32 s21, s18;
	v10 =	vsub.f32 v10, v20;
	v20 =	vbroadcast v14, $0x0;
	v9 =	vld [tilespmem:$0x1A7F0];
	[tilespmem:s25+$0x0] =	vst v17;
	v17 =	vmul.f32 v22, v18  }
0x443: {  	s7 =	sor.u32 s12, s14;
	v18 =	vmul.f32 v24, v18;
	[tilespmem:s10+$0x0] =	vst v19;
	v19 =	vld [tilespmem:s26+$0x15200]  }
0x444: {  	s8 =	sor.u32 s12, s16;
	s13 =	sor.u32 $0xC200, s15;
	[tilespmem:s7+$0x0] =	vst v10;
	v10 =	vld [tilespmem:$0x1A7D0];
	v22 =	vbroadcast v16, $0xB;
	v17 =	vsub.f32 v17, v20  }
0x445: {  	s2 =	sor.u32 $0x300, s2;
	s14 =	sor.u32 s30, s13;
	v25 =	vld [tilespmem:s8+$0x0];
	v24 =	vbroadcast v13, $0xB;
	v18 =	vsub.f32 v18, v20  }
0x446: {  	v23 =	vld [tilespmem:s2+$0x15200];
	v20 =	vbroadcast v12, $0x6;
	s2 =	sor.u32 s20, s13;
	v21 =	vmul.f32 v21, v22;
	[tilespmem:s14+$0x0] =	vst v17  }
0x447: {  	[tilespmem:s2+$0x0] =	vst v18;
	v17 =	vld [tilespmem:s6+$0x80]  }
0x448: {  	s16 =	sor.u32 $0xD380, s31;
	v18 =	vbroadcast v11, $0x6;
	v26 =	vld [tilespmem:s5+$0x80];
	v21 =	vsub.f32 v21, v24;
	v19 =	vmul.f32 v19, v20  }
0x449: {  	s18 =	sor.u32 s19, s16;
	s17 =	sadd.s32 $0x16400, s31  }
0x44a: {  	v27 =	vbroadcast v15, $0x1;
	s24 =	sadd.s32 $0xC500, s23;
	s25 =	sor.u32 s19, s17;
	v22 =	vmul.f32 v25, v22;
	[tilespmem:s18+$0x0] =	vst v21;
	v19 =	vsub.f32 v19, v18  }
0x44b: {  	s26 =	sor.u32 s22, s24;
	v20 =	vmul.f32 v23, v20;
	v21 =	vld [tilespmem:s25+$0x0]  }
0x44c: {  	s11 =	sor.u32 $0x380, s11;
	v22 =	vsub.f32 v22, v24;
	v23 =	vbroadcast v14, $0x1;
	[tilespmem:s26+$0x0] =	vst v19;
	v17 =	vmul.f32 v17, v27  }
0x44d: {  	s1 =	sor.u32 s1, s3;
	s2 =	sor.u32 s12, s16;
	v18 =	vsub.f32 v20, v18;
	v19 =	vmul.f32 v26, v27;
	v20 =	vld [tilespmem:s11+$0x15200]  }
0x44e: {  	s9 =	sor.u32 s21, s24;
	s13 =	sor.u32 s12, s17;
	s14 =	sor.u32 $0xC280, s15;
	[tilespmem:s2+$0x0] =	vst v22;
	v22 =	vbroadcast v16, $0xC;
	v17 =	vsub.f32 v17, v23  }
0x44f: {  	s1 =	sor.u32 $0x380, s1;
	v25 =	vbroadcast v13, $0xC;
	s16 =	sor.u32 s30, s14;
	[tilespmem:s9+$0x0] =	vst v18;
	v18 =	vsub.f32 v19, v23;
	v19 =	vld [tilespmem:s13+$0x0]  }
0x450: {  	s17 =	sor.u32 s20, s14;
	v24 =	vbroadcast v12, $0x7;
	v23 =	vld [tilespmem:s1+$0x15200];
	v21 =	vmul.f32 v21, v22;
	[tilespmem:s16+$0x0] =	vst v17  }
0x451: {  	[tilespmem:s17+$0x0] =	vst v18;
	v17 =	vld [tilespmem:s6+$0x100]  }
0x452: {  	s18 =	sadd.s32 $0xD400, s31;
	v18 =	vbroadcast v11, $0x7;
	v26 =	vld [tilespmem:s5+$0x100];
	v20 =	vmul.f32 v20, v24;
	v21 =	vsub.f32 v21, v25  }
0x453: {  	s24 =	sadd.s32 $0x16480, s31;
	s25 =	sor.u32 s19, s18  }
0x454: {  	s26 =	sadd.s32 $0xC580, s23;
	v27 =	vbroadcast v15, $0x2;
	s9 =	sor.u32 s19, s24;
	v19 =	vmul.f32 v19, v22;
	v20 =	vsub.f32 v20, v18;
	[tilespmem:s25+$0x0] =	vst v21  }
0x455: {  	s10 =	sor.u32 s22, s26;
	s11 =	sor.u32 $0x16200, s23;
	v21 =	vmul.f32 v23, v24;
	v22 =	vld [tilespmem:s9+$0x0]  }
0x456: {  	s13 =	sor.u32 s22, s11;
	v23 =	vbroadcast v14, $0x2;
	v19 =	vsub.f32 v19, v25;
	[tilespmem:s10+$0x0] =	vst v20;
	v17 =	vmul.f32 v17, v27  }
0x457: {  	s1 =	sor.u32 s12, s18;
	v18 =	vsub.f32 v21, v18;
	v20 =	vmul.f32 v26, v27;
	v21 =	vld [tilespmem:s13+$0x0]  }
0x458: {  	s2 =	sor.u32 s12, s24;
	s14 =	sor.u32 s21, s26;
	s16 =	sor.u32 $0xC300, s15;
	[tilespmem:s1+$0x0] =	vst v19;
	v19 =	vbroadcast v16, $0xD;
	v17 =	vsub.f32 v17, v23  }
0x459: {  	s17 =	sor.u32 s21, s11;
	s18 =	sor.u32 s30, s16;
	v25 =	vbroadcast v13, $0xD;
	[tilespmem:s14+$0x0] =	vst v18;
	v18 =	vsub.f32 v20, v23;
	v23 =	vld [tilespmem:s2+$0x0]  }
0x45a: {  	s24 =	sor.u32 s20, s16;
	v20 =	vbroadcast v12, $0x8;
	v24 =	vld [tilespmem:s17+$0x0];
	v22 =	vmul.f32 v22, v19;
	[tilespmem:s18+$0x0] =	vst v17  }
0x45b: {  	[tilespmem:s24+$0x0] =	vst v18;
	v17 =	vld [tilespmem:s6+$0x180]  }
0x45c: {  	s25 =	sadd.s32 $0xD480, s31;
	v18 =	vbroadcast v11, $0x8;
	v26 =	vld [tilespmem:s5+$0x180];
	v21 =	vmul.f32 v21, v20;
	v22 =	vsub.f32 v22, v25  }
0x45d: {  	s26 =	sadd.s32 $0x16500, s31;
	s7 =	sor.u32 s19, s25  }
0x45e: {  	s8 =	sor.u32 $0xD200, s23;
	s9 =	sor.u32 s19, s26;
	v27 =	vbroadcast v15, $0x3;
	v19 =	vmul.f32 v23, v19;
	v21 =	vsub.f32 v21, v18;
	[tilespmem:s7+$0x0] =	vst v22  }
0x45f: {  	s11 =	sor.u32 s22, s8;
	s10 =	sor.u32 $0x16280, s23;
	v20 =	vmul.f32 v24, v20;
	v22 =	vld [tilespmem:s9+$0x0]  }
0x460: {  	s13 =	sor.u32 s22, s10;
	v23 =	vbroadcast v14, $0x3;
	v19 =	vsub.f32 v19, v25;
	[tilespmem:s11+$0x0] =	vst v21;
	v17 =	vmul.f32 v17, v27  }
0x461: {  	s1 =	sor.u32 s12, s25;
	v18 =	vsub.f32 v20, v18;
	v20 =	vmul.f32 v26, v27;
	v21 =	vld [tilespmem:s13+$0x0]  }
0x462: {  	s16 =	sor.u32 $0xC380, s15;
	s14 =	sor.u32 s21, s8;
	s2 =	sor.u32 s12, s26;
	[tilespmem:s1+$0x0] =	vst v19;
	v19 =	vbroadcast v16, $0xE;
	v17 =	vsub.f32 v17, v23  }
0x463: {  	s17 =	sor.u32 s21, s10;
	s18 =	sor.u32 s30, s16;
	v25 =	vbroadcast v13, $0xE;
	[tilespmem:s14+$0x0] =	vst v18;
	v18 =	vsub.f32 v20, v23;
	v23 =	vld [tilespmem:s2+$0x0]  }
0x464: {  	s24 =	sor.u32 s20, s16;
	v20 =	vbroadcast v12, $0x9;
	v24 =	vld [tilespmem:s17+$0x0];
	v22 =	vmul.f32 v22, v19;
	[tilespmem:s18+$0x0] =	vst v17  }
0x465: {  	[tilespmem:s24+$0x0] =	vst v18;
	v17 =	vld [tilespmem:s6+$0x200]  }
0x466: {  	s25 =	sadd.s32 $0xD500, s31;
	v26 =	vbroadcast v11, $0x9;
	v18 =	vld [tilespmem:s5+$0x200];
	v21 =	vmul.f32 v21, v20;
	v22 =	vsub.f32 v22, v25  }
0x467: {  	s26 =	sadd.s32 $0x16580, s31;
	s7 =	sor.u32 s19, s25  }
0x468: {  	s8 =	sor.u32 $0xD280, s23;
	s10 =	sor.u32 s19, s26;
	v27 =	vbroadcast v15, $0x4;
	v19 =	vmul.f32 v23, v19;
	v21 =	vsub.f32 v21, v26;
	[tilespmem:s7+$0x0] =	vst v22  }
0x469: {  	s11 =	sor.u32 $0x16300, s23;
	s13 =	sor.u32 s22, s8;
	v20 =	vmul.f32 v24, v20;
	v22 =	vld [tilespmem:s10+$0x0]  }
0x46a: {  	s14 =	sor.u32 s22, s11;
	v23 =	vbroadcast v14, $0x4;
	v19 =	vsub.f32 v19, v25;
	[tilespmem:s13+$0x0] =	vst v21;
	v17 =	vmul.f32 v17, v27  }
0x46b: {  	s1 =	sor.u32 s12, s25;
	v18 =	vmul.f32 v18, v27;
	v20 =	vsub.f32 v20, v26;
	v21 =	vld [tilespmem:s14+$0x0]  }
0x46c: {  	s16 =	sadd.s32 $0xC400, s15;
	v16 =	vbroadcast v16, $0xF;
	s7 =	sor.u32 s21, s8;
	[tilespmem:s1+$0x0] =	vst v19;
	v17 =	vsub.f32 v17, v23  }
0x46d: {  	v13 =	vbroadcast v13, $0xF;
	s2 =	sor.u32 s12, s26;
	s17 =	sor.u32 s30, s16;
	v18 =	vsub.f32 v18, v23;
	[tilespmem:s7+$0x0] =	vst v20  }
0x46e: {  	s18 =	sor.u32 s20, s16;
	v19 =	vbroadcast v12, $0xA;
	v20 =	vld [tilespmem:s2+$0x0];
	[tilespmem:s17+$0x0] =	vst v17;
	v17 =	vmul.f32 v22, v16  }
0x46f: {  	s28 =	simm.s32 $0x2;
	s3 =	smov.u32 s12;
	s12 =	simm.s32 $0x60;
	[tilespmem:s18+$0x0] =	vst v18;
	v22 =	vld [tilespmem:s6+$0x280]  }
0x470: {  	s24 =	sadd.s32 $0xD580, s31;
	s16 =	sand.u32 $0x3, s28;
	s8 =	sor.u32 s21, s11;
	v24 =	vbroadcast v11, $0xA;
	v25 =	vld [tilespmem:s5+$0x280];
	v21 =	vmul.f32 v21, v19;
	v26 =	vsub.f32 v17, v13  }
0x471: {  	s11 =	sor.u32 s19, s24;
	s10 =	sor.u32 $0x17200, s31;
	v23 =	vld [tilespmem:s8+$0x0];
	s8 =	simm.s32 $0x300  }
0x472: {  	s26 =	sor.u32 s19, s10;
	v27 =	vbroadcast v15, $0x5;
	s7 =	sand.u32 $0xC00, s8;
	v18 =	vld [tilespmem:$0x1A7C0];
	s6 =	sor.u32 $0xD300, s23;
	v21 =	vsub.f32 v21, v24;
	[tilespmem:s11+$0x0] =	vst v26  }
0x473: {  	s1 =	sand.u32 $0x60, s12;
	s13 =	sor.u32 $0x15200, s7;
	s14 =	sor.u32 s22, s6;
	v16 =	vmul.f32 v20, v16;
	v20 =	vld [tilespmem:s26+$0x0]  }
0x474: {  	s25 =	sor.u32 $0x10, s1;
	s2 =	sshll.u32 s16, $0x5;
	v17 =	vld [tilespmem:$0x1A7E0];
	s8 =	sor.u32 s1, s13;
	v26 =	vbroadcast v14, $0x5;
	[tilespmem:s14+$0x0] =	vst v21;
	v21 =	vmul.f32 v22, v27  }
0x475: {  	s12 =	sor.u32 $0x16380, s23;
	s2 =	sadd.s32 $0x200, s2;
	s9 =	sor.u32 s25, s13;
	v13 =	vsub.f32 v16, v13;
	v16 =	vld [tilespmem:s8+$0x0];
	v22 =	vmul.f32 v25, v27  }
0x476: {  	s17 =	sor.u32 s22, s12;
	s18 =	sor.u32 s3, s24;
	s24 =	sadd.s32 $0xC480, s15;
	v19 =	vmul.f32 v23, v19;
	v23 =	vld [tilespmem:s9+$0x0];
	v27 =	vbroadcast v6, $0x0;
	v21 =	vsub.f32 v21, v26  }
0x477: {  	s10 =	sor.u32 s3, s10;
	s5 =	sadd.s32 $0x10, s2;
	s26 =	sor.u32 s30, s24;
	v25 =	vld [tilespmem:s17+$0x0];
	[tilespmem:s18+$0x0] =	vst v13;
	v22 =	vsub.f32 v22, v26;
	v26 =	vbroadcast v18, $0x0  }
0x478: {  	s16 =	sor.u32 $0x300, s5;
	v28 =	vld [tilespmem:s10+$0x0];
	[tilespmem:s26+$0x0] =	vst v21;
	v21 =	vbroadcast v5, $0x0;
	v20 =	vmul.f32 v20, v27  }
0x479: {  	s2 =	sor.u32 $0x300, s2;
	s6 =	sor.u32 s21, s6;
	s14 =	sor.u32 s20, s24;
	v19 =	vsub.f32 v19, v24;
	v24 =	vld [tilespmem:s16+$0x15200]  }
0x47a: {  	s13 =	sor.u32 $0xE200, s31;
	s5 =	sor.u32 $0x380, s5;
	s11 =	sadd.s32 $0xC580, s15;
	v13 =	vld [tilespmem:$0x1A7F0];
	[tilespmem:s14+$0x0] =	vst v22;
	v22 =	vbroadcast v17, $0x0;
	v16 =	vmul.f32 v16, v26;
	v20 =	vsub.f32 v20, v21  }
0x47b: {  	s17 =	sor.u32 s21, s12;
	s12 =	sor.u32 $0x17280, s31;
	s18 =	sor.u32 s19, s13;
	[tilespmem:s6+$0x0] =	vst v19;
	v19 =	vld [tilespmem:s2+$0x15200]  }
0x47c: {  	v31 =	vbroadcast v15, $0x6;
	s13 =	sor.u32 s3, s13;
	s6 =	sor.u32 $0xC200, s7;
	s24 =	sor.u32 s19, s12;
	v29 =	vld [tilespmem:s17+$0x0];
	v23 =	vmul.f32 v23, v26;
	v30 =	vsub.f32 v16, v22;
	[tilespmem:s18+$0x0] =	vst v20  }
0x47d: {  	s10 =	sadd.s32 $0xC500, s15;
	s12 =	sor.u32 s3, s12;
	s26 =	sor.u32 s1, s6;
	v26 =	vmul.f32 v28, v27;
	v20 =	vbroadcast v12, $0xB;
	v27 =	vld [tilespmem:s24+$0x0]  }
0x47e: {  	s17 =	sor.u32 s30, s10;
	s14 =	sor.u32 s0, s4;
	s4 =	sor.u32 s20, s11;
	v16 =	vld [tilespmem:$0x1A7D0];
	v22 =	vsub.f32 v23, v22;
	v28 =	vbroadcast v14, $0x6;
	[tilespmem:s26+$0x0] =	vst v30;
	v24 =	vmul.f32 v24, v31  }
0x47f: {  	s16 =	sor.u32 s20, s10;
	s18 =	sor.u32 $0x16200, s15;
	v30 =	vbroadcast v11, $0xB;
	v23 =	vld [tilespmem:s8+$0x80];
	s24 =	sor.u32 s25, s6;
	v21 =	vsub.f32 v26, v21;
	v25 =	vmul.f32 v25, v20  }
0x480: {  	s10 =	sor.u32 s30, s11;
	s26 =	sor.u32 $0xD200, s15;
	s6 =	sor.u32 s20, s18;
	[tilespmem:s24+$0x0] =	vst v22;
	v19 =	vmul.f32 v19, v31;
	v22 =	vsub.f32 v24, v28;
	v24 =	vbroadcast v6, $0x1  }
0x481: {  	s11 =	sor.u32 s30, s18;
	s2 =	sor.u32 s20, s26;
	v20 =	vmul.f32 v29, v20;
	[tilespmem:s13+$0x0] =	vst v21;
	s13 =	sor.u32 $0xD380, s23;
	v21 =	vsub.f32 v25, v30;
	v25 =	vbroadcast v18, $0x1  }
0x482: {  	s0 =	sor.u32 s30, s26;
	s18 =	sadd.s32 $0x16400, s23;
	v26 =	vld [tilespmem:s9+$0x80];
	v19 =	vsub.f32 v19, v28;
	s24 =	sor.u32 s22, s13;
	[tilespmem:s17+$0x0] =	vst v22;
	v22 =	vbroadcast v5, $0x1;
	v27 =	vmul.f32 v27, v24  }
0x483: {  	s26 =	sor.u32 s21, s18;
	v29 =	vld [tilespmem:s12+$0x0];
	s12 =	sor.u32 s22, s18;
	s13 =	sor.u32 s21, s13;
	v20 =	vsub.f32 v20, v30;
	[tilespmem:s24+$0x0] =	vst v21  }
0x484: {  	v28 =	vbroadcast v17, $0x1;
	v23 =	vmul.f32 v23, v25;
	[tilespmem:s16+$0x0] =	vst v19;
	s17 =	sor.u32 $0x380, s14;
	s24 =	smov.u32 s15;
	s16 =	sor.u32 $0xE280, s31;
	v30 =	vld [tilespmem:s12+$0x0];
	v19 =	vsub.f32 v27, v22  }
0x485: {  	s14 =	sor.u32 $0x16280, s15;
	[tilespmem:s13+$0x0] =	vst v20;
	s15 =	smov.u32 s20;
	v20 =	vld [tilespmem:s17+$0x15200];
	s18 =	sor.u32 s19, s16  }
0x486: {  	s12 =	sor.u32 $0xC280, s7;
	s17 =	sor.u32 $0x17300, s31;
	v23 =	vsub.f32 v23, v28;
	v27 =	vld [tilespmem:s26+$0x0];
	s26 =	sor.u32 s20, s14;
	[tilespmem:s18+$0x0] =	vst v19  }
0x487: {  	v21 =	vld [tilespmem:s5+$0x15200];
	s13 =	sor.u32 s1, s12;
	s20 =	sor.u32 $0xC380, s7;
	[dreg:$0x17] =	wrdreg s26  }
0x488: {  	s5 =	sor.u32 s30, s14;
	s18 =	sor.u32 s19, s17;
	s26 =	sor.u32 s1, s20;
	[tilespmem:s13+$0x0] =	vst v23  }
0x489: {  	v25 =	vmul.f32 v26, v25;
	s14 =	sadd.s32 $0xC400, s7;
	s20 =	sor.u32 s25, s20;
	v23 =	vld [tilespmem:s18+$0x0];
	[smem:$0x7E2] =	sst s26  }
0x48a: {  	[smem:$0x7E3] =	sst s20;
	s26 =	sor.u32 s1, s14  }
0x48b: {  	v19 =	vbroadcast v15, $0x7;
	v25 =	vsub.f32 v25, v28;
	s14 =	sor.u32 s25, s14;
	v31 =	vld [tilespmem:s8+$0x100];
	[dreg:$0x1d] =	wrdreg s26  }
0x48c: {  	v26 =	vbroadcast v12, $0xC;
	s12 =	sor.u32 s25, s12;
	v24 =	vmul.f32 v29, v24;
	s18 =	sadd.s32 $0xC480, s7;
	[dreg:$0x1c] =	wrdreg s14  }
0x48d: {  	v29 =	vbroadcast v14, $0x7;
	v21 =	vmul.f32 v21, v19;
	s20 =	sor.u32 s1, s18;
	[tilespmem:s12+$0x0] =	vst v25  }
0x48e: {  	v28 =	vbroadcast v11, $0xC;
	v22 =	vsub.f32 v24, v22;
	v30 =	vmul.f32 v30, v26;
	s26 =	sor.u32 s25, s18;
	[dreg:$0x1f] =	wrdreg s20  }
0x48f: {  	s13 =	sor.u32 s3, s16;
	v19 =	vmul.f32 v20, v19;
	v20 =	vsub.f32 v21, v29;
	[dreg:$0x1e] =	wrdreg s26  }
0x490: {  	v24 =	vbroadcast v6, $0x2;
	s14 =	sor.u32 s3, s17;
	s17 =	sadd.s32 $0xD400, s23;
	v25 =	vsub.f32 v30, v28;
	[tilespmem:s13+$0x0] =	vst v22  }
0x491: {  	s16 =	sadd.s32 $0xC500, s7;
	v21 =	vbroadcast v18, $0x2;
	s26 =	sor.u32 s22, s17;
	v22 =	vmul.f32 v27, v26;
	v26 =	vld [tilespmem:s9+$0x100];
	[tilespmem:s10+$0x0] =	vst v20  }
0x492: {  	v19 =	vsub.f32 v19, v29;
	s18 =	sor.u32 s1, s16;
	s12 =	sor.u32 s25, s16;
	v27 =	vbroadcast v5, $0x2;
	v23 =	vmul.f32 v23, v24;
	[tilespmem:s26+$0x0] =	vst v25;
	v20 =	vld [tilespmem:s14+$0x0]  }
0x493: {  	s20 =	sadd.s32 $0x16480, s23;
	v25 =	vbroadcast v17, $0x2;
	s13 =	sor.u32 s21, s17;
	v29 =	vld [tilespmem:s11+$0x0];
	[dreg:$0x18] =	wrdreg s12;
	v22 =	vsub.f32 v22, v28;
	v28 =	vmul.f32 v31, v21  }
0x494: {  	s16 =	sor.u32 s22, s20;
	s17 =	sor.u32 s21, s20;
	s14 =	sor.u32 $0xE300, s31;
	[tilespmem:s4+$0x0] =	vst v19;
	v23 =	vsub.f32 v23, v27  }
0x495: {  	s10 =	sor.u32 $0xC300, s7;
	s20 =	sadd.s32 $0xC580, s7;
	v19 =	vld [tilespmem:s16+$0x0];
	s26 =	sor.u32 s19, s14;
	[tilespmem:s13+$0x0] =	vst v22;
	v22 =	vsub.f32 v28, v25  }
0x496: {  	s11 =	sor.u32 s1, s10;
	s12 =	sor.u32 s1, s20;
	s16 =	sor.u32 $0x17380, s31;
	v30 =	vld [tilespmem:s6+$0x0];
	[tilespmem:s26+$0x0] =	vst v23  }
0x497: {  	s13 =	sor.u32 s19, s16;
	v28 =	vld [tilespmem:s17+$0x0];
	s17 =	sor.u32 s25, s20;
	s20 =	sor.u32 $0x16200, s7;
	[tilespmem:s11+$0x0] =	vst v22  }
0x498: {  	s26 =	sor.u32 $0xD200, s7;
	v21 =	vmul.f32 v26, v21;
	v22 =	vld [tilespmem:s13+$0x0];
	s4 =	sor.u32 s25, s20;
	[dreg:$0x1b] =	wrdreg s17  }
0x499: {  	s6 =	sor.u32 s25, s26;
	[dreg:$0x1a] =	wrdreg s4  }
0x49a: {  	v23 =	vbroadcast v15, $0x8;
	v21 =	vsub.f32 v21, v25;
	v63 =	vld [tilespmem:s8+$0x180];
	[smem:$0x7E4] =	sst s6  }
0x49b: {  	v31 =	vbroadcast v12, $0xD;
	v20 =	vmul.f32 v20, v24;
	s11 =	sor.u32 s25, s10;
	[dreg:$0xc] =	wrdreg s7  }
0x49c: {  	v24 =	vbroadcast v14, $0x8;
	s13 =	sor.u32 s1, s26;
	s17 =	sor.u32 s1, s20;
	v25 =	vmul.f32 v29, v23;
	s20 =	sor.u32 $0x16280, s7;
	[tilespmem:s11+$0x0] =	vst v21  }
0x49d: {  	s26 =	sor.u32 s3, s16;
	v29 =	vbroadcast v11, $0xD;
	v19 =	vmul.f32 v19, v31;
	v20 =	vsub.f32 v20, v27;
	s29 =	sor.u32 s1, s20;
	[dreg:$0xb] =	wrdreg s1  }
0x49e: {  	s20 =	sor.u32 s25, s20;
	v23 =	vmul.f32 v30, v23;
	v21 =	vsub.f32 v25, v24;
	[dreg:$0xd] =	wrdreg s25;
	s25 =	sor.u32 s3, s14  }
0x49f: {  	s10 =	simm.s32 $0x60;
	s7 =	sadd.s32 $0x16500, s23;
	v25 =	vmul.f32 v28, v31;
	v28 =	vsub.f32 v19, v29;
	s1 =	sadd.s32 $0xD480, s23;
	[tilespmem:s25+$0x0] =	vst v20  }
0x4a0: {  	s16 =	sor.u32 s22, s7;
	v23 =	vsub.f32 v23, v24;
	[tilespmem:s0+$0x0] =	vst v21;
	s11 =	sor.u32 s21, s1;
	s14 =	sor.u32 s22, s1  }
0x4a1: {  	v26 =	vbroadcast v18, $0x3;
	v20 =	vbroadcast v6, $0x3;
	s25 =	sor.u32 $0xE380, s31;
	s1 =	sadd.s32 $0x17400, s31;
	v21 =	vld [tilespmem:s26+$0x0];
	s26 =	sor.u32 s21, s7;
	[tilespmem:s14+$0x0] =	vst v28;
	v25 =	vsub.f32 v25, v29  }
0x4a2: {  	v27 =	vbroadcast v17, $0x3;
	v19 =	vbroadcast v5, $0x3;
	v24 =	vld [tilespmem:s5+$0x0];
	[tilespmem:s2+$0x0] =	vst v23;
	s5 =	sor.u32 s3, s25;
	s0 =	sor.u32 s19, s25;
	s7 =	sor.u32 s3, s1  }
0x4a3: {  	v28 =	vld [tilespmem:s9+$0x180];
	s2 =	sor.u32 s19, s1;
	s14 =	simm.s32 $0x300;
	s25 =	simm.s32 $0x300;
	v22 =	vmul.f32 v22, v20;
	v30 =	vmul.f32 v63, v26;
	[tilespmem:s11+$0x0] =	vst v25  }
0x4a4: {  	v23 =	vld [tilespmem:s16+$0x0];
	s16 =	simm.s32 $0x60;
	s11 =	simm.s32 $0x300;
	[dreg:$0x15] =	wrdreg s10  }
0x4a5: {  	v25 =	vbroadcast v15, $0x9;
	s14 =	sor.u32 s14, s16;
	v22 =	vsub.f32 v22, v19;
	v29 =	vsub.f32 v30, v27;
	[smem:$0x7E5] =	sst s25;
	s25 =	simm.s32 $0x6  }
.LBB2_4:
0x4a6: {  	[smem:$0x7D4] =	sst s18  }
0x4a7: {  	[smem:$0x7D5] =	sst s14  }
0x4a8: {  	[smem:$0x7D9] =	sst s17  }
0x4a9: {  	[smem:$0x7D8] =	sst s12  }
0x4aa: {  	[smem:$0x7E0] =	sst s13  }
0x4ab: {  	s1 =	rddreg [dreg:$0x17]  }
0x4ac: {  	s6 =	sld [smem:$0x7E4]  }
0x4ad: {  	s13 =	sld [smem:$0x7E2]  }
0x4ae: {  	s12 =	smov.u32 s29;
	s14 =	smov.u32 s20;
	s17 =	sld [smem:$0x7E3]  }
0x4af: {  	s16 =	sadd.s32 $0x17480, s31;
	s18 =	sor.u32 $0xD280, s24;
	[dreg:$0x17] =	wrdreg s12  }
0x4b0: {  	s28 =	sadd.s32 $0x1, s28;
	[smem:$0x7DF] =	sst s14;
	s4 =	sor.u32 s3, s16;
	v26 =	vmul.f32 v28, v26;
	v28 =	vld [tilespmem:s1+$0x0]  }
0x4b1: {  	[tilespmem:s0+$0x0] =	vst v22;
	v22 =	vbroadcast v12, $0xE;
	s14 =	sor.u32 s19, s16;
	s20 =	sor.u32 s15, s18;
	s16 =	sor.u32 s30, s18;
	v20 =	vmul.f32 v21, v20  }
0x4b2: {  	[dreg:$0x14] =	wrdreg s28;
	s10 =	smov.u32 s6;
	[tilespmem:s13+$0x0] =	vst v29;
	v21 =	vld [tilespmem:s2+$0x0];
	v24 =	vmul.f32 v24, v25;
	s2 =	sadd.s32 $0xE400, s31;
	v26 =	vsub.f32 v26, v27;
	v27 =	vbroadcast v14, $0x9  }
0x4b3: {  	s6 =	sadd.s32 $0xE480, s31;
	s31 =	sor.u32 $0x17280, s23;
	[smem:$0x7DE] =	sst s10;
	v29 =	vld [tilespmem:s8+$0x200];
	v19 =	vsub.f32 v20, v19  }
0x4b4: {  	v30 =	vbroadcast v11, $0xE;
	v32 =	vld [tilespmem:s26+$0x0];
	s10 =	sadd.s32 $0xD500, s23;
	v23 =	vmul.f32 v23, v22;
	s0 =	sor.u32 s19, s6;
	s1 =	sor.u32 s3, s6;
	[tilespmem:s17+$0x0] =	vst v26;
	v20 =	vsub.f32 v24, v27  }
0x4b5: {  	s13 =	sor.u32 s19, s2;
	s26 =	sor.u32 $0x16300, s24;
	s6 =	sor.u32 s3, s2;
	v24 =	vbroadcast v6, $0x4;
	v33 =	vld [tilespmem:s9+$0x200];
	v25 =	vmul.f32 v28, v25;
	[tilespmem:s5+$0x0] =	vst v19  }
0x4b6: {  	v31 =	vbroadcast v18, $0x4;
	s3 =	sor.u32 s22, s31;
	s12 =	sor.u32 s30, s26;
	s18 =	sor.u32 s21, s10;
	v23 =	vsub.f32 v23, v30;
	v19 =	vld [tilespmem:s7+$0x0];
	[tilespmem:s16+$0x0] =	vst v20  }
0x4b7: {  	s10 =	sor.u32 s22, s10;
	[smem:$0x7D2] =	sst s3;
	v28 =	vbroadcast v5, $0x4;
	v21 =	vmul.f32 v21, v24;
	v25 =	vsub.f32 v25, v27;
	v27 =	vld [tilespmem:s12+$0x0];
	s12 =	sor.u32 $0xE200, s23  }
0x4b8: {  	s7 =	sor.u32 s15, s26;
	s16 =	sadd.s32 $0x16580, s23;
	s26 =	sor.u32 s22, s12  }
0x4b9: {  	s3 =	sadd.s32 $0x100, s11;
	v26 =	vbroadcast v17, $0x4;
	v29 =	vmul.f32 v29, v31;
	[tilespmem:s10+$0x0] =	vst v23;
	s2 =	sor.u32 s22, s16;
	v21 =	vsub.f32 v21, v28;
	[smem:$0x7D1] =	sst s26  }
0x4ba: {  	v20 =	vmul.f32 v32, v22;
	s19 =	sor.u32 s21, s16;
	[tilespmem:s20+$0x0] =	vst v25;
	s20 =	sor.u32 $0x17200, s23;
	v25 =	vld [tilespmem:s2+$0x0];
	s26 =	rddreg [dreg:$0x1c]  }
0x4bb: {  	v22 =	vsub.f32 v29, v26;
	v23 =	vmul.f32 v33, v31;
	v29 =	vld [tilespmem:s7+$0x0];
	s7 =	sadd.s32 $0xD580, s23;
	s2 =	sor.u32 s21, s20;
	s5 =	sor.u32 s22, s20;
	[tilespmem:s13+$0x0] =	vst v21  }
0x4bc: {  	v20 =	vsub.f32 v20, v30;
	s13 =	rddreg [dreg:$0x1d];
	v19 =	vmul.f32 v19, v24;
	s10 =	sor.u32 s21, s7;
	v24 =	vld [tilespmem:s14+$0x0];
	s14 =	sadd.s32 $0x16400, s24  }
0x4bd: {  	v30 =	vbroadcast v15, $0xA;
	v31 =	vbroadcast v18, $0x5;
	[tilespmem:s13+$0x0] =	vst v22;
	s13 =	sor.u32 s22, s7;
	s7 =	sor.u32 $0x16380, s24;
	v21 =	vsub.f32 v23, v26;
	s20 =	sor.u32 s15, s14  }
0x4be: {  	v22 =	vbroadcast v14, $0xA;
	v26 =	vld [tilespmem:s8+$0x280];
	s8 =	sor.u32 $0xD380, s24;
	[tilespmem:s18+$0x0] =	vst v20;
	v20 =	vbroadcast v12, $0xF;
	[smem:$0x7D7] =	sst s20;
	s20 =	sor.u32 s15, s7  }
0x4bf: {  	v12 =	vmovc v15;
	v15 =	vmov v18;
	v18 =	vmul.f32 v27, v30;
	v19 =	vsub.f32 v19, v28;
	s17 =	sor.u32 s15, s8;
	[tilespmem:s26+$0x0] =	vst v21;
	v21 =	vld [tilespmem:s19+$0x0];
	s19 =	sor.u32 s30, s7;
	s7 =	rddreg [dreg:$0x15]  }
0x4c0: {  	s16 =	sand.u32 $0x3, s28;
	v27 =	vbroadcast v11, $0xF;
	v11 =	vmovc v14;
	v14 =	vmov v17;
	s26 =	sor.u32 s30, s8;
	v17 =	vmul.f32 v25, v20;
	[smem:$0x7D6] =	sst s17  }
0x4c1: {  	v23 =	vbroadcast v6, $0x5;
	v25 =	vsub.f32 v18, v22;
	s17 =	smov.u32 s22;
	[smem:$0x7D3] =	sst s26;
	v28 =	vld [tilespmem:s9+$0x280];
	s9 =	sor.u32 $0xD300, s24;
	[tilespmem:s6+$0x0] =	vst v19;
	v19 =	vmul.f32 v29, v30  }
0x4c2: {  	s6 =	sand.u32 $0xC00, s3;
	s11 =	sadd.s32 $0x20, s7;
	s18 =	sor.u32 s30, s9;
	v29 =	vld [tilespmem:s4+$0x0];
	v30 =	vsub.f32 v17, v27  }
0x4c3: {  	v57 =	vbroadcast v5, $0x5;
	v24 =	vmul.f32 v24, v23;
	v18 =	vld [tilespmem:$0x1A7C0];
	s4 =	sand.u32 $0x60, s11;
	s22 =	sor.u32 $0x15200, s6;
	s26 =	sadd.s32 $0xC400, s6;
	v19 =	vsub.f32 v19, v22;
	[tilespmem:s18+$0x0] =	vst v25  }
0x4c4: {  	v5 =	vmovc v7;
	v7 =	vmov v9;
	v9 =	vmov v13;
	v17 =	vld [tilespmem:$0x1A7E0];
	s28 =	sor.u32 s15, s9;
	s29 =	sor.u32 $0xC380, s6;
	[dreg:$0x15] =	wrdreg s11;
	[tilespmem:s13+$0x0] =	vst v30;
	v13 =	vmul.f32 v21, v20  }
0x4c5: {  	s8 =	sor.u32 s4, s22;
	s18 =	sor.u32 $0x10, s4;
	v20 =	vsub.f32 v24, v57;
	[tilespmem:s28+$0x0] =	vst v19;
	v19 =	vld [tilespmem:s19+$0x0];
	s19 =	sor.u32 s4, s29  }
0x4c6: {  	[smem:$0x7E2] =	sst s19;
	s19 =	sshll.u32 s16, $0x5;
	s16 =	sor.u32 s4, s26;
	v13 =	vsub.f32 v13, v27  }
0x4c7: {  	s13 =	sadd.s32 $0xC500, s6;
	v25 =	vld [tilespmem:s5+$0x0];
	s26 =	sor.u32 s18, s26;
	[tilespmem:s0+$0x0] =	vst v20;
	[dreg:$0x1d] =	wrdreg s16  }
0x4c8: {  	v20 =	vld [tilespmem:s8+$0x0];
	s16 =	sor.u32 s18, s13;
	[tilespmem:s10+$0x0] =	vst v13;
	s10 =	sor.u32 s4, s13;
	s13 =	sld [smem:$0x7E5]  }
0x4c9: {  	v6 =	vmovc v8;
	v8 =	vmovc v10;
	v10 =	vmov v16;
	v16 =	vbroadcast v14, $0x5;
	v26 =	vmul.f32 v26, v31;
	[dreg:$0x1c] =	wrdreg s26  }
0x4ca: {  	s7 =	sor.u32 $0xC300, s6;
	s9 =	sor.u32 s18, s22;
	v22 =	vmul.f32 v28, v31;
	s26 =	rddreg [dreg:$0x1f]  }
0x4cb: {  	v21 =	vsub.f32 v26, v16;
	v23 =	vmul.f32 v29, v23;
	v27 =	vld [tilespmem:s9+$0x0];
	s0 =	sadd.s32 s19, s13;
	s19 =	sor.u32 s4, s7;
	s13 =	rddreg [dreg:$0x1e]  }
0x4cc: {  	s22 =	sor.u32 s18, s29;
	v16 =	vsub.f32 v22, v16;
	[smem:$0x7DC] =	sst s19  }
0x4cd: {  	v23 =	vsub.f32 v23, v57;
	[tilespmem:s26+$0x0] =	vst v21;
	s26 =	sor.u32 $0x300, s0;
	s19 =	sadd.s32 $0x10, s0;
	s0 =	sadd.s32 $0xC580, s6  }
0x4ce: {  	[smem:$0x7E3] =	sst s22;
	v26 =	vbroadcast v18, $0x0;
	v28 =	vld [tilespmem:s2+$0x0];
	[tilespmem:s13+$0x0] =	vst v16;
	s13 =	sor.u32 s4, s0  }
0x4cf: {  	v29 =	vbroadcast v6, $0x0;
	v13 =	vld [tilespmem:$0x1A7F0];
	[tilespmem:s1+$0x0] =	vst v23;
	s7 =	sor.u32 s18, s7;
	[smem:$0x7DA] =	sst s13;
	s13 =	sor.u32 $0xD200, s6  }
0x4d0: {  	v20 =	vmul.f32 v20, v26;
	v26 =	vmul.f32 v27, v26;
	v27 =	vld [tilespmem:s20+$0x0];
	[smem:$0x7DD] =	sst s7;
	s20 =	sor.u32 s4, s13;
	s13 =	sor.u32 s18, s13  }
0x4d1: {  	s14 =	sor.u32 s30, s14;
	v31 =	vbroadcast v5, $0x0;
	v16 =	vmul.f32 v25, v29;
	[smem:$0x7E4] =	sst s13  }
0x4d2: {  	s22 =	sadd.s32 $0xC480, s6;
	s28 =	sor.u32 s3, s11;
	v30 =	vbroadcast v17, $0x0;
	v23 =	vld [tilespmem:s26+$0x15200];
	s13 =	sld [smem:$0x7D1]  }
0x4d3: {  	s11 =	sor.u32 $0xC200, s6;
	s7 =	sld [smem:$0x7D3];
	s0 =	sor.u32 s18, s0;
	v59 =	vsub.f32 v16, v31  }
0x4d4: {  	v24 =	vbroadcast v12, $0xB;
	s5 =	sor.u32 s4, s22;
	s26 =	sor.u32 $0x300, s19;
	v20 =	vsub.f32 v20, v30;
	[smem:$0x7DB] =	sst s0  }
0x4d5: {  	v21 =	vbroadcast v15, $0x6;
	v58 =	vld [tilespmem:s26+$0x15200];
	s0 =	smov.u32 s23;
	s23 =	sor.u32 s4, s11;
	v28 =	vmul.f32 v28, v29;
	[tilespmem:s13+$0x0] =	vst v59;
	s13 =	sld [smem:$0x7D2]  }
0x4d6: {  	s22 =	sor.u32 s18, s22;
	v22 =	vbroadcast v11, $0xB;
	v19 =	vmul.f32 v19, v24;
	v16 =	vld [tilespmem:$0x1A7D0];
	v26 =	vsub.f32 v26, v30;
	[tilespmem:s23+$0x0] =	vst v20;
	s23 =	smov.u32 s3;
	[smem:$0x7E1] =	sst s20  }
0x4d7: {  	s2 =	sor.u32 $0x16200, s6;
	s1 =	sor.u32 s18, s11;
	[smem:$0x7E5] =	sst s23;
	v20 =	vmul.f32 v23, v21;
	v23 =	vsub.f32 v28, v31  }
0x4d8: {  	v19 =	vsub.f32 v19, v22;
	s26 =	sor.u32 s4, s2;
	v28 =	vld [tilespmem:s13+$0x0];
	[tilespmem:s1+$0x0] =	vst v26;
	s1 =	sor.u32 s21, s12;
	s12 =	rddreg [dreg:$0xc]  }
0x4d9: {  	s2 =	sor.u32 s18, s2;
	s20 =	sor.u32 $0x16280, s6;
	v29 =	vld [tilespmem:s8+$0x80];
	[tilespmem:s1+$0x0] =	vst v23;
	s1 =	sld [smem:$0x7D4]  }
0x4da: {  	v25 =	vbroadcast v14, $0x6;
	s23 =	smov.u32 s24;
	v21 =	vmul.f32 v58, v21;
	s13 =	sor.u32 s21, s31;
	v30 =	vld [tilespmem:s9+$0x80];
	[tilespmem:s7+$0x0] =	vst v19;
	s7 =	rddreg [dreg:$0xb]  }
0x4db: {  	s31 =	smov.u32 s0;
	s24 =	smov.u32 s12;
	s12 =	rddreg [dreg:$0x18]  }
0x4dc: {  	v20 =	vsub.f32 v20, v25;
	v21 =	vsub.f32 v21, v25;
	s0 =	smov.u32 s4;
	v25 =	vld [tilespmem:s14+$0x0];
	s14 =	smov.u32 s6;
	s6 =	sld [smem:$0x7D5]  }
0x4dd: {  	s11 =	smov.u32 s3;
	s3 =	smov.u32 s21;
	[dreg:$0xb] =	wrdreg s0  }
0x4de: {  	s29 =	sor.u32 s4, s20;
	s20 =	sor.u32 s18, s20;
	v24 =	vmul.f32 v27, v24;
	v23 =	vbroadcast v6, $0x1;
	[dreg:$0xc] =	wrdreg s14  }
0x4df: {  	v26 =	vbroadcast v18, $0x1;
	[tilespmem:s1+$0x0] =	vst v20;
	s1 =	sor.u32 $0x380, s6;
	s6 =	sor.u32 $0xC280, s14;
	s14 =	sld [smem:$0x7D6]  }
0x4e0: {  	s21 =	smov.u32 s15;
	s4 =	sor.u32 $0xE280, s31;
	[tilespmem:s12+$0x0] =	vst v21;
	v21 =	vbroadcast v5, $0x1;
	s12 =	sld [smem:$0x7D7];
	v20 =	vsub.f32 v24, v22;
	v24 =	vmul.f32 v28, v23  }
0x4e1: {  	v27 =	vbroadcast v17, $0x1;
	v22 =	vld [tilespmem:s13+$0x0];
	s13 =	sor.u32 $0x380, s19;
	s19 =	smov.u32 s17;
	v28 =	vmul.f32 v29, v26;
	s17 =	rddreg [dreg:$0xd]  }
0x4e2: {  	s15 =	smov.u32 s7;
	s7 =	smov.u32 s30;
	v31 =	vld [tilespmem:s13+$0x15200];
	s30 =	smov.u32 s17;
	v24 =	vsub.f32 v24, v21;
	[tilespmem:s14+$0x0] =	vst v20  }
0x4e3: {  	s13 =	sor.u32 s0, s6;
	s6 =	sor.u32 s18, s6;
	v28 =	vsub.f32 v28, v27;
	s14 =	sor.u32 s19, s4;
	v20 =	vld [tilespmem:s1+$0x15200]  }
0x4e4: {  	v61 =	vbroadcast v12, $0xC;
	s1 =	sor.u32 $0x17300, s31;
	v60 =	vld [tilespmem:s12+$0x0];
	[tilespmem:s14+$0x0] =	vst v24;
	s14 =	smov.u32 s18;
	s18 =	smov.u32 s5  }
0x4e5: {  	v19 =	vbroadcast v15, $0x7;
	v26 =	vmul.f32 v30, v26;
	[tilespmem:s13+$0x0] =	vst v28;
	s13 =	rddreg [dreg:$0x1b];
	s17 =	sor.u32 s3, s1;
	s1 =	sor.u32 s19, s1  }
0x4e6: {  	v24 =	vmul.f32 v25, v61;
	s5 =	smov.u32 s22;
	v22 =	vmul.f32 v22, v23;
	[dreg:$0x1f] =	wrdreg s18;
	v25 =	vld [tilespmem:s1+$0x0]  }
0x4e7: {  	v29 =	vbroadcast v14, $0x7;
	s4 =	sor.u32 s3, s4;
	v26 =	vsub.f32 v26, v27;
	s12 =	sadd.s32 $0xD400, s23;
	[dreg:$0x1e] =	wrdreg s5;
	v28 =	vld [tilespmem:s8+$0x100];
	v27 =	vmul.f32 v31, v19  }
0x4e8: {  	v23 =	vbroadcast v11, $0xC;
	s18 =	smov.u32 s10;
	s10 =	smov.u32 s16;
	s16 =	sadd.s32 $0x16480, s23;
	v21 =	vsub.f32 v22, v21;
	v19 =	vmul.f32 v20, v19  }
0x4e9: {  	v34 =	vbroadcast v6, $0x2;
	[dreg:$0x18] =	wrdreg s10;
	[tilespmem:s6+$0x0] =	vst v26;
	s1 =	sor.u32 s7, s12;
	s6 =	sor.u32 s21, s16;
	v20 =	vsub.f32 v27, v29;
	v26 =	vmul.f32 v60, v61  }
0x4ea: {  	v22 =	vbroadcast v18, $0x2;
	v24 =	vsub.f32 v24, v23;
	v30 =	vld [tilespmem:s9+$0x100];
	[tilespmem:s4+$0x0] =	vst v21;
	s4 =	sor.u32 s21, s12;
	s12 =	sor.u32 s7, s16;
	s16 =	sld [smem:$0x7D8];
	v19 =	vsub.f32 v19, v29  }
0x4eb: {  	s10 =	rddreg [dreg:$0x1a];
	v21 =	vld [tilespmem:s17+$0x0];
	[tilespmem:s13+$0x0] =	vst v20;
	v20 =	vsub.f32 v26, v23;
	v23 =	vbroadcast v5, $0x2;
	v25 =	vmul.f32 v25, v34;
	s13 =	sor.u32 $0xE300, s31  }
0x4ec: {  	v26 =	vmul.f32 v28, v22;
	v28 =	vld [tilespmem:s10+$0x0];
	[tilespmem:s1+$0x0] =	vst v24;
	s1 =	sor.u32 s3, s13;
	s5 =	sor.u32 s19, s13;
	s13 =	sld [smem:$0x7DA]  }
0x4ed: {  	[tilespmem:s16+$0x0] =	vst v19;
	v19 =	vld [tilespmem:s12+$0x0];
	v24 =	vsub.f32 v25, v23;
	s12 =	sld [smem:$0x7D9]  }
0x4ee: {  	v27 =	vbroadcast v17, $0x2;
	s16 =	sld [smem:$0x7DB]  }
0x4ef: {  	s25 =	sadd.s32 $0x2, s25;
	s17 =	sor.u32 $0x17380, s31;
	[tilespmem:s5+$0x0] =	vst v24;
	s5 =	sld [smem:$0x7DC]  }
0x4f0: {  	[dreg:$0xd] =	wrdreg s14;
	v31 =	vbroadcast v15, $0x8;
	s10 =	sor.u32 s19, s17;
	v25 =	vsub.f32 v26, v27;
	v29 =	vld [tilespmem:s12+$0x0];
	[tilespmem:s4+$0x0] =	vst v20;
	s4 =	sor.u32 s3, s17  }
0x4f1: {  	v21 =	vmul.f32 v21, v34;
	s12 =	smov.u32 s13;
	v20 =	vmul.f32 v30, v22;
	s17 =	smov.u32 s16;
	s13 =	sld [smem:$0x7DE];
	v22 =	vld [tilespmem:s6+$0x0]  }
0x4f2: {  	p0 =	slt.u32 s25, $0x1E;
	v24 =	vbroadcast v14, $0x8;
	v30 =	vbroadcast v12, $0xD;
	[dreg:$0x1b] =	wrdreg s17;
	[tilespmem:s5+$0x0] =	vst v25;
	v25 =	vld [tilespmem:s10+$0x0]  }
0x4f3: {  	s17 =	smov.u32 s26;
	s26 =	smov.u32 s2;
	v21 =	vsub.f32 v21, v23;
	s6 =	sld [smem:$0x7DD];
	v20 =	vsub.f32 v20, v27;
	v27 =	vmul.f32 v28, v31;
	v62 =	vld [tilespmem:s8+$0x180]  }
0x4f4: {  	v63 =	vbroadcast v11, $0xD;
	s22 =	smov.u32 s7;
	[dreg:$0x1a] =	wrdreg s26;
	v19 =	vmul.f32 v19, v30;
	s10 =	sadd.s32 $0xD480, s23  }
0x4f5: {  	v26 =	vbroadcast v18, $0x3;
	s16 =	sadd.s32 $0x16500, s23;
	s5 =	sld [smem:$0x7DF];
	[tilespmem:s1+$0x0] =	vst v21;
	s1 =	sor.u32 s21, s10;
	v23 =	vmul.f32 v29, v31;
	v29 =	vsub.f32 v27, v24  }
.Ltmp1:
0x4f6: {  	s0 =	sor.u32 s7, s10;
	s10 =	sld [smem:$0x7E0];
	[tilespmem:s6+$0x0] =	vst v20;
	v20 =	vbroadcast v6, $0x3;
	v22 =	vmul.f32 v22, v30;
	v30 =	vsub.f32 v19, v63;
	(pc) =	sbr.rel @p0 .LBB2_4-.Ltmp1, $4  }
0x4f7: {  	s26 =	sor.u32 s21, s16;
	s6 =	sor.u32 s7, s16;
	s16 =	sld [smem:$0x7E1];
	v27 =	vbroadcast v17, $0x3;
	v28 =	vld [tilespmem:s9+$0x180];
	v19 =	vbroadcast v5, $0x3;
	v23 =	vsub.f32 v23, v24;
	[tilespmem:s13+$0x0] =	vst v29  }
0x4f8: {  	s14 =	smov.u32 s28;
	s28 =	rddreg [dreg:$0x14];
	s7 =	sor.u32 $0xE380, s31;
	v25 =	vmul.f32 v25, v20;
	v29 =	vmul.f32 v62, v26;
	v24 =	vld [tilespmem:s5+$0x0];
	v31 =	vsub.f32 v22, v63;
	[tilespmem:s0+$0x0] =	vst v30  }
0x4f9: {  	v21 =	vld [tilespmem:s4+$0x0];
	s13 =	sadd.s32 $0x17400, s31;
	s5 =	sor.u32 s3, s7;
	s0 =	sor.u32 s19, s7;
	[tilespmem:s10+$0x0] =	vst v23  }
0x4fa: {  	s7 =	sor.u32 s3, s13;
	s2 =	sor.u32 s19, s13;
	s13 =	smov.u32 s16;
	v23 =	vld [tilespmem:s6+$0x0];
	v22 =	vsub.f32 v25, v19;
	v25 =	vbroadcast v15, $0x9;
	v29 =	vsub.f32 v29, v27;
	[tilespmem:s1+$0x0] =	vst v31  }
0x4fb: {  	_ = 	snop  }
0x4fc: {  	v26 =	vmul.f32 v28, v26  }
0x4fd: {  	s1 =	sld [smem:$0x7E3]  }
0x4fe: {  	v26 =	vsub.f32 v26, v27;
	_ =	sdelay $0x1  }
0x4ff: {  	[tilespmem:s1+$0x0] =	vst v26  }
0x500: {  	s1 =	sld [smem:$0x7E2];
	_ =	sdelay $0x1  }
0x501: {  	v26 =	vld [tilespmem:s9+$0x200]  }
0x502: {  	[tilespmem:s1+$0x0] =	vst v29  }
0x503: {  	v50 =	vld [tilespmem:s8+$0x200]  }
0x504: {  	v51 =	vbroadcast v18, $0x4;
	_ =	sdelay $0x1  }
0x505: {  	v52 =	vbroadcast v17, $0x4;
	v26 =	vmul.f32 v26, v51;
	_ =	sdelay $0x1  }
0x506: {  	v26 =	vsub.f32 v26, v52;
	v27 =	vmul.f32 v50, v51  }
0x507: {  	s1 =	rddreg [dreg:$0x1c]  }
0x508: {  	[tilespmem:s1+$0x0] =	vst v26;
	v27 =	vsub.f32 v27, v52  }
0x509: {  	s1 =	rddreg [dreg:$0x1d];
	v26 =	vld [tilespmem:s9+$0x280]  }
0x50a: {  	[tilespmem:s1+$0x0] =	vst v27  }
0x50b: {  	v27 =	vld [tilespmem:s8+$0x280]  }
0x50c: {  	v53 =	vbroadcast v18, $0x5  }
0x50d: {  	s9 =	sadd.s32 $0x1, s28;
	s4 =	sld [smem:$0x7E5]  }
0x50e: {  	v54 =	vbroadcast v17, $0x5;
	s1 =	sand.u32 $0x3, s9;
	v26 =	vmul.f32 v26, v53  }
0x50f: {  	s1 =	sshll.u32 s1, $0x5  }
0x510: {  	s1 =	sadd.s32 s1, s4;
	v26 =	vsub.f32 v26, v54;
	v27 =	vmul.f32 v27, v53  }
0x511: {  	s11 =	rddreg [dreg:$0x1e];
	s10 =	sadd.s32 $0x10, s1  }
0x512: {  	[tilespmem:s11+$0x0] =	vst v26;
	s16 =	sor.u32 $0x300, s10;
	v27 =	vsub.f32 v27, v54  }
0x513: {  	s6 =	rddreg [dreg:$0x1f];
	v26 =	vld [tilespmem:s16+$0x15200]  }
0x514: {  	s1 =	sor.u32 $0x300, s1;
	[tilespmem:s6+$0x0] =	vst v27  }
0x515: {  	v27 =	vld [tilespmem:s1+$0x15200]  }
0x516: {  	v55 =	vbroadcast v18, $0x6;
	_ =	sdelay $0x1  }
0x517: {  	v56 =	vbroadcast v17, $0x6;
	v26 =	vmul.f32 v26, v55;
	_ =	sdelay $0x1  }
0x518: {  	v26 =	vsub.f32 v26, v56;
	v27 =	vmul.f32 v27, v55  }
0x519: {  	s25 =	rddreg [dreg:$0x18]  }
0x51a: {  	s28 =	sor.u32 $0x380, s10;
	[tilespmem:s25+$0x0] =	vst v26;
	v27 =	vsub.f32 v27, v56  }
0x51b: {  	v26 =	vld [tilespmem:s28+$0x15200]  }
0x51c: {  	s9 =	smov.u32 s3;
	s3 =	sor.u32 $0x380, s14;
	[tilespmem:s18+$0x0] =	vst v27  }
0x51d: {  	v27 =	vld [tilespmem:s3+$0x15200]  }
0x51e: {  	v57 =	vbroadcast v18, $0x7;
	_ =	sdelay $0x1  }
0x51f: {  	v58 =	vbroadcast v17, $0x7;
	v26 =	vmul.f32 v26, v57;
	_ =	sdelay $0x1  }
0x520: {  	v26 =	vsub.f32 v26, v58;
	v27 =	vmul.f32 v27, v57  }
0x521: {  	s4 =	rddreg [dreg:$0x1b]  }
0x522: {  	[tilespmem:s4+$0x0] =	vst v26;
	v27 =	vsub.f32 v27, v58  }
0x523: {  	s1 =	rddreg [dreg:$0x1a]  }
0x524: {  	v26 =	vld [tilespmem:s1+$0x0];
	[tilespmem:s12+$0x0] =	vst v27  }
0x525: {  	v27 =	vld [tilespmem:s17+$0x0];
	_ =	sdelay $0x1  }
0x526: {  	v59 =	vbroadcast v18, $0x8;
	_ =	sdelay $0x1  }
0x527: {  	v60 =	vbroadcast v17, $0x8;
	s6 =	rddreg [dreg:$0x17];
	v26 =	vmul.f32 v26, v59  }
0x528: {  	s8 =	sld [smem:$0x7E4];
	v27 =	vmul.f32 v27, v59  }
0x529: {  	v61 =	vld [tilespmem:s6+$0x0];
	v26 =	vsub.f32 v26, v60  }
0x52a: {  	v27 =	vsub.f32 v27, v60  }
0x52b: {  	[tilespmem:s8+$0x0] =	vst v26  }
0x52c: {  	v62 =	vbroadcast v14, $0x9;
	v24 =	vmul.f32 v24, v25;
	v26 =	vld [tilespmem:s20+$0x0];
	[tilespmem:s13+$0x0] =	vst v27  }
0x52d: {  	v63 =	vld [tilespmem:s29+$0x0]  }
0x52e: {  	v24 =	vsub.f32 v24, v62;
	s10 =	sor.u32 $0xD280, s24;
	v31 =	vmul.f32 v61, v25  }
0x52f: {  	v30 =	vbroadcast v18, $0x9;
	s11 =	sor.u32 $0x16300, s24;
	s13 =	sor.u32 s30, s10  }
0x530: {  	s14 =	sor.u32 s30, s11;
	v25 =	vsub.f32 v31, v62;
	[tilespmem:s13+$0x0] =	vst v24  }
0x531: {  	v32 =	vbroadcast v17, $0x9;
	s1 =	sor.u32 s15, s10;
	v33 =	vld [tilespmem:s14+$0x0];
	v26 =	vmul.f32 v26, v30  }
0x532: {  	s12 =	rddreg [dreg:$0xc];
	[tilespmem:s1+$0x0] =	vst v25;
	v34 =	vmul.f32 v63, v30  }
0x533: {  	s3 =	sor.u32 s15, s11;
	s16 =	sor.u32 $0xD280, s12;
	s13 =	rddreg [dreg:$0xd];
	v26 =	vsub.f32 v26, v32  }
0x534: {  	v35 =	vbroadcast v15, $0xA;
	s17 =	sor.u32 $0x16300, s12;
	v25 =	vld [tilespmem:s3+$0x0];
	s11 =	rddreg [dreg:$0xb];
	s18 =	sor.u32 s13, s16;
	v24 =	vsub.f32 v34, v32  }
0x535: {  	s20 =	sor.u32 s11, s16;
	s25 =	sor.u32 s13, s17;
	[tilespmem:s18+$0x0] =	vst v26  }
0x536: {  	v36 =	vbroadcast v14, $0xA;
	s1 =	sor.u32 s11, s17;
	v27 =	vmul.f32 v33, v35;
	v26 =	vld [tilespmem:s25+$0x0];
	[tilespmem:s20+$0x0] =	vst v24  }
0x537: {  	v37 =	vld [tilespmem:s1+$0x0]  }
0x538: {  	s28 =	sor.u32 $0xD300, s24;
	v27 =	vsub.f32 v27, v36  }
0x539: {  	v38 =	vbroadcast v18, $0xA;
	s8 =	sor.u32 s30, s28;
	s29 =	sor.u32 $0x16380, s24;
	v25 =	vmul.f32 v25, v35  }
0x53a: {  	s10 =	sor.u32 s30, s29;
	[tilespmem:s8+$0x0] =	vst v27  }
0x53b: {  	v39 =	vbroadcast v17, $0xA;
	v24 =	vsub.f32 v25, v36;
	v40 =	vld [tilespmem:s10+$0x0];
	v26 =	vmul.f32 v26, v38  }
0x53c: {  	s1 =	sor.u32 s15, s28;
	v41 =	vmul.f32 v37, v38  }
0x53d: {  	s14 =	sor.u32 $0xD300, s12;
	s3 =	sor.u32 s15, s29;
	[tilespmem:s1+$0x0] =	vst v24;
	v26 =	vsub.f32 v26, v39  }
0x53e: {  	v43 =	vbroadcast v15, $0xB;
	s16 =	sor.u32 $0x16380, s12;
	s17 =	sor.u32 s13, s14;
	v44 =	vld [tilespmem:s3+$0x0];
	v42 =	vsub.f32 v41, v39  }
0x53f: {  	s4 =	sor.u32 s11, s14;
	s18 =	sor.u32 s13, s16;
	[tilespmem:s17+$0x0] =	vst v26  }
0x540: {  	v46 =	vbroadcast v14, $0xB;
	s1 =	sor.u32 s11, s16;
	v25 =	vmul.f32 v40, v43;
	v45 =	vld [tilespmem:s18+$0x0];
	[tilespmem:s4+$0x0] =	vst v42  }
0x541: {  	v47 =	vld [tilespmem:s1+$0x0]  }
0x542: {  	s20 =	sor.u32 $0xD380, s24;
	v25 =	vsub.f32 v25, v46  }
0x543: {  	v48 =	vbroadcast v18, $0xB;
	s25 =	sadd.s32 $0x16400, s24;
	s28 =	sor.u32 s30, s20;
	v27 =	vmul.f32 v44, v43  }
0x544: {  	s29 =	sor.u32 s30, s25;
	[tilespmem:s28+$0x0] =	vst v25  }
0x545: {  	v49 =	vbroadcast v17, $0xB;
	v26 =	vsub.f32 v27, v46;
	v50 =	vld [tilespmem:s29+$0x0];
	v24 =	vmul.f32 v45, v48  }
0x546: {  	s1 =	sor.u32 s15, s20;
	v51 =	vmul.f32 v47, v48  }
0x547: {  	s8 =	sor.u32 $0xD380, s12;
	s3 =	sor.u32 s15, s25;
	[tilespmem:s1+$0x0] =	vst v26;
	v24 =	vsub.f32 v24, v49  }
0x548: {  	v52 =	vbroadcast v15, $0xC;
	s10 =	sadd.s32 $0x16400, s12;
	s14 =	sor.u32 s13, s8;
	v26 =	vld [tilespmem:s3+$0x0];
	v25 =	vsub.f32 v51, v49  }
0x549: {  	s16 =	sor.u32 s13, s10;
	s4 =	sor.u32 s11, s8;
	[tilespmem:s14+$0x0] =	vst v24  }
0x54a: {  	v53 =	vbroadcast v14, $0xC;
	s1 =	sor.u32 s11, s10;
	v28 =	vmul.f32 v50, v52;
	v24 =	vld [tilespmem:s16+$0x0];
	[tilespmem:s4+$0x0] =	vst v25  }
0x54b: {  	v54 =	vld [tilespmem:s1+$0x0]  }
0x54c: {  	s17 =	sadd.s32 $0xD400, s24;
	v28 =	vsub.f32 v28, v53  }
0x54d: {  	v55 =	vbroadcast v18, $0xC;
	s18 =	sadd.s32 $0x16480, s24;
	s20 =	sor.u32 s30, s17;
	v26 =	vmul.f32 v26, v52  }
0x54e: {  	s25 =	sor.u32 s30, s18;
	[tilespmem:s20+$0x0] =	vst v28  }
0x54f: {  	v56 =	vbroadcast v17, $0xC;
	v25 =	vsub.f32 v26, v53;
	v57 =	vld [tilespmem:s25+$0x0];
	v24 =	vmul.f32 v24, v55  }
0x550: {  	s1 =	sor.u32 s15, s17;
	v58 =	vmul.f32 v54, v55  }
0x551: {  	s28 =	sadd.s32 $0xD400, s12;
	s3 =	sor.u32 s15, s18;
	[tilespmem:s1+$0x0] =	vst v25;
	v24 =	vsub.f32 v24, v56  }
0x552: {  	v61 =	vbroadcast v15, $0xD;
	s29 =	sadd.s32 $0x16480, s12;
	s8 =	sor.u32 s13, s28;
	v60 =	vld [tilespmem:s3+$0x0];
	v59 =	vsub.f32 v58, v56  }
0x553: {  	s10 =	sor.u32 s11, s28;
	s14 =	sor.u32 s13, s29;
	[tilespmem:s8+$0x0] =	vst v24  }
0x554: {  	v62 =	vbroadcast v14, $0xD;
	s1 =	sor.u32 s11, s29;
	v26 =	vmul.f32 v57, v61;
	v24 =	vld [tilespmem:s14+$0x0];
	[tilespmem:s10+$0x0] =	vst v59  }
0x555: {  	v63 =	vld [tilespmem:s1+$0x0]  }
0x556: {  	s16 =	sadd.s32 $0xD480, s24;
	v26 =	vsub.f32 v26, v62  }
0x557: {  	v33 =	vbroadcast v18, $0xD;
	s18 =	sor.u32 s30, s16;
	s17 =	sadd.s32 $0x16500, s24;
	v27 =	vmul.f32 v60, v61  }
0x558: {  	v34 =	vld [tilespmem:s26+$0x0];
	s20 =	sor.u32 s30, s17;
	[tilespmem:s18+$0x0] =	vst v26  }
0x559: {  	v35 =	vbroadcast v17, $0xD;
	v25 =	vsub.f32 v27, v62;
	v36 =	vld [tilespmem:s20+$0x0];
	v24 =	vmul.f32 v24, v33  }
0x55a: {  	v37 =	vbroadcast v12, $0xE;
	s1 =	sor.u32 s15, s16;
	v29 =	vmul.f32 v63, v33  }
0x55b: {  	v31 =	vbroadcast v11, $0xE;
	s25 =	sadd.s32 $0xD480, s12;
	s3 =	sor.u32 s15, s17;
	[tilespmem:s1+$0x0] =	vst v25;
	v24 =	vsub.f32 v24, v35  }
0x55c: {  	s26 =	sadd.s32 $0x16500, s12;
	v23 =	vmul.f32 v23, v37;
	v39 =	vbroadcast v15, $0xE;
	s28 =	sor.u32 s13, s25;
	v40 =	vld [tilespmem:s3+$0x0];
	v38 =	vsub.f32 v29, v35  }
0x55d: {  	s6 =	sor.u32 s13, s26;
	v41 =	vmul.f32 v34, v37;
	s29 =	sor.u32 s11, s25;
	[tilespmem:s28+$0x0] =	vst v24  }
0x55e: {  	v43 =	vbroadcast v14, $0xE;
	v23 =	vsub.f32 v23, v31;
	s8 =	sadd.s32 $0xD500, s23;
	s1 =	sor.u32 s11, s26;
	v27 =	vmul.f32 v36, v39;
	v42 =	vld [tilespmem:s6+$0x0];
	[tilespmem:s29+$0x0] =	vst v38  }
0x55f: {  	s14 =	sor.u32 s22, s8;
	s10 =	sadd.s32 $0x16580, s23;
	v24 =	vsub.f32 v41, v31;
	v44 =	vld [tilespmem:s1+$0x0]  }
0x560: {  	s17 =	sadd.s32 $0xD500, s24;
	[tilespmem:s14+$0x0] =	vst v23;
	s16 =	sor.u32 s22, s10;
	s3 =	sor.u32 s21, s8;
	v45 =	vsub.f32 v27, v43  }
0x561: {  	v46 =	vbroadcast v18, $0xE;
	s18 =	sadd.s32 $0x16580, s24;
	v47 =	vld [tilespmem:s16+$0x0];
	s20 =	sor.u32 s30, s17;
	v48 =	vmul.f32 v40, v39;
	[tilespmem:s3+$0x0] =	vst v24;
	s1 =	sor.u32 s21, s10  }
0x562: {  	s25 =	sor.u32 s30, s18;
	[tilespmem:s20+$0x0] =	vst v45;
	v49 =	vld [tilespmem:s1+$0x0]  }
0x563: {  	v50 =	vbroadcast v17, $0xE;
	v24 =	vsub.f32 v48, v43;
	v51 =	vld [tilespmem:s25+$0x0];
	v28 =	vmul.f32 v42, v46  }
0x564: {  	v12 =	vbroadcast v12, $0xF;
	s26 =	sor.u32 s15, s17;
	v27 =	vmul.f32 v44, v46  }
0x565: {  	v11 =	vbroadcast v11, $0xF;
	s28 =	sadd.s32 $0xD500, s12;
	s3 =	sor.u32 s15, s18;
	[tilespmem:s26+$0x0] =	vst v24;
	v28 =	vsub.f32 v28, v50  }
0x566: {  	v15 =	vbroadcast v15, $0xF;
	v52 =	vmul.f32 v47, v12;
	s8 =	sor.u32 s13, s28;
	s29 =	sadd.s32 $0x16580, s12;
	v53 =	vld [tilespmem:s3+$0x0];
	v23 =	vsub.f32 v27, v50  }
0x567: {  	s10 =	sor.u32 s11, s28;
	s14 =	sor.u32 s13, s29;
	[tilespmem:s8+$0x0] =	vst v28;
	v12 =	vmul.f32 v49, v12  }
0x568: {  	v14 =	vbroadcast v14, $0xF;
	s16 =	sadd.s32 $0xD580, s23;
	v55 =	vsub.f32 v52, v11;
	s1 =	sor.u32 s11, s29;
	v56 =	vmul.f32 v51, v15;
	v54 =	vld [tilespmem:s14+$0x0];
	[tilespmem:s10+$0x0] =	vst v23  }
0x569: {  	s17 =	sor.u32 $0x17200, s23;
	s18 =	sor.u32 s22, s16;
	v11 =	vsub.f32 v12, v11;
	v57 =	vld [tilespmem:s1+$0x0]  }
0x56a: {  	s20 =	sor.u32 s22, s17;
	[tilespmem:s18+$0x0] =	vst v55;
	s25 =	sadd.s32 $0xD580, s24;
	s3 =	sor.u32 s21, s16;
	v12 =	vsub.f32 v56, v14  }
0x56b: {  	v18 =	vbroadcast v18, $0xF;
	s26 =	sor.u32 $0x17200, s24;
	s28 =	sor.u32 s30, s25;
	v23 =	vld [tilespmem:s20+$0x0];
	s1 =	sor.u32 s21, s17;
	[tilespmem:s3+$0x0] =	vst v11;
	v11 =	vmul.f32 v53, v15  }
0x56c: {  	s29 =	sor.u32 s30, s26;
	[tilespmem:s28+$0x0] =	vst v12;
	v15 =	vld [tilespmem:s1+$0x0]  }
0x56d: {  	v12 =	vbroadcast v17, $0xF;
	v17 =	vmul.f32 v54, v18;
	v11 =	vsub.f32 v11, v14;
	v14 =	vld [tilespmem:s29+$0x0]  }
0x56e: {  	v58 =	vbroadcast v8, $0x0;
	s4 =	sor.u32 s15, s25;
	v18 =	vmul.f32 v57, v18  }
0x56f: {  	v60 =	vbroadcast v10, $0x0;
	s6 =	sadd.s32 $0xD580, s12;
	s3 =	sor.u32 s15, s26;
	v17 =	vsub.f32 v17, v12;
	[tilespmem:s4+$0x0] =	vst v11  }
0x570: {  	v59 =	vbroadcast v7, $0x0;
	s8 =	sor.u32 $0x17200, s12;
	s10 =	sor.u32 s13, s6;
	v11 =	vsub.f32 v18, v12;
	v12 =	vmul.f32 v23, v58;
	v18 =	vld [tilespmem:s3+$0x0]  }
0x571: {  	s14 =	sor.u32 s13, s8;
	s4 =	sor.u32 s11, s6;
	[tilespmem:s10+$0x0] =	vst v17;
	v15 =	vmul.f32 v15, v58  }
0x572: {  	s16 =	sor.u32 $0xE200, s23;
	s1 =	sor.u32 s11, s8;
	v17 =	vld [tilespmem:s14+$0x0];
	v14 =	vmul.f32 v14, v60;
	[tilespmem:s4+$0x0] =	vst v11;
	v11 =	vsub.f32 v12, v59;
	v12 =	vbroadcast v9, $0x0  }
0x573: {  	s18 =	sor.u32 s22, s16;
	s17 =	sor.u32 $0x17280, s23;
	v15 =	vsub.f32 v15, v59;
	v61 =	vld [tilespmem:s1+$0x0]  }
0x574: {  	s25 =	sor.u32 $0xE200, s24;
	s20 =	sor.u32 s22, s17;
	s3 =	sor.u32 s21, s16;
	[tilespmem:s18+$0x0] =	vst v11;
	v11 =	vsub.f32 v14, v12  }
0x575: {  	s26 =	sor.u32 $0x17280, s24;
	s28 =	sor.u32 s30, s25;
	s1 =	sor.u32 s21, s17;
	[tilespmem:s3+$0x0] =	vst v15;
	v14 =	vbroadcast v16, $0x0;
	v62 =	vld [tilespmem:s20+$0x0];
	v15 =	vmul.f32 v18, v60  }
0x576: {  	s29 =	sor.u32 s30, s26;
	v18 =	vld [tilespmem:s1+$0x0];
	[tilespmem:s28+$0x0] =	vst v11  }
0x577: {  	v11 =	vbroadcast v13, $0x0;
	v17 =	vmul.f32 v17, v14;
	v12 =	vsub.f32 v15, v12;
	v15 =	vld [tilespmem:s29+$0x0]  }
0x578: {  	v63 =	vbroadcast v8, $0x1;
	v14 =	vmul.f32 v61, v14  }
0x579: {  	v28 =	vbroadcast v7, $0x1;
	s8 =	sor.u32 $0xE200, s12;
	s6 =	sor.u32 s15, s25;
	v17 =	vsub.f32 v17, v11  }
0x57a: {  	s10 =	sor.u32 $0x17280, s12;
	s14 =	sor.u32 s13, s8;
	s3 =	sor.u32 s15, s26;
	[tilespmem:s6+$0x0] =	vst v12;
	v11 =	vsub.f32 v14, v11;
	v12 =	vmul.f32 v62, v63;
	v14 =	vbroadcast v10, $0x1  }
0x57b: {  	s16 =	sor.u32 s13, s10;
	s4 =	sor.u32 s11, s8;
	v29 =	vld [tilespmem:s3+$0x0];
	[tilespmem:s14+$0x0] =	vst v17;
	v17 =	vmul.f32 v18, v63  }
0x57c: {  	s17 =	sor.u32 $0xE280, s23;
	s1 =	sor.u32 s11, s10;
	v18 =	vld [tilespmem:s16+$0x0];
	[tilespmem:s4+$0x0] =	vst v11;
	v11 =	vsub.f32 v12, v28;
	v12 =	vbroadcast v9, $0x1;
	v15 =	vmul.f32 v15, v14  }
0x57d: {  	s18 =	sor.u32 $0x17300, s23;
	s20 =	sor.u32 s22, s17;
	v17 =	vsub.f32 v17, v28;
	v30 =	vld [tilespmem:s1+$0x0]  }
0x57e: {  	s26 =	sor.u32 $0xE280, s24;
	s25 =	sor.u32 s22, s18;
	s3 =	sor.u32 s21, s17;
	[tilespmem:s20+$0x0] =	vst v11;
	v11 =	vsub.f32 v15, v12  }
0x57f: {  	s28 =	sor.u32 $0x17300, s24;
	s29 =	sor.u32 s30, s26;
	s1 =	sor.u32 s21, s18;
	v15 =	vbroadcast v16, $0x1;
	[tilespmem:s3+$0x0] =	vst v17;
	v31 =	vld [tilespmem:s25+$0x0]  }
0x580: {  	s8 =	sor.u32 s30, s28;
	v14 =	vmul.f32 v29, v14;
	v17 =	vld [tilespmem:s1+$0x0];
	[tilespmem:s29+$0x0] =	vst v11  }
0x581: {  	v11 =	vbroadcast v13, $0x1;
	v18 =	vmul.f32 v18, v15;
	v32 =	vld [tilespmem:s8+$0x0]  }
0x582: {  	v12 =	vsub.f32 v14, v12;
	v14 =	vmul.f32 v30, v15;
	v15 =	vbroadcast v8, $0x2  }
0x583: {  	v33 =	vbroadcast v7, $0x2;
	s10 =	sor.u32 s15, s26;
	s14 =	sor.u32 $0xE280, s12;
	v18 =	vsub.f32 v18, v11  }
0x584: {  	s16 =	sor.u32 $0x17300, s12;
	s17 =	sor.u32 s13, s14;
	s3 =	sor.u32 s15, s28;
	[tilespmem:s10+$0x0] =	vst v12;
	v11 =	vsub.f32 v14, v11;
	v12 =	vmul.f32 v31, v15;
	v14 =	vbroadcast v10, $0x2  }
0x585: {  	s4 =	sor.u32 s11, s14;
	s18 =	sor.u32 s13, s16;
	v34 =	vld [tilespmem:s3+$0x0];
	[tilespmem:s17+$0x0] =	vst v18;
	v15 =	vmul.f32 v17, v15  }
0x586: {  	s20 =	sor.u32 $0xE300, s23;
	s1 =	sor.u32 s11, s16;
	v17 =	vld [tilespmem:s18+$0x0];
	[tilespmem:s4+$0x0] =	vst v11;
	v11 =	vsub.f32 v12, v33;
	v12 =	vbroadcast v9, $0x2;
	v18 =	vmul.f32 v32, v14  }
0x587: {  	s25 =	sor.u32 $0x17380, s23;
	s26 =	sor.u32 s22, s20;
	v15 =	vsub.f32 v15, v33;
	v35 =	vld [tilespmem:s1+$0x0]  }
0x588: {  	v20 =	vmul.f32 v21, v20;
	s28 =	sor.u32 s22, s25;
	s29 =	sor.u32 $0xE300, s24;
	s3 =	sor.u32 s21, s20;
	[tilespmem:s26+$0x0] =	vst v11;
	v11 =	vsub.f32 v18, v12  }
0x589: {  	s8 =	sor.u32 $0x17380, s24;
	s10 =	sor.u32 s30, s29;
	s1 =	sor.u32 s21, s25;
	v18 =	vbroadcast v16, $0x2;
	[tilespmem:s3+$0x0] =	vst v15;
	v36 =	vld [tilespmem:s28+$0x0]  }
0x58a: {  	v19 =	vsub.f32 v20, v19;
	s14 =	sor.u32 s30, s8;
	v14 =	vmul.f32 v34, v14;
	v15 =	vld [tilespmem:s1+$0x0];
	[tilespmem:s10+$0x0] =	vst v11  }
0x58b: {  	[tilespmem:s0+$0x0] =	vst v22;
	v11 =	vbroadcast v13, $0x2;
	v17 =	vmul.f32 v17, v18;
	v20 =	vld [tilespmem:s14+$0x0]  }
0x58c: {  	[tilespmem:s5+$0x0] =	vst v19;
	v19 =	vbroadcast v8, $0x3;
	v12 =	vsub.f32 v14, v12;
	v14 =	vmul.f32 v35, v18;
	v18 =	vld [tilespmem:s2+$0x0]  }
0x58d: {  	v37 =	vld [tilespmem:s7+$0x0];
	v38 =	vbroadcast v7, $0x3;
	s16 =	sor.u32 s15, s29;
	s17 =	sor.u32 $0xE300, s12;
	v17 =	vsub.f32 v17, v11  }
0x58e: {  	s20 =	sor.u32 $0x17380, s12;
	s18 =	sor.u32 s15, s8;
	s25 =	sor.u32 s13, s17;
	[tilespmem:s16+$0x0] =	vst v12;
	v11 =	vsub.f32 v14, v11;
	v12 =	vmul.f32 v36, v19;
	v14 =	vbroadcast v10, $0x3  }
0x58f: {  	s26 =	sor.u32 s13, s20;
	s1 =	sor.u32 s11, s17;
	v39 =	vld [tilespmem:s18+$0x0];
	[tilespmem:s25+$0x0] =	vst v17;
	v17 =	vbroadcast v6, $0x4;
	v15 =	vmul.f32 v15, v19  }
0x590: {  	s0 =	sor.u32 s11, s20;
	s28 =	sor.u32 $0xE380, s23;
	v19 =	vld [tilespmem:s26+$0x0];
	[tilespmem:s1+$0x0] =	vst v11;
	v11 =	vsub.f32 v12, v38;
	v12 =	vbroadcast v9, $0x3;
	v20 =	vmul.f32 v20, v14  }
0x591: {  	s7 =	sor.u32 $0xE380, s24;
	v41 =	vbroadcast v5, $0x4;
	s4 =	sadd.s32 $0x17400, s23;
	s5 =	sor.u32 s22, s28;
	v15 =	vsub.f32 v15, v38;
	v40 =	vld [tilespmem:s0+$0x0];
	v18 =	vmul.f32 v18, v17  }
0x592: {  	s29 =	sadd.s32 $0xE400, s31;
	s6 =	sor.u32 s22, s4;
	s1 =	sor.u32 s21, s28;
	v17 =	vmul.f32 v37, v17;
	[tilespmem:s5+$0x0] =	vst v11;
	v11 =	vsub.f32 v20, v12  }
0x593: {  	s8 =	sadd.s32 $0x17400, s24;
	s10 =	sor.u32 s30, s7;
	s2 =	sor.u32 s21, s4;
	v20 =	vbroadcast v16, $0x3;
	[tilespmem:s1+$0x0] =	vst v15;
	v18 =	vsub.f32 v18, v41;
	v42 =	vld [tilespmem:s6+$0x0]  }
0x594: {  	s17 =	sor.u32 s30, s8;
	s16 =	sor.u32 s19, s29;
	v14 =	vmul.f32 v39, v14;
	v15 =	vsub.f32 v17, v41;
	v17 =	vld [tilespmem:s2+$0x0];
	[tilespmem:s10+$0x0] =	vst v11  }
0x595: {  	s14 =	sadd.s32 $0x17480, s31;
	s0 =	sor.u32 s9, s29;
	v11 =	vbroadcast v13, $0x3;
	v19 =	vmul.f32 v19, v20;
	[tilespmem:s16+$0x0] =	vst v18;
	v18 =	vld [tilespmem:s17+$0x0]  }
0x596: {  	s18 =	sor.u32 s19, s14;
	v12 =	vsub.f32 v14, v12;
	[tilespmem:s0+$0x0] =	vst v15;
	v15 =	vbroadcast v8, $0x4;
	v14 =	vmul.f32 v40, v20  }
0x597: {  	v5 =	vbroadcast v5, $0x5;
	v44 =	vbroadcast v7, $0x4;
	s20 =	sor.u32 s9, s14;
	s25 =	sor.u32 s15, s7;
	s26 =	sor.u32 $0xE380, s12;
	v20 =	vld [tilespmem:s18+$0x0];
	v19 =	vsub.f32 v19, v11  }
0x598: {  	s28 =	sadd.s32 $0x17400, s12;
	s29 =	sor.u32 s13, s26;
	s1 =	sor.u32 s15, s8;
	v43 =	vld [tilespmem:s20+$0x0];
	[tilespmem:s25+$0x0] =	vst v12;
	v11 =	vsub.f32 v14, v11;
	v12 =	vmul.f32 v42, v15;
	v14 =	vbroadcast v10, $0x4  }
0x599: {  	v6 =	vbroadcast v6, $0x5;
	s4 =	sor.u32 s11, s26;
	s5 =	sor.u32 s13, s28;
	v45 =	vld [tilespmem:s1+$0x0];
	[tilespmem:s29+$0x0] =	vst v19;
	v15 =	vmul.f32 v17, v15  }
0x59a: {  	s6 =	sadd.s32 $0xE400, s23;
	s0 =	sor.u32 s11, s28;
	v17 =	vld [tilespmem:s5+$0x0];
	[tilespmem:s4+$0x0] =	vst v11;
	v11 =	vsub.f32 v12, v44;
	v12 =	vbroadcast v9, $0x4;
	v18 =	vmul.f32 v18, v14  }
0x59b: {  	v7 =	vbroadcast v7, $0x5;
	s8 =	sor.u32 s22, s6;
	v10 =	vbroadcast v10, $0x5;
	v15 =	vsub.f32 v15, v44;
	v19 =	vld [tilespmem:s0+$0x0]  }
0x59c: {  	s7 =	sadd.s32 $0x17480, s23;
	s14 =	sadd.s32 $0xE400, s24;
	s1 =	sor.u32 s21, s6;
	v9 =	vbroadcast v9, $0x5;
	v20 =	vmul.f32 v20, v6;
	[tilespmem:s8+$0x0] =	vst v11;
	v11 =	vsub.f32 v18, v12  }
0x59d: {  	s17 =	sor.u32 s30, s14;
	s0 =	sor.u32 s21, s7;
	v6 =	vmul.f32 v43, v6;
	v18 =	vbroadcast v16, $0x4;
	[tilespmem:s1+$0x0] =	vst v15  }
0x59e: {  	s10 =	sor.u32 s22, s7;
	s16 =	sadd.s32 $0x17480, s24;
	v14 =	vmul.f32 v45, v14;
	v15 =	vld [tilespmem:s0+$0x0];
	s0 =	simm.s32 $0x0;
	[tilespmem:s17+$0x0] =	vst v11;
	v11 =	vbroadcast v13, $0x4  }
0x59f: {  	s18 =	sor.u32 s30, s16;
	v46 =	vld [tilespmem:s10+$0x0];
	v6 =	vsub.f32 v6, v5;
	v17 =	vmul.f32 v17, v18;
	s25 =	sand.u32 $0x38, s0;
	v13 =	vbroadcast v13, $0x5  }
0x5a0: {  	s26 =	sadd.s32 $0x17480, s12;
	s2 =	sor.u32 s15, s14;
	s20 =	sadd.s32 $0xE400, s12;
	v47 =	vld [tilespmem:s18+$0x0];
	v12 =	vsub.f32 v14, v12;
	v49 =	vadd.s32 s25, v0;
	v14 =	vmul.f32 v19, v18  }
0x5a1: {  	s28 =	sor.u32 s13, s20;
	s8 =	sor.u32 $0x2, s25;
	s10 =	sor.u32 $0x3, s25;
	v18 =	vsub.f32 v20, v5;
	v17 =	vsub.f32 v17, v11;
	v5 =	vbroadcast v8, $0x5  }
0x5a2: {  	s1 =	sor.u32 s15, s16;
	s29 =	sor.u32 $0x1, s25;
	s18 =	sor.u32 $0x6, s25;
	v20 =	vadd.s32 s8, v0;
	v48 =	vadd.s32 s10, v0;
	[tilespmem:s2+$0x0] =	vst v12;
	v8 =	vsub.f32 v14, v11  }
0x5a3: {  	s3 =	sor.u32 s11, s20;
	s5 =	sor.u32 s13, s26;
	v50 =	vadd.s32 s18, v0;
	v12 =	vadd.s32 s29, v0;
	v21 =	vshll.u32 v48, $0x7;
	v11 =	vld [tilespmem:s1+$0x0];
	[tilespmem:s28+$0x0] =	vst v17  }
0x5a4: {  	s7 =	sor.u32 s11, s26;
	s6 =	sor.u32 $0x7, s25;
	v57 =	vshll.u32 v50, $0x9;
	v23 =	vshll.u32 v50, $0x7;
	v14 =	vld [tilespmem:s5+$0x0];
	[tilespmem:s3+$0x0] =	vst v8;
	v8 =	vmul.f32 v46, v5  }
0x5a5: {  	s17 =	sadd.s32 $0xE480, s31;
	v5 =	vmul.f32 v15, v5;
	v15 =	vadd.s32 s6, v0;
	v19 =	vmul.f32 v47, v10;
	v17 =	vld [tilespmem:s7+$0x0]  }
0x5a6: {  	s14 =	sor.u32 $0x4, s25;
	s20 =	sor.u32 s19, s17;
	v23 =	vand.u32 $0x380, v23;
	v51 =	vshll.u32 v15, $0x9;
	v8 =	vsub.f32 v8, v7  }
0x5a7: {  	s16 =	sor.u32 $0x5, s25;
	s25 =	sadd.s32 $0xE480, s23;
	s2 =	sor.u32 s9, s17;
	[tilespmem:s20+$0x0] =	vst v18;
	v7 =	vsub.f32 v5, v7;
	v19 =	vsub.f32 v19, v9;
	v5 =	vbroadcast v16, $0x5  }
0x5a8: {  	s26 =	sor.u32 s22, s25;
	[tilespmem:s2+$0x0] =	vst v6;
	v16 =	vadd.s32 s14, v0;
	v24 =	vand.u32 $0x7000, v51;
	v10 =	vmul.f32 v11, v10  }
0x5a9: {  	s4 =	sor.u32 s21, s25;
	s28 =	sadd.s32 $0xE480, s24;
	v11 =	vadd.s32 s16, v0;
	v18 =	vand.u32 $0x3F, v16;
	v14 =	vmul.f32 v14, v5;
	[tilespmem:s26+$0x0] =	vst v8  }
0x5aa: {  	s29 =	sor.u32 s30, s28;
	v53 =	vshll.u32 v16, $0x9;
	[tilespmem:s4+$0x0] =	vst v7;
	v9 =	vsub.f32 v10, v9;
	v10 =	vmul.f32 v17, v5  }
0x5ab: {  	s1 =	simm.s32 $0x0;
	s2 =	sor.u32 s15, s28;
	s30 =	sadd.s32 $0xE480, s12;
	v16 =	vshll.u32 v16, $0x7;
	v7 =	vand.u32 $0x3F, v20;
	[tilespmem:s29+$0x0] =	vst v19;
	v6 =	vsub.f32 v14, v13  }
0x5ac: {  	s3 =	sand.u32 $0x30, s1;
	s31 =	sor.u32 s13, s30;
	v19 =	vand.u32 $0x3F, v11;
	v55 =	vshll.u32 v11, $0x9;
	[tilespmem:s2+$0x0] =	vst v9;
	v8 =	vsub.f32 v10, v13  }
0x5ad: {  	s4 =	sor.u32 s11, s30;
	v56 =	vshll.u32 v11, $0x7;
	v61 =	vand.u32 $0x7000, v53;
	v5 =	vor.u32 s3, v0;
	[tilespmem:s31+$0x0] =	vst v6  }
0x5ae: {  	s12 =	simm.s32 $0x1;
	v16 =	vand.u32 $0x380, v16;
	v17 =	vand.u32 $0x3F, v15;
	v14 =	vshll.u32 v5, $0x7;
	[tilespmem:s4+$0x0] =	vst v8  }
0x5af: {  	v62 =	vand.u32 $0x7000, v55;
	v10 =	vor.u32 v17, v14;
	v13 =	vand.u32 $0x3F, v12;
	_ =	swait.ge [sflag:s12], $0x2000  }
0x5b0: {  	v63 =	vand.u32 $0x380, v56;
	v15 =	vshll.u32 v15, $0x7;
	v13 =	vor.u32 v13, v14;
	s9 =	sld [smem:$0x7FD]  }
0x5b1: {  	s10 =	simm.s32 $0x40;
	v9 =	vand.u32 $0x3F, v50;
	v17 =	vand.u32 $0x3F, v48;
	v7 =	vor.u32 v7, v14;
	[sflag:s12] =	ssyncset.done $0x0  }
0x5b2: {  	s13 =	simm.s32 $0x2200;
	s11 =	simm.s32 $0x200;
	v15 =	vand.u32 $0x380, v15;
	v6 =	vand.u32 $0x3F, v49;
	v17 =	vor.u32 v17, v14;
	[sflag:s12] =	ssyncadd.s32 $0xFFFFE000  }
0x5b3: {  	v15 =	vor.u32 v24, v15;
	v18 =	vor.u32 v18, v14;
	v19 =	vor.u32 v19, v14;
	[tilespmem:s13], [sflag:$0x1] =	stream.indirect.gather [hbm4b:s9+s10], $0x80, s10, s10, $0xb8;
	[tilespmem:$0x1A800] =	vst v63  }
0x5b4: {  	v52 =	vor.u32 v9, v14;
	v9 =	vshll.u32 v12, $0x7;
	v15 =	vor.u32 v5, v15;
	v54 =	vld.idx.msk [tilespmem:v10+s11+$0x0], $0xffff  }
0x5b5: {  	v6 =	vor.u32 v6, v14;
	v14 =	vshll.u32 v20, $0x7;
	v8 =	vshll.u32 v12, $0x9;
	v10 =	vld.idx.msk [tilespmem:v13+s11+$0x0], $0xffff  }
0x5b6: {  	v59 =	vand.u32 $0x380, v9;
	v12 =	vshll.u32 v20, $0x9;
	v58 =	vand.u32 $0x7000, v8;
	v8 =	vld.idx.msk [tilespmem:v7+s11+$0x0], $0xffff  }
0x5b7: {  	v20 =	vshll.u32 v48, $0x9;
	v32 =	vand.u32 $0x380, v14;
	v60 =	vand.u32 $0x7000, v12;
	v9 =	vld.idx.msk [tilespmem:v17+s11+$0x0], $0xffff  }
0x5b8: {  	v13 =	vshll.u32 v49, $0x9;
	v17 =	vand.u32 $0x7000, v20;
	v20 =	vand.u32 $0x380, v21;
	v11 =	vld.idx.msk [tilespmem:v18+s11+$0x0], $0xffff  }
0x5b9: {  	s14 =	simm.s32 $0x4200;
	v12 =	vld.idx.msk [tilespmem:v19+s11+$0x0], $0xffff;
	v18 =	vor.u32 v58, v59;
	v14 =	vand.u32 $0x7000, v13;
	v13 =	vand.u32 $0x7000, v57  }
0x5ba: {  	v7 =	vld.idx.msk [tilespmem:v52+s11+$0x0], $0xffff;
	v19 =	vor.u32 v60, v32;
	v13 =	vor.u32 v13, v23;
	[tilespmem:v15+s14+$0x0] =	vst.idx.msk $0xffff, v54  }
0x5bb: {  	v6 =	vld.idx.msk [tilespmem:v6+s11+$0x0], $0xffff;
	v15 =	vor.u32 v17, v20;
	v17 =	vor.u32 v61, v16;
	v16 =	vor.u32 v62, v63  }
.LBB2_6:
0x5bc: {  	s0 =	sadd.s32 $0x8, s0;
	v14 =	vor.u32 s3, v14;
	v18 =	vor.u32 v5, v18;
	v19 =	vor.u32 v5, v19  }
0x5bd: {  	v15 =	vor.u32 v5, v15;
	v17 =	vor.u32 v5, v17;
	v16 =	vor.u32 v5, v16;
	s1 =	sadd.s32 $0x2, s1;
	s2 =	sand.u32 $0x38, s0;
	p0 =	slt.u32 s0, $0xF8  }
0x5be: {  	v13 =	vor.u32 v5, v13;
	s3 =	sand.u32 $0x30, s1;
	v14 =	vor.u32 v1, v14;
	v20 =	vadd.s32 s2, v0;
	s4 =	sor.u32 $0x1, s2;
	s5 =	sor.u32 $0x7, s2  }
0x5bf: {  	v5 =	vor.u32 s3, v0;
	s6 =	sor.u32 $0x3, s2;
	s7 =	sor.u32 $0x4, s2;
	v21 =	vadd.s32 s4, v0;
	s4 =	sor.u32 $0x2, s2;
	v22 =	vadd.s32 s5, v0  }
0x5c0: {  	v23 =	vshll.u32 v5, $0x7;
	v24 =	vadd.s32 s4, v0;
	s4 =	sor.u32 $0x5, s2;
	s2 =	sor.u32 $0x6, s2;
	v25 =	vand.u32 $0x3F, v22  }
0x5c1: {  	v26 =	vadd.s32 s6, v0;
	v27 =	vadd.s32 s7, v0;
	v25 =	vor.u32 v25, v23;
	[tilespmem:v18+s14+$0x0] =	vst.idx.msk $0xffff, v10  }
0x5c2: {  	v10 =	vand.u32 $0x3F, v21;
	v18 =	vadd.s32 s4, v0;
	v28 =	vadd.s32 s2, v0;
	[tilespmem:v19+s14+$0x0] =	vst.idx.msk $0xffff, v8  }
0x5c3: {  	v29 =	vand.u32 $0x3F, v27;
	v8 =	vand.u32 $0x3F, v24;
	v19 =	vand.u32 $0x3F, v26;
	[tilespmem:v15+s14+$0x0] =	vst.idx.msk $0xffff, v9  }
0x5c4: {  	v9 =	vand.u32 $0x3F, v18;
	v15 =	vshll.u32 v22, $0x9;
	v22 =	vshll.u32 v22, $0x7;
	[tilespmem:v17+s14+$0x0] =	vst.idx.msk $0xffff, v11  }
0x5c5: {  	v11 =	vand.u32 $0x3F, v28;
	v15 =	vand.u32 $0x7000, v15;
	v17 =	vand.u32 $0x380, v22;
	[tilespmem:v16+s14+$0x0] =	vst.idx.msk $0xffff, v12  }
0x5c6: {  	v10 =	vor.u32 v10, v23;
	v12 =	vand.u32 $0x3F, v20;
	v15 =	vor.u32 v15, v17;
	v16 =	vld.idx.msk [tilespmem:v25+s11+$0x0], $0xffff  }
0x5c7: {  	v8 =	vor.u32 v8, v23;
	v17 =	vor.u32 v19, v23;
	v15 =	vor.u32 v5, v15  }
0x5c8: {  	v22 =	vor.u32 v9, v23;
	v19 =	vor.u32 v29, v23;
	v25 =	vor.u32 v11, v23  }
0x5c9: {  	v9 =	vshll.u32 v21, $0x9;
	v23 =	vor.u32 v12, v23;
	v11 =	vshll.u32 v21, $0x7;
	[tilespmem:v13+s14+$0x0] =	vst.idx.msk $0xffff, v7  }
0x5ca: {  	v12 =	vshll.u32 v24, $0x7;
	v7 =	vshll.u32 v24, $0x9;
	v13 =	vshll.u32 v26, $0x9;
	[tilespmem:v14+s14+$0x0] =	vst.idx.msk $0xffff, v6  }
0x5cb: {  	v21 =	vshll.u32 v27, $0x7;
	v6 =	vshll.u32 v26, $0x7;
	v14 =	vshll.u32 v27, $0x9;
	v10 =	vld.idx.msk [tilespmem:v10+s11+$0x0], $0xffff  }
0x5cc: {  	v24 =	vshll.u32 v18, $0x9;
	v18 =	vshll.u32 v18, $0x7;
	v26 =	vshll.u32 v28, $0x9;
	v8 =	vld.idx.msk [tilespmem:v8+s11+$0x0], $0xffff;
	[tilespmem:v15+s14+$0x0] =	vst.idx.msk $0xffff, v16  }
0x5cd: {  	v15 =	vshll.u32 v20, $0x9;
	v16 =	vand.u32 $0x7000, v9;
	v9 =	vld.idx.msk [tilespmem:v17+s11+$0x0], $0xffff;
	v17 =	vshll.u32 v28, $0x7  }
0x5ce: {  	v27 =	vand.u32 $0x7000, v7;
	v20 =	vand.u32 $0x380, v11;
	v28 =	vand.u32 $0x380, v12;
	v11 =	vld.idx.msk [tilespmem:v19+s11+$0x0], $0xffff  }
.Ltmp2:
0x5cf: {  	v13 =	vand.u32 $0x7000, v13;
	v29 =	vand.u32 $0x380, v6;
	v30 =	vand.u32 $0x7000, v14;
	v12 =	vld.idx.msk [tilespmem:v22+s11+$0x0], $0xffff;
	(pc) =	sbr.rel @p0 .LBB2_6-.Ltmp2, $4  }
0x5d0: {  	v21 =	vand.u32 $0x380, v21;
	v22 =	vand.u32 $0x7000, v24;
	v24 =	vand.u32 $0x380, v18;
	v7 =	vld.idx.msk [tilespmem:v25+s11+$0x0], $0xffff  }
0x5d1: {  	v14 =	vand.u32 $0x7000, v15;
	v25 =	vand.u32 $0x380, v17;
	v6 =	vld.idx.msk [tilespmem:v23+s11+$0x0], $0xffff;
	v23 =	vand.u32 $0x7000, v26  }
0x5d2: {  	v15 =	vor.u32 v13, v29;
	v19 =	vor.u32 v27, v28;
	v18 =	vor.u32 v16, v20  }
0x5d3: {  	v17 =	vor.u32 v30, v21;
	v16 =	vor.u32 v22, v24;
	v13 =	vor.u32 v23, v25  }
0x5d4: {  	v18 =	vor.u32 v5, v18;
	s1 =	simm.s32 $0x0  }
0x5d5: {  	v19 =	vor.u32 v5, v19;
	s0 =	simm.s32 $0x0;
	s2 =	sand.u32 $0x38, s1  }
0x5d6: {  	v14 =	vor.u32 s3, v14;
	v15 =	vor.u32 v5, v15;
	v17 =	vor.u32 v5, v17;
	s25 =	sand.u32 $0x30, s0;
	s4 =	sor.u32 $0x1, s2  }
0x5d7: {  	v16 =	vor.u32 v5, v16;
	v13 =	vor.u32 v5, v13;
	v5 =	vmul.u32 $0x80, v0;
	s5 =	sor.u32 $0x7, s2;
	s6 =	sor.u32 $0x2, s2;
	s26 =	sor.u32 $0x3, s2  }
0x5d8: {  	v14 =	vor.u32 v1, v14;
	v20 =	vadd.s32 s2, v0;
	v21 =	vmov s25;
	s28 =	sor.u32 $0x4, s2;
	s29 =	sor.u32 $0x5, s2;
	s2 =	sor.u32 $0x6, s2  }
0x5d9: {  	v21 =	vshll.u32 v21, $0x7;
	v22 =	vadd.s32 s4, v0;
	v24 =	vadd.s32 s2, v0;
	[tilespmem:v18+s14+$0x0] =	vst.idx.msk $0xffff, v10  }
0x5da: {  	v23 =	vadd.s32 s5, v0;
	v29 =	vshll.u32 v24, $0x9;
	v10 =	vor.u32 v5, v21;
	[tilespmem:v19+s14+$0x0] =	vst.idx.msk $0xffff, v8  }
0x5db: {  	v18 =	vadd.s32 s6, v0;
	v21 =	vand.u32 $0x3F, v23;
	v8 =	vadd.s32 s26, v0;
	[tilespmem:v15+s14+$0x0] =	vst.idx.msk $0xffff, v9  }
0x5dc: {  	v19 =	vadd.s32 s28, v0;
	v9 =	vand.u32 $0x3F, v22;
	v15 =	vadd.s32 s29, v0;
	[tilespmem:v16+s14+$0x0] =	vst.idx.msk $0xffff, v12  }
0x5dd: {  	v16 =	vshll.u32 v23, $0x9;
	v23 =	vshll.u32 v23, $0x7;
	[tilespmem:v13+s14+$0x0] =	vst.idx.msk $0xffff, v7;
	v7 =	vand.u32 $0x3F, v24  }
0x5de: {  	[tilespmem:v17+s14+$0x0] =	vst.idx.msk $0xffff, v11;
	v24 =	vshll.u32 v24, $0x7;
	v21 =	vor.u32 v21, v10;
	v11 =	vand.u32 $0x3F, v18  }
0x5df: {  	v17 =	vand.u32 $0x3F, v8;
	v25 =	vand.u32 $0x3F, v19;
	v12 =	vand.u32 $0x3F, v15  }
0x5e0: {  	s30 =	sor.u32 $0x40, s25;
	v13 =	vand.u32 $0x7000, v16;
	v16 =	vand.u32 $0x380, v23;
	[tilespmem:v14+s14+$0x0] =	vst.idx.msk $0xffff, v6;
	v14 =	vand.u32 $0x3F, v20  }
0x5e1: {  	v6 =	vor.u32 s30, v0;
	v9 =	vor.u32 v9, v10;
	v23 =	vshll.u32 v22, $0x9  }
0x5e2: {  	v22 =	vshll.u32 v22, $0x7;
	v62 =	vshll.u32 v18, $0x9;
	v18 =	vshll.u32 v18, $0x7  }
0x5e3: {  	v26 =	vshll.u32 v8, $0x9;
	v8 =	vshll.u32 v8, $0x7;
	v27 =	vshll.u32 v19, $0x9;
	_ =	swait.ge [sflag:s12], $0x2000  }
0x5e4: {  	v19 =	vshll.u32 v19, $0x7;
	v28 =	vshll.u32 v15, $0x9;
	v11 =	vor.u32 v11, v10;
	[sflag:s12] =	ssyncset.done $0x0  }
0x5e5: {  	s31 =	simm.s32 $0x80;
	v15 =	vshll.u32 v15, $0x7;
	v13 =	vor.u32 v13, v16;
	v16 =	vor.u32 v17, v10;
	[sflag:s12] =	ssyncadd.s32 $0xFFFFE000  }
0x5e6: {  	v20 =	vshll.u32 v20, $0x9;
	v24 =	vand.u32 $0x380, v24;
	v12 =	vor.u32 v12, v10;
	[tilespmem:s11], [sflag:$0x1] =	stream.indirect.gather [hbm4b:s9+s10], $0x80, s31, s10, $0xb8;
	[tilespmem:$0x1A800] =	vst v63  }
0x5e7: {  	v17 =	vor.u32 v25, v10;
	v14 =	vor.u32 v14, v10;
	v10 =	vor.u32 v7, v10;
	v21 =	vld.idx.msk [tilespmem:v21+s13+$0x0], $0xffff  }
0x5e8: {  	v23 =	vand.u32 $0x7000, v23;
	v22 =	vand.u32 $0x380, v22;
	v13 =	vor.u32 v6, v13;
	v7 =	vld.idx.msk [tilespmem:v9+s13+$0x0], $0xffff  }
0x5e9: {  	v25 =	vand.u32 $0x7000, v62;
	v18 =	vand.u32 $0x380, v18;
	v26 =	vand.u32 $0x7000, v26;
	v9 =	vld.idx.msk [tilespmem:v11+s13+$0x0], $0xffff  }
0x5ea: {  	v8 =	vand.u32 $0x380, v8;
	v19 =	vand.u32 $0x380, v19;
	v63 =	vand.u32 $0x7000, v28;
	v11 =	vld.idx.msk [tilespmem:v16+s13+$0x0], $0xffff  }
0x5eb: {  	v15 =	vand.u32 $0x380, v15;
	v22 =	vor.u32 v23, v22;
	v16 =	vand.u32 $0x7000, v27;
	v12 =	vld.idx.msk [tilespmem:v12+s13+$0x0], $0xffff  }
0x5ec: {  	v18 =	vor.u32 v25, v18;
	v15 =	vor.u32 v63, v15;
	v10 =	vld.idx.msk [tilespmem:v10+s13+$0x0], $0xffff;
	v19 =	vor.u32 v16, v19  }
0x5ed: {  	[tilespmem:v13+s14+$0x0] =	vst.idx.msk $0xffff, v21;
	v13 =	vld.idx.msk [tilespmem:v17+s13+$0x0], $0xffff;
	v21 =	vand.u32 $0x7000, v29;
	v17 =	vand.u32 $0x7000, v20;
	v20 =	vor.u32 v26, v8  }
0x5ee: {  	v8 =	vld.idx.msk [tilespmem:v14+s13+$0x0], $0xffff;
	v14 =	vor.u32 v6, v22;
	v17 =	vor.u32 s30, v17;
	v16 =	vor.u32 v21, v24  }
.LBB2_8:
0x5ef: {  	s1 =	sadd.s32 $0x8, s1;
	v18 =	vor.u32 v6, v18;
	v20 =	vor.u32 v6, v20;
	v19 =	vor.u32 v6, v19;
	s0 =	sadd.s32 $0x2, s0  }
0x5f0: {  	v17 =	vor.u32 v1, v17;
	v15 =	vor.u32 v6, v15;
	v6 =	vor.u32 v6, v16;
	s2 =	sand.u32 $0x38, s1;
	s3 =	sand.u32 $0x30, s0;
	p0 =	slt.u32 s1, $0xF8  }
0x5f1: {  	v16 =	vadd.s32 s2, v0;
	v21 =	vmov s3;
	s4 =	sor.u32 $0x1, s2;
	s5 =	sor.u32 $0x2, s2;
	s6 =	sor.u32 $0x7, s2  }
0x5f2: {  	s7 =	sor.u32 $0x4, s2;
	s8 =	sor.u32 $0x5, s2;
	v21 =	vshll.u32 v21, $0x7;
	v22 =	vadd.s32 s4, v0;
	s4 =	sor.u32 $0x3, s2;
	v23 =	vadd.s32 s6, v0  }
0x5f3: {  	v24 =	vadd.s32 s5, v0;
	s2 =	sor.u32 $0x6, s2;
	v21 =	vor.u32 v5, v21;
	v25 =	vand.u32 $0x3F, v23;
	[tilespmem:v14+s14+$0x0] =	vst.idx.msk $0xffff, v7  }
0x5f4: {  	v7 =	vadd.s32 s4, v0;
	v14 =	vadd.s32 s7, v0;
	v25 =	vor.u32 v25, v21;
	[tilespmem:v18+s14+$0x0] =	vst.idx.msk $0xffff, v9  }
0x5f5: {  	v26 =	vadd.s32 s2, v0;
	v9 =	vand.u32 $0x3F, v22;
	v18 =	vadd.s32 s8, v0;
	[tilespmem:v20+s14+$0x0] =	vst.idx.msk $0xffff, v11  }
0x5f6: {  	v27 =	vand.u32 $0x3F, v14;
	v11 =	vand.u32 $0x3F, v24;
	v20 =	vand.u32 $0x3F, v7;
	[tilespmem:v19+s14+$0x0] =	vst.idx.msk $0xffff, v13  }
0x5f7: {  	v13 =	vand.u32 $0x3F, v18;
	v19 =	vshll.u32 v23, $0x9;
	v23 =	vshll.u32 v23, $0x7;
	[tilespmem:v15+s14+$0x0] =	vst.idx.msk $0xffff, v12  }
0x5f8: {  	s2 =	sor.u32 $0x40, s3;
	v12 =	vand.u32 $0x3F, v26;
	v15 =	vand.u32 $0x7000, v19;
	v19 =	vand.u32 $0x380, v23;
	[tilespmem:v6+s14+$0x0] =	vst.idx.msk $0xffff, v10  }
0x5f9: {  	v10 =	vand.u32 $0x3F, v16;
	v6 =	vor.u32 s2, v0;
	v15 =	vor.u32 v15, v19;
	v23 =	vld.idx.msk [tilespmem:v25+s13+$0x0], $0xffff;
	[tilespmem:v17+s14+$0x0] =	vst.idx.msk $0xffff, v8  }
0x5fa: {  	v8 =	vor.u32 v9, v21;
	v9 =	vor.u32 v11, v21;
	v11 =	vor.u32 v6, v15  }
0x5fb: {  	v19 =	vor.u32 v13, v21;
	v15 =	vor.u32 v20, v21;
	v17 =	vor.u32 v27, v21  }
0x5fc: {  	v20 =	vor.u32 v10, v21;
	v10 =	vshll.u32 v22, $0x9;
	v21 =	vor.u32 v12, v21  }
0x5fd: {  	v13 =	vshll.u32 v24, $0x9;
	v12 =	vshll.u32 v22, $0x7;
	v22 =	vshll.u32 v24, $0x7  }
0x5fe: {  	v24 =	vshll.u32 v7, $0x9;
	v25 =	vshll.u32 v7, $0x7;
	v27 =	vshll.u32 v14, $0x9  }
0x5ff: {  	v7 =	vld.idx.msk [tilespmem:v8+s13+$0x0], $0xffff;
	v8 =	vshll.u32 v14, $0x7;
	v14 =	vshll.u32 v18, $0x9;
	v18 =	vshll.u32 v18, $0x7;
	[tilespmem:v11+s14+$0x0] =	vst.idx.msk $0xffff, v23  }
0x600: {  	v16 =	vshll.u32 v16, $0x9;
	v23 =	vshll.u32 v26, $0x9;
	v26 =	vshll.u32 v26, $0x7;
	v9 =	vld.idx.msk [tilespmem:v9+s13+$0x0], $0xffff  }
0x601: {  	v30 =	vand.u32 $0x7000, v13;
	v28 =	vand.u32 $0x7000, v10;
	v29 =	vand.u32 $0x380, v12;
	v11 =	vld.idx.msk [tilespmem:v15+s13+$0x0], $0xffff  }
0x602: {  	v15 =	vand.u32 $0x380, v22;
	v22 =	vand.u32 $0x7000, v24;
	v24 =	vand.u32 $0x380, v25;
	v13 =	vld.idx.msk [tilespmem:v17+s13+$0x0], $0xffff  }
.Ltmp3:
0x603: {  	v14 =	vand.u32 $0x7000, v14;
	v25 =	vand.u32 $0x380, v8;
	v17 =	vand.u32 $0x7000, v27;
	v12 =	vld.idx.msk [tilespmem:v19+s13+$0x0], $0xffff;
	(pc) =	sbr.rel @p0 .LBB2_8-.Ltmp3, $4  }
0x604: {  	v27 =	vand.u32 $0x380, v18;
	v10 =	vld.idx.msk [tilespmem:v21+s13+$0x0], $0xffff;
	v21 =	vand.u32 $0x7000, v23;
	v23 =	vand.u32 $0x380, v26  }
0x605: {  	v16 =	vand.u32 $0x7000, v16;
	v18 =	vor.u32 v30, v15;
	v26 =	vor.u32 v28, v29;
	v8 =	vld.idx.msk [tilespmem:v20+s13+$0x0], $0xffff  }
0x606: {  	v19 =	vor.u32 v17, v25;
	v15 =	vor.u32 v14, v27;
	v20 =	vor.u32 v22, v24  }
0x607: {  	v17 =	vor.u32 s2, v16;
	v14 =	vor.u32 v6, v26;
	v16 =	vor.u32 v21, v23  }
0x608: {  	v18 =	vor.u32 v6, v18;
	v20 =	vor.u32 v6, v20;
	s0 =	simm.s32 $0x0;
	s1 =	simm.s32 $0x0  }
0x609: {  	v19 =	vor.u32 v6, v19;
	v17 =	vor.u32 v1, v17;
	v15 =	vor.u32 v6, v15;
	s3 =	sand.u32 $0x38, s1;
	s2 =	sand.u32 $0x30, s0  }
0x60a: {  	v16 =	vor.u32 v6, v16;
	v21 =	vadd.s32 s3, v0;
	v6 =	vmov s2;
	s4 =	sor.u32 $0x1, s3;
	s5 =	sor.u32 $0x7, s3  }
0x60b: {  	s6 =	sor.u32 $0x2, s3;
	s28 =	sor.u32 $0x3, s3;
	s29 =	sor.u32 $0x4, s3;
	v6 =	vshll.u32 v6, $0x7;
	v22 =	vadd.s32 s4, v0;
	v23 =	vadd.s32 s5, v0  }
0x60c: {  	[tilespmem:v14+s14+$0x0] =	vst.idx.msk $0xffff, v7;
	s30 =	sor.u32 $0x5, s3;
	s3 =	sor.u32 $0x6, s3;
	v25 =	vadd.s32 s6, v0;
	v14 =	vadd.s32 s28, v0;
	v26 =	vadd.s32 s29, v0  }
0x60d: {  	v28 =	vadd.s32 s3, v0;
	v24 =	vor.u32 v5, v6;
	v6 =	vand.u32 $0x3F, v23  }
0x60e: {  	v29 =	vand.u32 $0x3F, v26;
	v7 =	vshll.u32 v23, $0x9;
	v60 =	vshll.u32 v14, $0x9;
	[tilespmem:v18+s14+$0x0] =	vst.idx.msk $0xffff, v9  }
0x60f: {  	v61 =	vshll.u32 v26, $0x9;
	v26 =	vshll.u32 v26, $0x7;
	v30 =	vshll.u32 v28, $0x9;
	[tilespmem:v20+s14+$0x0] =	vst.idx.msk $0xffff, v11  }
0x610: {  	v27 =	vor.u32 v6, v24;
	v9 =	vand.u32 $0x3F, v22;
	v18 =	vadd.s32 s30, v0;
	[tilespmem:v19+s14+$0x0] =	vst.idx.msk $0xffff, v13  }
0x611: {  	v11 =	vand.u32 $0x3F, v25;
	v20 =	vand.u32 $0x3F, v14;
	v19 =	vshll.u32 v23, $0x7;
	[tilespmem:v15+s14+$0x0] =	vst.idx.msk $0xffff, v12  }
0x612: {  	v6 =	vor.u32 $0x400, v0;
	v12 =	vand.u32 $0x7000, v7;
	[tilespmem:v16+s14+$0x0] =	vst.idx.msk $0xffff, v10;
	v10 =	vand.u32 $0x3F, v28  }
0x613: {  	[tilespmem:v17+s14+$0x0] =	vst.idx.msk $0xffff, v8;
	v8 =	vand.u32 $0x3F, v21;
	v16 =	vor.u32 v29, v24;
	v17 =	vshll.u32 v22, $0x9  }
0x614: {  	v23 =	vshll.u32 v25, $0x7;
	v14 =	vshll.u32 v14, $0x7;
	v28 =	vshll.u32 v28, $0x7  }
0x615: {  	v21 =	vshll.u32 v21, $0x9;
	v26 =	vand.u32 $0x380, v26;
	v9 =	vor.u32 v9, v24;
	_ =	swait.ge [sflag:s12], $0x2000  }
0x616: {  	v30 =	vand.u32 $0x7000, v30;
	v13 =	vand.u32 $0x3F, v18;
	v11 =	vor.u32 v11, v24;
	[sflag:s12] =	ssyncset.done $0x0  }
0x617: {  	s31 =	simm.s32 $0xC0;
	v15 =	vand.u32 $0x380, v19;
	v7 =	vor.u32 s2, v6;
	v8 =	vor.u32 v8, v24;
	[sflag:s12] =	ssyncadd.s32 $0xFFFFE000  }
0x618: {  	v19 =	vor.u32 v10, v24;
	v62 =	vshll.u32 v18, $0x9;
	v13 =	vor.u32 v13, v24;
	[tilespmem:s13], [sflag:$0x1] =	stream.indirect.gather [hbm4b:s9+s10], $0x80, s31, s10, $0xb8;
	[tilespmem:$0x1A800] =	vst v63  }
0x619: {  	v18 =	vshll.u32 v18, $0x7;
	v17 =	vand.u32 $0x7000, v17;
	v12 =	vor.u32 v12, v15;
	v27 =	vld.idx.msk [tilespmem:v27+s11+$0x0], $0xffff  }
0x61a: {  	v23 =	vand.u32 $0x380, v23;
	v15 =	vor.u32 v7, v12;
	v12 =	vor.u32 v20, v24;
	v10 =	vld.idx.msk [tilespmem:v9+s11+$0x0], $0xffff  }
0x61b: {  	v31 =	vand.u32 $0x380, v14;
	v63 =	vand.u32 $0x380, v28;
	v29 =	vand.u32 $0x7000, v62;
	v9 =	vld.idx.msk [tilespmem:v11+s11+$0x0], $0xffff  }
0x61c: {  	v18 =	vand.u32 $0x380, v18;
	v20 =	vshll.u32 v22, $0x7;
	v22 =	vshll.u32 v25, $0x9;
	v8 =	vld.idx.msk [tilespmem:v8+s11+$0x0], $0xffff  }
0x61d: {  	v24 =	vand.u32 $0x7000, v60;
	v20 =	vand.u32 $0x380, v20;
	v22 =	vand.u32 $0x7000, v22;
	v14 =	vld.idx.msk [tilespmem:v13+s11+$0x0], $0xffff  }
0x61e: {  	v18 =	vor.u32 v29, v18;
	v17 =	vor.u32 v17, v20;
	v20 =	vor.u32 v22, v23;
	v13 =	vld.idx.msk [tilespmem:v19+s11+$0x0], $0xffff  }
0x61f: {  	v25 =	vand.u32 $0x7000, v61;
	v19 =	vor.u32 v30, v63;
	v11 =	vld.idx.msk [tilespmem:v12+s11+$0x0], $0xffff;
	[tilespmem:v15+s14+$0x0] =	vst.idx.msk $0xffff, v27;
	v15 =	vand.u32 $0x7000, v21  }
0x620: {  	v12 =	vld.idx.msk [tilespmem:v16+s11+$0x0], $0xffff;
	v16 =	vor.u32 v25, v26;
	v21 =	vor.u32 v24, v31;
	v15 =	vor.u32 s2, v15  }
.LBB2_10:
0x621: {  	s1 =	sadd.s32 $0x8, s1;
	v17 =	vor.u32 v7, v17;
	v20 =	vor.u32 v7, v20;
	v21 =	vor.u32 v7, v21;
	s0 =	sadd.s32 $0x2, s0  }
0x622: {  	v16 =	vor.u32 v7, v16;
	v18 =	vor.u32 v7, v18;
	v19 =	vor.u32 v7, v19;
	s3 =	sand.u32 $0x38, s1;
	s2 =	sand.u32 $0x30, s0;
	p0 =	slt.u32 s1, $0xF8  }
0x623: {  	v15 =	vor.u32 v2, v15;
	v22 =	vadd.s32 s3, v0;
	v7 =	vmov s2;
	s4 =	sor.u32 $0x1, s3;
	s5 =	sor.u32 $0x2, s3;
	s6 =	sor.u32 $0x7, s3  }
0x624: {  	s7 =	sor.u32 $0x4, s3;
	s8 =	sor.u32 $0x5, s3;
	v7 =	vshll.u32 v7, $0x7;
	v23 =	vadd.s32 s4, v0;
	s4 =	sor.u32 $0x3, s3;
	v24 =	vadd.s32 s6, v0  }
0x625: {  	v26 =	vadd.s32 s5, v0;
	s3 =	sor.u32 $0x6, s3;
	v25 =	vor.u32 v5, v7;
	v7 =	vand.u32 $0x3F, v24  }
0x626: {  	v28 =	vadd.s32 s7, v0;
	v27 =	vadd.s32 s4, v0;
	v29 =	vor.u32 v7, v25;
	[tilespmem:v17+s14+$0x0] =	vst.idx.msk $0xffff, v10  }
0x627: {  	v30 =	vadd.s32 s3, v0;
	v10 =	vand.u32 $0x3F, v23;
	v17 =	vadd.s32 s8, v0;
	[tilespmem:v20+s14+$0x0] =	vst.idx.msk $0xffff, v9  }
0x628: {  	v31 =	vand.u32 $0x3F, v28;
	v9 =	vand.u32 $0x3F, v26;
	v20 =	vand.u32 $0x3F, v27;
	[tilespmem:v21+s14+$0x0] =	vst.idx.msk $0xffff, v11  }
0x629: {  	v7 =	vshll.u32 v24, $0x9;
	v11 =	vand.u32 $0x3F, v17;
	v21 =	vshll.u32 v24, $0x7;
	[tilespmem:v16+s14+$0x0] =	vst.idx.msk $0xffff, v12  }
0x62a: {  	v12 =	vand.u32 $0x7000, v7;
	v16 =	vand.u32 $0x380, v21;
	[tilespmem:v18+s14+$0x0] =	vst.idx.msk $0xffff, v14  }
0x62b: {  	v7 =	vor.u32 s2, v6;
	v14 =	vand.u32 $0x3F, v30;
	v12 =	vor.u32 v12, v16;
	v18 =	vld.idx.msk [tilespmem:v29+s11+$0x0], $0xffff;
	[tilespmem:v19+s14+$0x0] =	vst.idx.msk $0xffff, v13  }
0x62c: {  	v10 =	vor.u32 v10, v25;
	v13 =	vand.u32 $0x3F, v22;
	v12 =	vor.u32 v7, v12;
	[tilespmem:v15+s14+$0x0] =	vst.idx.msk $0xffff, v8  }
0x62d: {  	v16 =	vor.u32 v31, v25;
	v8 =	vor.u32 v9, v25;
	v15 =	vor.u32 v20, v25  }
0x62e: {  	v19 =	vor.u32 v13, v25;
	v13 =	vor.u32 v11, v25;
	v20 =	vor.u32 v14, v25  }
0x62f: {  	v21 =	vshll.u32 v26, $0x9;
	v11 =	vshll.u32 v23, $0x9;
	v14 =	vshll.u32 v23, $0x7  }
0x630: {  	v24 =	vshll.u32 v27, $0x9;
	v23 =	vshll.u32 v26, $0x7;
	v25 =	vshll.u32 v27, $0x7  }
0x631: {  	v26 =	vshll.u32 v28, $0x9;
	v27 =	vshll.u32 v28, $0x7;
	v28 =	vshll.u32 v17, $0x9;
	v10 =	vld.idx.msk [tilespmem:v10+s11+$0x0], $0xffff;
	[tilespmem:v12+s14+$0x0] =	vst.idx.msk $0xffff, v18  }
0x632: {  	v18 =	vshll.u32 v30, $0x7;
	v9 =	vld.idx.msk [tilespmem:v8+s11+$0x0], $0xffff;
	v8 =	vshll.u32 v17, $0x7;
	v17 =	vshll.u32 v30, $0x9  }
0x633: {  	v22 =	vshll.u32 v22, $0x9;
	v29 =	vand.u32 $0x7000, v11;
	v30 =	vand.u32 $0x380, v14;
	v11 =	vld.idx.msk [tilespmem:v15+s11+$0x0], $0xffff  }
0x634: {  	v15 =	vand.u32 $0x7000, v21;
	v21 =	vand.u32 $0x380, v23;
	v23 =	vand.u32 $0x7000, v24;
	v12 =	vld.idx.msk [tilespmem:v16+s11+$0x0], $0xffff  }
.Ltmp4:
0x635: {  	v24 =	vand.u32 $0x7000, v26;
	v16 =	vand.u32 $0x380, v25;
	v25 =	vand.u32 $0x380, v27;
	v14 =	vld.idx.msk [tilespmem:v13+s11+$0x0], $0xffff;
	(pc) =	sbr.rel @p0 .LBB2_10-.Ltmp4, $4  }
0x636: {  	v26 =	vand.u32 $0x7000, v28;
	v28 =	vand.u32 $0x7000, v17;
	v27 =	vand.u32 $0x380, v8;
	v13 =	vld.idx.msk [tilespmem:v20+s11+$0x0], $0xffff  }
0x637: {  	v17 =	vor.u32 v29, v30;
	v8 =	vld.idx.msk [tilespmem:v19+s11+$0x0], $0xffff;
	v19 =	vand.u32 $0x7000, v22;
	v22 =	vand.u32 $0x380, v18  }
0x638: {  	v20 =	vor.u32 v15, v21;
	v21 =	vor.u32 v23, v16;
	v16 =	vor.u32 v24, v25  }
0x639: {  	v18 =	vor.u32 v26, v27;
	v15 =	vor.u32 s2, v19;
	v19 =	vor.u32 v28, v22  }
0x63a: {  	v17 =	vor.u32 v7, v17;
	s1 =	simm.s32 $0x0  }
0x63b: {  	v20 =	vor.u32 v7, v20;
	s0 =	simm.s32 $0x0;
	s2 =	sand.u32 $0x38, s1  }
0x63c: {  	v21 =	vor.u32 v7, v21;
	s3 =	sand.u32 $0x30, s0;
	s4 =	sor.u32 $0x1, s2  }
0x63d: {  	v16 =	vor.u32 v7, v16;
	v18 =	vor.u32 v7, v18;
	v7 =	vor.u32 v7, v19;
	s5 =	sor.u32 $0x7, s2;
	s6 =	sor.u32 $0x2, s2;
	s26 =	sor.u32 $0x3, s2  }
0x63e: {  	v15 =	vor.u32 v2, v15;
	v19 =	vadd.s32 s2, v0;
	v22 =	vmov s3;
	s28 =	sor.u32 $0x4, s2;
	s29 =	sor.u32 $0x5, s2;
	s2 =	sor.u32 $0x6, s2  }
0x63f: {  	v22 =	vshll.u32 v22, $0x7;
	v23 =	vadd.s32 s4, v0;
	v25 =	vadd.s32 s2, v0;
	[tilespmem:v17+s14+$0x0] =	vst.idx.msk $0xffff, v10  }
0x640: {  	v24 =	vadd.s32 s5, v0;
	v30 =	vshll.u32 v25, $0x9;
	v10 =	vor.u32 v5, v22;
	[tilespmem:v20+s14+$0x0] =	vst.idx.msk $0xffff, v9  }
0x641: {  	v17 =	vadd.s32 s6, v0;
	v22 =	vand.u32 $0x3F, v24;
	v9 =	vadd.s32 s26, v0;
	[tilespmem:v21+s14+$0x0] =	vst.idx.msk $0xffff, v11  }
0x642: {  	v20 =	vadd.s32 s28, v0;
	v11 =	vand.u32 $0x3F, v23;
	v21 =	vadd.s32 s29, v0;
	[tilespmem:v18+s14+$0x0] =	vst.idx.msk $0xffff, v14  }
0x643: {  	s30 =	sor.u32 $0x40, s3;
	v18 =	vshll.u32 v24, $0x9;
	v24 =	vshll.u32 v24, $0x7;
	[tilespmem:v7+s14+$0x0] =	vst.idx.msk $0xffff, v13;
	v13 =	vand.u32 $0x3F, v25  }
0x644: {  	[tilespmem:v15+s14+$0x0] =	vst.idx.msk $0xffff, v8;
	v8 =	vand.u32 $0x3F, v19;
	v7 =	vor.u32 s30, v6;
	v19 =	vshll.u32 v19, $0x9  }
0x645: {  	[tilespmem:v16+s14+$0x0] =	vst.idx.msk $0xffff, v12;
	v25 =	vshll.u32 v25, $0x7;
	v22 =	vor.u32 v22, v10;
	v12 =	vand.u32 $0x3F, v17  }
0x646: {  	v16 =	vand.u32 $0x3F, v9;
	v26 =	vand.u32 $0x3F, v20;
	v14 =	vand.u32 $0x3F, v21  }
0x647: {  	v18 =	vand.u32 $0x7000, v18;
	v24 =	vand.u32 $0x380, v24;
	v11 =	vor.u32 v11, v10  }
0x648: {  	v8 =	vor.u32 v8, v10;
	v61 =	vor.u32 v13, v10;
	v13 =	vshll.u32 v17, $0x9  }
0x649: {  	_ =	swait.ge [sflag:s12], $0x2000;
	v17 =	vshll.u32 v17, $0x7;
	v27 =	vshll.u32 v9, $0x7;
	v28 =	vshll.u32 v20, $0x9  }
0x64a: {  	v20 =	vshll.u32 v20, $0x7;
	v29 =	vshll.u32 v21, $0x9;
	v12 =	vor.u32 v12, v10;
	[sflag:s12] =	ssyncset.done $0x0  }
0x64b: {  	s31 =	simm.s32 $0x100;
	v21 =	vshll.u32 v21, $0x7;
	v25 =	vand.u32 $0x380, v25;
	v16 =	vor.u32 v16, v10;
	[sflag:s12] =	ssyncadd.s32 $0xFFFFE000  }
0x64c: {  	v15 =	vor.u32 v18, v24;
	v18 =	vor.u32 v26, v10;
	v60 =	vor.u32 v14, v10;
	[tilespmem:s11], [sflag:$0x1] =	stream.indirect.gather [hbm4b:s9+s10], $0x80, s31, s10, $0xb8;
	[tilespmem:$0x1A800] =	vst v63  }
0x64d: {  	v14 =	vshll.u32 v23, $0x9;
	v10 =	vshll.u32 v23, $0x7;
	v23 =	vshll.u32 v9, $0x9;
	v22 =	vld.idx.msk [tilespmem:v22+s13+$0x0], $0xffff  }
0x64e: {  	v32 =	vand.u32 $0x7000, v13;
	v17 =	vand.u32 $0x380, v17;
	v15 =	vor.u32 v7, v15;
	v9 =	vld.idx.msk [tilespmem:v11+s13+$0x0], $0xffff  }
0x64f: {  	v27 =	vand.u32 $0x380, v27;
	v20 =	vand.u32 $0x380, v20;
	v31 =	vand.u32 $0x380, v10;
	v10 =	vld.idx.msk [tilespmem:v12+s13+$0x0], $0xffff  }
0x650: {  	v62 =	vand.u32 $0x7000, v29;
	v23 =	vand.u32 $0x7000, v23;
	v11 =	vand.u32 $0x7000, v14;
	v12 =	vld.idx.msk [tilespmem:v16+s13+$0x0], $0xffff  }
0x651: {  	v16 =	vand.u32 $0x7000, v28;
	v14 =	vld.idx.msk [tilespmem:v18+s13+$0x0], $0xffff;
	v18 =	vand.u32 $0x7000, v19;
	v63 =	vor.u32 v11, v31  }
0x652: {  	v8 =	vld.idx.msk [tilespmem:v8+s13+$0x0], $0xffff;
	v19 =	vor.u32 v32, v17;
	v20 =	vor.u32 v16, v20;
	v18 =	vor.u32 s30, v18  }
0x653: {  	v13 =	vld.idx.msk [tilespmem:v60+s13+$0x0], $0xffff;
	[tilespmem:v15+s14+$0x0] =	vst.idx.msk $0xffff, v22;
	v15 =	vand.u32 $0x380, v21;
	v22 =	vand.u32 $0x7000, v30;
	v21 =	vor.u32 v23, v27  }
0x654: {  	s18 =	simm.s32 $0x19200;
	v11 =	vld.idx.msk [tilespmem:v61+s13+$0x0], $0xffff;
	v16 =	vor.u32 v62, v15;
	v15 =	vor.u32 v7, v63;
	v17 =	vor.u32 v22, v25  }
.LBB2_12:
0x655: {  	s1 =	sadd.s32 $0x8, s1;
	v19 =	vor.u32 v7, v19;
	v21 =	vor.u32 v7, v21;
	v20 =	vor.u32 v7, v20;
	s0 =	sadd.s32 $0x2, s0  }
0x656: {  	v18 =	vor.u32 v2, v18;
	v16 =	vor.u32 v7, v16;
	v7 =	vor.u32 v7, v17;
	s2 =	sand.u32 $0x38, s1;
	s3 =	sand.u32 $0x30, s0;
	p0 =	slt.u32 s1, $0xF8  }
0x657: {  	v17 =	vadd.s32 s2, v0;
	v22 =	vmov s3;
	s4 =	sor.u32 $0x1, s2;
	s5 =	sor.u32 $0x2, s2;
	s6 =	sor.u32 $0x7, s2  }
0x658: {  	s7 =	sor.u32 $0x4, s2;
	s8 =	sor.u32 $0x5, s2;
	v22 =	vshll.u32 v22, $0x7;
	v23 =	vadd.s32 s4, v0;
	s4 =	sor.u32 $0x3, s2;
	v24 =	vadd.s32 s6, v0  }
0x659: {  	v25 =	vadd.s32 s5, v0;
	s2 =	sor.u32 $0x6, s2;
	v22 =	vor.u32 v5, v22;
	v26 =	vand.u32 $0x3F, v24;
	[tilespmem:v15+s14+$0x0] =	vst.idx.msk $0xffff, v9  }
0x65a: {  	v9 =	vadd.s32 s4, v0;
	v15 =	vadd.s32 s7, v0;
	v26 =	vor.u32 v26, v22;
	[tilespmem:v19+s14+$0x0] =	vst.idx.msk $0xffff, v10  }
0x65b: {  	v27 =	vadd.s32 s2, v0;
	v10 =	vand.u32 $0x3F, v23;
	v19 =	vadd.s32 s8, v0;
	[tilespmem:v21+s14+$0x0] =	vst.idx.msk $0xffff, v12  }
0x65c: {  	v28 =	vand.u32 $0x3F, v15;
	v12 =	vand.u32 $0x3F, v25;
	v21 =	vand.u32 $0x3F, v9;
	[tilespmem:v20+s14+$0x0] =	vst.idx.msk $0xffff, v14  }
0x65d: {  	v14 =	vand.u32 $0x3F, v19;
	v20 =	vshll.u32 v24, $0x9;
	v24 =	vshll.u32 v24, $0x7;
	[tilespmem:v16+s14+$0x0] =	vst.idx.msk $0xffff, v13  }
0x65e: {  	s2 =	sor.u32 $0x40, s3;
	v13 =	vand.u32 $0x3F, v27;
	v16 =	vand.u32 $0x7000, v20;
	v20 =	vand.u32 $0x380, v24;
	[tilespmem:v7+s14+$0x0] =	vst.idx.msk $0xffff, v11  }
0x65f: {  	v11 =	vand.u32 $0x3F, v17;
	v7 =	vor.u32 s2, v6;
	v16 =	vor.u32 v16, v20;
	v24 =	vld.idx.msk [tilespmem:v26+s13+$0x0], $0xffff;
	[tilespmem:v18+s14+$0x0] =	vst.idx.msk $0xffff, v8  }
0x660: {  	v8 =	vor.u32 v10, v22;
	v10 =	vor.u32 v12, v22;
	v12 =	vor.u32 v7, v16  }
0x661: {  	v20 =	vor.u32 v14, v22;
	v16 =	vor.u32 v21, v22;
	v18 =	vor.u32 v28, v22  }
0x662: {  	v21 =	vor.u32 v11, v22;
	v11 =	vshll.u32 v23, $0x9;
	v22 =	vor.u32 v13, v22  }
0x663: {  	v14 =	vshll.u32 v25, $0x9;
	v13 =	vshll.u32 v23, $0x7;
	v23 =	vshll.u32 v25, $0x7  }
0x664: {  	v25 =	vshll.u32 v9, $0x9;
	v26 =	vshll.u32 v9, $0x7;
	v28 =	vshll.u32 v15, $0x9  }
0x665: {  	v9 =	vld.idx.msk [tilespmem:v8+s13+$0x0], $0xffff;
	v8 =	vshll.u32 v15, $0x7;
	v15 =	vshll.u32 v19, $0x9;
	v19 =	vshll.u32 v19, $0x7;
	[tilespmem:v12+s14+$0x0] =	vst.idx.msk $0xffff, v24  }
0x666: {  	v17 =	vshll.u32 v17, $0x9;
	v24 =	vshll.u32 v27, $0x9;
	v27 =	vshll.u32 v27, $0x7;
	v10 =	vld.idx.msk [tilespmem:v10+s13+$0x0], $0xffff  }
0x667: {  	v31 =	vand.u32 $0x7000, v14;
	v29 =	vand.u32 $0x7000, v11;
	v30 =	vand.u32 $0x380, v13;
	v12 =	vld.idx.msk [tilespmem:v16+s13+$0x0], $0xffff  }
0x668: {  	v16 =	vand.u32 $0x380, v23;
	v23 =	vand.u32 $0x7000, v25;
	v25 =	vand.u32 $0x380, v26;
	v14 =	vld.idx.msk [tilespmem:v18+s13+$0x0], $0xffff  }
.Ltmp5:
0x669: {  	v15 =	vand.u32 $0x7000, v15;
	v26 =	vand.u32 $0x380, v8;
	v18 =	vand.u32 $0x7000, v28;
	v13 =	vld.idx.msk [tilespmem:v20+s13+$0x0], $0xffff;
	(pc) =	sbr.rel @p0 .LBB2_12-.Ltmp5, $4  }
0x66a: {  	v28 =	vand.u32 $0x380, v19;
	v11 =	vld.idx.msk [tilespmem:v22+s13+$0x0], $0xffff;
	v22 =	vand.u32 $0x7000, v24;
	v24 =	vand.u32 $0x380, v27  }
0x66b: {  	v17 =	vand.u32 $0x7000, v17;
	v19 =	vor.u32 v31, v16;
	v27 =	vor.u32 v29, v30;
	v8 =	vld.idx.msk [tilespmem:v21+s13+$0x0], $0xffff  }
0x66c: {  	v20 =	vor.u32 v18, v26;
	v16 =	vor.u32 v15, v28;
	v21 =	vor.u32 v23, v25  }
0x66d: {  	v18 =	vor.u32 s2, v17;
	v15 =	vor.u32 v7, v27;
	v17 =	vor.u32 v22, v24  }
0x66e: {  	s0 =	simm.s32 $0x0  }
0x66f: {  	v6 =	vor.u32 v7, v19;
	v19 =	vor.u32 v7, v21;
	s1 =	simm.s32 $0x0;
	v20 =	vor.u32 v7, v20;
	s2 =	sand.u32 $0x30, s0  }
0x670: {  	v18 =	vor.u32 v2, v18;
	v16 =	vor.u32 v7, v16;
	s3 =	sand.u32 $0x38, s1;
	v21 =	vmov s2  }
0x671: {  	v7 =	vor.u32 v7, v17;
	v17 =	vadd.s32 s3, v0;
	s4 =	sor.u32 $0x1, s3;
	s5 =	sor.u32 $0x7, s3;
	s6 =	sor.u32 $0x2, s3;
	v21 =	vshll.u32 v21, $0x7  }
0x672: {  	s28 =	sor.u32 $0x3, s3;
	s29 =	sor.u32 $0x4, s3;
	s30 =	sor.u32 $0x5, s3;
	v22 =	vadd.s32 s4, v0;
	v23 =	vadd.s32 s5, v0;
	v24 =	vadd.s32 s6, v0  }
0x673: {  	[tilespmem:v15+s14+$0x0] =	vst.idx.msk $0xffff, v9;
	s3 =	sor.u32 $0x6, s3;
	v9 =	vadd.s32 s28, v0;
	v15 =	vadd.s32 s29, v0;
	v26 =	vadd.s32 s30, v0  }
0x674: {  	v27 =	vadd.s32 s3, v0;
	v21 =	vor.u32 v5, v21;
	v25 =	vand.u32 $0x3F, v23  }
0x675: {  	v28 =	vand.u32 $0x3F, v15;
	v59 =	vshll.u32 v9, $0x7;
	v60 =	vshll.u32 v15, $0x9  }
0x676: {  	v15 =	vshll.u32 v15, $0x7;
	v29 =	vshll.u32 v26, $0x9;
	v30 =	vshll.u32 v27, $0x9;
	[tilespmem:v6+s14+$0x0] =	vst.idx.msk $0xffff, v10  }
0x677: {  	v25 =	vor.u32 v25, v21;
	v10 =	vand.u32 $0x3F, v22;
	[tilespmem:v19+s14+$0x0] =	vst.idx.msk $0xffff, v12;
	v12 =	vand.u32 $0x3F, v24  }
0x678: {  	v19 =	vand.u32 $0x3F, v9;
	[tilespmem:v20+s14+$0x0] =	vst.idx.msk $0xffff, v14;
	v14 =	vand.u32 $0x3F, v26;
	v20 =	vshll.u32 v23, $0x9  }
0x679: {  	v23 =	vshll.u32 v23, $0x7;
	v6 =	vor.u32 $0x800, v0;
	[tilespmem:v7+s14+$0x0] =	vst.idx.msk $0xffff, v11;
	v11 =	vand.u32 $0x3F, v27  }
0x67a: {  	[tilespmem:v18+s14+$0x0] =	vst.idx.msk $0xffff, v8;
	v8 =	vand.u32 $0x3F, v17;
	v18 =	vor.u32 v28, v21;
	v26 =	vshll.u32 v26, $0x7  }
0x67b: {  	[tilespmem:v16+s14+$0x0] =	vst.idx.msk $0xffff, v13;
	v27 =	vshll.u32 v27, $0x7;
	v17 =	vshll.u32 v17, $0x9;
	v61 =	vand.u32 $0x7000, v60  }
0x67c: {  	v15 =	vand.u32 $0x380, v15;
	v62 =	vand.u32 $0x7000, v30;
	v10 =	vor.u32 v10, v21;
	_ =	swait.ge [sflag:s12], $0x2000  }
0x67d: {  	v13 =	vand.u32 $0x7000, v20;
	v16 =	vand.u32 $0x380, v23;
	v12 =	vor.u32 v12, v21;
	[sflag:s12] =	ssyncset.done $0x0  }
0x67e: {  	s31 =	simm.s32 $0x140;
	v7 =	vor.u32 s2, v6;
	v8 =	vor.u32 v8, v21;
	v14 =	vor.u32 v14, v21;
	[sflag:s12] =	ssyncadd.s32 $0xFFFFE000  }
0x67f: {  	v20 =	vshll.u32 v22, $0x7;
	v23 =	vshll.u32 v9, $0x9;
	v26 =	vand.u32 $0x380, v26;
	[tilespmem:s13], [sflag:$0x1] =	stream.indirect.gather [hbm4b:s9+s10], $0x80, s31, s10, $0xb8;
	[tilespmem:$0x1A800] =	vst v63  }
0x680: {  	v63 =	vand.u32 $0x7000, v17;
	v13 =	vor.u32 v13, v16;
	v16 =	vor.u32 v19, v21;
	v25 =	vld.idx.msk [tilespmem:v25+s11+$0x0], $0xffff  }
0x681: {  	v27 =	vand.u32 $0x380, v27;
	v19 =	vor.u32 v11, v21;
	v11 =	vshll.u32 v22, $0x9;
	v10 =	vld.idx.msk [tilespmem:v10+s11+$0x0], $0xffff  }
0x682: {  	v21 =	vshll.u32 v24, $0x9;
	v22 =	vshll.u32 v24, $0x7;
	v13 =	vor.u32 v7, v13;
	v9 =	vld.idx.msk [tilespmem:v12+s11+$0x0], $0xffff  }
0x683: {  	v20 =	vand.u32 $0x380, v20;
	v23 =	vand.u32 $0x7000, v23;
	v31 =	vand.u32 $0x7000, v11;
	v12 =	vld.idx.msk [tilespmem:v18+s11+$0x0], $0xffff  }
0x684: {  	v21 =	vand.u32 $0x7000, v21;
	v22 =	vand.u32 $0x380, v22;
	v17 =	vor.u32 v31, v20;
	v14 =	vld.idx.msk [tilespmem:v14+s11+$0x0], $0xffff  }
0x685: {  	v20 =	vor.u32 v21, v22;
	v18 =	vand.u32 $0x7000, v29;
	v11 =	vld.idx.msk [tilespmem:v16+s11+$0x0], $0xffff;
	v16 =	vand.u32 $0x380, v59  }
0x686: {  	v8 =	vld.idx.msk [tilespmem:v8+s11+$0x0], $0xffff;
	v18 =	vor.u32 v18, v26;
	v21 =	vor.u32 v23, v16;
	v16 =	vor.u32 v61, v15  }
0x687: {  	v15 =	vor.u32 s2, v63;
	[tilespmem:v13+s14+$0x0] =	vst.idx.msk $0xffff, v25;
	v13 =	vld.idx.msk [tilespmem:v19+s11+$0x0], $0xffff;
	v19 =	vor.u32 v62, v27  }
.LBB2_14:
0x688: {  	s1 =	sadd.s32 $0x8, s1;
	v17 =	vor.u32 v7, v17;
	v20 =	vor.u32 v7, v20;
	v21 =	vor.u32 v7, v21;
	s0 =	sadd.s32 $0x2, s0  }
0x689: {  	v16 =	vor.u32 v7, v16;
	v18 =	vor.u32 v7, v18;
	v19 =	vor.u32 v7, v19;
	s3 =	sand.u32 $0x38, s1;
	s2 =	sand.u32 $0x30, s0;
	p0 =	slt.u32 s1, $0xF8  }
0x68a: {  	v15 =	vor.u32 v3, v15;
	v22 =	vadd.s32 s3, v0;
	v7 =	vmov s2;
	s4 =	sor.u32 $0x1, s3;
	s5 =	sor.u32 $0x2, s3;
	s6 =	sor.u32 $0x7, s3  }
0x68b: {  	s7 =	sor.u32 $0x4, s3;
	s8 =	sor.u32 $0x5, s3;
	v7 =	vshll.u32 v7, $0x7;
	v23 =	vadd.s32 s4, v0;
	s4 =	sor.u32 $0x3, s3;
	v24 =	vadd.s32 s6, v0  }
0x68c: {  	v26 =	vadd.s32 s5, v0;
	s3 =	sor.u32 $0x6, s3;
	v25 =	vor.u32 v5, v7;
	v7 =	vand.u32 $0x3F, v24  }
0x68d: {  	v28 =	vadd.s32 s7, v0;
	v27 =	vadd.s32 s4, v0;
	v29 =	vor.u32 v7, v25;
	[tilespmem:v17+s14+$0x0] =	vst.idx.msk $0xffff, v10  }
0x68e: {  	v30 =	vadd.s32 s3, v0;
	v10 =	vand.u32 $0x3F, v23;
	v17 =	vadd.s32 s8, v0;
	[tilespmem:v20+s14+$0x0] =	vst.idx.msk $0xffff, v9  }
0x68f: {  	v31 =	vand.u32 $0x3F, v28;
	v9 =	vand.u32 $0x3F, v26;
	v20 =	vand.u32 $0x3F, v27;
	[tilespmem:v21+s14+$0x0] =	vst.idx.msk $0xffff, v11  }
0x690: {  	v7 =	vshll.u32 v24, $0x9;
	v11 =	vand.u32 $0x3F, v17;
	v21 =	vshll.u32 v24, $0x7;
	[tilespmem:v16+s14+$0x0] =	vst.idx.msk $0xffff, v12  }
0x691: {  	v12 =	vand.u32 $0x7000, v7;
	v16 =	vand.u32 $0x380, v21;
	[tilespmem:v18+s14+$0x0] =	vst.idx.msk $0xffff, v14  }
0x692: {  	v7 =	vor.u32 s2, v6;
	v14 =	vand.u32 $0x3F, v30;
	v12 =	vor.u32 v12, v16;
	v18 =	vld.idx.msk [tilespmem:v29+s11+$0x0], $0xffff;
	[tilespmem:v19+s14+$0x0] =	vst.idx.msk $0xffff, v13  }
0x693: {  	v10 =	vor.u32 v10, v25;
	v13 =	vand.u32 $0x3F, v22;
	v12 =	vor.u32 v7, v12;
	[tilespmem:v15+s14+$0x0] =	vst.idx.msk $0xffff, v8  }
0x694: {  	v16 =	vor.u32 v31, v25;
	v8 =	vor.u32 v9, v25;
	v15 =	vor.u32 v20, v25  }
0x695: {  	v19 =	vor.u32 v13, v25;
	v13 =	vor.u32 v11, v25;
	v20 =	vor.u32 v14, v25  }
0x696: {  	v21 =	vshll.u32 v26, $0x9;
	v11 =	vshll.u32 v23, $0x9;
	v14 =	vshll.u32 v23, $0x7  }
0x697: {  	v24 =	vshll.u32 v27, $0x9;
	v23 =	vshll.u32 v26, $0x7;
	v25 =	vshll.u32 v27, $0x7  }
0x698: {  	v26 =	vshll.u32 v28, $0x9;
	v27 =	vshll.u32 v28, $0x7;
	v28 =	vshll.u32 v17, $0x9;
	v10 =	vld.idx.msk [tilespmem:v10+s11+$0x0], $0xffff;
	[tilespmem:v12+s14+$0x0] =	vst.idx.msk $0xffff, v18  }
0x699: {  	v18 =	vshll.u32 v30, $0x7;
	v9 =	vld.idx.msk [tilespmem:v8+s11+$0x0], $0xffff;
	v8 =	vshll.u32 v17, $0x7;
	v17 =	vshll.u32 v30, $0x9  }
0x69a: {  	v22 =	vshll.u32 v22, $0x9;
	v29 =	vand.u32 $0x7000, v11;
	v30 =	vand.u32 $0x380, v14;
	v11 =	vld.idx.msk [tilespmem:v15+s11+$0x0], $0xffff  }
0x69b: {  	v15 =	vand.u32 $0x7000, v21;
	v21 =	vand.u32 $0x380, v23;
	v23 =	vand.u32 $0x7000, v24;
	v12 =	vld.idx.msk [tilespmem:v16+s11+$0x0], $0xffff  }
.Ltmp6:
0x69c: {  	v24 =	vand.u32 $0x7000, v26;
	v16 =	vand.u32 $0x380, v25;
	v25 =	vand.u32 $0x380, v27;
	v14 =	vld.idx.msk [tilespmem:v13+s11+$0x0], $0xffff;
	(pc) =	sbr.rel @p0 .LBB2_14-.Ltmp6, $4  }
0x69d: {  	v26 =	vand.u32 $0x7000, v28;
	v28 =	vand.u32 $0x7000, v17;
	v27 =	vand.u32 $0x380, v8;
	v13 =	vld.idx.msk [tilespmem:v20+s11+$0x0], $0xffff  }
0x69e: {  	v17 =	vor.u32 v29, v30;
	v8 =	vld.idx.msk [tilespmem:v19+s11+$0x0], $0xffff;
	v19 =	vand.u32 $0x7000, v22;
	v22 =	vand.u32 $0x380, v18  }
0x69f: {  	v20 =	vor.u32 v15, v21;
	v21 =	vor.u32 v23, v16;
	v16 =	vor.u32 v24, v25  }
0x6a0: {  	v18 =	vor.u32 v26, v27;
	v15 =	vor.u32 s2, v19;
	v19 =	vor.u32 v28, v22  }
0x6a1: {  	v17 =	vor.u32 v7, v17;
	s1 =	simm.s32 $0x0  }
0x6a2: {  	v20 =	vor.u32 v7, v20;
	s0 =	simm.s32 $0x0;
	s2 =	sand.u32 $0x38, s1  }
0x6a3: {  	v21 =	vor.u32 v7, v21;
	s3 =	sand.u32 $0x30, s0;
	s4 =	sor.u32 $0x1, s2  }
0x6a4: {  	v16 =	vor.u32 v7, v16;
	v18 =	vor.u32 v7, v18;
	v7 =	vor.u32 v7, v19;
	s5 =	sor.u32 $0x7, s2;
	s6 =	sor.u32 $0x2, s2;
	s26 =	sor.u32 $0x3, s2  }
0x6a5: {  	v15 =	vor.u32 v3, v15;
	v19 =	vadd.s32 s2, v0;
	v22 =	vmov s3;
	s28 =	sor.u32 $0x4, s2;
	s29 =	sor.u32 $0x5, s2;
	s2 =	sor.u32 $0x6, s2  }
0x6a6: {  	v22 =	vshll.u32 v22, $0x7;
	v23 =	vadd.s32 s4, v0;
	v25 =	vadd.s32 s2, v0;
	[tilespmem:v17+s14+$0x0] =	vst.idx.msk $0xffff, v10  }
0x6a7: {  	v24 =	vadd.s32 s5, v0;
	v30 =	vshll.u32 v25, $0x9;
	v10 =	vor.u32 v5, v22;
	[tilespmem:v20+s14+$0x0] =	vst.idx.msk $0xffff, v9  }
0x6a8: {  	v17 =	vadd.s32 s6, v0;
	v22 =	vand.u32 $0x3F, v24;
	v9 =	vadd.s32 s26, v0;
	[tilespmem:v21+s14+$0x0] =	vst.idx.msk $0xffff, v11  }
0x6a9: {  	v20 =	vadd.s32 s28, v0;
	v11 =	vand.u32 $0x3F, v23;
	v21 =	vadd.s32 s29, v0;
	[tilespmem:v18+s14+$0x0] =	vst.idx.msk $0xffff, v14  }
0x6aa: {  	s30 =	sor.u32 $0x40, s3;
	v18 =	vshll.u32 v24, $0x9;
	v24 =	vshll.u32 v24, $0x7;
	[tilespmem:v7+s14+$0x0] =	vst.idx.msk $0xffff, v13;
	v13 =	vand.u32 $0x3F, v25  }
0x6ab: {  	[tilespmem:v15+s14+$0x0] =	vst.idx.msk $0xffff, v8;
	v8 =	vand.u32 $0x3F, v19;
	v7 =	vor.u32 s30, v6;
	v19 =	vshll.u32 v19, $0x9  }
0x6ac: {  	[tilespmem:v16+s14+$0x0] =	vst.idx.msk $0xffff, v12;
	v25 =	vshll.u32 v25, $0x7;
	v22 =	vor.u32 v22, v10;
	v12 =	vand.u32 $0x3F, v17  }
0x6ad: {  	v16 =	vand.u32 $0x3F, v9;
	v26 =	vand.u32 $0x3F, v20;
	v14 =	vand.u32 $0x3F, v21  }
0x6ae: {  	v18 =	vand.u32 $0x7000, v18;
	v24 =	vand.u32 $0x380, v24;
	v11 =	vor.u32 v11, v10  }
0x6af: {  	v8 =	vor.u32 v8, v10;
	v61 =	vor.u32 v13, v10;
	v13 =	vshll.u32 v17, $0x9  }
0x6b0: {  	_ =	swait.ge [sflag:s12], $0x2000;
	v17 =	vshll.u32 v17, $0x7;
	v27 =	vshll.u32 v9, $0x7;
	v28 =	vshll.u32 v20, $0x9  }
0x6b1: {  	v20 =	vshll.u32 v20, $0x7;
	v29 =	vshll.u32 v21, $0x9;
	v12 =	vor.u32 v12, v10;
	[sflag:s12] =	ssyncset.done $0x0  }
0x6b2: {  	s31 =	simm.s32 $0x180;
	v21 =	vshll.u32 v21, $0x7;
	v25 =	vand.u32 $0x380, v25;
	v16 =	vor.u32 v16, v10;
	[sflag:s12] =	ssyncadd.s32 $0xFFFFE000  }
0x6b3: {  	v15 =	vor.u32 v18, v24;
	v18 =	vor.u32 v26, v10;
	v60 =	vor.u32 v14, v10;
	[tilespmem:s11], [sflag:$0x1] =	stream.indirect.gather [hbm4b:s9+s10], $0x80, s31, s10, $0xb8;
	[tilespmem:$0x1A800] =	vst v63  }
0x6b4: {  	v14 =	vshll.u32 v23, $0x9;
	v10 =	vshll.u32 v23, $0x7;
	v23 =	vshll.u32 v9, $0x9;
	v22 =	vld.idx.msk [tilespmem:v22+s13+$0x0], $0xffff  }
0x6b5: {  	v32 =	vand.u32 $0x7000, v13;
	v17 =	vand.u32 $0x380, v17;
	v15 =	vor.u32 v7, v15;
	v9 =	vld.idx.msk [tilespmem:v11+s13+$0x0], $0xffff  }
0x6b6: {  	v27 =	vand.u32 $0x380, v27;
	v20 =	vand.u32 $0x380, v20;
	v31 =	vand.u32 $0x380, v10;
	v10 =	vld.idx.msk [tilespmem:v12+s13+$0x0], $0xffff  }
0x6b7: {  	v62 =	vand.u32 $0x7000, v29;
	v23 =	vand.u32 $0x7000, v23;
	v11 =	vand.u32 $0x7000, v14;
	v12 =	vld.idx.msk [tilespmem:v16+s13+$0x0], $0xffff  }
0x6b8: {  	v16 =	vand.u32 $0x7000, v28;
	v14 =	vld.idx.msk [tilespmem:v18+s13+$0x0], $0xffff;
	v18 =	vand.u32 $0x7000, v19;
	v63 =	vor.u32 v11, v31  }
0x6b9: {  	v8 =	vld.idx.msk [tilespmem:v8+s13+$0x0], $0xffff;
	v19 =	vor.u32 v32, v17;
	v20 =	vor.u32 v16, v20;
	v18 =	vor.u32 s30, v18  }
0x6ba: {  	v13 =	vld.idx.msk [tilespmem:v60+s13+$0x0], $0xffff;
	[tilespmem:v15+s14+$0x0] =	vst.idx.msk $0xffff, v22;
	v15 =	vand.u32 $0x380, v21;
	v22 =	vand.u32 $0x7000, v30;
	v21 =	vor.u32 v23, v27  }
0x6bb: {  	v11 =	vld.idx.msk [tilespmem:v61+s13+$0x0], $0xffff;
	v16 =	vor.u32 v62, v15;
	v15 =	vor.u32 v7, v63;
	v17 =	vor.u32 v22, v25  }
.LBB2_16:
0x6bc: {  	s1 =	sadd.s32 $0x8, s1;
	v19 =	vor.u32 v7, v19;
	v21 =	vor.u32 v7, v21;
	v20 =	vor.u32 v7, v20;
	s0 =	sadd.s32 $0x2, s0  }
0x6bd: {  	v18 =	vor.u32 v3, v18;
	v16 =	vor.u32 v7, v16;
	v7 =	vor.u32 v7, v17;
	s2 =	sand.u32 $0x38, s1;
	s3 =	sand.u32 $0x30, s0;
	p0 =	slt.u32 s1, $0xF8  }
0x6be: {  	v17 =	vadd.s32 s2, v0;
	v22 =	vmov s3;
	s4 =	sor.u32 $0x1, s2;
	s5 =	sor.u32 $0x2, s2;
	s6 =	sor.u32 $0x7, s2  }
0x6bf: {  	s7 =	sor.u32 $0x4, s2;
	s8 =	sor.u32 $0x5, s2;
	v22 =	vshll.u32 v22, $0x7;
	v23 =	vadd.s32 s4, v0;
	s4 =	sor.u32 $0x3, s2;
	v24 =	vadd.s32 s6, v0  }
0x6c0: {  	v25 =	vadd.s32 s5, v0;
	s2 =	sor.u32 $0x6, s2;
	v22 =	vor.u32 v5, v22;
	v26 =	vand.u32 $0x3F, v24;
	[tilespmem:v15+s14+$0x0] =	vst.idx.msk $0xffff, v9  }
0x6c1: {  	v9 =	vadd.s32 s4, v0;
	v15 =	vadd.s32 s7, v0;
	v26 =	vor.u32 v26, v22;
	[tilespmem:v19+s14+$0x0] =	vst.idx.msk $0xffff, v10  }
0x6c2: {  	v27 =	vadd.s32 s2, v0;
	v10 =	vand.u32 $0x3F, v23;
	v19 =	vadd.s32 s8, v0;
	[tilespmem:v21+s14+$0x0] =	vst.idx.msk $0xffff, v12  }
0x6c3: {  	v28 =	vand.u32 $0x3F, v15;
	v12 =	vand.u32 $0x3F, v25;
	v21 =	vand.u32 $0x3F, v9;
	[tilespmem:v20+s14+$0x0] =	vst.idx.msk $0xffff, v14  }
0x6c4: {  	v14 =	vand.u32 $0x3F, v19;
	v20 =	vshll.u32 v24, $0x9;
	v24 =	vshll.u32 v24, $0x7;
	[tilespmem:v16+s14+$0x0] =	vst.idx.msk $0xffff, v13  }
0x6c5: {  	s2 =	sor.u32 $0x40, s3;
	v13 =	vand.u32 $0x3F, v27;
	v16 =	vand.u32 $0x7000, v20;
	v20 =	vand.u32 $0x380, v24;
	[tilespmem:v7+s14+$0x0] =	vst.idx.msk $0xffff, v11  }
0x6c6: {  	v11 =	vand.u32 $0x3F, v17;
	v7 =	vor.u32 s2, v6;
	v16 =	vor.u32 v16, v20;
	v24 =	vld.idx.msk [tilespmem:v26+s13+$0x0], $0xffff;
	[tilespmem:v18+s14+$0x0] =	vst.idx.msk $0xffff, v8  }
0x6c7: {  	v8 =	vor.u32 v10, v22;
	v10 =	vor.u32 v12, v22;
	v12 =	vor.u32 v7, v16  }
0x6c8: {  	v20 =	vor.u32 v14, v22;
	v16 =	vor.u32 v21, v22;
	v18 =	vor.u32 v28, v22  }
0x6c9: {  	v21 =	vor.u32 v11, v22;
	v11 =	vshll.u32 v23, $0x9;
	v22 =	vor.u32 v13, v22  }
0x6ca: {  	v14 =	vshll.u32 v25, $0x9;
	v13 =	vshll.u32 v23, $0x7;
	v23 =	vshll.u32 v25, $0x7  }
0x6cb: {  	v25 =	vshll.u32 v9, $0x9;
	v26 =	vshll.u32 v9, $0x7;
	v28 =	vshll.u32 v15, $0x9  }
0x6cc: {  	v9 =	vld.idx.msk [tilespmem:v8+s13+$0x0], $0xffff;
	v8 =	vshll.u32 v15, $0x7;
	v15 =	vshll.u32 v19, $0x9;
	v19 =	vshll.u32 v19, $0x7;
	[tilespmem:v12+s14+$0x0] =	vst.idx.msk $0xffff, v24  }
0x6cd: {  	v17 =	vshll.u32 v17, $0x9;
	v24 =	vshll.u32 v27, $0x9;
	v27 =	vshll.u32 v27, $0x7;
	v10 =	vld.idx.msk [tilespmem:v10+s13+$0x0], $0xffff  }
0x6ce: {  	v31 =	vand.u32 $0x7000, v14;
	v29 =	vand.u32 $0x7000, v11;
	v30 =	vand.u32 $0x380, v13;
	v12 =	vld.idx.msk [tilespmem:v16+s13+$0x0], $0xffff  }
0x6cf: {  	v16 =	vand.u32 $0x380, v23;
	v23 =	vand.u32 $0x7000, v25;
	v25 =	vand.u32 $0x380, v26;
	v14 =	vld.idx.msk [tilespmem:v18+s13+$0x0], $0xffff  }
.Ltmp7:
0x6d0: {  	v15 =	vand.u32 $0x7000, v15;
	v26 =	vand.u32 $0x380, v8;
	v18 =	vand.u32 $0x7000, v28;
	v13 =	vld.idx.msk [tilespmem:v20+s13+$0x0], $0xffff;
	(pc) =	sbr.rel @p0 .LBB2_16-.Ltmp7, $4  }
0x6d1: {  	v28 =	vand.u32 $0x380, v19;
	v11 =	vld.idx.msk [tilespmem:v22+s13+$0x0], $0xffff;
	v22 =	vand.u32 $0x7000, v24;
	v24 =	vand.u32 $0x380, v27  }
0x6d2: {  	v17 =	vand.u32 $0x7000, v17;
	v19 =	vor.u32 v31, v16;
	v27 =	vor.u32 v29, v30;
	v8 =	vld.idx.msk [tilespmem:v21+s13+$0x0], $0xffff  }
0x6d3: {  	v20 =	vor.u32 v18, v26;
	v16 =	vor.u32 v15, v28;
	v21 =	vor.u32 v23, v25  }
0x6d4: {  	v18 =	vor.u32 s2, v17;
	v15 =	vor.u32 v7, v27;
	v17 =	vor.u32 v22, v24  }
0x6d5: {  	s0 =	simm.s32 $0x0  }
0x6d6: {  	v6 =	vor.u32 v7, v19;
	v19 =	vor.u32 v7, v21;
	s1 =	simm.s32 $0x0;
	v20 =	vor.u32 v7, v20;
	s2 =	sand.u32 $0x30, s0  }
0x6d7: {  	v18 =	vor.u32 v3, v18;
	v16 =	vor.u32 v7, v16;
	s3 =	sand.u32 $0x38, s1;
	v21 =	vmov s2  }
0x6d8: {  	v7 =	vor.u32 v7, v17;
	v17 =	vadd.s32 s3, v0;
	s4 =	sor.u32 $0x1, s3;
	s5 =	sor.u32 $0x7, s3;
	s6 =	sor.u32 $0x2, s3;
	v21 =	vshll.u32 v21, $0x7  }
0x6d9: {  	s28 =	sor.u32 $0x3, s3;
	s29 =	sor.u32 $0x4, s3;
	s30 =	sor.u32 $0x5, s3;
	v22 =	vadd.s32 s4, v0;
	v23 =	vadd.s32 s5, v0;
	v24 =	vadd.s32 s6, v0  }
0x6da: {  	[tilespmem:v15+s14+$0x0] =	vst.idx.msk $0xffff, v9;
	s3 =	sor.u32 $0x6, s3;
	v9 =	vadd.s32 s28, v0;
	v15 =	vadd.s32 s29, v0;
	v26 =	vadd.s32 s30, v0  }
0x6db: {  	v27 =	vadd.s32 s3, v0;
	v21 =	vor.u32 v5, v21;
	v25 =	vand.u32 $0x3F, v23  }
0x6dc: {  	v28 =	vand.u32 $0x3F, v15;
	v59 =	vshll.u32 v9, $0x7;
	v60 =	vshll.u32 v15, $0x9  }
0x6dd: {  	v15 =	vshll.u32 v15, $0x7;
	v29 =	vshll.u32 v26, $0x9;
	v30 =	vshll.u32 v27, $0x9;
	[tilespmem:v6+s14+$0x0] =	vst.idx.msk $0xffff, v10  }
0x6de: {  	v25 =	vor.u32 v25, v21;
	v10 =	vand.u32 $0x3F, v22;
	[tilespmem:v19+s14+$0x0] =	vst.idx.msk $0xffff, v12;
	v12 =	vand.u32 $0x3F, v24  }
0x6df: {  	v19 =	vand.u32 $0x3F, v9;
	[tilespmem:v20+s14+$0x0] =	vst.idx.msk $0xffff, v14;
	v14 =	vand.u32 $0x3F, v26;
	v20 =	vshll.u32 v23, $0x9  }
0x6e0: {  	v23 =	vshll.u32 v23, $0x7;
	v6 =	vor.u32 $0xC00, v0;
	[tilespmem:v7+s14+$0x0] =	vst.idx.msk $0xffff, v11;
	v11 =	vand.u32 $0x3F, v27  }
0x6e1: {  	[tilespmem:v18+s14+$0x0] =	vst.idx.msk $0xffff, v8;
	v8 =	vand.u32 $0x3F, v17;
	v18 =	vor.u32 v28, v21;
	v26 =	vshll.u32 v26, $0x7  }
0x6e2: {  	[tilespmem:v16+s14+$0x0] =	vst.idx.msk $0xffff, v13;
	v27 =	vshll.u32 v27, $0x7;
	v17 =	vshll.u32 v17, $0x9;
	v61 =	vand.u32 $0x7000, v60  }
0x6e3: {  	v15 =	vand.u32 $0x380, v15;
	v62 =	vand.u32 $0x7000, v30;
	v10 =	vor.u32 v10, v21;
	_ =	swait.ge [sflag:s12], $0x2000  }
0x6e4: {  	v13 =	vand.u32 $0x7000, v20;
	v16 =	vand.u32 $0x380, v23;
	v12 =	vor.u32 v12, v21;
	[sflag:s12] =	ssyncset.done $0x0  }
0x6e5: {  	s31 =	simm.s32 $0x1C0;
	v7 =	vor.u32 s2, v6;
	v8 =	vor.u32 v8, v21;
	v14 =	vor.u32 v14, v21;
	[sflag:s12] =	ssyncadd.s32 $0xFFFFE000  }
0x6e6: {  	v20 =	vshll.u32 v22, $0x7;
	v23 =	vshll.u32 v9, $0x9;
	v26 =	vand.u32 $0x380, v26;
	[tilespmem:s13], [sflag:$0x1] =	stream.indirect.gather [hbm4b:s9+s10], $0x80, s31, s10, $0xb8;
	[tilespmem:$0x1A800] =	vst v63  }
0x6e7: {  	v63 =	vand.u32 $0x7000, v17;
	v13 =	vor.u32 v13, v16;
	v16 =	vor.u32 v19, v21;
	v25 =	vld.idx.msk [tilespmem:v25+s11+$0x0], $0xffff  }
0x6e8: {  	v27 =	vand.u32 $0x380, v27;
	v19 =	vor.u32 v11, v21;
	v11 =	vshll.u32 v22, $0x9;
	v10 =	vld.idx.msk [tilespmem:v10+s11+$0x0], $0xffff  }
0x6e9: {  	v21 =	vshll.u32 v24, $0x9;
	v22 =	vshll.u32 v24, $0x7;
	v13 =	vor.u32 v7, v13;
	v9 =	vld.idx.msk [tilespmem:v12+s11+$0x0], $0xffff  }
0x6ea: {  	v20 =	vand.u32 $0x380, v20;
	v23 =	vand.u32 $0x7000, v23;
	v31 =	vand.u32 $0x7000, v11;
	v12 =	vld.idx.msk [tilespmem:v18+s11+$0x0], $0xffff  }
0x6eb: {  	v21 =	vand.u32 $0x7000, v21;
	v22 =	vand.u32 $0x380, v22;
	v17 =	vor.u32 v31, v20;
	v14 =	vld.idx.msk [tilespmem:v14+s11+$0x0], $0xffff  }
0x6ec: {  	v20 =	vor.u32 v21, v22;
	v18 =	vand.u32 $0x7000, v29;
	v11 =	vld.idx.msk [tilespmem:v16+s11+$0x0], $0xffff;
	v16 =	vand.u32 $0x380, v59  }
0x6ed: {  	v8 =	vld.idx.msk [tilespmem:v8+s11+$0x0], $0xffff;
	v18 =	vor.u32 v18, v26;
	v21 =	vor.u32 v23, v16;
	v16 =	vor.u32 v61, v15  }
0x6ee: {  	v15 =	vor.u32 s2, v63;
	[tilespmem:v13+s14+$0x0] =	vst.idx.msk $0xffff, v25;
	v13 =	vld.idx.msk [tilespmem:v19+s11+$0x0], $0xffff;
	v19 =	vor.u32 v62, v27  }
.LBB2_18:
0x6ef: {  	s1 =	sadd.s32 $0x8, s1;
	v17 =	vor.u32 v7, v17;
	v20 =	vor.u32 v7, v20;
	v21 =	vor.u32 v7, v21;
	s0 =	sadd.s32 $0x2, s0  }
0x6f0: {  	v16 =	vor.u32 v7, v16;
	v18 =	vor.u32 v7, v18;
	v19 =	vor.u32 v7, v19;
	s3 =	sand.u32 $0x38, s1;
	s2 =	sand.u32 $0x30, s0;
	p0 =	slt.u32 s1, $0xF8  }
0x6f1: {  	v15 =	vor.u32 v4, v15;
	v22 =	vadd.s32 s3, v0;
	v7 =	vmov s2;
	s4 =	sor.u32 $0x1, s3;
	s5 =	sor.u32 $0x2, s3;
	s6 =	sor.u32 $0x7, s3  }
0x6f2: {  	s7 =	sor.u32 $0x4, s3;
	s8 =	sor.u32 $0x5, s3;
	v7 =	vshll.u32 v7, $0x7;
	v23 =	vadd.s32 s4, v0;
	s4 =	sor.u32 $0x3, s3;
	v24 =	vadd.s32 s6, v0  }
0x6f3: {  	v26 =	vadd.s32 s5, v0;
	s3 =	sor.u32 $0x6, s3;
	v25 =	vor.u32 v5, v7;
	v7 =	vand.u32 $0x3F, v24  }
0x6f4: {  	v28 =	vadd.s32 s7, v0;
	v27 =	vadd.s32 s4, v0;
	v29 =	vor.u32 v7, v25;
	[tilespmem:v17+s14+$0x0] =	vst.idx.msk $0xffff, v10  }
0x6f5: {  	v30 =	vadd.s32 s3, v0;
	v10 =	vand.u32 $0x3F, v23;
	v17 =	vadd.s32 s8, v0;
	[tilespmem:v20+s14+$0x0] =	vst.idx.msk $0xffff, v9  }
0x6f6: {  	v31 =	vand.u32 $0x3F, v28;
	v9 =	vand.u32 $0x3F, v26;
	v20 =	vand.u32 $0x3F, v27;
	[tilespmem:v21+s14+$0x0] =	vst.idx.msk $0xffff, v11  }
0x6f7: {  	v7 =	vshll.u32 v24, $0x9;
	v11 =	vand.u32 $0x3F, v17;
	v21 =	vshll.u32 v24, $0x7;
	[tilespmem:v16+s14+$0x0] =	vst.idx.msk $0xffff, v12  }
0x6f8: {  	v12 =	vand.u32 $0x7000, v7;
	v16 =	vand.u32 $0x380, v21;
	[tilespmem:v18+s14+$0x0] =	vst.idx.msk $0xffff, v14  }
0x6f9: {  	v7 =	vor.u32 s2, v6;
	v14 =	vand.u32 $0x3F, v30;
	v12 =	vor.u32 v12, v16;
	v18 =	vld.idx.msk [tilespmem:v29+s11+$0x0], $0xffff;
	[tilespmem:v19+s14+$0x0] =	vst.idx.msk $0xffff, v13  }
0x6fa: {  	v10 =	vor.u32 v10, v25;
	v13 =	vand.u32 $0x3F, v22;
	v12 =	vor.u32 v7, v12;
	[tilespmem:v15+s14+$0x0] =	vst.idx.msk $0xffff, v8  }
0x6fb: {  	v16 =	vor.u32 v31, v25;
	v8 =	vor.u32 v9, v25;
	v15 =	vor.u32 v20, v25  }
0x6fc: {  	v19 =	vor.u32 v13, v25;
	v13 =	vor.u32 v11, v25;
	v20 =	vor.u32 v14, v25  }
0x6fd: {  	v21 =	vshll.u32 v26, $0x9;
	v11 =	vshll.u32 v23, $0x9;
	v14 =	vshll.u32 v23, $0x7  }
0x6fe: {  	v24 =	vshll.u32 v27, $0x9;
	v23 =	vshll.u32 v26, $0x7;
	v25 =	vshll.u32 v27, $0x7  }
0x6ff: {  	v26 =	vshll.u32 v28, $0x9;
	v27 =	vshll.u32 v28, $0x7;
	v28 =	vshll.u32 v17, $0x9;
	v10 =	vld.idx.msk [tilespmem:v10+s11+$0x0], $0xffff;
	[tilespmem:v12+s14+$0x0] =	vst.idx.msk $0xffff, v18  }
0x700: {  	v18 =	vshll.u32 v30, $0x7;
	v9 =	vld.idx.msk [tilespmem:v8+s11+$0x0], $0xffff;
	v8 =	vshll.u32 v17, $0x7;
	v17 =	vshll.u32 v30, $0x9  }
0x701: {  	v22 =	vshll.u32 v22, $0x9;
	v29 =	vand.u32 $0x7000, v11;
	v30 =	vand.u32 $0x380, v14;
	v11 =	vld.idx.msk [tilespmem:v15+s11+$0x0], $0xffff  }
0x702: {  	v15 =	vand.u32 $0x7000, v21;
	v21 =	vand.u32 $0x380, v23;
	v23 =	vand.u32 $0x7000, v24;
	v12 =	vld.idx.msk [tilespmem:v16+s11+$0x0], $0xffff  }
.Ltmp8:
0x703: {  	v24 =	vand.u32 $0x7000, v26;
	v16 =	vand.u32 $0x380, v25;
	v25 =	vand.u32 $0x380, v27;
	v14 =	vld.idx.msk [tilespmem:v13+s11+$0x0], $0xffff;
	(pc) =	sbr.rel @p0 .LBB2_18-.Ltmp8, $4  }
0x704: {  	v26 =	vand.u32 $0x7000, v28;
	v28 =	vand.u32 $0x7000, v17;
	v27 =	vand.u32 $0x380, v8;
	v13 =	vld.idx.msk [tilespmem:v20+s11+$0x0], $0xffff  }
0x705: {  	v17 =	vor.u32 v29, v30;
	v8 =	vld.idx.msk [tilespmem:v19+s11+$0x0], $0xffff;
	v19 =	vand.u32 $0x7000, v22;
	v22 =	vand.u32 $0x380, v18  }
0x706: {  	v20 =	vor.u32 v15, v21;
	v21 =	vor.u32 v23, v16;
	v16 =	vor.u32 v24, v25  }
0x707: {  	v18 =	vor.u32 v26, v27;
	v15 =	vor.u32 s2, v19;
	v19 =	vor.u32 v28, v22  }
0x708: {  	v17 =	vor.u32 v7, v17;
	s1 =	simm.s32 $0x0  }
0x709: {  	v20 =	vor.u32 v7, v20;
	s0 =	simm.s32 $0x0;
	s2 =	sand.u32 $0x38, s1  }
0x70a: {  	v21 =	vor.u32 v7, v21;
	s3 =	sand.u32 $0x30, s0;
	s4 =	sor.u32 $0x1, s2  }
0x70b: {  	v16 =	vor.u32 v7, v16;
	v18 =	vor.u32 v7, v18;
	v7 =	vor.u32 v7, v19;
	s5 =	sor.u32 $0x7, s2;
	s6 =	sor.u32 $0x2, s2;
	s28 =	sor.u32 $0x3, s2  }
0x70c: {  	v15 =	vor.u32 v4, v15;
	v19 =	vadd.s32 s2, v0;
	v22 =	vmov s3;
	s29 =	sor.u32 $0x4, s2;
	s30 =	sor.u32 $0x5, s2;
	s2 =	sor.u32 $0x6, s2  }
0x70d: {  	v22 =	vshll.u32 v22, $0x7;
	v23 =	vadd.s32 s4, v0;
	v25 =	vadd.s32 s2, v0;
	[tilespmem:v17+s14+$0x0] =	vst.idx.msk $0xffff, v10  }
0x70e: {  	v24 =	vadd.s32 s5, v0;
	v61 =	vshll.u32 v23, $0x9;
	v31 =	vshll.u32 v25, $0x9;
	[tilespmem:v20+s14+$0x0] =	vst.idx.msk $0xffff, v9  }
0x70f: {  	v10 =	vor.u32 v5, v22;
	v17 =	vadd.s32 s6, v0;
	v22 =	vand.u32 $0x3F, v24;
	[tilespmem:v21+s14+$0x0] =	vst.idx.msk $0xffff, v11  }
0x710: {  	v9 =	vadd.s32 s28, v0;
	v20 =	vadd.s32 s29, v0;
	v11 =	vand.u32 $0x3F, v23;
	[tilespmem:v18+s14+$0x0] =	vst.idx.msk $0xffff, v14  }
0x711: {  	s31 =	sor.u32 $0x40, s3;
	v21 =	vadd.s32 s30, v0;
	v18 =	vshll.u32 v24, $0x9;
	v24 =	vshll.u32 v24, $0x7;
	[tilespmem:v7+s14+$0x0] =	vst.idx.msk $0xffff, v13  }
0x712: {  	v13 =	vand.u32 $0x3F, v25;
	[tilespmem:v15+s14+$0x0] =	vst.idx.msk $0xffff, v8;
	v8 =	vand.u32 $0x3F, v19;
	v7 =	vor.u32 s31, v6  }
0x713: {  	v19 =	vshll.u32 v19, $0x9;
	v25 =	vshll.u32 v25, $0x7;
	v22 =	vor.u32 v22, v10  }
0x714: {  	[tilespmem:v16+s14+$0x0] =	vst.idx.msk $0xffff, v12;
	v12 =	vand.u32 $0x3F, v17;
	v16 =	vand.u32 $0x3F, v9;
	v26 =	vand.u32 $0x3F, v20  }
0x715: {  	v14 =	vand.u32 $0x3F, v21;
	v18 =	vand.u32 $0x7000, v18;
	v24 =	vand.u32 $0x380, v24  }
0x716: {  	v11 =	vor.u32 v11, v10;
	v60 =	vor.u32 v8, v10;
	v13 =	vor.u32 v13, v10  }
0x717: {  	v27 =	vshll.u32 v9, $0x9;
	v28 =	vshll.u32 v9, $0x7;
	v29 =	vshll.u32 v20, $0x9  }
0x718: {  	_ =	swait.ge [sflag:s12], $0x2000;
	v20 =	vshll.u32 v20, $0x7;
	v30 =	vshll.u32 v21, $0x9;
	v21 =	vshll.u32 v21, $0x7  }
0x719: {  	v63 =	vand.u32 $0x7000, v19;
	v15 =	vor.u32 v18, v24;
	v12 =	vor.u32 v12, v10;
	[sflag:s12] =	ssyncset.done $0x0  }
0x71a: {  	v16 =	vor.u32 v16, v10;
	v18 =	vor.u32 v26, v10;
	v14 =	vor.u32 v14, v10;
	[sflag:s12] =	ssyncadd.s32 $0xFFFFE000  }
0x71b: {  	v10 =	vshll.u32 v23, $0x7;
	v23 =	vshll.u32 v17, $0x9;
	v17 =	vshll.u32 v17, $0x7;
	v22 =	vld.idx.msk [tilespmem:v22+s13+$0x0], $0xffff  }
0x71c: {  	v26 =	vand.u32 $0x7000, v61;
	v27 =	vand.u32 $0x7000, v27;
	v15 =	vor.u32 v7, v15;
	v8 =	vld.idx.msk [tilespmem:v11+s13+$0x0], $0xffff  }
0x71d: {  	v28 =	vand.u32 $0x380, v28;
	v20 =	vand.u32 $0x380, v20;
	v62 =	vand.u32 $0x7000, v30;
	v13 =	vld.idx.msk [tilespmem:v13+s13+$0x0], $0xffff  }
0x71e: {  	v32 =	vand.u32 $0x380, v10;
	v23 =	vand.u32 $0x7000, v23;
	v17 =	vand.u32 $0x380, v17;
	v9 =	vld.idx.msk [tilespmem:v12+s13+$0x0], $0xffff  }
0x71f: {  	v19 =	vor.u32 v27, v28;
	v26 =	vor.u32 v26, v32;
	v10 =	vld.idx.msk [tilespmem:v16+s13+$0x0], $0xffff;
	v16 =	vand.u32 $0x7000, v29  }
0x720: {  	v11 =	vld.idx.msk [tilespmem:v18+s13+$0x0], $0xffff;
	v18 =	vor.u32 v23, v17;
	v17 =	vor.u32 s31, v63;
	v20 =	vor.u32 v16, v20  }
0x721: {  	v12 =	vld.idx.msk [tilespmem:v14+s13+$0x0], $0xffff;
	[tilespmem:v15+s14+$0x0] =	vst.idx.msk $0xffff, v22;
	v15 =	vand.u32 $0x380, v21;
	v21 =	vand.u32 $0x7000, v31;
	v22 =	vand.u32 $0x380, v25  }
0x722: {  	v14 =	vld.idx.msk [tilespmem:v60+s13+$0x0], $0xffff;
	v16 =	vor.u32 v62, v15;
	v15 =	vor.u32 v7, v26;
	v21 =	vor.u32 v21, v22  }
.LBB2_20:
0x723: {  	s1 =	sadd.s32 $0x8, s1;
	v18 =	vor.u32 v7, v18;
	v19 =	vor.u32 v7, v19;
	v20 =	vor.u32 v7, v20;
	s0 =	sadd.s32 $0x2, s0  }
0x724: {  	v17 =	vor.u32 v4, v17;
	v16 =	vor.u32 v7, v16;
	v7 =	vor.u32 v7, v21;
	s2 =	sand.u32 $0x38, s1;
	s3 =	sand.u32 $0x30, s0;
	p0 =	slt.u32 s1, $0xF8  }
0x725: {  	v21 =	vadd.s32 s2, v0;
	v22 =	vmov s3;
	s4 =	sor.u32 $0x1, s2;
	s5 =	sor.u32 $0x2, s2;
	s6 =	sor.u32 $0x7, s2  }
0x726: {  	s7 =	sor.u32 $0x4, s2;
	s8 =	sor.u32 $0x5, s2;
	v22 =	vshll.u32 v22, $0x7;
	v23 =	vadd.s32 s4, v0;
	s4 =	sor.u32 $0x3, s2;
	v24 =	vadd.s32 s6, v0  }
0x727: {  	v25 =	vadd.s32 s5, v0;
	s2 =	sor.u32 $0x6, s2;
	v22 =	vor.u32 v5, v22;
	v26 =	vand.u32 $0x3F, v24;
	[tilespmem:v15+s14+$0x0] =	vst.idx.msk $0xffff, v8  }
0x728: {  	v8 =	vadd.s32 s4, v0;
	v15 =	vadd.s32 s7, v0;
	v26 =	vor.u32 v26, v22;
	[tilespmem:v18+s14+$0x0] =	vst.idx.msk $0xffff, v9  }
0x729: {  	v27 =	vadd.s32 s2, v0;
	v9 =	vand.u32 $0x3F, v23;
	v18 =	vadd.s32 s8, v0;
	[tilespmem:v19+s14+$0x0] =	vst.idx.msk $0xffff, v10  }
0x72a: {  	v28 =	vand.u32 $0x3F, v15;
	v10 =	vand.u32 $0x3F, v25;
	v19 =	vand.u32 $0x3F, v8;
	[tilespmem:v20+s14+$0x0] =	vst.idx.msk $0xffff, v11  }
0x72b: {  	v11 =	vand.u32 $0x3F, v18;
	v20 =	vshll.u32 v24, $0x9;
	v24 =	vshll.u32 v24, $0x7;
	[tilespmem:v16+s14+$0x0] =	vst.idx.msk $0xffff, v12  }
0x72c: {  	s2 =	sor.u32 $0x40, s3;
	v12 =	vand.u32 $0x3F, v27;
	v16 =	vand.u32 $0x7000, v20;
	v20 =	vand.u32 $0x380, v24;
	[tilespmem:v7+s14+$0x0] =	vst.idx.msk $0xffff, v13  }
0x72d: {  	v13 =	vand.u32 $0x3F, v21;
	v7 =	vor.u32 s2, v6;
	v16 =	vor.u32 v16, v20;
	v24 =	vld.idx.msk [tilespmem:v26+s13+$0x0], $0xffff;
	[tilespmem:v17+s14+$0x0] =	vst.idx.msk $0xffff, v14  }
0x72e: {  	v9 =	vor.u32 v9, v22;
	v10 =	vor.u32 v10, v22;
	v14 =	vor.u32 v7, v16  }
0x72f: {  	v16 =	vor.u32 v19, v22;
	v17 =	vor.u32 v28, v22;
	v19 =	vor.u32 v11, v22  }
0x730: {  	v20 =	vor.u32 v13, v22;
	v11 =	vshll.u32 v23, $0x9;
	v13 =	vor.u32 v12, v22  }
0x731: {  	v12 =	vshll.u32 v23, $0x7;
	v22 =	vshll.u32 v25, $0x9;
	v23 =	vshll.u32 v25, $0x7  }
0x732: {  	v25 =	vshll.u32 v8, $0x9;
	v26 =	vshll.u32 v8, $0x7;
	v28 =	vshll.u32 v15, $0x9  }
0x733: {  	v29 =	vshll.u32 v18, $0x9;
	v18 =	vshll.u32 v18, $0x7;
	v15 =	vshll.u32 v15, $0x7;
	v8 =	vld.idx.msk [tilespmem:v9+s13+$0x0], $0xffff;
	[tilespmem:v14+s14+$0x0] =	vst.idx.msk $0xffff, v24  }
0x734: {  	v21 =	vshll.u32 v21, $0x9;
	v14 =	vshll.u32 v27, $0x9;
	v24 =	vshll.u32 v27, $0x7;
	v9 =	vld.idx.msk [tilespmem:v10+s13+$0x0], $0xffff  }
0x735: {  	v30 =	vand.u32 $0x380, v12;
	v22 =	vand.u32 $0x7000, v22;
	v27 =	vand.u32 $0x7000, v11;
	v10 =	vld.idx.msk [tilespmem:v16+s13+$0x0], $0xffff  }
0x736: {  	v16 =	vand.u32 $0x380, v23;
	v23 =	vand.u32 $0x7000, v25;
	v25 =	vand.u32 $0x380, v26;
	v11 =	vld.idx.msk [tilespmem:v17+s13+$0x0], $0xffff  }
.Ltmp9:
0x737: {  	v15 =	vand.u32 $0x380, v15;
	v26 =	vand.u32 $0x7000, v29;
	v17 =	vand.u32 $0x7000, v28;
	v12 =	vld.idx.msk [tilespmem:v19+s13+$0x0], $0xffff;
	(pc) =	sbr.rel @p0 .LBB2_20-.Ltmp9, $4  }
0x738: {  	v24 =	vand.u32 $0x380, v24;
	v29 =	vand.u32 $0x7000, v14;
	v28 =	vand.u32 $0x380, v18;
	v13 =	vld.idx.msk [tilespmem:v13+s13+$0x0], $0xffff  }
0x739: {  	v21 =	vand.u32 $0x7000, v21;
	v27 =	vor.u32 v27, v30;
	v18 =	vor.u32 v22, v16;
	v14 =	vld.idx.msk [tilespmem:v20+s13+$0x0], $0xffff  }
0x73a: {  	v19 =	vor.u32 v23, v25;
	v16 =	vor.u32 v26, v28;
	v20 =	vor.u32 v17, v15  }
0x73b: {  	v17 =	vor.u32 s2, v21;
	v15 =	vor.u32 v7, v27;
	v21 =	vor.u32 v29, v24  }
0x73c: {  	v5 =	vor.u32 v7, v18  }
0x73d: {  	v6 =	vor.u32 v7, v19  }
0x73e: {  	v62 =	vor.u32 v7, v20  }
0x73f: {  	v16 =	vor.u32 v7, v16  }
0x740: {  	v7 =	vor.u32 v7, v21;
	[tilespmem:v15+s14+$0x0] =	vst.idx.msk $0xffff, v8  }
0x741: {  	v63 =	vor.u32 v4, v17;
	[tilespmem:v5+s14+$0x0] =	vst.idx.msk $0xffff, v9  }
0x742: {  	[tilespmem:v6+s14+$0x0] =	vst.idx.msk $0xffff, v10  }
0x743: {  	[tilespmem:v62+s14+$0x0] =	vst.idx.msk $0xffff, v11  }
0x744: {  	[tilespmem:v16+s14+$0x0] =	vst.idx.msk $0xffff, v12  }
0x745: {  	[tilespmem:v7+s14+$0x0] =	vst.idx.msk $0xffff, v13  }
0x746: {  	[tilespmem:v63+s14+$0x0] =	vst.idx.msk $0xffff, v14  }
0x747: {  	s0 =	sld [smem:$0x7FB];
	_ =	sdelay $0x1  }
0x748: {  	s4 =	simm.s32 $0x1000;
	s5 =	simm.s32 $0x20000;
	s2 =	simm.s32 $0x2  }
0x749: {  	[hbm4b:s0+s4] =	stream.strided.scatter [tilespmem:s14], [sflag:$0x2], $0x11000, s5, s4, $0x38;
	[tilespmem:$0x1A800] =	vst v63  }
0x74a: {  	_ =	swait.ge [sflag:s2], $0x11000  }
0x74b: {  	s1 =	sld [smem:$0x7E9]  }
0x74c: {  	s31 =	sld [smem:$0x7FC];
	_ =	sdelay $0x1  }
0x74d: {  	s1 =	sadd.s32 $0x1, s1  }
0x74e: {  	p0 =	sne.s32 s1, s31  }
.Ltmp10:
0x74f: {  	_ = 	snop;
	(pc) =	sbr.rel @p0 .LBB2_1-.Ltmp10, $3  }
0x750: {  	_ =	sdelay $0x1  }
0x751: {  	[sflag:s2] =	ssyncset.done $0x0  }
0x752: {  	[sflag:s2] =	ssyncadd.s32 $0xFFFEF000  }
0x753: {  	_ =	sfence.sel $0x180000  }
0x754: {  	[bflag:$0x0] =	sbarrier.arrive $0xFFFF  }
0x755: {  	_ =	strace $0x90000047  }
0x756: {  	s0 =	stileid.u32;
	[bflag:$0x2] =	sbarrier.arrive $0xFFFF  }
0x757: {  	p0 =	sne.s32 s0, $0x0;
	s0 =	rddreg [dreg:$0x5]  }
0x758: {  	s0 =	sadd.s32 @!p0 $0x100000, s0  }
0x759: {  	[sflag:s0] =	ssyncadd.tile.s32 @!p0 $0x1;
	_ =	shalt  }
.Lfunc_end2:
_tile_overlayer_lowered:
.L_overlay_start_2:
0x75a: {  	(tag) =	ssettag $0x2  }
0x75b: {  	s0 =	rddreg [dreg:$0x0];
	s2 =	stileid.u32  }
0x75c: {  	s1 =	rddreg [dreg:$0x1];
	p0 =	sne.s32 s2, $0x0  }
0x75d: {  	s3 =	rddreg [dreg:$0x2];
	[bflag:$0x3] =	sbarrier.arrive $0xFFFF;
	s2 =	simm.s32 @!p0 $0x1C02  }
0x75e: {  	[timem:s3], [sflag:s2] =	dma.local @!p0 [hbm:s0], s1  }
0x75f: {  	s0 =	simm.s32 @!p0 $0x2  }
0x760: {  	_ =	swait.ge @!p0 [sflag:s0], s1  }
0x761: {  	s1 =	ssub.s32 @!p0 $0x0, s1;
	[sflag:s0] =	ssyncset.done @!p0 $0x0  }
0x762: {  	[sflag:s0] =	ssyncadd.s32 @!p0 s1  }
0x763: {  	[bflag:$0x3] =	sbarrier.arrive $0xFFFF  }
0x764: {  	_ =	shalt  }

</sc_bundles>
